<compile_context>
chip_gen: v7x
topology: tpu7x:2x2x1
jax: 0.10.2.dev20260603
libtpu: 0.0.44.dev20260713+nightly
codegen_flags: <defaults>
</compile_context>

<pallas_src>
import functools

import jax
import jax.numpy as jnp
from jax import lax
from jax.experimental import pallas as pl
from jax.experimental.pallas import tpu as pltpu
from jax.experimental.pallas import tpu_sc as plsc

H = 256
QB = 64
QW = 80
NQ = H // QB
BLK = 1000
N = 10000
E = 160000
NC = 2
NS = 16
NP = 10240
EPT = E // NS
BATCH = 80
NB = EPT // BATCH
STRIPE = NP // NS



def _user_dense_body(feat, We, be, Wf, alf, arf, Wb, alb, *outs):
    h = jnp.dot(feat[...], We[...], preferred_element_type=jnp.float32) + be[...]
    zf = jnp.dot(h, Wf[...], preferred_element_type=jnp.float32)
    zbs = jnp.dot(h, Wb[...], preferred_element_type=jnp.float32)
    ones = jnp.ones((BLK, QW - QB), jnp.float32)
    for p in range(NQ):
        outs[p][...] = jnp.concatenate([zf[:, p * QB:(p + 1) * QB], ones], axis=1)
        outs[NQ + p][...] = jnp.concatenate(
            [zbs[:, p * QB:(p + 1) * QB], ones], axis=1)
    outs[2 * NQ][...] = jnp.dot(zf, alf[...], preferred_element_type=jnp.float32)
    outs[2 * NQ + 1][...] = jnp.dot(zf, arf[...],
                                    preferred_element_type=jnp.float32)
    outs[2 * NQ + 2][...] = jnp.dot(zbs, alb[...],
                                    preferred_element_type=jnp.float32)


def _item_dense_body(feat, We, be, Wb, arb, erb_o):
    h = jnp.dot(feat[...], We[...], preferred_element_type=jnp.float32) + be[...]
    w2 = jnp.dot(Wb[...], arb[...], preferred_element_type=jnp.float32)
    erb_o[...] = jnp.dot(h, w2, preferred_element_type=jnp.float32)


def _dense_user(feat_user, W_emb_user, b_emb_user, W_f, al_f, ar_f, W_b, al_b):
    grid = (N // BLK,)
    mat_spec = pl.BlockSpec((H, H), lambda i: (0, 0))
    vec_spec = pl.BlockSpec((H, 1), lambda i: (0, 0))
    z_spec = pl.BlockSpec((BLK, QW), lambda i: (i, 0))
    col_spec = pl.BlockSpec((BLK, 1), lambda i: (i, 0))
    zs = jax.ShapeDtypeStruct((N, QW), jnp.float32)
    cs = jax.ShapeDtypeStruct((N, 1), jnp.float32)
    return pl.pallas_call(
        _user_dense_body,
        grid=grid,
        in_specs=[pl.BlockSpec((BLK, H), lambda i: (i, 0)), mat_spec,
                  pl.BlockSpec((1, H), lambda i: (0, 0)),
                  mat_spec, vec_spec, vec_spec, mat_spec, vec_spec],
        out_specs=(z_spec,) * (2 * NQ) + (col_spec,) * 3,
        out_shape=(zs,) * (2 * NQ) + (cs,) * 3,
    )(feat_user, W_emb_user, b_emb_user.reshape(1, H), W_f,
      al_f.reshape(H, 1), ar_f.reshape(H, 1), W_b, al_b.reshape(H, 1))


def _dense_item(feat_item, W_emb_item, b_emb_item, W_b, ar_b):
    grid = (N // BLK,)
    mat_spec = pl.BlockSpec((H, H), lambda i: (0, 0))
    return pl.pallas_call(
        _item_dense_body,
        grid=grid,
        in_specs=[pl.BlockSpec((BLK, H), lambda i: (i, 0)), mat_spec,
                  pl.BlockSpec((1, H), lambda i: (0, 0)), mat_spec,
                  pl.BlockSpec((H, 1), lambda i: (0, 0))],
        out_specs=pl.BlockSpec((BLK, 1), lambda i: (i, 0)),
        out_shape=jax.ShapeDtypeStruct((N, 1), jnp.float32),
    )(feat_item, W_emb_item, b_emb_item.reshape(1, H), W_b, ar_b.reshape(H, 1))



_MESH = plsc.VectorSubcoreMesh(core_axis_name="c", subcore_axis_name="s")


@functools.partial(
    pl.kernel, mesh=_MESH,
    compiler_params=pltpu.CompilerParams(needs_layout_passes=False,
                                         use_tc_tiling_on_sc=False),
    out_type=jax.ShapeDtypeStruct((NQ * 2 * N, QB), jnp.float32),
    scratch_types=[
        pltpu.VMEM((N,), jnp.float32),
        pltpu.VMEM((N,), jnp.float32),
        pltpu.VMEM((EPT,), jnp.int32),
        pltpu.VMEM((NB, BATCH), jnp.int32),
        pltpu.VMEM((EPT,), jnp.float32),
        pltpu.VMEM((BATCH, QW), jnp.float32),
        pltpu.VMEM((BATCH, QW), jnp.float32),
        pltpu.VMEM((BATCH, QW), jnp.float32),
        pltpu.VMEM((BATCH, QB), jnp.float32),
        pltpu.VMEM_SHARED((NP, QW), jnp.float32),
        pltpu.SemaphoreType.DMA,
        pltpu.SemaphoreType.DMA,
    ],
)
def _edge_sc(z_hbm, el_hbm, er_hbm, src_hbm, dst3_hbm, out_hbm,
             el_v, er_v, srcp_v, dst2d, ex_v, rowbuf, rowbuf2, zbuf,
             outbuf, num_sh, sem, sem2):
    c = lax.axis_index("c")
    s = lax.axis_index("s")

    pltpu.sync_copy(el_hbm.at[pl.ds(c * N, N)], el_v)
    pltpu.sync_copy(er_hbm.at[pl.ds(c * N, N)], er_v)
    pltpu.sync_copy(src_hbm.at[pl.ds(c * E + s * EPT, EPT)], srcp_v)
    pltpu.sync_copy(dst3_hbm.at[c * NS + s], dst2d)

    def _zrow(r, _):
        for v in range(QW // 16):
            zbuf[r, pl.ds(v * 16, 16)] = jnp.zeros((16,), jnp.float32)
        return 0
    lax.fori_loop(0, BATCH, _zrow, 0)

    def _phA(j, _):
        for u in range(BATCH // 16):
            sl = pl.ds(j * BATCH + u * 16, 16)
            srcv = srcp_v[sl] - c * N
            dv = dst2d[j, pl.ds(u * 16, 16)]
            e = plsc.load_gather(el_v, [srcv]) + plsc.load_gather(er_v, [dv])
            e = jnp.where(e > 0, e, 0.2 * e)
            ex_v[sl] = jnp.exp(e)
        return 0
    lax.fori_loop(0, NB, _phA, 0)

    def _pass(p, _):
        @pl.when(p > 0)
        def _advance():
            def _off(i, _):
                sl = pl.ds(i * 16, 16)
                srcp_v[sl] = srcp_v[sl] + 2 * N
                return 0
            lax.fori_loop(0, EPT // 16, _off, 0)

        def _zero(b, _):
            pltpu.sync_copy(zbuf, num_sh.at[pl.ds(s * STRIPE + b * BATCH, BATCH)])
            return 0
        lax.fori_loop(0, STRIPE // BATCH, _zero, 0)
        plsc.subcore_barrier()

        def _gather(j, buf, sm):
            return pltpu.async_copy(z_hbm.at[srcp_v.at[pl.ds(j * BATCH, BATCH)]],
                                    buf, sm)

        def _proc(j, buf):
            def _scale(g, _):
                exv = ex_v[pl.ds(j * BATCH + g * 16, 16)]
                for k in range(16):
                    exs = exv[k]
                    r = g * 16 + k
                    for v in range(QW // 16):
                        sl2 = pl.ds(v * 16, 16)
                        buf[r, sl2] = buf[r, sl2] * exs
                return 0
            lax.fori_loop(0, BATCH // 16, _scale, 0)
            pltpu.sync_copy(buf, num_sh.at[dst2d.at[j]], add=True)

        def _gwait(buf, sm):
            pltpu.make_async_copy(z_hbm.at[srcp_v.at[pl.ds(0, BATCH)]],
                                  buf, sm).wait()

        _gather(0, rowbuf, sem)

        def _phB(j2, _):
            j = 2 * j2
            _gwait(rowbuf, sem)
            _gather(j + 1, rowbuf2, sem2)
            _proc(j, rowbuf)
            _gwait(rowbuf2, sem2)
            _gather(j + 2, rowbuf, sem)
            _proc(j + 1, rowbuf2)
            return 0
        lax.fori_loop(0, NB // 2, _phB, 0)
        _gwait(rowbuf, sem)
        _proc(NB - 1, rowbuf)
        plsc.subcore_barrier()

        def _fin(b, _):
            row0 = s * STRIPE + b * BATCH

            @pl.when(row0 < N)
            def _():
                pltpu.sync_copy(num_sh.at[pl.ds(row0, BATCH)], rowbuf)

                def _grp(g, _):
                    ridx = lax.iota(jnp.int32, 16) + g * 16
                    cidx = jnp.full((16,), QB, jnp.int32)
                    den = plsc.load_gather(rowbuf, [ridx, cidx])
                    invv = jnp.ones((16,), jnp.float32) / (den + 1e-9)
                    for k in range(16):
                        inv = invv[k]
                        r = g * 16 + k
                        for v in range(QB // 16):
                            sl2 = pl.ds(v * 16, 16)
                            outbuf[r, sl2] = jnp.maximum(
                                rowbuf[r, sl2] * inv, 0.0)
                    return 0
                lax.fori_loop(0, BATCH // 16, _grp, 0)
                pltpu.sync_copy(
                    outbuf, out_hbm.at[pl.ds(p * 2 * N + c * N + row0, BATCH)])
            return 0
        lax.fori_loop(0, STRIPE // BATCH, _fin, 0)
        return 0
    lax.fori_loop(0, NQ, _pass, 0)



def kernel(feat_user, feat_item, edge_follows, edge_buys,
           W_emb_user, b_emb_user, W_emb_item, b_emb_item,
           W_follows, al_follows, ar_follows, W_buys, al_buys, ar_buys):
    edge_follows = edge_follows.astype(jnp.int32)
    edge_buys = edge_buys.astype(jnp.int32)
    du = _dense_user(feat_user, W_emb_user, b_emb_user,
                     W_follows, al_follows, ar_follows, W_buys, al_buys)
    qf = du[:NQ]
    qb = du[NQ:2 * NQ]
    el_f, er_f, el_b = du[2 * NQ], du[2 * NQ + 1], du[2 * NQ + 2]
    er_b = _dense_item(feat_item, W_emb_item, b_emb_item, W_buys, ar_buys)

    z_all = jnp.concatenate(
        [blk for p in range(NQ) for blk in (qf[p], qb[p])], axis=0)
    el_all = jnp.concatenate([el_f[:, 0], el_b[:, 0]])
    er_all = jnp.concatenate([er_f[:, 0], er_b[:, 0]])
    src_all = jnp.concatenate([edge_follows[0], edge_buys[0] + N])
    dst3 = jnp.concatenate(
        [edge_follows[1].reshape(NS, NB, BATCH),
         edge_buys[1].reshape(NS, NB, BATCH)], axis=0)

    out = _edge_sc(z_all, el_all, er_all, src_all, dst3)
    out_user = jnp.concatenate(
        [out[p * 2 * N:p * 2 * N + N] for p in range(NQ)], axis=1)
    out_item = jnp.concatenate(
        [out[p * 2 * N + N:(p + 1) * 2 * N] for p in range(NQ)], axis=1)
    return out_user, out_item

# --- scband reference (transcript-rebuilt; emitter-appended) ---
"""Pipeline reference for scband-encoder-rel-graph-attention-hetero-25890062860621 (READ-ONLY COPY).

The authoritative reference and input builder live on the scoring server;
editing this copy changes nothing except your own understanding.
"""

import jax, jax.numpy as jnp
import numpy as np

H_DIM = 256
N_USER = 10000
N_ITEM = 10000
N_EDGES = 160000


def setup_inputs(seed: int = 0) -> dict:
    key = jax.random.key(seed)
    ks = jax.random.split(key, 16)
    feat_user = jax.random.normal(ks[0], (N_USER, 256), dtype=jnp.float32)
    feat_item = jax.random.normal(ks[1], (N_ITEM, 256), dtype=jnp.float32)
    edge_follows = jax.random.randint(ks[2], (2, N_EDGES), 0, N_USER, dtype=jnp.int64) if jax.config.jax_enable_x64 else jax.random.randint(ks[2], (2, N_EDGES), 0, N_USER).astype(jnp.int32)
    edge_buys = jax.random.randint(ks[3], (2, N_EDGES), 0, N_ITEM).astype(edge_follows.dtype)
    s = 1.0 / np.sqrt(256.0)
    W_emb_user = jax.random.uniform(ks[4], (256, H_DIM), jnp.float32, -s, s)
    b_emb_user = jax.random.uniform(ks[5], (H_DIM,), jnp.float32, -s, s)
    W_emb_item = jax.random.uniform(ks[6], (256, H_DIM), jnp.float32, -s, s)
    b_emb_item = jax.random.uniform(ks[7], (H_DIM,), jnp.float32, -s, s)
    sh = 1.0 / np.sqrt(float(H_DIM))
    W_follows = jax.random.uniform(ks[8], (H_DIM, H_DIM), jnp.float32, -sh, sh)
    al_follows = jax.random.uniform(ks[9], (H_DIM,), jnp.float32, -sh, sh)
    ar_follows = jax.random.uniform(ks[10], (H_DIM,), jnp.float32, -sh, sh)
    W_buys = jax.random.uniform(ks[11], (H_DIM, H_DIM), jnp.float32, -sh, sh)
    al_buys = jax.random.uniform(ks[12], (H_DIM,), jnp.float32, -sh, sh)
    ar_buys = jax.random.uniform(ks[13], (H_DIM,), jnp.float32, -sh, sh)
    return {
        'feat_user': feat_user, 'feat_item': feat_item,
        'edge_follows': edge_follows, 'edge_buys': edge_buys,
        'W_emb_user': W_emb_user, 'b_emb_user': b_emb_user,
        'W_emb_item': W_emb_item, 'b_emb_item': b_emb_item,
        'W_follows': W_follows, 'al_follows': al_follows, 'ar_follows': ar_follows,
        'W_buys': W_buys, 'al_buys': al_buys, 'ar_buys': ar_buys,
    }


def _gat_rel(h_src, h_dst, edges, W, al, ar, num_dst):
    src, dst = edges[0], edges[1]
    z_src = h_src @ W
    z_dst = h_dst @ W
    el = z_src @ al
    er = z_dst @ ar
    e = jax.nn.leaky_relu(el[src] + er[dst], negative_slope=0.2)
    m = jax.ops.segment_max(e, dst, num_segments=num_dst)
    m = jnp.where(jnp.isfinite(m), m, 0.0)
    ex = jnp.exp(e - m[dst])
    denom = jax.ops.segment_sum(ex, dst, num_segments=num_dst)
    alpha = ex / (denom[dst] + 1e-9)
    msg = alpha[:, None] * z_src[src]
    return jax.ops.segment_sum(msg, dst, num_segments=num_dst)


def reference(feat_user, feat_item, edge_follows, edge_buys,
              W_emb_user, b_emb_user, W_emb_item, b_emb_item,
              W_follows, al_follows, ar_follows, W_buys, al_buys, ar_buys):
    # EmbeddingLayer: per-ntype linear projection to h_dim
    h_user = feat_user @ W_emb_user + b_emb_user
    h_item = feat_item @ W_emb_item + b_emb_item
    # RelGraphAttentionHetero (1 hidden layer): per-relation GAT conv,
    # sum-aggregated per dst ntype, activation=relu, no self loop, dropout=0
    out_user = jax.nn.relu(_gat_rel(h_user, h_user, edge_follows, W_follows, al_follows, ar_follows, N_USER))
    out_item = jax.nn.relu(_gat_rel(h_user, h_item, edge_buys, W_buys, al_buys, ar_buys, N_ITEM))
    return out_user, out_item

if __name__ == "__main__":
    import jax
    _d = setup_inputs()
    print(jax.jit(kernel)(*tuple(_d.values())))

</pallas_src>

<mosaic_0001>
#map = affine_map<(d0, d1) -> (0, 0)>
#map1 = affine_map<(d0, d1) -> (0)>
#map2 = affine_map<(d0, d1) -> (0, 0, 0)>
module attributes {stable_mosaic.version = 14 : i64} {
  func.func @_edge_sc(%arg0: i32, %arg1: i32, %arg2: memref<80000x80xf32, #tpu.memory_space<hbm>>, %arg3: memref<20000xf32, #tpu.memory_space<hbm>>, %arg4: memref<20000xf32, #tpu.memory_space<hbm>>, %arg5: memref<320000xi32, #tpu.memory_space<hbm>>, %arg6: memref<32x125x80xi32, #tpu.memory_space<hbm>>, %arg7: memref<80000x64xf32, #tpu.memory_space<hbm>>, %arg8: memref<10000xf32, #tpu.memory_space<vmem>>, %arg9: memref<10000xf32, #tpu.memory_space<vmem>>, %arg10: memref<10000xi32, #tpu.memory_space<vmem>>, %arg11: memref<125x80xi32, #tpu.memory_space<vmem>>, %arg12: memref<10000xf32, #tpu.memory_space<vmem>>, %arg13: memref<80x80xf32, #tpu.memory_space<vmem>>, %arg14: memref<80x80xf32, #tpu.memory_space<vmem>>, %arg15: memref<80x80xf32, #tpu.memory_space<vmem>>, %arg16: memref<80x64xf32, #tpu.memory_space<vmem>>, %arg17: memref<10240x80xf32, #tpu.memory_space<vmem_shared>>, %arg18: memref<!tpu.dma_semaphore, #tpu.memory_space<semaphore_mem>>, %arg19: memref<!tpu.dma_semaphore, #tpu.memory_space<semaphore_mem>>) attributes {dimension_semantics = [#tpu.dimension_semantics<core_parallel>, #tpu.dimension_semantics<subcore_parallel>], iteration_bounds = array<i64: 2, 16>, scalar_prefetch = 0 : i64, scratch_operands = 12 : i64, tpu.core_type = #tpu.core_type<sc_vector_subcore>, window_params = [{transform_indices = #map}, {transform_indices = #map1}, {transform_indices = #map1}, {transform_indices = #map1}, {transform_indices = #map2}, {transform_indices = #map}]} {
    %mul3A = arith.constant 10000 : i32
    %mul3A_0 = arith.muli %arg0, %mul3A : i32
    "tpu.region"() ({
      %run_scoped3A = tpu.sem_alloc : memref<!tpu.dma_semaphore, #tpu.memory_space<semaphore_mem>>
      %dma_start3A = tpu.memref_slice %arg3[%mul3A_0] : memref<20000xf32, #tpu.memory_space<hbm>> -> memref<10000xf32, #tpu.memory_space<hbm>>
      %dma_start3A_30 = tpu.memref_slice %arg3[%mul3A_0] : memref<20000xf32, #tpu.memory_space<hbm>> -> memref<10000xf32, #tpu.memory_space<hbm>>
      tpu.enqueue_dma source(%dma_start3A_30 : memref<10000xf32, #tpu.memory_space<hbm>>) target(%arg8 : memref<10000xf32, #tpu.memory_space<vmem>>) target_semaphore(%run_scoped3A : memref<!tpu.dma_semaphore, #tpu.memory_space<semaphore_mem>>)
      %dma_wait3A = tpu.memref_slice %arg3[%mul3A_0] : memref<20000xf32, #tpu.memory_space<hbm>> -> memref<10000xf32, #tpu.memory_space<hbm>>
      %dma_wait3A_31 = tpu.memref_slice %arg3[%mul3A_0] : memref<20000xf32, #tpu.memory_space<hbm>> -> memref<10000xf32, #tpu.memory_space<hbm>>
      tpu.wait_dma2 semaphore(%run_scoped3A : memref<!tpu.dma_semaphore, #tpu.memory_space<semaphore_mem>>) src(%dma_wait3A_31 : memref<10000xf32, #tpu.memory_space<hbm>>) dst(%arg8 : memref<10000xf32, #tpu.memory_space<vmem>>)
      tpu.yield
    }) : () -> ()
    %mul3A_1 = arith.constant 10000 : i32
    %mul3A_2 = arith.muli %arg0, %mul3A_1 : i32
    "tpu.region"() ({
      %run_scoped3A = tpu.sem_alloc : memref<!tpu.dma_semaphore, #tpu.memory_space<semaphore_mem>>
      %dma_start3A = tpu.memref_slice %arg4[%mul3A_2] : memref<20000xf32, #tpu.memory_space<hbm>> -> memref<10000xf32, #tpu.memory_space<hbm>>
      %dma_start3A_30 = tpu.memref_slice %arg4[%mul3A_2] : memref<20000xf32, #tpu.memory_space<hbm>> -> memref<10000xf32, #tpu.memory_space<hbm>>
      tpu.enqueue_dma source(%dma_start3A_30 : memref<10000xf32, #tpu.memory_space<hbm>>) target(%arg9 : memref<10000xf32, #tpu.memory_space<vmem>>) target_semaphore(%run_scoped3A : memref<!tpu.dma_semaphore, #tpu.memory_space<semaphore_mem>>)
      %dma_wait3A = tpu.memref_slice %arg4[%mul3A_2] : memref<20000xf32, #tpu.memory_space<hbm>> -> memref<10000xf32, #tpu.memory_space<hbm>>
      %dma_wait3A_31 = tpu.memref_slice %arg4[%mul3A_2] : memref<20000xf32, #tpu.memory_space<hbm>> -> memref<10000xf32, #tpu.memory_space<hbm>>
      tpu.wait_dma2 semaphore(%run_scoped3A : memref<!tpu.dma_semaphore, #tpu.memory_space<semaphore_mem>>) src(%dma_wait3A_31 : memref<10000xf32, #tpu.memory_space<hbm>>) dst(%arg9 : memref<10000xf32, #tpu.memory_space<vmem>>)
      tpu.yield
    }) : () -> ()
    %mul3A_3 = arith.constant 160000 : i32
    %mul3A_4 = arith.muli %arg0, %mul3A_3 : i32
    %mul3A_5 = arith.constant 10000 : i32
    %mul3A_6 = arith.muli %arg1, %mul3A_5 : i32
    %add3A = arith.addi %mul3A_4, %mul3A_6 : i32
    "tpu.region"() ({
      %run_scoped3A = tpu.sem_alloc : memref<!tpu.dma_semaphore, #tpu.memory_space<semaphore_mem>>
      %dma_start3A = tpu.memref_slice %arg5[%add3A] : memref<320000xi32, #tpu.memory_space<hbm>> -> memref<10000xi32, #tpu.memory_space<hbm>>
      %dma_start3A_30 = tpu.memref_slice %arg5[%add3A] : memref<320000xi32, #tpu.memory_space<hbm>> -> memref<10000xi32, #tpu.memory_space<hbm>>
      tpu.enqueue_dma source(%dma_start3A_30 : memref<10000xi32, #tpu.memory_space<hbm>>) target(%arg10 : memref<10000xi32, #tpu.memory_space<vmem>>) target_semaphore(%run_scoped3A : memref<!tpu.dma_semaphore, #tpu.memory_space<semaphore_mem>>)
      %dma_wait3A = tpu.memref_slice %arg5[%add3A] : memref<320000xi32, #tpu.memory_space<hbm>> -> memref<10000xi32, #tpu.memory_space<hbm>>
      %dma_wait3A_31 = tpu.memref_slice %arg5[%add3A] : memref<320000xi32, #tpu.memory_space<hbm>> -> memref<10000xi32, #tpu.memory_space<hbm>>
      tpu.wait_dma2 semaphore(%run_scoped3A : memref<!tpu.dma_semaphore, #tpu.memory_space<semaphore_mem>>) src(%dma_wait3A_31 : memref<10000xi32, #tpu.memory_space<hbm>>) dst(%arg10 : memref<10000xi32, #tpu.memory_space<vmem>>)
      tpu.yield
    }) : () -> ()
    %mul3A_7 = arith.constant 16 : i32
    %mul3A_8 = arith.muli %arg0, %mul3A_7 : i32
    %add3A_9 = arith.addi %mul3A_8, %arg1 : i32
    "tpu.region"() ({
      %run_scoped3A = tpu.sem_alloc : memref<!tpu.dma_semaphore, #tpu.memory_space<semaphore_mem>>
      %dma_start3A = arith.constant 0 : i32
      %dma_start3A_30 = arith.constant 0 : i32
      %dma_start3A_31 = tpu.memref_slice %arg6[%add3A_9, %dma_start3A, %dma_start3A_30] : memref<32x125x80xi32, #tpu.memory_space<hbm>> -> memref<1x125x80xi32, #tpu.memory_space<hbm>>
      %dma_start3A_32 = tpu.memref_squeeze %dma_start3A_31 : memref<1x125x80xi32, #tpu.memory_space<hbm>> -> memref<125x80xi32, #tpu.memory_space<hbm>>
      %dma_start3A_33 = arith.constant 0 : i32
      %dma_start3A_34 = arith.constant 0 : i32
      %dma_start3A_35 = tpu.memref_slice %arg6[%add3A_9, %dma_start3A_33, %dma_start3A_34] : memref<32x125x80xi32, #tpu.memory_space<hbm>> -> memref<1x125x80xi32, #tpu.memory_space<hbm>>
      %dma_start3A_36 = tpu.memref_squeeze %dma_start3A_35 : memref<1x125x80xi32, #tpu.memory_space<hbm>> -> memref<125x80xi32, #tpu.memory_space<hbm>>
      tpu.enqueue_dma source(%dma_start3A_36 : memref<125x80xi32, #tpu.memory_space<hbm>>) target(%arg11 : memref<125x80xi32, #tpu.memory_space<vmem>>) target_semaphore(%run_scoped3A : memref<!tpu.dma_semaphore, #tpu.memory_space<semaphore_mem>>)
      %dma_wait3A = arith.constant 0 : i32
      %dma_wait3A_37 = arith.constant 0 : i32
      %dma_wait3A_38 = tpu.memref_slice %arg6[%add3A_9, %dma_wait3A, %dma_wait3A_37] : memref<32x125x80xi32, #tpu.memory_space<hbm>> -> memref<1x125x80xi32, #tpu.memory_space<hbm>>
      %dma_wait3A_39 = tpu.memref_squeeze %dma_wait3A_38 : memref<1x125x80xi32, #tpu.memory_space<hbm>> -> memref<125x80xi32, #tpu.memory_space<hbm>>
      %dma_wait3A_40 = arith.constant 0 : i32
      %dma_wait3A_41 = arith.constant 0 : i32
      %dma_wait3A_42 = tpu.memref_slice %arg6[%add3A_9, %dma_wait3A_40, %dma_wait3A_41] : memref<32x125x80xi32, #tpu.memory_space<hbm>> -> memref<1x125x80xi32, #tpu.memory_space<hbm>>
      %dma_wait3A_43 = tpu.memref_squeeze %dma_wait3A_42 : memref<1x125x80xi32, #tpu.memory_space<hbm>> -> memref<125x80xi32, #tpu.memory_space<hbm>>
      tpu.wait_dma2 semaphore(%run_scoped3A : memref<!tpu.dma_semaphore, #tpu.memory_space<semaphore_mem>>) src(%dma_wait3A_43 : memref<125x80xi32, #tpu.memory_space<hbm>>) dst(%arg11 : memref<125x80xi32, #tpu.memory_space<vmem>>)
      tpu.yield
    }) : () -> ()
    %scan3A = arith.constant 0 : i32
    %scan3A_10 = arith.constant 0 : i32
    %scan3A_11 = arith.constant 80 : i32
    %scan3A_12 = arith.addi %scan3A_10, %scan3A_11 : i32
    %scan3A_13 = arith.constant 1 : i32
    %scan3A_14 = scf.for %scan3A_30 = %scan3A_10 to %scan3A_12 step %scan3A_13 iter_args(%scan3A_31 = %scan3A) -> (i32)  : i32 {
      %broadcast_in_dim3A = arith.constant 0.000000e+00 : f32
      %broadcast_in_dim3A_32 = vector.broadcast %broadcast_in_dim3A : f32 to vector<16xf32>
      %swap3A = arith.index_cast %scan3A_30 : i32 to index
      %swap3A_33 = arith.constant 0 : index
      %swap3A_34 = tpu.vector_load %arg15[%swap3A, %swap3A_33] {strides = array<i32>} : memref<80x80xf32, #tpu.memory_space<vmem>>, vector<16xf32>,
      tpu.vector_store %arg15[%swap3A, %swap3A_33], %broadcast_in_dim3A_32 {strides = array<i32>} : memref<80x80xf32, #tpu.memory_space<vmem>>, vector<16xf32>,
      %broadcast_in_dim3A_35 = arith.constant 0.000000e+00 : f32
      %broadcast_in_dim3A_36 = vector.broadcast %broadcast_in_dim3A_35 : f32 to vector<16xf32>
      %swap3A_37 = arith.index_cast %scan3A_30 : i32 to index
      %swap3A_38 = arith.constant 16 : index
      %swap3A_39 = tpu.vector_load %arg15[%swap3A_37, %swap3A_38] {strides = array<i32>} : memref<80x80xf32, #tpu.memory_space<vmem>>, vector<16xf32>,
      tpu.vector_store %arg15[%swap3A_37, %swap3A_38], %broadcast_in_dim3A_36 {strides = array<i32>} : memref<80x80xf32, #tpu.memory_space<vmem>>, vector<16xf32>,
      %broadcast_in_dim3A_40 = arith.constant 0.000000e+00 : f32
      %broadcast_in_dim3A_41 = vector.broadcast %broadcast_in_dim3A_40 : f32 to vector<16xf32>
      %swap3A_42 = arith.index_cast %scan3A_30 : i32 to index
      %swap3A_43 = arith.constant 32 : index
      %swap3A_44 = tpu.vector_load %arg15[%swap3A_42, %swap3A_43] {strides = array<i32>} : memref<80x80xf32, #tpu.memory_space<vmem>>, vector<16xf32>,
      tpu.vector_store %arg15[%swap3A_42, %swap3A_43], %broadcast_in_dim3A_41 {strides = array<i32>} : memref<80x80xf32, #tpu.memory_space<vmem>>, vector<16xf32>,
      %broadcast_in_dim3A_45 = arith.constant 0.000000e+00 : f32
      %broadcast_in_dim3A_46 = vector.broadcast %broadcast_in_dim3A_45 : f32 to vector<16xf32>
      %swap3A_47 = arith.index_cast %scan3A_30 : i32 to index
      %swap3A_48 = arith.constant 48 : index
      %swap3A_49 = tpu.vector_load %arg15[%swap3A_47, %swap3A_48] {strides = array<i32>} : memref<80x80xf32, #tpu.memory_space<vmem>>, vector<16xf32>,
      tpu.vector_store %arg15[%swap3A_47, %swap3A_48], %broadcast_in_dim3A_46 {strides = array<i32>} : memref<80x80xf32, #tpu.memory_space<vmem>>, vector<16xf32>,
      %broadcast_in_dim3A_50 = arith.constant 0.000000e+00 : f32
      %broadcast_in_dim3A_51 = vector.broadcast %broadcast_in_dim3A_50 : f32 to vector<16xf32>
      %swap3A_52 = arith.index_cast %scan3A_30 : i32 to index
      %swap3A_53 = arith.constant 64 : index
      %swap3A_54 = tpu.vector_load %arg15[%swap3A_52, %swap3A_53] {strides = array<i32>} : memref<80x80xf32, #tpu.memory_space<vmem>>, vector<16xf32>,
      tpu.vector_store %arg15[%swap3A_52, %swap3A_53], %broadcast_in_dim3A_51 {strides = array<i32>} : memref<80x80xf32, #tpu.memory_space<vmem>>, vector<16xf32>,
      %scan3A_55 = arith.constant 0 : i32
      scf.yield %scan3A_55 : i32
    }
    %scan3A_15 = arith.constant 80 : i32
    %scan3A_16 = arith.constant 0 : i32
    %scan3A_17 = arith.constant 0 : i32
    %scan3A_18 = arith.constant 125 : i32
    %scan3A_19 = arith.addi %scan3A_17, %scan3A_18 : i32
    %scan3A_20 = arith.constant 1 : i32
    %scan3A_21 = scf.for %scan3A_30 = %scan3A_17 to %scan3A_19 step %scan3A_20 iter_args(%scan3A_31 = %scan3A_16) -> (i32)  : i32 {
      %mul3A_32 = arith.constant 80 : i32
      %mul3A_33 = arith.muli %scan3A_30, %mul3A_32 : i32
      %add3A_34 = arith.constant 0 : i32
      %add3A_35 = arith.addi %mul3A_33, %add3A_34 : i32
      %get3A = arith.index_cast %add3A_35 : i32 to index
      %get3A_36 = tpu.vector_load %arg10[%get3A] {strides = array<i32>} : memref<10000xi32, #tpu.memory_space<vmem>>, vector<16xi32>,
      %mul3A_37 = arith.constant 10000 : i32
      %mul3A_38 = arith.muli %arg0, %mul3A_37 : i32
      %sub3A = vector.broadcast %mul3A_38 : i32 to vector<16xi32>
      %sub3A_39 = arith.subi %get3A_36, %sub3A : vector<16xi32>
      %get3A_40 = arith.index_cast %scan3A_30 : i32 to index
      %get3A_41 = arith.constant 0 : index
      %get3A_42 = tpu.vector_load %arg11[%get3A_40, %get3A_41] {strides = array<i32>} : memref<125x80xi32, #tpu.memory_space<vmem>>, vector<16xi32>,
      %gather3A = tpu.vector_load_idx %arg8[%sub3A_39] : memref<10000xf32, #tpu.memory_space<vmem>>[vector<16xi32>], vector<16xf32>,
      %gather3A_43 = tpu.vector_load_idx %arg9[%get3A_42] : memref<10000xf32, #tpu.memory_space<vmem>>[vector<16xi32>], vector<16xf32>,
      %add3A_44 = arith.addf %gather3A, %gather3A_43 : vector<16xf32>
      %gt3A = arith.constant 0.000000e+00 : f32
      %gt3A_45 = vector.broadcast %gt3A : f32 to vector<16xf32>
      %gt3A_46 = arith.cmpf ogt, %add3A_44, %gt3A_45 : vector<16xf32>
      %mul3A_47 = arith.constant 2.000000e-01 : f32
      %mul3A_48 = vector.broadcast %mul3A_47 : f32 to vector<16xf32>
      %mul3A_49 = arith.mulf %mul3A_48, %add3A_44 : vector<16xf32>
      %select_n3A = arith.select %gt3A_46, %add3A_44, %mul3A_49 : vector<16xi1>, vector<16xf32>
      %exp3A = math.exp %select_n3A : vector<16xf32>
      %swap3A = arith.index_cast %add3A_35 : i32 to index
      %swap3A_50 = tpu.vector_load %arg12[%swap3A] {strides = array<i32>} : memref<10000xf32, #tpu.memory_space<vmem>>, vector<16xf32>,
      tpu.vector_store %arg12[%swap3A], %exp3A {strides = array<i32>} : memref<10000xf32, #tpu.memory_space<vmem>>, vector<16xf32>,
      %mul3A_51 = arith.constant 80 : i32
      %mul3A_52 = arith.muli %scan3A_30, %mul3A_51 : i32
      %add3A_53 = arith.constant 16 : i32
      %add3A_54 = arith.addi %mul3A_52, %add3A_53 : i32
      %get3A_55 = arith.index_cast %add3A_54 : i32 to index
      %get3A_56 = tpu.vector_load %arg10[%get3A_55] {strides = array<i32>} : memref<10000xi32, #tpu.memory_space<vmem>>, vector<16xi32>,
      %mul3A_57 = arith.constant 10000 : i32
      %mul3A_58 = arith.muli %arg0, %mul3A_57 : i32
      %sub3A_59 = vector.broadcast %mul3A_58 : i32 to vector<16xi32>
      %sub3A_60 = arith.subi %get3A_56, %sub3A_59 : vector<16xi32>
      %get3A_61 = arith.index_cast %scan3A_30 : i32 to index
      %get3A_62 = arith.constant 16 : index
      %get3A_63 = tpu.vector_load %arg11[%get3A_61, %get3A_62] {strides = array<i32>} : memref<125x80xi32, #tpu.memory_space<vmem>>, vector<16xi32>,
      %gather3A_64 = tpu.vector_load_idx %arg8[%sub3A_60] : memref<10000xf32, #tpu.memory_space<vmem>>[vector<16xi32>], vector<16xf32>,
      %gather3A_65 = tpu.vector_load_idx %arg9[%get3A_63] : memref<10000xf32, #tpu.memory_space<vmem>>[vector<16xi32>], vector<16xf32>,
      %add3A_66 = arith.addf %gather3A_64, %gather3A_65 : vector<16xf32>
      %gt3A_67 = arith.constant 0.000000e+00 : f32
      %gt3A_68 = vector.broadcast %gt3A_67 : f32 to vector<16xf32>
      %gt3A_69 = arith.cmpf ogt, %add3A_66, %gt3A_68 : vector<16xf32>
      %mul3A_70 = arith.constant 2.000000e-01 : f32
      %mul3A_71 = vector.broadcast %mul3A_70 : f32 to vector<16xf32>
      %mul3A_72 = arith.mulf %mul3A_71, %add3A_66 : vector<16xf32>
      %select_n3A_73 = arith.select %gt3A_69, %add3A_66, %mul3A_72 : vector<16xi1>, vector<16xf32>
      %exp3A_74 = math.exp %select_n3A_73 : vector<16xf32>
      %swap3A_75 = arith.index_cast %add3A_54 : i32 to index
      %swap3A_76 = tpu.vector_load %arg12[%swap3A_75] {strides = array<i32>} : memref<10000xf32, #tpu.memory_space<vmem>>, vector<16xf32>,
      tpu.vector_store %arg12[%swap3A_75], %exp3A_74 {strides = array<i32>} : memref<10000xf32, #tpu.memory_space<vmem>>, vector<16xf32>,
      %mul3A_77 = arith.constant 80 : i32
      %mul3A_78 = arith.muli %scan3A_30, %mul3A_77 : i32
      %add3A_79 = arith.constant 32 : i32
      %add3A_80 = arith.addi %mul3A_78, %add3A_79 : i32
      %get3A_81 = arith.index_cast %add3A_80 : i32 to index
      %get3A_82 = tpu.vector_load %arg10[%get3A_81] {strides = array<i32>} : memref<10000xi32, #tpu.memory_space<vmem>>, vector<16xi32>,
      %mul3A_83 = arith.constant 10000 : i32
      %mul3A_84 = arith.muli %arg0, %mul3A_83 : i32
      %sub3A_85 = vector.broadcast %mul3A_84 : i32 to vector<16xi32>
      %sub3A_86 = arith.subi %get3A_82, %sub3A_85 : vector<16xi32>
      %get3A_87 = arith.index_cast %scan3A_30 : i32 to index
      %get3A_88 = arith.constant 32 : index
      %get3A_89 = tpu.vector_load %arg11[%get3A_87, %get3A_88] {strides = array<i32>} : memref<125x80xi32, #tpu.memory_space<vmem>>, vector<16xi32>,
      %gather3A_90 = tpu.vector_load_idx %arg8[%sub3A_86] : memref<10000xf32, #tpu.memory_space<vmem>>[vector<16xi32>], vector<16xf32>,
      %gather3A_91 = tpu.vector_load_idx %arg9[%get3A_89] : memref<10000xf32, #tpu.memory_space<vmem>>[vector<16xi32>], vector<16xf32>,
      %add3A_92 = arith.addf %gather3A_90, %gather3A_91 : vector<16xf32>
      %gt3A_93 = arith.constant 0.000000e+00 : f32
      %gt3A_94 = vector.broadcast %gt3A_93 : f32 to vector<16xf32>
      %gt3A_95 = arith.cmpf ogt, %add3A_92, %gt3A_94 : vector<16xf32>
      %mul3A_96 = arith.constant 2.000000e-01 : f32
      %mul3A_97 = vector.broadcast %mul3A_96 : f32 to vector<16xf32>
      %mul3A_98 = arith.mulf %mul3A_97, %add3A_92 : vector<16xf32>
      %select_n3A_99 = arith.select %gt3A_95, %add3A_92, %mul3A_98 : vector<16xi1>, vector<16xf32>
      %exp3A_100 = math.exp %select_n3A_99 : vector<16xf32>
      %swap3A_101 = arith.index_cast %add3A_80 : i32 to index
      %swap3A_102 = tpu.vector_load %arg12[%swap3A_101] {strides = array<i32>} : memref<10000xf32, #tpu.memory_space<vmem>>, vector<16xf32>,
      tpu.vector_store %arg12[%swap3A_101], %exp3A_100 {strides = array<i32>} : memref<10000xf32, #tpu.memory_space<vmem>>, vector<16xf32>,
      %mul3A_103 = arith.constant 80 : i32
      %mul3A_104 = arith.muli %scan3A_30, %mul3A_103 : i32
      %add3A_105 = arith.constant 48 : i32
      %add3A_106 = arith.addi %mul3A_104, %add3A_105 : i32
      %get3A_107 = arith.index_cast %add3A_106 : i32 to index
      %get3A_108 = tpu.vector_load %arg10[%get3A_107] {strides = array<i32>} : memref<10000xi32, #tpu.memory_space<vmem>>, vector<16xi32>,
      %mul3A_109 = arith.constant 10000 : i32
      %mul3A_110 = arith.muli %arg0, %mul3A_109 : i32
      %sub3A_111 = vector.broadcast %mul3A_110 : i32 to vector<16xi32>
      %sub3A_112 = arith.subi %get3A_108, %sub3A_111 : vector<16xi32>
      %get3A_113 = arith.index_cast %scan3A_30 : i32 to index
      %get3A_114 = arith.constant 48 : index
      %get3A_115 = tpu.vector_load %arg11[%get3A_113, %get3A_114] {strides = array<i32>} : memref<125x80xi32, #tpu.memory_space<vmem>>, vector<16xi32>,
      %gather3A_116 = tpu.vector_load_idx %arg8[%sub3A_112] : memref<10000xf32, #tpu.memory_space<vmem>>[vector<16xi32>], vector<16xf32>,
      %gather3A_117 = tpu.vector_load_idx %arg9[%get3A_115] : memref<10000xf32, #tpu.memory_space<vmem>>[vector<16xi32>], vector<16xf32>,
      %add3A_118 = arith.addf %gather3A_116, %gather3A_117 : vector<16xf32>
      %gt3A_119 = arith.constant 0.000000e+00 : f32
      %gt3A_120 = vector.broadcast %gt3A_119 : f32 to vector<16xf32>
      %gt3A_121 = arith.cmpf ogt, %add3A_118, %gt3A_120 : vector<16xf32>
      %mul3A_122 = arith.constant 2.000000e-01 : f32
      %mul3A_123 = vector.broadcast %mul3A_122 : f32 to vector<16xf32>
      %mul3A_124 = arith.mulf %mul3A_123, %add3A_118 : vector<16xf32>
      %select_n3A_125 = arith.select %gt3A_121, %add3A_118, %mul3A_124 : vector<16xi1>, vector<16xf32>
      %exp3A_126 = math.exp %select_n3A_125 : vector<16xf32>
      %swap3A_127 = arith.index_cast %add3A_106 : i32 to index
      %swap3A_128 = tpu.vector_load %arg12[%swap3A_127] {strides = array<i32>} : memref<10000xf32, #tpu.memory_space<vmem>>, vector<16xf32>,
      tpu.vector_store %arg12[%swap3A_127], %exp3A_126 {strides = array<i32>} : memref<10000xf32, #tpu.memory_space<vmem>>, vector<16xf32>,
      %mul3A_129 = arith.constant 80 : i32
      %mul3A_130 = arith.muli %scan3A_30, %mul3A_129 : i32
      %add3A_131 = arith.constant 64 : i32
      %add3A_132 = arith.addi %mul3A_130, %add3A_131 : i32
      %get3A_133 = arith.index_cast %add3A_132 : i32 to index
      %get3A_134 = tpu.vector_load %arg10[%get3A_133] {strides = array<i32>} : memref<10000xi32, #tpu.memory_space<vmem>>, vector<16xi32>,
      %mul3A_135 = arith.constant 10000 : i32
      %mul3A_136 = arith.muli %arg0, %mul3A_135 : i32
      %sub3A_137 = vector.broadcast %mul3A_136 : i32 to vector<16xi32>
      %sub3A_138 = arith.subi %get3A_134, %sub3A_137 : vector<16xi32>
      %get3A_139 = arith.index_cast %scan3A_30 : i32 to index
      %get3A_140 = arith.constant 64 : index
      %get3A_141 = tpu.vector_load %arg11[%get3A_139, %get3A_140] {strides = array<i32>} : memref<125x80xi32, #tpu.memory_space<vmem>>, vector<16xi32>,
      %gather3A_142 = tpu.vector_load_idx %arg8[%sub3A_138] : memref<10000xf32, #tpu.memory_space<vmem>>[vector<16xi32>], vector<16xf32>,
      %gather3A_143 = tpu.vector_load_idx %arg9[%get3A_141] : memref<10000xf32, #tpu.memory_space<vmem>>[vector<16xi32>], vector<16xf32>,
      %add3A_144 = arith.addf %gather3A_142, %gather3A_143 : vector<16xf32>
      %gt3A_145 = arith.constant 0.000000e+00 : f32
      %gt3A_146 = vector.broadcast %gt3A_145 : f32 to vector<16xf32>
      %gt3A_147 = arith.cmpf ogt, %add3A_144, %gt3A_146 : vector<16xf32>
      %mul3A_148 = arith.constant 2.000000e-01 : f32
      %mul3A_149 = vector.broadcast %mul3A_148 : f32 to vector<16xf32>
      %mul3A_150 = arith.mulf %mul3A_149, %add3A_144 : vector<16xf32>
      %select_n3A_151 = arith.select %gt3A_147, %add3A_144, %mul3A_150 : vector<16xi1>, vector<16xf32>
      %exp3A_152 = math.exp %select_n3A_151 : vector<16xf32>
      %swap3A_153 = arith.index_cast %add3A_132 : i32 to index
      %swap3A_154 = tpu.vector_load %arg12[%swap3A_153] {strides = array<i32>} : memref<10000xf32, #tpu.memory_space<vmem>>, vector<16xf32>,
      tpu.vector_store %arg12[%swap3A_153], %exp3A_152 {strides = array<i32>} : memref<10000xf32, #tpu.memory_space<vmem>>, vector<16xf32>,
      %scan3A_155 = arith.constant 0 : i32
      scf.yield %scan3A_155 : i32
    }
    %scan3A_22 = arith.constant 125 : i32
    %scan3A_23 = arith.constant 0 : i32
    %scan3A_24 = arith.constant 0 : i32
    %scan3A_25 = arith.constant 4 : i32
    %scan3A_26 = arith.addi %scan3A_24, %scan3A_25 : i32
    %scan3A_27 = arith.constant 1 : i32
    %scan3A_28 = scf.for %scan3A_30 = %scan3A_24 to %scan3A_26 step %scan3A_27 iter_args(%scan3A_31 = %scan3A_23) -> (i32)  : i32 {
      %gt3A = arith.constant 0 : i32
      %gt3A_32 = arith.cmpi sgt, %scan3A_30, %gt3A : i32
      %convert_element_type3A = arith.extui %gt3A_32 : i1 to i32
      %cond3A = arith.constant 0 : i32
      %cond3A_33 = arith.cmpi ne, %convert_element_type3A, %cond3A : i32
      scf.if %cond3A_33 {
        %scan3A_72 = arith.constant 0 : i32
        %scan3A_73 = arith.constant 0 : i32
        %scan3A_74 = arith.constant 625 : i32
        %scan3A_75 = arith.addi %scan3A_73, %scan3A_74 : i32
        %scan3A_76 = arith.constant 1 : i32
        %scan3A_77 = scf.for %scan3A_79 = %scan3A_73 to %scan3A_75 step %scan3A_76 iter_args(%scan3A_80 = %scan3A_72) -> (i32)  : i32 {
          %mul3A_81 = arith.constant 16 : i32
          %mul3A_82 = arith.muli %scan3A_79, %mul3A_81 : i32
          %get3A = arith.index_cast %mul3A_82 : i32 to index
          %get3A_83 = tpu.vector_load %arg10[%get3A] {strides = array<i32>} : memref<10000xi32, #tpu.memory_space<vmem>>, vector<16xi32>,
          %add3A_84 = arith.constant 20000 : i32
          %add3A_85 = vector.broadcast %add3A_84 : i32 to vector<16xi32>
          %add3A_86 = arith.addi %get3A_83, %add3A_85 : vector<16xi32>
          %swap3A = arith.index_cast %mul3A_82 : i32 to index
          %swap3A_87 = tpu.vector_load %arg10[%swap3A] {strides = array<i32>} : memref<10000xi32, #tpu.memory_space<vmem>>, vector<16xi32>,
          tpu.vector_store %arg10[%swap3A], %add3A_86 {strides = array<i32>} : memref<10000xi32, #tpu.memory_space<vmem>>, vector<16xi32>,
          %scan3A_88 = arith.constant 0 : i32
          scf.yield %scan3A_88 : i32
        }
        %scan3A_78 = arith.constant 625 : i32
      } else {
      }
      %scan3A_34 = arith.constant 0 : i32
      %scan3A_35 = arith.constant 0 : i32
      %scan3A_36 = arith.constant 8 : i32
      %scan3A_37 = arith.addi %scan3A_35, %scan3A_36 : i32
      %scan3A_38 = arith.constant 1 : i32
      %scan3A_39 = scf.for %scan3A_72 = %scan3A_35 to %scan3A_37 step %scan3A_38 iter_args(%scan3A_73 = %scan3A_34) -> (i32)  : i32 {
        %mul3A_74 = arith.constant 640 : i32
        %mul3A_75 = arith.muli %arg1, %mul3A_74 : i32
        %mul3A_76 = arith.constant 80 : i32
        %mul3A_77 = arith.muli %scan3A_72, %mul3A_76 : i32
        %add3A_78 = arith.addi %mul3A_75, %mul3A_77 : i32
        "tpu.region"() ({
          %run_scoped3A_80 = tpu.sem_alloc : memref<!tpu.dma_semaphore, #tpu.memory_space<semaphore_mem>>
          %dma_start3A_81 = arith.constant 0 : i32
          %dma_start3A_82 = tpu.memref_slice %arg17[%add3A_78, %dma_start3A_81] : memref<10240x80xf32, #tpu.memory_space<vmem_shared>> -> memref<80x80xf32, #tpu.memory_space<vmem_shared>>
          %dma_start3A_83 = arith.constant 0 : i32
          %dma_start3A_84 = tpu.memref_slice %arg17[%add3A_78, %dma_start3A_83] : memref<10240x80xf32, #tpu.memory_space<vmem_shared>> -> memref<80x80xf32, #tpu.memory_space<vmem_shared>>
          tpu.enqueue_dma source(%arg15 : memref<80x80xf32, #tpu.memory_space<vmem>>) target(%dma_start3A_84 : memref<80x80xf32, #tpu.memory_space<vmem_shared>>) target_semaphore(%run_scoped3A_80 : memref<!tpu.dma_semaphore, #tpu.memory_space<semaphore_mem>>)
          %dma_wait3A_85 = arith.constant 0 : i32
          %dma_wait3A_86 = tpu.memref_slice %arg17[%add3A_78, %dma_wait3A_85] : memref<10240x80xf32, #tpu.memory_space<vmem_shared>> -> memref<80x80xf32, #tpu.memory_space<vmem_shared>>
          %dma_wait3A_87 = arith.constant 0 : i32
          %dma_wait3A_88 = tpu.memref_slice %arg17[%add3A_78, %dma_wait3A_87] : memref<10240x80xf32, #tpu.memory_space<vmem_shared>> -> memref<80x80xf32, #tpu.memory_space<vmem_shared>>
          tpu.wait_dma2 semaphore(%run_scoped3A_80 : memref<!tpu.dma_semaphore, #tpu.memory_space<semaphore_mem>>) src(%arg15 : memref<80x80xf32, #tpu.memory_space<vmem>>) dst(%dma_wait3A_88 : memref<80x80xf32, #tpu.memory_space<vmem_shared>>)
          tpu.yield
        }) : () -> ()
        %scan3A_79 = arith.constant 0 : i32
        scf.yield %scan3A_79 : i32
      }
      %scan3A_40 = arith.constant 8 : i32
      %barrier3A = arith.constant 0 : index
      tpu.barrier barrier_id(%barrier3A)
      %dma_start3A = arith.constant 0 : i32
      %dma_start3A_41 = tpu.memref_slice %arg10[%dma_start3A] : memref<10000xi32, #tpu.memory_space<vmem>> -> memref<80xi32, #tpu.memory_space<vmem>>
      %dma_start3A_42 = arith.constant 0 : i32
      %dma_start3A_43 = arith.constant 0 : i32
      %dma_start3A_44 = tpu.memref_slice %arg2[%dma_start3A_42, %dma_start3A_43] : memref<80000x80xf32, #tpu.memory_space<hbm>> -> memref<80000x80xf32, #tpu.memory_space<hbm>>
      tpu.enqueue_indirect_dma source(%dma_start3A_44 : memref<80000x80xf32, #tpu.memory_space<hbm>>) target(%arg13 : memref<80x80xf32, #tpu.memory_space<vmem>>) offsets(%dma_start3A_41 : memref<80xi32, #tpu.memory_space<vmem>>) semaphore(%arg18 : memref<!tpu.dma_semaphore, #tpu.memory_space<semaphore_mem>>)
      %scan3A_45 = arith.constant 0 : i32
      %scan3A_46 = arith.constant 0 : i32
      %scan3A_47 = arith.constant 62 : i32
      %scan3A_48 = arith.addi %scan3A_46, %scan3A_47 : i32
      %scan3A_49 = arith.constant 1 : i32
      %scan3A_50 = scf.for %scan3A_72 = %scan3A_46 to %scan3A_48 step %scan3A_49 iter_args(%scan3A_73 = %scan3A_45) -> (i32)  : i32 {
        %mul3A_74 = arith.constant 2 : i32
        %mul3A_75 = arith.muli %mul3A_74, %scan3A_72 : i32
        %dma_wait3A_76 = arith.constant 0 : i32
        %dma_wait3A_77 = tpu.memref_slice %arg10[%dma_wait3A_76] : memref<10000xi32, #tpu.memory_space<vmem>> -> memref<80xi32, #tpu.memory_space<vmem>>
        %dma_wait3A_78 = arith.constant 0 : i32
        %dma_wait3A_79 = arith.constant 0 : i32
        %dma_wait3A_80 = tpu.memref_slice %arg2[%dma_wait3A_78, %dma_wait3A_79] : memref<80000x80xf32, #tpu.memory_space<hbm>> -> memref<80000x80xf32, #tpu.memory_space<hbm>>
        tpu.wait_indirect_dma semaphore(%arg18 : memref<!tpu.dma_semaphore, #tpu.memory_space<semaphore_mem>>) src(%dma_wait3A_80 : memref<80000x80xf32, #tpu.memory_space<hbm>>) dst(%arg13 : memref<80x80xf32, #tpu.memory_space<vmem>>)
        %add3A_81 = arith.constant 1 : i32
        %add3A_82 = arith.addi %mul3A_75, %add3A_81 : i32
        %mul3A_83 = arith.constant 80 : i32
        %mul3A_84 = arith.muli %add3A_82, %mul3A_83 : i32
        %dma_start3A_85 = tpu.memref_slice %arg10[%mul3A_84] : memref<10000xi32, #tpu.memory_space<vmem>> -> memref<80xi32, #tpu.memory_space<vmem>>
        %dma_start3A_86 = arith.constant 0 : i32
        %dma_start3A_87 = arith.constant 0 : i32
        %dma_start3A_88 = tpu.memref_slice %arg2[%dma_start3A_86, %dma_start3A_87] : memref<80000x80xf32, #tpu.memory_space<hbm>> -> memref<80000x80xf32, #tpu.memory_space<hbm>>
        tpu.enqueue_indirect_dma source(%dma_start3A_88 : memref<80000x80xf32, #tpu.memory_space<hbm>>) target(%arg14 : memref<80x80xf32, #tpu.memory_space<vmem>>) offsets(%dma_start3A_85 : memref<80xi32, #tpu.memory_space<vmem>>) semaphore(%arg19 : memref<!tpu.dma_semaphore, #tpu.memory_space<semaphore_mem>>)
        %scan3A_89 = arith.constant 0 : i32
        %scan3A_90 = arith.constant 0 : i32
        %scan3A_91 = arith.constant 5 : i32
        %scan3A_92 = arith.addi %scan3A_90, %scan3A_91 : i32
        %scan3A_93 = arith.constant 1 : i32
        %scan3A_94 = scf.for %scan3A_119 = %scan3A_90 to %scan3A_92 step %scan3A_93 iter_args(%scan3A_120 = %scan3A_89) -> (i32)  : i32 {
          %mul3A_121 = arith.constant 80 : i32
          %mul3A_122 = arith.muli %mul3A_75, %mul3A_121 : i32
          %mul3A_123 = arith.constant 16 : i32
          %mul3A_124 = arith.muli %scan3A_119, %mul3A_123 : i32
          %add3A_125 = arith.addi %mul3A_122, %mul3A_124 : i32
          %get3A = arith.index_cast %add3A_125 : i32 to index
          %get3A_126 = tpu.vector_load %arg12[%get3A] {strides = array<i32>} : memref<10000xf32, #tpu.memory_space<vmem>>, vector<16xf32>,
          %slice3A = vector.extract_strided_slice %get3A_126 {offsets = [0], sizes = [1], strides = [1]} : vector<16xf32> to vector<1xf32>
          %squeeze3A = vector.extract %slice3A[0] : f32 from vector<1xf32>
          %mul3A_127 = arith.constant 16 : i32
          %mul3A_128 = arith.muli %scan3A_119, %mul3A_127 : i32
          %add3A_129 = arith.constant 0 : i32
          %add3A_130 = arith.addi %mul3A_128, %add3A_129 : i32
          %get3A_131 = arith.index_cast %add3A_130 : i32 to index
          %get3A_132 = arith.constant 0 : index
          %get3A_133 = tpu.vector_load %arg13[%get3A_131, %get3A_132] {strides = array<i32>} : memref<80x80xf32, #tpu.memory_space<vmem>>, vector<16xf32>,
          %mul3A_134 = vector.broadcast %squeeze3A : f32 to vector<16xf32>
          %mul3A_135 = arith.mulf %get3A_133, %mul3A_134 : vector<16xf32>
          %swap3A = arith.index_cast %add3A_130 : i32 to index
          %swap3A_136 = arith.constant 0 : index
          %swap3A_137 = tpu.vector_load %arg13[%swap3A, %swap3A_136] {strides = array<i32>} : memref<80x80xf32, #tpu.memory_space<vmem>>, vector<16xf32>,
          tpu.vector_store %arg13[%swap3A, %swap3A_136], %mul3A_135 {strides = array<i32>} : memref<80x80xf32, #tpu.memory_space<vmem>>, vector<16xf32>,
          %get3A_138 = arith.index_cast %add3A_130 : i32 to index
          %get3A_139 = arith.constant 16 : index
          %get3A_140 = tpu.vector_load %arg13[%get3A_138, %get3A_139] {strides = array<i32>} : memref<80x80xf32, #tpu.memory_space<vmem>>, vector<16xf32>,
          %mul3A_141 = vector.broadcast %squeeze3A : f32 to vector<16xf32>
          %mul3A_142 = arith.mulf %get3A_140, %mul3A_141 : vector<16xf32>
          %swap3A_143 = arith.index_cast %add3A_130 : i32 to index
          %swap3A_144 = arith.constant 16 : index
          %swap3A_145 = tpu.vector_load %arg13[%swap3A_143, %swap3A_144] {strides = array<i32>} : memref<80x80xf32, #tpu.memory_space<vmem>>, vector<16xf32>,
          tpu.vector_store %arg13[%swap3A_143, %swap3A_144], %mul3A_142 {strides = array<i32>} : memref<80x80xf32, #tpu.memory_space<vmem>>, vector<16xf32>,
          %get3A_146 = arith.index_cast %add3A_130 : i32 to index
          %get3A_147 = arith.constant 32 : index
          %get3A_148 = tpu.vector_load %arg13[%get3A_146, %get3A_147] {strides = array<i32>} : memref<80x80xf32, #tpu.memory_space<vmem>>, vector<16xf32>,
          %mul3A_149 = vector.broadcast %squeeze3A : f32 to vector<16xf32>
          %mul3A_150 = arith.mulf %get3A_148, %mul3A_149 : vector<16xf32>
          %swap3A_151 = arith.index_cast %add3A_130 : i32 to index
          %swap3A_152 = arith.constant 32 : index
          %swap3A_153 = tpu.vector_load %arg13[%swap3A_151, %swap3A_152] {strides = array<i32>} : memref<80x80xf32, #tpu.memory_space<vmem>>, vector<16xf32>,
          tpu.vector_store %arg13[%swap3A_151, %swap3A_152], %mul3A_150 {strides = array<i32>} : memref<80x80xf32, #tpu.memory_space<vmem>>, vector<16xf32>,
          %get3A_154 = arith.index_cast %add3A_130 : i32 to index
          %get3A_155 = arith.constant 48 : index
          %get3A_156 = tpu.vector_load %arg13[%get3A_154, %get3A_155] {strides = array<i32>} : memref<80x80xf32, #tpu.memory_space<vmem>>, vector<16xf32>,
          %mul3A_157 = vector.broadcast %squeeze3A : f32 to vector<16xf32>
          %mul3A_158 = arith.mulf %get3A_156, %mul3A_157 : vector<16xf32>
          %swap3A_159 = arith.index_cast %add3A_130 : i32 to index
          %swap3A_160 = arith.constant 48 : index
          %swap3A_161 = tpu.vector_load %arg13[%swap3A_159, %swap3A_160] {strides = array<i32>} : memref<80x80xf32, #tpu.memory_space<vmem>>, vector<16xf32>,
          tpu.vector_store %arg13[%swap3A_159, %swap3A_160], %mul3A_158 {strides = array<i32>} : memref<80x80xf32, #tpu.memory_space<vmem>>, vector<16xf32>,
          %get3A_162 = arith.index_cast %add3A_130 : i32 to index
          %get3A_163 = arith.constant 64 : index
          %get3A_164 = tpu.vector_load %arg13[%get3A_162, %get3A_163] {strides = array<i32>} : memref<80x80xf32, #tpu.memory_space<vmem>>, vector<16xf32>,
          %mul3A_165 = vector.broadcast %squeeze3A : f32 to vector<16xf32>
          %mul3A_166 = arith.mulf %get3A_164, %mul3A_165 : vector<16xf32>
          %swap3A_167 = arith.index_cast %add3A_130 : i32 to index
          %swap3A_168 = arith.constant 64 : index
          %swap3A_169 = tpu.vector_load %arg13[%swap3A_167, %swap3A_168] {strides = array<i32>} : memref<80x80xf32, #tpu.memory_space<vmem>>, vector<16xf32>,
          tpu.vector_store %arg13[%swap3A_167, %swap3A_168], %mul3A_166 {strides = array<i32>} : memref<80x80xf32, #tpu.memory_space<vmem>>, vector<16xf32>,
          %slice3A_170 = vector.extract_strided_slice %get3A_126 {offsets = [1], sizes = [1], strides = [1]} : vector<16xf32> to vector<1xf32>
          %squeeze3A_171 = vector.extract %slice3A_170[0] : f32 from vector<1xf32>
          %mul3A_172 = arith.constant 16 : i32
          %mul3A_173 = arith.muli %scan3A_119, %mul3A_172 : i32
          %add3A_174 = arith.constant 1 : i32
          %add3A_175 = arith.addi %mul3A_173, %add3A_174 : i32
          %get3A_176 = arith.index_cast %add3A_175 : i32 to index
          %get3A_177 = arith.constant 0 : index
          %get3A_178 = tpu.vector_load %arg13[%get3A_176, %get3A_177] {strides = array<i32>} : memref<80x80xf32, #tpu.memory_space<vmem>>, vector<16xf32>,
          %mul3A_179 = vector.broadcast %squeeze3A_171 : f32 to vector<16xf32>
          %mul3A_180 = arith.mulf %get3A_178, %mul3A_179 : vector<16xf32>
          %swap3A_181 = arith.index_cast %add3A_175 : i32 to index
          %swap3A_182 = arith.constant 0 : index
          %swap3A_183 = tpu.vector_load %arg13[%swap3A_181, %swap3A_182] {strides = array<i32>} : memref<80x80xf32, #tpu.memory_space<vmem>>, vector<16xf32>,
          tpu.vector_store %arg13[%swap3A_181, %swap3A_182], %mul3A_180 {strides = array<i32>} : memref<80x80xf32, #tpu.memory_space<vmem>>, vector<16xf32>,
          %get3A_184 = arith.index_cast %add3A_175 : i32 to index
          %get3A_185 = arith.constant 16 : index
          %get3A_186 = tpu.vector_load %arg13[%get3A_184, %get3A_185] {strides = array<i32>} : memref<80x80xf32, #tpu.memory_space<vmem>>, vector<16xf32>,
          %mul3A_187 = vector.broadcast %squeeze3A_171 : f32 to vector<16xf32>
          %mul3A_188 = arith.mulf %get3A_186, %mul3A_187 : vector<16xf32>
          %swap3A_189 = arith.index_cast %add3A_175 : i32 to index
          %swap3A_190 = arith.constant 16 : index
          %swap3A_191 = tpu.vector_load %arg13[%swap3A_189, %swap3A_190] {strides = array<i32>} : memref<80x80xf32, #tpu.memory_space<vmem>>, vector<16xf32>,
          tpu.vector_store %arg13[%swap3A_189, %swap3A_190], %mul3A_188 {strides = array<i32>} : memref<80x80xf32, #tpu.memory_space<vmem>>, vector<16xf32>,
          %get3A_192 = arith.index_cast %add3A_175 : i32 to index
          %get3A_193 = arith.constant 32 : index
          %get3A_194 = tpu.vector_load %arg13[%get3A_192, %get3A_193] {strides = array<i32>} : memref<80x80xf32, #tpu.memory_space<vmem>>, vector<16xf32>,
          %mul3A_195 = vector.broadcast %squeeze3A_171 : f32 to vector<16xf32>
          %mul3A_196 = arith.mulf %get3A_194, %mul3A_195 : vector<16xf32>
          %swap3A_197 = arith.index_cast %add3A_175 : i32 to index
          %swap3A_198 = arith.constant 32 : index
          %swap3A_199 = tpu.vector_load %arg13[%swap3A_197, %swap3A_198] {strides = array<i32>} : memref<80x80xf32, #tpu.memory_space<vmem>>, vector<16xf32>,
          tpu.vector_store %arg13[%swap3A_197, %swap3A_198], %mul3A_196 {strides = array<i32>} : memref<80x80xf32, #tpu.memory_space<vmem>>, vector<16xf32>,
          %get3A_200 = arith.index_cast %add3A_175 : i32 to index
          %get3A_201 = arith.constant 48 : index
          %get3A_202 = tpu.vector_load %arg13[%get3A_200, %get3A_201] {strides = array<i32>} : memref<80x80xf32, #tpu.memory_space<vmem>>, vector<16xf32>,
          %mul3A_203 = vector.broadcast %squeeze3A_171 : f32 to vector<16xf32>
          %mul3A_204 = arith.mulf %get3A_202, %mul3A_203 : vector<16xf32>
          %swap3A_205 = arith.index_cast %add3A_175 : i32 to index
          %swap3A_206 = arith.constant 48 : index
          %swap3A_207 = tpu.vector_load %arg13[%swap3A_205, %swap3A_206] {strides = array<i32>} : memref<80x80xf32, #tpu.memory_space<vmem>>, vector<16xf32>,
          tpu.vector_store %arg13[%swap3A_205, %swap3A_206], %mul3A_204 {strides = array<i32>} : memref<80x80xf32, #tpu.memory_space<vmem>>, vector<16xf32>,
          %get3A_208 = arith.index_cast %add3A_175 : i32 to index
          %get3A_209 = arith.constant 64 : index
          %get3A_210 = tpu.vector_load %arg13[%get3A_208, %get3A_209] {strides = array<i32>} : memref<80x80xf32, #tpu.memory_space<vmem>>, vector<16xf32>,
          %mul3A_211 = vector.broadcast %squeeze3A_171 : f32 to vector<16xf32>
          %mul3A_212 = arith.mulf %get3A_210, %mul3A_211 : vector<16xf32>
          %swap3A_213 = arith.index_cast %add3A_175 : i32 to index
          %swap3A_214 = arith.constant 64 : index
          %swap3A_215 = tpu.vector_load %arg13[%swap3A_213, %swap3A_214] {strides = array<i32>} : memref<80x80xf32, #tpu.memory_space<vmem>>, vector<16xf32>,
          tpu.vector_store %arg13[%swap3A_213, %swap3A_214], %mul3A_212 {strides = array<i32>} : memref<80x80xf32, #tpu.memory_space<vmem>>, vector<16xf32>,
          %slice3A_216 = vector.extract_strided_slice %get3A_126 {offsets = [2], sizes = [1], strides = [1]} : vector<16xf32> to vector<1xf32>
          %squeeze3A_217 = vector.extract %slice3A_216[0] : f32 from vector<1xf32>
          %mul3A_218 = arith.constant 16 : i32
          %mul3A_219 = arith.muli %scan3A_119, %mul3A_218 : i32
          %add3A_220 = arith.constant 2 : i32
          %add3A_221 = arith.addi %mul3A_219, %add3A_220 : i32
          %get3A_222 = arith.index_cast %add3A_221 : i32 to index
          %get3A_223 = arith.constant 0 : index
          %get3A_224 = tpu.vector_load %arg13[%get3A_222, %get3A_223] {strides = array<i32>} : memref<80x80xf32, #tpu.memory_space<vmem>>, vector<16xf32>,
          %mul3A_225 = vector.broadcast %squeeze3A_217 : f32 to vector<16xf32>
          %mul3A_226 = arith.mulf %get3A_224, %mul3A_225 : vector<16xf32>
          %swap3A_227 = arith.index_cast %add3A_221 : i32 to index
          %swap3A_228 = arith.constant 0 : index
          %swap3A_229 = tpu.vector_load %arg13[%swap3A_227, %swap3A_228] {strides = array<i32>} : memref<80x80xf32, #tpu.memory_space<vmem>>, vector<16xf32>,
          tpu.vector_store %arg13[%swap3A_227, %swap3A_228], %mul3A_226 {strides = array<i32>} : memref<80x80xf32, #tpu.memory_space<vmem>>, vector<16xf32>,
          %get3A_230 = arith.index_cast %add3A_221 : i32 to index
          %get3A_231 = arith.constant 16 : index
          %get3A_232 = tpu.vector_load %arg13[%get3A_230, %get3A_231] {strides = array<i32>} : memref<80x80xf32, #tpu.memory_space<vmem>>, vector<16xf32>,
          %mul3A_233 = vector.broadcast %squeeze3A_217 : f32 to vector<16xf32>
          %mul3A_234 = arith.mulf %get3A_232, %mul3A_233 : vector<16xf32>
          %swap3A_235 = arith.index_cast %add3A_221 : i32 to index
          %swap3A_236 = arith.constant 16 : index
          %swap3A_237 = tpu.vector_load %arg13[%swap3A_235, %swap3A_236] {strides = array<i32>} : memref<80x80xf32, #tpu.memory_space<vmem>>, vector<16xf32>,
          tpu.vector_store %arg13[%swap3A_235, %swap3A_236], %mul3A_234 {strides = array<i32>} : memref<80x80xf32, #tpu.memory_space<vmem>>, vector<16xf32>,
          %get3A_238 = arith.index_cast %add3A_221 : i32 to index
          %get3A_239 = arith.constant 32 : index
          %get3A_240 = tpu.vector_load %arg13[%get3A_238, %get3A_239] {strides = array<i32>} : memref<80x80xf32, #tpu.memory_space<vmem>>, vector<16xf32>,
          %mul3A_241 = vector.broadcast %squeeze3A_217 : f32 to vector<16xf32>
          %mul3A_242 = arith.mulf %get3A_240, %mul3A_241 : vector<16xf32>
          %swap3A_243 = arith.index_cast %add3A_221 : i32 to index
          %swap3A_244 = arith.constant 32 : index
          %swap3A_245 = tpu.vector_load %arg13[%swap3A_243, %swap3A_244] {strides = array<i32>} : memref<80x80xf32, #tpu.memory_space<vmem>>, vector<16xf32>,
          tpu.vector_store %arg13[%swap3A_243, %swap3A_244], %mul3A_242 {strides = array<i32>} : memref<80x80xf32, #tpu.memory_space<vmem>>, vector<16xf32>,
          %get3A_246 = arith.index_cast %add3A_221 : i32 to index
          %get3A_247 = arith.constant 48 : index
          %get3A_248 = tpu.vector_load %arg13[%get3A_246, %get3A_247] {strides = array<i32>} : memref<80x80xf32, #tpu.memory_space<vmem>>, vector<16xf32>,
          %mul3A_249 = vector.broadcast %squeeze3A_217 : f32 to vector<16xf32>
          %mul3A_250 = arith.mulf %get3A_248, %mul3A_249 : vector<16xf32>
          %swap3A_251 = arith.index_cast %add3A_221 : i32 to index
          %swap3A_252 = arith.constant 48 : index
          %swap3A_253 = tpu.vector_load %arg13[%swap3A_251, %swap3A_252] {strides = array<i32>} : memref<80x80xf32, #tpu.memory_space<vmem>>, vector<16xf32>,
          tpu.vector_store %arg13[%swap3A_251, %swap3A_252], %mul3A_250 {strides = array<i32>} : memref<80x80xf32, #tpu.memory_space<vmem>>, vector<16xf32>,
          %get3A_254 = arith.index_cast %add3A_221 : i32 to index
          %get3A_255 = arith.constant 64 : index
          %get3A_256 = tpu.vector_load %arg13[%get3A_254, %get3A_255] {strides = array<i32>} : memref<80x80xf32, #tpu.memory_space<vmem>>, vector<16xf32>,
          %mul3A_257 = vector.broadcast %squeeze3A_217 : f32 to vector<16xf32>
          %mul3A_258 = arith.mulf %get3A_256, %mul3A_257 : vector<16xf32>
          %swap3A_259 = arith.index_cast %add3A_221 : i32 to index
          %swap3A_260 = arith.constant 64 : index
          %swap3A_261 = tpu.vector_load %arg13[%swap3A_259, %swap3A_260] {strides = array<i32>} : memref<80x80xf32, #tpu.memory_space<vmem>>, vector<16xf32>,
          tpu.vector_store %arg13[%swap3A_259, %swap3A_260], %mul3A_258 {strides = array<i32>} : memref<80x80xf32, #tpu.memory_space<vmem>>, vector<16xf32>,
          %slice3A_262 = vector.extract_strided_slice %get3A_126 {offsets = [3], sizes = [1], strides = [1]} : vector<16xf32> to vector<1xf32>
          %squeeze3A_263 = vector.extract %slice3A_262[0] : f32 from vector<1xf32>
          %mul3A_264 = arith.constant 16 : i32
          %mul3A_265 = arith.muli %scan3A_119, %mul3A_264 : i32
          %add3A_266 = arith.constant 3 : i32
          %add3A_267 = arith.addi %mul3A_265, %add3A_266 : i32
          %get3A_268 = arith.index_cast %add3A_267 : i32 to index
          %get3A_269 = arith.constant 0 : index
          %get3A_270 = tpu.vector_load %arg13[%get3A_268, %get3A_269] {strides = array<i32>} : memref<80x80xf32, #tpu.memory_space<vmem>>, vector<16xf32>,
          %mul3A_271 = vector.broadcast %squeeze3A_263 : f32 to vector<16xf32>
          %mul3A_272 = arith.mulf %get3A_270, %mul3A_271 : vector<16xf32>
          %swap3A_273 = arith.index_cast %add3A_267 : i32 to index
          %swap3A_274 = arith.constant 0 : index
          %swap3A_275 = tpu.vector_load %arg13[%swap3A_273, %swap3A_274] {strides = array<i32>} : memref<80x80xf32, #tpu.memory_space<vmem>>, vector<16xf32>,
          tpu.vector_store %arg13[%swap3A_273, %swap3A_274], %mul3A_272 {strides = array<i32>} : memref<80x80xf32, #tpu.memory_space<vmem>>, vector<16xf32>,
          %get3A_276 = arith.index_cast %add3A_267 : i32 to index
          %get3A_277 = arith.constant 16 : index
          %get3A_278 = tpu.vector_load %arg13[%get3A_276, %get3A_277] {strides = array<i32>} : memref<80x80xf32, #tpu.memory_space<vmem>>, vector<16xf32>,
          %mul3A_279 = vector.broadcast %squeeze3A_263 : f32 to vector<16xf32>
          %mul3A_280 = arith.mulf %get3A_278, %mul3A_279 : vector<16xf32>
          %swap3A_281 = arith.index_cast %add3A_267 : i32 to index
          %swap3A_282 = arith.constant 16 : index
          %swap3A_283 = tpu.vector_load %arg13[%swap3A_281, %swap3A_282] {strides = array<i32>} : memref<80x80xf32, #tpu.memory_space<vmem>>, vector<16xf32>,
          tpu.vector_store %arg13[%swap3A_281, %swap3A_282], %mul3A_280 {strides = array<i32>} : memref<80x80xf32, #tpu.memory_space<vmem>>, vector<16xf32>,
          %get3A_284 = arith.index_cast %add3A_267 : i32 to index
          %get3A_285 = arith.constant 32 : index
          %get3A_286 = tpu.vector_load %arg13[%get3A_284, %get3A_285] {strides = array<i32>} : memref<80x80xf32, #tpu.memory_space<vmem>>, vector<16xf32>,
          %mul3A_287 = vector.broadcast %squeeze3A_263 : f32 to vector<16xf32>
          %mul3A_288 = arith.mulf %get3A_286, %mul3A_287 : vector<16xf32>
          %swap3A_289 = arith.index_cast %add3A_267 : i32 to index
          %swap3A_290 = arith.constant 32 : index
          %swap3A_291 = tpu.vector_load %arg13[%swap3A_289, %swap3A_290] {strides = array<i32>} : memref<80x80xf32, #tpu.memory_space<vmem>>, vector<16xf32>,
          tpu.vector_store %arg13[%swap3A_289, %swap3A_290], %mul3A_288 {strides = array<i32>} : memref<80x80xf32, #tpu.memory_space<vmem>>, vector<16xf32>,
          %get3A_292 = arith.index_cast %add3A_267 : i32 to index
          %get3A_293 = arith.constant 48 : index
          %get3A_294 = tpu.vector_load %arg13[%get3A_292, %get3A_293] {strides = array<i32>} : memref<80x80xf32, #tpu.memory_space<vmem>>, vector<16xf32>,
          %mul3A_295 = vector.broadcast %squeeze3A_263 : f32 to vector<16xf32>
          %mul3A_296 = arith.mulf %get3A_294, %mul3A_295 : vector<16xf32>
          %swap3A_297 = arith.index_cast %add3A_267 : i32 to index
          %swap3A_298 = arith.constant 48 : index
          %swap3A_299 = tpu.vector_load %arg13[%swap3A_297, %swap3A_298] {strides = array<i32>} : memref<80x80xf32, #tpu.memory_space<vmem>>, vector<16xf32>,
          tpu.vector_store %arg13[%swap3A_297, %swap3A_298], %mul3A_296 {strides = array<i32>} : memref<80x80xf32, #tpu.memory_space<vmem>>, vector<16xf32>,
          %get3A_300 = arith.index_cast %add3A_267 : i32 to index
          %get3A_301 = arith.constant 64 : index
          %get3A_302 = tpu.vector_load %arg13[%get3A_300, %get3A_301] {strides = array<i32>} : memref<80x80xf32, #tpu.memory_space<vmem>>, vector<16xf32>,
          %mul3A_303 = vector.broadcast %squeeze3A_263 : f32 to vector<16xf32>
          %mul3A_304 = arith.mulf %get3A_302, %mul3A_303 : vector<16xf32>
          %swap3A_305 = arith.index_cast %add3A_267 : i32 to index
          %swap3A_306 = arith.constant 64 : index
          %swap3A_307 = tpu.vector_load %arg13[%swap3A_305, %swap3A_306] {strides = array<i32>} : memref<80x80xf32, #tpu.memory_space<vmem>>, vector<16xf32>,
          tpu.vector_store %arg13[%swap3A_305, %swap3A_306], %mul3A_304 {strides = array<i32>} : memref<80x80xf32, #tpu.memory_space<vmem>>, vector<16xf32>,
          %slice3A_308 = vector.extract_strided_slice %get3A_126 {offsets = [4], sizes = [1], strides = [1]} : vector<16xf32> to vector<1xf32>
          %squeeze3A_309 = vector.extract %slice3A_308[0] : f32 from vector<1xf32>
          %mul3A_310 = arith.constant 16 : i32
          %mul3A_311 = arith.muli %scan3A_119, %mul3A_310 : i32
          %add3A_312 = arith.constant 4 : i32
          %add3A_313 = arith.addi %mul3A_311, %add3A_312 : i32
          %get3A_314 = arith.index_cast %add3A_313 : i32 to index
          %get3A_315 = arith.constant 0 : index
          %get3A_316 = tpu.vector_load %arg13[%get3A_314, %get3A_315] {strides = array<i32>} : memref<80x80xf32, #tpu.memory_space<vmem>>, vector<16xf32>,
          %mul3A_317 = vector.broadcast %squeeze3A_309 : f32 to vector<16xf32>
          %mul3A_318 = arith.mulf %get3A_316, %mul3A_317 : vector<16xf32>
          %swap3A_319 = arith.index_cast %add3A_313 : i32 to index
          %swap3A_320 = arith.constant 0 : index
          %swap3A_321 = tpu.vector_load %arg13[%swap3A_319, %swap3A_320] {strides = array<i32>} : memref<80x80xf32, #tpu.memory_space<vmem>>, vector<16xf32>,
          tpu.vector_store %arg13[%swap3A_319, %swap3A_320], %mul3A_318 {strides = array<i32>} : memref<80x80xf32, #tpu.memory_space<vmem>>, vector<16xf32>,
          %get3A_322 = arith.index_cast %add3A_313 : i32 to index
          %get3A_323 = arith.constant 16 : index
          %get3A_324 = tpu.vector_load %arg13[%get3A_322, %get3A_323] {strides = array<i32>} : memref<80x80xf32, #tpu.memory_space<vmem>>, vector<16xf32>,
          %mul3A_325 = vector.broadcast %squeeze3A_309 : f32 to vector<16xf32>
          %mul3A_326 = arith.mulf %get3A_324, %mul3A_325 : vector<16xf32>
          %swap3A_327 = arith.index_cast %add3A_313 : i32 to index
          %swap3A_328 = arith.constant 16 : index
          %swap3A_329 = tpu.vector_load %arg13[%swap3A_327, %swap3A_328] {strides = array<i32>} : memref<80x80xf32, #tpu.memory_space<vmem>>, vector<16xf32>,
          tpu.vector_store %arg13[%swap3A_327, %swap3A_328], %mul3A_326 {strides = array<i32>} : memref<80x80xf32, #tpu.memory_space<vmem>>, vector<16xf32>,
          %get3A_330 = arith.index_cast %add3A_313 : i32 to index
          %get3A_331 = arith.constant 32 : index
          %get3A_332 = tpu.vector_load %arg13[%get3A_330, %get3A_331] {strides = array<i32>} : memref<80x80xf32, #tpu.memory_space<vmem>>, vector<16xf32>,
          %mul3A_333 = vector.broadcast %squeeze3A_309 : f32 to vector<16xf32>
          %mul3A_334 = arith.mulf %get3A_332, %mul3A_333 : vector<16xf32>
          %swap3A_335 = arith.index_cast %add3A_313 : i32 to index
          %swap3A_336 = arith.constant 32 : index
          %swap3A_337 = tpu.vector_load %arg13[%swap3A_335, %swap3A_336] {strides = array<i32>} : memref<80x80xf32, #tpu.memory_space<vmem>>, vector<16xf32>,
          tpu.vector_store %arg13[%swap3A_335, %swap3A_336], %mul3A_334 {strides = array<i32>} : memref<80x80xf32, #tpu.memory_space<vmem>>, vector<16xf32>,
          %get3A_338 = arith.index_cast %add3A_313 : i32 to index
          %get3A_339 = arith.constant 48 : index
          %get3A_340 = tpu.vector_load %arg13[%get3A_338, %get3A_339] {strides = array<i32>} : memref<80x80xf32, #tpu.memory_space<vmem>>, vector<16xf32>,
          %mul3A_341 = vector.broadcast %squeeze3A_309 : f32 to vector<16xf32>
          %mul3A_342 = arith.mulf %get3A_340, %mul3A_341 : vector<16xf32>
          %swap3A_343 = arith.index_cast %add3A_313 : i32 to index
          %swap3A_344 = arith.constant 48 : index
          %swap3A_345 = tpu.vector_load %arg13[%swap3A_343, %swap3A_344] {strides = array<i32>} : memref<80x80xf32, #tpu.memory_space<vmem>>, vector<16xf32>,
          tpu.vector_store %arg13[%swap3A_343, %swap3A_344], %mul3A_342 {strides = array<i32>} : memref<80x80xf32, #tpu.memory_space<vmem>>, vector<16xf32>,
          %get3A_346 = arith.index_cast %add3A_313 : i32 to index
          %get3A_347 = arith.constant 64 : index
          %get3A_348 = tpu.vector_load %arg13[%get3A_346, %get3A_347] {strides = array<i32>} : memref<80x80xf32, #tpu.memory_space<vmem>>, vector<16xf32>,
          %mul3A_349 = vector.broadcast %squeeze3A_309 : f32 to vector<16xf32>
          %mul3A_350 = arith.mulf %get3A_348, %mul3A_349 : vector<16xf32>
          %swap3A_351 = arith.index_cast %add3A_313 : i32 to index
          %swap3A_352 = arith.constant 64 : index
          %swap3A_353 = tpu.vector_load %arg13[%swap3A_351, %swap3A_352] {strides = array<i32>} : memref<80x80xf32, #tpu.memory_space<vmem>>, vector<16xf32>,
          tpu.vector_store %arg13[%swap3A_351, %swap3A_352], %mul3A_350 {strides = array<i32>} : memref<80x80xf32, #tpu.memory_space<vmem>>, vector<16xf32>,
          %slice3A_354 = vector.extract_strided_slice %get3A_126 {offsets = [5], sizes = [1], strides = [1]} : vector<16xf32> to vector<1xf32>
          %squeeze3A_355 = vector.extract %slice3A_354[0] : f32 from vector<1xf32>
          %mul3A_356 = arith.constant 16 : i32
          %mul3A_357 = arith.muli %scan3A_119, %mul3A_356 : i32
          %add3A_358 = arith.constant 5 : i32
          %add3A_359 = arith.addi %mul3A_357, %add3A_358 : i32
          %get3A_360 = arith.index_cast %add3A_359 : i32 to index
          %get3A_361 = arith.constant 0 : index
          %get3A_362 = tpu.vector_load %arg13[%get3A_360, %get3A_361] {strides = array<i32>} : memref<80x80xf32, #tpu.memory_space<vmem>>, vector<16xf32>,
          %mul3A_363 = vector.broadcast %squeeze3A_355 : f32 to vector<16xf32>
          %mul3A_364 = arith.mulf %get3A_362, %mul3A_363 : vector<16xf32>
          %swap3A_365 = arith.index_cast %add3A_359 : i32 to index
          %swap3A_366 = arith.constant 0 : index
          %swap3A_367 = tpu.vector_load %arg13[%swap3A_365, %swap3A_366] {strides = array<i32>} : memref<80x80xf32, #tpu.memory_space<vmem>>, vector<16xf32>,
          tpu.vector_store %arg13[%swap3A_365, %swap3A_366], %mul3A_364 {strides = array<i32>} : memref<80x80xf32, #tpu.memory_space<vmem>>, vector<16xf32>,
          %get3A_368 = arith.index_cast %add3A_359 : i32 to index
          %get3A_369 = arith.constant 16 : index
          %get3A_370 = tpu.vector_load %arg13[%get3A_368, %get3A_369] {strides = array<i32>} : memref<80x80xf32, #tpu.memory_space<vmem>>, vector<16xf32>,
          %mul3A_371 = vector.broadcast %squeeze3A_355 : f32 to vector<16xf32>
          %mul3A_372 = arith.mulf %get3A_370, %mul3A_371 : vector<16xf32>
          %swap3A_373 = arith.index_cast %add3A_359 : i32 to index
          %swap3A_374 = arith.constant 16 : index
          %swap3A_375 = tpu.vector_load %arg13[%swap3A_373, %swap3A_374] {strides = array<i32>} : memref<80x80xf32, #tpu.memory_space<vmem>>, vector<16xf32>,
          tpu.vector_store %arg13[%swap3A_373, %swap3A_374], %mul3A_372 {strides = array<i32>} : memref<80x80xf32, #tpu.memory_space<vmem>>, vector<16xf32>,
          %get3A_376 = arith.index_cast %add3A_359 : i32 to index
          %get3A_377 = arith.constant 32 : index
          %get3A_378 = tpu.vector_load %arg13[%get3A_376, %get3A_377] {strides = array<i32>} : memref<80x80xf32, #tpu.memory_space<vmem>>, vector<16xf32>,
          %mul3A_379 = vector.broadcast %squeeze3A_355 : f32 to vector<16xf32>
          %mul3A_380 = arith.mulf %get3A_378, %mul3A_379 : vector<16xf32>
          %swap3A_381 = arith.index_cast %add3A_359 : i32 to index
          %swap3A_382 = arith.constant 32 : index
          %swap3A_383 = tpu.vector_load %arg13[%swap3A_381, %swap3A_382] {strides = array<i32>} : memref<80x80xf32, #tpu.memory_space<vmem>>, vector<16xf32>,
          tpu.vector_store %arg13[%swap3A_381, %swap3A_382], %mul3A_380 {strides = array<i32>} : memref<80x80xf32, #tpu.memory_space<vmem>>, vector<16xf32>,
          %get3A_384 = arith.index_cast %add3A_359 : i32 to index
          %get3A_385 = arith.constant 48 : index
          %get3A_386 = tpu.vector_load %arg13[%get3A_384, %get3A_385] {strides = array<i32>} : memref<80x80xf32, #tpu.memory_space<vmem>>, vector<16xf32>,
          %mul3A_387 = vector.broadcast %squeeze3A_355 : f32 to vector<16xf32>
          %mul3A_388 = arith.mulf %get3A_386, %mul3A_387 : vector<16xf32>
          %swap3A_389 = arith.index_cast %add3A_359 : i32 to index
          %swap3A_390 = arith.constant 48 : index
          %swap3A_391 = tpu.vector_load %arg13[%swap3A_389, %swap3A_390] {strides = array<i32>} : memref<80x80xf32, #tpu.memory_space<vmem>>, vector<16xf32>,
          tpu.vector_store %arg13[%swap3A_389, %swap3A_390], %mul3A_388 {strides = array<i32>} : memref<80x80xf32, #tpu.memory_space<vmem>>, vector<16xf32>,
          %get3A_392 = arith.index_cast %add3A_359 : i32 to index
          %get3A_393 = arith.constant 64 : index
          %get3A_394 = tpu.vector_load %arg13[%get3A_392, %get3A_393] {strides = array<i32>} : memref<80x80xf32, #tpu.memory_space<vmem>>, vector<16xf32>,
          %mul3A_395 = vector.broadcast %squeeze3A_355 : f32 to vector<16xf32>
          %mul3A_396 = arith.mulf %get3A_394, %mul3A_395 : vector<16xf32>
          %swap3A_397 = arith.index_cast %add3A_359 : i32 to index
          %swap3A_398 = arith.constant 64 : index
          %swap3A_399 = tpu.vector_load %arg13[%swap3A_397, %swap3A_398] {strides = array<i32>} : memref<80x80xf32, #tpu.memory_space<vmem>>, vector<16xf32>,
          tpu.vector_store %arg13[%swap3A_397, %swap3A_398], %mul3A_396 {strides = array<i32>} : memref<80x80xf32, #tpu.memory_space<vmem>>, vector<16xf32>,
          %slice3A_400 = vector.extract_strided_slice %get3A_126 {offsets = [6], sizes = [1], strides = [1]} : vector<16xf32> to vector<1xf32>
          %squeeze3A_401 = vector.extract %slice3A_400[0] : f32 from vector<1xf32>
          %mul3A_402 = arith.constant 16 : i32
          %mul3A_403 = arith.muli %scan3A_119, %mul3A_402 : i32
          %add3A_404 = arith.constant 6 : i32
          %add3A_405 = arith.addi %mul3A_403, %add3A_404 : i32
          %get3A_406 = arith.index_cast %add3A_405 : i32 to index
          %get3A_407 = arith.constant 0 : index
          %get3A_408 = tpu.vector_load %arg13[%get3A_406, %get3A_407] {strides = array<i32>} : memref<80x80xf32, #tpu.memory_space<vmem>>, vector<16xf32>,
          %mul3A_409 = vector.broadcast %squeeze3A_401 : f32 to vector<16xf32>
          %mul3A_410 = arith.mulf %get3A_408, %mul3A_409 : vector<16xf32>
          %swap3A_411 = arith.index_cast %add3A_405 : i32 to index
          %swap3A_412 = arith.constant 0 : index
          %swap3A_413 = tpu.vector_load %arg13[%swap3A_411, %swap3A_412] {strides = array<i32>} : memref<80x80xf32, #tpu.memory_space<vmem>>, vector<16xf32>,
          tpu.vector_store %arg13[%swap3A_411, %swap3A_412], %mul3A_410 {strides = array<i32>} : memref<80x80xf32, #tpu.memory_space<vmem>>, vector<16xf32>,
          %get3A_414 = arith.index_cast %add3A_405 : i32 to index
          %get3A_415 = arith.constant 16 : index
          %get3A_416 = tpu.vector_load %arg13[%get3A_414, %get3A_415] {strides = array<i32>} : memref<80x80xf32, #tpu.memory_space<vmem>>, vector<16xf32>,
          %mul3A_417 = vector.broadcast %squeeze3A_401 : f32 to vector<16xf32>
          %mul3A_418 = arith.mulf %get3A_416, %mul3A_417 : vector<16xf32>
          %swap3A_419 = arith.index_cast %add3A_405 : i32 to index
          %swap3A_420 = arith.constant 16 : index
          %swap3A_421 = tpu.vector_load %arg13[%swap3A_419, %swap3A_420] {strides = array<i32>} : memref<80x80xf32, #tpu.memory_space<vmem>>, vector<16xf32>,
          tpu.vector_store %arg13[%swap3A_419, %swap3A_420], %mul3A_418 {strides = array<i32>} : memref<80x80xf32, #tpu.memory_space<vmem>>, vector<16xf32>,
          %get3A_422 = arith.index_cast %add3A_405 : i32 to index
          %get3A_423 = arith.constant 32 : index
          %get3A_424 = tpu.vector_load %arg13[%get3A_422, %get3A_423] {strides = array<i32>} : memref<80x80xf32, #tpu.memory_space<vmem>>, vector<16xf32>,
          %mul3A_425 = vector.broadcast %squeeze3A_401 : f32 to vector<16xf32>
          %mul3A_426 = arith.mulf %get3A_424, %mul3A_425 : vector<16xf32>
          %swap3A_427 = arith.index_cast %add3A_405 : i32 to index
          %swap3A_428 = arith.constant 32 : index
          %swap3A_429 = tpu.vector_load %arg13[%swap3A_427, %swap3A_428] {strides = array<i32>} : memref<80x80xf32, #tpu.memory_space<vmem>>, vector<16xf32>,
          tpu.vector_store %arg13[%swap3A_427, %swap3A_428], %mul3A_426 {strides = array<i32>} : memref<80x80xf32, #tpu.memory_space<vmem>>, vector<16xf32>,
          %get3A_430 = arith.index_cast %add3A_405 : i32 to index
          %get3A_431 = arith.constant 48 : index
          %get3A_432 = tpu.vector_load %arg13[%get3A_430, %get3A_431] {strides = array<i32>} : memref<80x80xf32, #tpu.memory_space<vmem>>, vector<16xf32>,
          %mul3A_433 = vector.broadcast %squeeze3A_401 : f32 to vector<16xf32>
          %mul3A_434 = arith.mulf %get3A_432, %mul3A_433 : vector<16xf32>
          %swap3A_435 = arith.index_cast %add3A_405 : i32 to index
          %swap3A_436 = arith.constant 48 : index
          %swap3A_437 = tpu.vector_load %arg13[%swap3A_435, %swap3A_436] {strides = array<i32>} : memref<80x80xf32, #tpu.memory_space<vmem>>, vector<16xf32>,
          tpu.vector_store %arg13[%swap3A_435, %swap3A_436], %mul3A_434 {strides = array<i32>} : memref<80x80xf32, #tpu.memory_space<vmem>>, vector<16xf32>,
          %get3A_438 = arith.index_cast %add3A_405 : i32 to index
          %get3A_439 = arith.constant 64 : index
          %get3A_440 = tpu.vector_load %arg13[%get3A_438, %get3A_439] {strides = array<i32>} : memref<80x80xf32, #tpu.memory_space<vmem>>, vector<16xf32>,
          %mul3A_441 = vector.broadcast %squeeze3A_401 : f32 to vector<16xf32>
          %mul3A_442 = arith.mulf %get3A_440, %mul3A_441 : vector<16xf32>
          %swap3A_443 = arith.index_cast %add3A_405 : i32 to index
          %swap3A_444 = arith.constant 64 : index
          %swap3A_445 = tpu.vector_load %arg13[%swap3A_443, %swap3A_444] {strides = array<i32>} : memref<80x80xf32, #tpu.memory_space<vmem>>, vector<16xf32>,
          tpu.vector_store %arg13[%swap3A_443, %swap3A_444], %mul3A_442 {strides = array<i32>} : memref<80x80xf32, #tpu.memory_space<vmem>>, vector<16xf32>,
          %slice3A_446 = vector.extract_strided_slice %get3A_126 {offsets = [7], sizes = [1], strides = [1]} : vector<16xf32> to vector<1xf32>
          %squeeze3A_447 = vector.extract %slice3A_446[0] : f32 from vector<1xf32>
          %mul3A_448 = arith.constant 16 : i32
          %mul3A_449 = arith.muli %scan3A_119, %mul3A_448 : i32
          %add3A_450 = arith.constant 7 : i32
          %add3A_451 = arith.addi %mul3A_449, %add3A_450 : i32
          %get3A_452 = arith.index_cast %add3A_451 : i32 to index
          %get3A_453 = arith.constant 0 : index
          %get3A_454 = tpu.vector_load %arg13[%get3A_452, %get3A_453] {strides = array<i32>} : memref<80x80xf32, #tpu.memory_space<vmem>>, vector<16xf32>,
          %mul3A_455 = vector.broadcast %squeeze3A_447 : f32 to vector<16xf32>
          %mul3A_456 = arith.mulf %get3A_454, %mul3A_455 : vector<16xf32>
          %swap3A_457 = arith.index_cast %add3A_451 : i32 to index
          %swap3A_458 = arith.constant 0 : index
          %swap3A_459 = tpu.vector_load %arg13[%swap3A_457, %swap3A_458] {strides = array<i32>} : memref<80x80xf32, #tpu.memory_space<vmem>>, vector<16xf32>,
          tpu.vector_store %arg13[%swap3A_457, %swap3A_458], %mul3A_456 {strides = array<i32>} : memref<80x80xf32, #tpu.memory_space<vmem>>, vector<16xf32>,
          %get3A_460 = arith.index_cast %add3A_451 : i32 to index
          %get3A_461 = arith.constant 16 : index
          %get3A_462 = tpu.vector_load %arg13[%get3A_460, %get3A_461] {strides = array<i32>} : memref<80x80xf32, #tpu.memory_space<vmem>>, vector<16xf32>,
          %mul3A_463 = vector.broadcast %squeeze3A_447 : f32 to vector<16xf32>
          %mul3A_464 = arith.mulf %get3A_462, %mul3A_463 : vector<16xf32>
          %swap3A_465 = arith.index_cast %add3A_451 : i32 to index
          %swap3A_466 = arith.constant 16 : index
          %swap3A_467 = tpu.vector_load %arg13[%swap3A_465, %swap3A_466] {strides = array<i32>} : memref<80x80xf32, #tpu.memory_space<vmem>>, vector<16xf32>,
          tpu.vector_store %arg13[%swap3A_465, %swap3A_466], %mul3A_464 {strides = array<i32>} : memref<80x80xf32, #tpu.memory_space<vmem>>, vector<16xf32>,
          %get3A_468 = arith.index_cast %add3A_451 : i32 to index
          %get3A_469 = arith.constant 32 : index
          %get3A_470 = tpu.vector_load %arg13[%get3A_468, %get3A_469] {strides = array<i32>} : memref<80x80xf32, #tpu.memory_space<vmem>>, vector<16xf32>,
          %mul3A_471 = vector.broadcast %squeeze3A_447 : f32 to vector<16xf32>
          %mul3A_472 = arith.mulf %get3A_470, %mul3A_471 : vector<16xf32>
          %swap3A_473 = arith.index_cast %add3A_451 : i32 to index
          %swap3A_474 = arith.constant 32 : index
          %swap3A_475 = tpu.vector_load %arg13[%swap3A_473, %swap3A_474] {strides = array<i32>} : memref<80x80xf32, #tpu.memory_space<vmem>>, vector<16xf32>,
          tpu.vector_store %arg13[%swap3A_473, %swap3A_474], %mul3A_472 {strides = array<i32>} : memref<80x80xf32, #tpu.memory_space<vmem>>, vector<16xf32>,
          %get3A_476 = arith.index_cast %add3A_451 : i32 to index
          %get3A_477 = arith.constant 48 : index
          %get3A_478 = tpu.vector_load %arg13[%get3A_476, %get3A_477] {strides = array<i32>} : memref<80x80xf32, #tpu.memory_space<vmem>>, vector<16xf32>,
          %mul3A_479 = vector.broadcast %squeeze3A_447 : f32 to vector<16xf32>
          %mul3A_480 = arith.mulf %get3A_478, %mul3A_479 : vector<16xf32>
          %swap3A_481 = arith.index_cast %add3A_451 : i32 to index
          %swap3A_482 = arith.constant 48 : index
          %swap3A_483 = tpu.vector_load %arg13[%swap3A_481, %swap3A_482] {strides = array<i32>} : memref<80x80xf32, #tpu.memory_space<vmem>>, vector<16xf32>,
          tpu.vector_store %arg13[%swap3A_481, %swap3A_482], %mul3A_480 {strides = array<i32>} : memref<80x80xf32, #tpu.memory_space<vmem>>, vector<16xf32>,
          %get3A_484 = arith.index_cast %add3A_451 : i32 to index
          %get3A_485 = arith.constant 64 : index
          %get3A_486 = tpu.vector_load %arg13[%get3A_484, %get3A_485] {strides = array<i32>} : memref<80x80xf32, #tpu.memory_space<vmem>>, vector<16xf32>,
          %mul3A_487 = vector.broadcast %squeeze3A_447 : f32 to vector<16xf32>
          %mul3A_488 = arith.mulf %get3A_486, %mul3A_487 : vector<16xf32>
          %swap3A_489 = arith.index_cast %add3A_451 : i32 to index
          %swap3A_490 = arith.constant 64 : index
          %swap3A_491 = tpu.vector_load %arg13[%swap3A_489, %swap3A_490] {strides = array<i32>} : memref<80x80xf32, #tpu.memory_space<vmem>>, vector<16xf32>,
          tpu.vector_store %arg13[%swap3A_489, %swap3A_490], %mul3A_488 {strides = array<i32>} : memref<80x80xf32, #tpu.memory_space<vmem>>, vector<16xf32>,
          %slice3A_492 = vector.extract_strided_slice %get3A_126 {offsets = [8], sizes = [1], strides = [1]} : vector<16xf32> to vector<1xf32>
          %squeeze3A_493 = vector.extract %slice3A_492[0] : f32 from vector<1xf32>
          %mul3A_494 = arith.constant 16 : i32
          %mul3A_495 = arith.muli %scan3A_119, %mul3A_494 : i32
          %add3A_496 = arith.constant 8 : i32
          %add3A_497 = arith.addi %mul3A_495, %add3A_496 : i32
          %get3A_498 = arith.index_cast %add3A_497 : i32 to index
          %get3A_499 = arith.constant 0 : index
          %get3A_500 = tpu.vector_load %arg13[%get3A_498, %get3A_499] {strides = array<i32>} : memref<80x80xf32, #tpu.memory_space<vmem>>, vector<16xf32>,
          %mul3A_501 = vector.broadcast %squeeze3A_493 : f32 to vector<16xf32>
          %mul3A_502 = arith.mulf %get3A_500, %mul3A_501 : vector<16xf32>
          %swap3A_503 = arith.index_cast %add3A_497 : i32 to index
          %swap3A_504 = arith.constant 0 : index
          %swap3A_505 = tpu.vector_load %arg13[%swap3A_503, %swap3A_504] {strides = array<i32>} : memref<80x80xf32, #tpu.memory_space<vmem>>, vector<16xf32>,
          tpu.vector_store %arg13[%swap3A_503, %swap3A_504], %mul3A_502 {strides = array<i32>} : memref<80x80xf32, #tpu.memory_space<vmem>>, vector<16xf32>,
          %get3A_506 = arith.index_cast %add3A_497 : i32 to index
          %get3A_507 = arith.constant 16 : index
          %get3A_508 = tpu.vector_load %arg13[%get3A_506, %get3A_507] {strides = array<i32>} : memref<80x80xf32, #tpu.memory_space<vmem>>, vector<16xf32>,
          %mul3A_509 = vector.broadcast %squeeze3A_493 : f32 to vector<16xf32>
          %mul3A_510 = arith.mulf %get3A_508, %mul3A_509 : vector<16xf32>
          %swap3A_511 = arith.index_cast %add3A_497 : i32 to index
          %swap3A_512 = arith.constant 16 : index
          %swap3A_513 = tpu.vector_load %arg13[%swap3A_511, %swap3A_512] {strides = array<i32>} : memref<80x80xf32, #tpu.memory_space<vmem>>, vector<16xf32>,
          tpu.vector_store %arg13[%swap3A_511, %swap3A_512], %mul3A_510 {strides = array<i32>} : memref<80x80xf32, #tpu.memory_space<vmem>>, vector<16xf32>,
          %get3A_514 = arith.index_cast %add3A_497 : i32 to index
          %get3A_515 = arith.constant 32 : index
          %get3A_516 = tpu.vector_load %arg13[%get3A_514, %get3A_515] {strides = array<i32>} : memref<80x80xf32, #tpu.memory_space<vmem>>, vector<16xf32>,
          %mul3A_517 = vector.broadcast %squeeze3A_493 : f32 to vector<16xf32>
          %mul3A_518 = arith.mulf %get3A_516, %mul3A_517 : vector<16xf32>
          %swap3A_519 = arith.index_cast %add3A_497 : i32 to index
          %swap3A_520 = arith.constant 32 : index
          %swap3A_521 = tpu.vector_load %arg13[%swap3A_519, %swap3A_520] {strides = array<i32>} : memref<80x80xf32, #tpu.memory_space<vmem>>, vector<16xf32>,
          tpu.vector_store %arg13[%swap3A_519, %swap3A_520], %mul3A_518 {strides = array<i32>} : memref<80x80xf32, #tpu.memory_space<vmem>>, vector<16xf32>,
          %get3A_522 = arith.index_cast %add3A_497 : i32 to index
          %get3A_523 = arith.constant 48 : index
          %get3A_524 = tpu.vector_load %arg13[%get3A_522, %get3A_523] {strides = array<i32>} : memref<80x80xf32, #tpu.memory_space<vmem>>, vector<16xf32>,
          %mul3A_525 = vector.broadcast %squeeze3A_493 : f32 to vector<16xf32>
          %mul3A_526 = arith.mulf %get3A_524, %mul3A_525 : vector<16xf32>
          %swap3A_527 = arith.index_cast %add3A_497 : i32 to index
          %swap3A_528 = arith.constant 48 : index
          %swap3A_529 = tpu.vector_load %arg13[%swap3A_527, %swap3A_528] {strides = array<i32>} : memref<80x80xf32, #tpu.memory_space<vmem>>, vector<16xf32>,
          tpu.vector_store %arg13[%swap3A_527, %swap3A_528], %mul3A_526 {strides = array<i32>} : memref<80x80xf32, #tpu.memory_space<vmem>>, vector<16xf32>,
          %get3A_530 = arith.index_cast %add3A_497 : i32 to index
          %get3A_531 = arith.constant 64 : index
          %get3A_532 = tpu.vector_load %arg13[%get3A_530, %get3A_531] {strides = array<i32>} : memref<80x80xf32, #tpu.memory_space<vmem>>, vector<16xf32>,
          %mul3A_533 = vector.broadcast %squeeze3A_493 : f32 to vector<16xf32>
          %mul3A_534 = arith.mulf %get3A_532, %mul3A_533 : vector<16xf32>
          %swap3A_535 = arith.index_cast %add3A_497 : i32 to index
          %swap3A_536 = arith.constant 64 : index
          %swap3A_537 = tpu.vector_load %arg13[%swap3A_535, %swap3A_536] {strides = array<i32>} : memref<80x80xf32, #tpu.memory_space<vmem>>, vector<16xf32>,
          tpu.vector_store %arg13[%swap3A_535, %swap3A_536], %mul3A_534 {strides = array<i32>} : memref<80x80xf32, #tpu.memory_space<vmem>>, vector<16xf32>,
          %slice3A_538 = vector.extract_strided_slice %get3A_126 {offsets = [9], sizes = [1], strides = [1]} : vector<16xf32> to vector<1xf32>
          %squeeze3A_539 = vector.extract %slice3A_538[0] : f32 from vector<1xf32>
          %mul3A_540 = arith.constant 16 : i32
          %mul3A_541 = arith.muli %scan3A_119, %mul3A_540 : i32
          %add3A_542 = arith.constant 9 : i32
          %add3A_543 = arith.addi %mul3A_541, %add3A_542 : i32
          %get3A_544 = arith.index_cast %add3A_543 : i32 to index
          %get3A_545 = arith.constant 0 : index
          %get3A_546 = tpu.vector_load %arg13[%get3A_544, %get3A_545] {strides = array<i32>} : memref<80x80xf32, #tpu.memory_space<vmem>>, vector<16xf32>,
          %mul3A_547 = vector.broadcast %squeeze3A_539 : f32 to vector<16xf32>
          %mul3A_548 = arith.mulf %get3A_546, %mul3A_547 : vector<16xf32>
          %swap3A_549 = arith.index_cast %add3A_543 : i32 to index
          %swap3A_550 = arith.constant 0 : index
          %swap3A_551 = tpu.vector_load %arg13[%swap3A_549, %swap3A_550] {strides = array<i32>} : memref<80x80xf32, #tpu.memory_space<vmem>>, vector<16xf32>,
          tpu.vector_store %arg13[%swap3A_549, %swap3A_550], %mul3A_548 {strides = array<i32>} : memref<80x80xf32, #tpu.memory_space<vmem>>, vector<16xf32>,
          %get3A_552 = arith.index_cast %add3A_543 : i32 to index
          %get3A_553 = arith.constant 16 : index
          %get3A_554 = tpu.vector_load %arg13[%get3A_552, %get3A_553] {strides = array<i32>} : memref<80x80xf32, #tpu.memory_space<vmem>>, vector<16xf32>,
          %mul3A_555 = vector.broadcast %squeeze3A_539 : f32 to vector<16xf32>
          %mul3A_556 = arith.mulf %get3A_554, %mul3A_555 : vector<16xf32>
          %swap3A_557 = arith.index_cast %add3A_543 : i32 to index
          %swap3A_558 = arith.constant 16 : index
          %swap3A_559 = tpu.vector_load %arg13[%swap3A_557, %swap3A_558] {strides = array<i32>} : memref<80x80xf32, #tpu.memory_space<vmem>>, vector<16xf32>,
          tpu.vector_store %arg13[%swap3A_557, %swap3A_558], %mul3A_556 {strides = array<i32>} : memref<80x80xf32, #tpu.memory_space<vmem>>, vector<16xf32>,
          %get3A_560 = arith.index_cast %add3A_543 : i32 to index
          %get3A_561 = arith.constant 32 : index
          %get3A_562 = tpu.vector_load %arg13[%get3A_560, %get3A_561] {strides = array<i32>} : memref<80x80xf32, #tpu.memory_space<vmem>>, vector<16xf32>,
          %mul3A_563 = vector.broadcast %squeeze3A_539 : f32 to vector<16xf32>
          %mul3A_564 = arith.mulf %get3A_562, %mul3A_563 : vector<16xf32>
          %swap3A_565 = arith.index_cast %add3A_543 : i32 to index
          %swap3A_566 = arith.constant 32 : index
          %swap3A_567 = tpu.vector_load %arg13[%swap3A_565, %swap3A_566] {strides = array<i32>} : memref<80x80xf32, #tpu.memory_space<vmem>>, vector<16xf32>,
          tpu.vector_store %arg13[%swap3A_565, %swap3A_566], %mul3A_564 {strides = array<i32>} : memref<80x80xf32, #tpu.memory_space<vmem>>, vector<16xf32>,
          %get3A_568 = arith.index_cast %add3A_543 : i32 to index
          %get3A_569 = arith.constant 48 : index
          %get3A_570 = tpu.vector_load %arg13[%get3A_568, %get3A_569] {strides = array<i32>} : memref<80x80xf32, #tpu.memory_space<vmem>>, vector<16xf32>,
          %mul3A_571 = vector.broadcast %squeeze3A_539 : f32 to vector<16xf32>
          %mul3A_572 = arith.mulf %get3A_570, %mul3A_571 : vector<16xf32>
          %swap3A_573 = arith.index_cast %add3A_543 : i32 to index
          %swap3A_574 = arith.constant 48 : index
          %swap3A_575 = tpu.vector_load %arg13[%swap3A_573, %swap3A_574] {strides = array<i32>} : memref<80x80xf32, #tpu.memory_space<vmem>>, vector<16xf32>,
          tpu.vector_store %arg13[%swap3A_573, %swap3A_574], %mul3A_572 {strides = array<i32>} : memref<80x80xf32, #tpu.memory_space<vmem>>, vector<16xf32>,
          %get3A_576 = arith.index_cast %add3A_543 : i32 to index
          %get3A_577 = arith.constant 64 : index
          %get3A_578 = tpu.vector_load %arg13[%get3A_576, %get3A_577] {strides = array<i32>} : memref<80x80xf32, #tpu.memory_space<vmem>>, vector<16xf32>,
          %mul3A_579 = vector.broadcast %squeeze3A_539 : f32 to vector<16xf32>
          %mul3A_580 = arith.mulf %get3A_578, %mul3A_579 : vector<16xf32>
          %swap3A_581 = arith.index_cast %add3A_543 : i32 to index
          %swap3A_582 = arith.constant 64 : index
          %swap3A_583 = tpu.vector_load %arg13[%swap3A_581, %swap3A_582] {strides = array<i32>} : memref<80x80xf32, #tpu.memory_space<vmem>>, vector<16xf32>,
          tpu.vector_store %arg13[%swap3A_581, %swap3A_582], %mul3A_580 {strides = array<i32>} : memref<80x80xf32, #tpu.memory_space<vmem>>, vector<16xf32>,
          %slice3A_584 = vector.extract_strided_slice %get3A_126 {offsets = [10], sizes = [1], strides = [1]} : vector<16xf32> to vector<1xf32>
          %squeeze3A_585 = vector.extract %slice3A_584[0] : f32 from vector<1xf32>
          %mul3A_586 = arith.constant 16 : i32
          %mul3A_587 = arith.muli %scan3A_119, %mul3A_586 : i32
          %add3A_588 = arith.constant 10 : i32
          %add3A_589 = arith.addi %mul3A_587, %add3A_588 : i32
          %get3A_590 = arith.index_cast %add3A_589 : i32 to index
          %get3A_591 = arith.constant 0 : index
          %get3A_592 = tpu.vector_load %arg13[%get3A_590, %get3A_591] {strides = array<i32>} : memref<80x80xf32, #tpu.memory_space<vmem>>, vector<16xf32>,
          %mul3A_593 = vector.broadcast %squeeze3A_585 : f32 to vector<16xf32>
          %mul3A_594 = arith.mulf %get3A_592, %mul3A_593 : vector<16xf32>
          %swap3A_595 = arith.index_cast %add3A_589 : i32 to index
          %swap3A_596 = arith.constant 0 : index
          %swap3A_597 = tpu.vector_load %arg13[%swap3A_595, %swap3A_596] {strides = array<i32>} : memref<80x80xf32, #tpu.memory_space<vmem>>, vector<16xf32>,
          tpu.vector_store %arg13[%swap3A_595, %swap3A_596], %mul3A_594 {strides = array<i32>} : memref<80x80xf32, #tpu.memory_space<vmem>>, vector<16xf32>,
          %get3A_598 = arith.index_cast %add3A_589 : i32 to index
          %get3A_599 = arith.constant 16 : index
          %get3A_600 = tpu.vector_load %arg13[%get3A_598, %get3A_599] {strides = array<i32>} : memref<80x80xf32, #tpu.memory_space<vmem>>, vector<16xf32>,
          %mul3A_601 = vector.broadcast %squeeze3A_585 : f32 to vector<16xf32>
          %mul3A_602 = arith.mulf %get3A_600, %mul3A_601 : vector<16xf32>
          %swap3A_603 = arith.index_cast %add3A_589 : i32 to index
          %swap3A_604 = arith.constant 16 : index
          %swap3A_605 = tpu.vector_load %arg13[%swap3A_603, %swap3A_604] {strides = array<i32>} : memref<80x80xf32, #tpu.memory_space<vmem>>, vector<16xf32>,
          tpu.vector_store %arg13[%swap3A_603, %swap3A_604], %mul3A_602 {strides = array<i32>} : memref<80x80xf32, #tpu.memory_space<vmem>>, vector<16xf32>,
          %get3A_606 = arith.index_cast %add3A_589 : i32 to index
          %get3A_607 = arith.constant 32 : index
          %get3A_608 = tpu.vector_load %arg13[%get3A_606, %get3A_607] {strides = array<i32>} : memref<80x80xf32, #tpu.memory_space<vmem>>, vector<16xf32>,
          %mul3A_609 = vector.broadcast %squeeze3A_585 : f32 to vector<16xf32>
          %mul3A_610 = arith.mulf %get3A_608, %mul3A_609 : vector<16xf32>
          %swap3A_611 = arith.index_cast %add3A_589 : i32 to index
          %swap3A_612 = arith.constant 32 : index
          %swap3A_613 = tpu.vector_load %arg13[%swap3A_611, %swap3A_612] {strides = array<i32>} : memref<80x80xf32, #tpu.memory_space<vmem>>, vector<16xf32>,
          tpu.vector_store %arg13[%swap3A_611, %swap3A_612], %mul3A_610 {strides = array<i32>} : memref<80x80xf32, #tpu.memory_space<vmem>>, vector<16xf32>,
          %get3A_614 = arith.index_cast %add3A_589 : i32 to index
          %get3A_615 = arith.constant 48 : index
          %get3A_616 = tpu.vector_load %arg13[%get3A_614, %get3A_615] {strides = array<i32>} : memref<80x80xf32, #tpu.memory_space<vmem>>, vector<16xf32>,
          %mul3A_617 = vector.broadcast %squeeze3A_585 : f32 to vector<16xf32>
          %mul3A_618 = arith.mulf %get3A_616, %mul3A_617 : vector<16xf32>
          %swap3A_619 = arith.index_cast %add3A_589 : i32 to index
          %swap3A_620 = arith.constant 48 : index
          %swap3A_621 = tpu.vector_load %arg13[%swap3A_619, %swap3A_620] {strides = array<i32>} : memref<80x80xf32, #tpu.memory_space<vmem>>, vector<16xf32>,
          tpu.vector_store %arg13[%swap3A_619, %swap3A_620], %mul3A_618 {strides = array<i32>} : memref<80x80xf32, #tpu.memory_space<vmem>>, vector<16xf32>,
          %get3A_622 = arith.index_cast %add3A_589 : i32 to index
          %get3A_623 = arith.constant 64 : index
          %get3A_624 = tpu.vector_load %arg13[%get3A_622, %get3A_623] {strides = array<i32>} : memref<80x80xf32, #tpu.memory_space<vmem>>, vector<16xf32>,
          %mul3A_625 = vector.broadcast %squeeze3A_585 : f32 to vector<16xf32>
          %mul3A_626 = arith.mulf %get3A_624, %mul3A_625 : vector<16xf32>
          %swap3A_627 = arith.index_cast %add3A_589 : i32 to index
          %swap3A_628 = arith.constant 64 : index
          %swap3A_629 = tpu.vector_load %arg13[%swap3A_627, %swap3A_628] {strides = array<i32>} : memref<80x80xf32, #tpu.memory_space<vmem>>, vector<16xf32>,
          tpu.vector_store %arg13[%swap3A_627, %swap3A_628], %mul3A_626 {strides = array<i32>} : memref<80x80xf32, #tpu.memory_space<vmem>>, vector<16xf32>,
          %slice3A_630 = vector.extract_strided_slice %get3A_126 {offsets = [11], sizes = [1], strides = [1]} : vector<16xf32> to vector<1xf32>
          %squeeze3A_631 = vector.extract %slice3A_630[0] : f32 from vector<1xf32>
          %mul3A_632 = arith.constant 16 : i32
          %mul3A_633 = arith.muli %scan3A_119, %mul3A_632 : i32
          %add3A_634 = arith.constant 11 : i32
          %add3A_635 = arith.addi %mul3A_633, %add3A_634 : i32
          %get3A_636 = arith.index_cast %add3A_635 : i32 to index
          %get3A_637 = arith.constant 0 : index
          %get3A_638 = tpu.vector_load %arg13[%get3A_636, %get3A_637] {strides = array<i32>} : memref<80x80xf32, #tpu.memory_space<vmem>>, vector<16xf32>,
          %mul3A_639 = vector.broadcast %squeeze3A_631 : f32 to vector<16xf32>
          %mul3A_640 = arith.mulf %get3A_638, %mul3A_639 : vector<16xf32>
          %swap3A_641 = arith.index_cast %add3A_635 : i32 to index
          %swap3A_642 = arith.constant 0 : index
          %swap3A_643 = tpu.vector_load %arg13[%swap3A_641, %swap3A_642] {strides = array<i32>} : memref<80x80xf32, #tpu.memory_space<vmem>>, vector<16xf32>,
          tpu.vector_store %arg13[%swap3A_641, %swap3A_642], %mul3A_640 {strides = array<i32>} : memref<80x80xf32, #tpu.memory_space<vmem>>, vector<16xf32>,
          %get3A_644 = arith.index_cast %add3A_635 : i32 to index
          %get3A_645 = arith.constant 16 : index
          %get3A_646 = tpu.vector_load %arg13[%get3A_644, %get3A_645] {strides = array<i32>} : memref<80x80xf32, #tpu.memory_space<vmem>>, vector<16xf32>,
          %mul3A_647 = vector.broadcast %squeeze3A_631 : f32 to vector<16xf32>
          %mul3A_648 = arith.mulf %get3A_646, %mul3A_647 : vector<16xf32>
          %swap3A_649 = arith.index_cast %add3A_635 : i32 to index
          %swap3A_650 = arith.constant 16 : index
          %swap3A_651 = tpu.vector_load %arg13[%swap3A_649, %swap3A_650] {strides = array<i32>} : memref<80x80xf32, #tpu.memory_space<vmem>>, vector<16xf32>,
          tpu.vector_store %arg13[%swap3A_649, %swap3A_650], %mul3A_648 {strides = array<i32>} : memref<80x80xf32, #tpu.memory_space<vmem>>, vector<16xf32>,
          %get3A_652 = arith.index_cast %add3A_635 : i32 to index
          %get3A_653 = arith.constant 32 : index
          %get3A_654 = tpu.vector_load %arg13[%get3A_652, %get3A_653] {strides = array<i32>} : memref<80x80xf32, #tpu.memory_space<vmem>>, vector<16xf32>,
          %mul3A_655 = vector.broadcast %squeeze3A_631 : f32 to vector<16xf32>
          %mul3A_656 = arith.mulf %get3A_654, %mul3A_655 : vector<16xf32>
          %swap3A_657 = arith.index_cast %add3A_635 : i32 to index
          %swap3A_658 = arith.constant 32 : index
          %swap3A_659 = tpu.vector_load %arg13[%swap3A_657, %swap3A_658] {strides = array<i32>} : memref<80x80xf32, #tpu.memory_space<vmem>>, vector<16xf32>,
          tpu.vector_store %arg13[%swap3A_657, %swap3A_658], %mul3A_656 {strides = array<i32>} : memref<80x80xf32, #tpu.memory_space<vmem>>, vector<16xf32>,
          %get3A_660 = arith.index_cast %add3A_635 : i32 to index
          %get3A_661 = arith.constant 48 : index
          %get3A_662 = tpu.vector_load %arg13[%get3A_660, %get3A_661] {strides = array<i32>} : memref<80x80xf32, #tpu.memory_space<vmem>>, vector<16xf32>,
          %mul3A_663 = vector.broadcast %squeeze3A_631 : f32 to vector<16xf32>
          %mul3A_664 = arith.mulf %get3A_662, %mul3A_663 : vector<16xf32>
          %swap3A_665 = arith.index_cast %add3A_635 : i32 to index
          %swap3A_666 = arith.constant 48 : index
          %swap3A_667 = tpu.vector_load %arg13[%swap3A_665, %swap3A_666] {strides = array<i32>} : memref<80x80xf32, #tpu.memory_space<vmem>>, vector<16xf32>,
          tpu.vector_store %arg13[%swap3A_665, %swap3A_666], %mul3A_664 {strides = array<i32>} : memref<80x80xf32, #tpu.memory_space<vmem>>, vector<16xf32>,
          %get3A_668 = arith.index_cast %add3A_635 : i32 to index
          %get3A_669 = arith.constant 64 : index
          %get3A_670 = tpu.vector_load %arg13[%get3A_668, %get3A_669] {strides = array<i32>} : memref<80x80xf32, #tpu.memory_space<vmem>>, vector<16xf32>,
          %mul3A_671 = vector.broadcast %squeeze3A_631 : f32 to vector<16xf32>
          %mul3A_672 = arith.mulf %get3A_670, %mul3A_671 : vector<16xf32>
          %swap3A_673 = arith.index_cast %add3A_635 : i32 to index
          %swap3A_674 = arith.constant 64 : index
          %swap3A_675 = tpu.vector_load %arg13[%swap3A_673, %swap3A_674] {strides = array<i32>} : memref<80x80xf32, #tpu.memory_space<vmem>>, vector<16xf32>,
          tpu.vector_store %arg13[%swap3A_673, %swap3A_674], %mul3A_672 {strides = array<i32>} : memref<80x80xf32, #tpu.memory_space<vmem>>, vector<16xf32>,
          %slice3A_676 = vector.extract_strided_slice %get3A_126 {offsets = [12], sizes = [1], strides = [1]} : vector<16xf32> to vector<1xf32>
          %squeeze3A_677 = vector.extract %slice3A_676[0] : f32 from vector<1xf32>
          %mul3A_678 = arith.constant 16 : i32
          %mul3A_679 = arith.muli %scan3A_119, %mul3A_678 : i32
          %add3A_680 = arith.constant 12 : i32
          %add3A_681 = arith.addi %mul3A_679, %add3A_680 : i32
          %get3A_682 = arith.index_cast %add3A_681 : i32 to index
          %get3A_683 = arith.constant 0 : index
          %get3A_684 = tpu.vector_load %arg13[%get3A_682, %get3A_683] {strides = array<i32>} : memref<80x80xf32, #tpu.memory_space<vmem>>, vector<16xf32>,
          %mul3A_685 = vector.broadcast %squeeze3A_677 : f32 to vector<16xf32>
          %mul3A_686 = arith.mulf %get3A_684, %mul3A_685 : vector<16xf32>
          %swap3A_687 = arith.index_cast %add3A_681 : i32 to index
          %swap3A_688 = arith.constant 0 : index
          %swap3A_689 = tpu.vector_load %arg13[%swap3A_687, %swap3A_688] {strides = array<i32>} : memref<80x80xf32, #tpu.memory_space<vmem>>, vector<16xf32>,
          tpu.vector_store %arg13[%swap3A_687, %swap3A_688], %mul3A_686 {strides = array<i32>} : memref<80x80xf32, #tpu.memory_space<vmem>>, vector<16xf32>,
          %get3A_690 = arith.index_cast %add3A_681 : i32 to index
          %get3A_691 = arith.constant 16 : index
          %get3A_692 = tpu.vector_load %arg13[%get3A_690, %get3A_691] {strides = array<i32>} : memref<80x80xf32, #tpu.memory_space<vmem>>, vector<16xf32>,
          %mul3A_693 = vector.broadcast %squeeze3A_677 : f32 to vector<16xf32>
          %mul3A_694 = arith.mulf %get3A_692, %mul3A_693 : vector<16xf32>
          %swap3A_695 = arith.index_cast %add3A_681 : i32 to index
          %swap3A_696 = arith.constant 16 : index
          %swap3A_697 = tpu.vector_load %arg13[%swap3A_695, %swap3A_696] {strides = array<i32>} : memref<80x80xf32, #tpu.memory_space<vmem>>, vector<16xf32>,
          tpu.vector_store %arg13[%swap3A_695, %swap3A_696], %mul3A_694 {strides = array<i32>} : memref<80x80xf32, #tpu.memory_space<vmem>>, vector<16xf32>,
          %get3A_698 = arith.index_cast %add3A_681 : i32 to index
          %get3A_699 = arith.constant 32 : index
          %get3A_700 = tpu.vector_load %arg13[%get3A_698, %get3A_699] {strides = array<i32>} : memref<80x80xf32, #tpu.memory_space<vmem>>, vector<16xf32>,
          %mul3A_701 = vector.broadcast %squeeze3A_677 : f32 to vector<16xf32>
          %mul3A_702 = arith.mulf %get3A_700, %mul3A_701 : vector<16xf32>
          %swap3A_703 = arith.index_cast %add3A_681 : i32 to index
          %swap3A_704 = arith.constant 32 : index
          %swap3A_705 = tpu.vector_load %arg13[%swap3A_703, %swap3A_704] {strides = array<i32>} : memref<80x80xf32, #tpu.memory_space<vmem>>, vector<16xf32>,
          tpu.vector_store %arg13[%swap3A_703, %swap3A_704], %mul3A_702 {strides = array<i32>} : memref<80x80xf32, #tpu.memory_space<vmem>>, vector<16xf32>,
          %get3A_706 = arith.index_cast %add3A_681 : i32 to index
          %get3A_707 = arith.constant 48 : index
          %get3A_708 = tpu.vector_load %arg13[%get3A_706, %get3A_707] {strides = array<i32>} : memref<80x80xf32, #tpu.memory_space<vmem>>, vector<16xf32>,
          %mul3A_709 = vector.broadcast %squeeze3A_677 : f32 to vector<16xf32>
          %mul3A_710 = arith.mulf %get3A_708, %mul3A_709 : vector<16xf32>
          %swap3A_711 = arith.index_cast %add3A_681 : i32 to index
          %swap3A_712 = arith.constant 48 : index
          %swap3A_713 = tpu.vector_load %arg13[%swap3A_711, %swap3A_712] {strides = array<i32>} : memref<80x80xf32, #tpu.memory_space<vmem>>, vector<16xf32>,
          tpu.vector_store %arg13[%swap3A_711, %swap3A_712], %mul3A_710 {strides = array<i32>} : memref<80x80xf32, #tpu.memory_space<vmem>>, vector<16xf32>,
          %get3A_714 = arith.index_cast %add3A_681 : i32 to index
          %get3A_715 = arith.constant 64 : index
          %get3A_716 = tpu.vector_load %arg13[%get3A_714, %get3A_715] {strides = array<i32>} : memref<80x80xf32, #tpu.memory_space<vmem>>, vector<16xf32>,
          %mul3A_717 = vector.broadcast %squeeze3A_677 : f32 to vector<16xf32>
          %mul3A_718 = arith.mulf %get3A_716, %mul3A_717 : vector<16xf32>
          %swap3A_719 = arith.index_cast %add3A_681 : i32 to index
          %swap3A_720 = arith.constant 64 : index
          %swap3A_721 = tpu.vector_load %arg13[%swap3A_719, %swap3A_720] {strides = array<i32>} : memref<80x80xf32, #tpu.memory_space<vmem>>, vector<16xf32>,
          tpu.vector_store %arg13[%swap3A_719, %swap3A_720], %mul3A_718 {strides = array<i32>} : memref<80x80xf32, #tpu.memory_space<vmem>>, vector<16xf32>,
          %slice3A_722 = vector.extract_strided_slice %get3A_126 {offsets = [13], sizes = [1], strides = [1]} : vector<16xf32> to vector<1xf32>
          %squeeze3A_723 = vector.extract %slice3A_722[0] : f32 from vector<1xf32>
          %mul3A_724 = arith.constant 16 : i32
          %mul3A_725 = arith.muli %scan3A_119, %mul3A_724 : i32
          %add3A_726 = arith.constant 13 : i32
          %add3A_727 = arith.addi %mul3A_725, %add3A_726 : i32
          %get3A_728 = arith.index_cast %add3A_727 : i32 to index
          %get3A_729 = arith.constant 0 : index
          %get3A_730 = tpu.vector_load %arg13[%get3A_728, %get3A_729] {strides = array<i32>} : memref<80x80xf32, #tpu.memory_space<vmem>>, vector<16xf32>,
          %mul3A_731 = vector.broadcast %squeeze3A_723 : f32 to vector<16xf32>
          %mul3A_732 = arith.mulf %get3A_730, %mul3A_731 : vector<16xf32>
          %swap3A_733 = arith.index_cast %add3A_727 : i32 to index
          %swap3A_734 = arith.constant 0 : index
          %swap3A_735 = tpu.vector_load %arg13[%swap3A_733, %swap3A_734] {strides = array<i32>} : memref<80x80xf32, #tpu.memory_space<vmem>>, vector<16xf32>,
          tpu.vector_store %arg13[%swap3A_733, %swap3A_734], %mul3A_732 {strides = array<i32>} : memref<80x80xf32, #tpu.memory_space<vmem>>, vector<16xf32>,
          %get3A_736 = arith.index_cast %add3A_727 : i32 to index
          %get3A_737 = arith.constant 16 : index
          %get3A_738 = tpu.vector_load %arg13[%get3A_736, %get3A_737] {strides = array<i32>} : memref<80x80xf32, #tpu.memory_space<vmem>>, vector<16xf32>,
          %mul3A_739 = vector.broadcast %squeeze3A_723 : f32 to vector<16xf32>
          %mul3A_740 = arith.mulf %get3A_738, %mul3A_739 : vector<16xf32>
          %swap3A_741 = arith.index_cast %add3A_727 : i32 to index
          %swap3A_742 = arith.constant 16 : index
          %swap3A_743 = tpu.vector_load %arg13[%swap3A_741, %swap3A_742] {strides = array<i32>} : memref<80x80xf32, #tpu.memory_space<vmem>>, vector<16xf32>,
          tpu.vector_store %arg13[%swap3A_741, %swap3A_742], %mul3A_740 {strides = array<i32>} : memref<80x80xf32, #tpu.memory_space<vmem>>, vector<16xf32>,
          %get3A_744 = arith.index_cast %add3A_727 : i32 to index
          %get3A_745 = arith.constant 32 : index
          %get3A_746 = tpu.vector_load %arg13[%get3A_744, %get3A_745] {strides = array<i32>} : memref<80x80xf32, #tpu.memory_space<vmem>>, vector<16xf32>,
          %mul3A_747 = vector.broadcast %squeeze3A_723 : f32 to vector<16xf32>
          %mul3A_748 = arith.mulf %get3A_746, %mul3A_747 : vector<16xf32>
          %swap3A_749 = arith.index_cast %add3A_727 : i32 to index
          %swap3A_750 = arith.constant 32 : index
          %swap3A_751 = tpu.vector_load %arg13[%swap3A_749, %swap3A_750] {strides = array<i32>} : memref<80x80xf32, #tpu.memory_space<vmem>>, vector<16xf32>,
          tpu.vector_store %arg13[%swap3A_749, %swap3A_750], %mul3A_748 {strides = array<i32>} : memref<80x80xf32, #tpu.memory_space<vmem>>, vector<16xf32>,
          %get3A_752 = arith.index_cast %add3A_727 : i32 to index
          %get3A_753 = arith.constant 48 : index
          %get3A_754 = tpu.vector_load %arg13[%get3A_752, %get3A_753] {strides = array<i32>} : memref<80x80xf32, #tpu.memory_space<vmem>>, vector<16xf32>,
          %mul3A_755 = vector.broadcast %squeeze3A_723 : f32 to vector<16xf32>
          %mul3A_756 = arith.mulf %get3A_754, %mul3A_755 : vector<16xf32>
          %swap3A_757 = arith.index_cast %add3A_727 : i32 to index
          %swap3A_758 = arith.constant 48 : index
          %swap3A_759 = tpu.vector_load %arg13[%swap3A_757, %swap3A_758] {strides = array<i32>} : memref<80x80xf32, #tpu.memory_space<vmem>>, vector<16xf32>,
          tpu.vector_store %arg13[%swap3A_757, %swap3A_758], %mul3A_756 {strides = array<i32>} : memref<80x80xf32, #tpu.memory_space<vmem>>, vector<16xf32>,
          %get3A_760 = arith.index_cast %add3A_727 : i32 to index
          %get3A_761 = arith.constant 64 : index
          %get3A_762 = tpu.vector_load %arg13[%get3A_760, %get3A_761] {strides = array<i32>} : memref<80x80xf32, #tpu.memory_space<vmem>>, vector<16xf32>,
          %mul3A_763 = vector.broadcast %squeeze3A_723 : f32 to vector<16xf32>
          %mul3A_764 = arith.mulf %get3A_762, %mul3A_763 : vector<16xf32>
          %swap3A_765 = arith.index_cast %add3A_727 : i32 to index
          %swap3A_766 = arith.constant 64 : index
          %swap3A_767 = tpu.vector_load %arg13[%swap3A_765, %swap3A_766] {strides = array<i32>} : memref<80x80xf32, #tpu.memory_space<vmem>>, vector<16xf32>,
          tpu.vector_store %arg13[%swap3A_765, %swap3A_766], %mul3A_764 {strides = array<i32>} : memref<80x80xf32, #tpu.memory_space<vmem>>, vector<16xf32>,
          %slice3A_768 = vector.extract_strided_slice %get3A_126 {offsets = [14], sizes = [1], strides = [1]} : vector<16xf32> to vector<1xf32>
          %squeeze3A_769 = vector.extract %slice3A_768[0] : f32 from vector<1xf32>
          %mul3A_770 = arith.constant 16 : i32
          %mul3A_771 = arith.muli %scan3A_119, %mul3A_770 : i32
          %add3A_772 = arith.constant 14 : i32
          %add3A_773 = arith.addi %mul3A_771, %add3A_772 : i32
          %get3A_774 = arith.index_cast %add3A_773 : i32 to index
          %get3A_775 = arith.constant 0 : index
          %get3A_776 = tpu.vector_load %arg13[%get3A_774, %get3A_775] {strides = array<i32>} : memref<80x80xf32, #tpu.memory_space<vmem>>, vector<16xf32>,
          %mul3A_777 = vector.broadcast %squeeze3A_769 : f32 to vector<16xf32>
          %mul3A_778 = arith.mulf %get3A_776, %mul3A_777 : vector<16xf32>
          %swap3A_779 = arith.index_cast %add3A_773 : i32 to index
          %swap3A_780 = arith.constant 0 : index
          %swap3A_781 = tpu.vector_load %arg13[%swap3A_779, %swap3A_780] {strides = array<i32>} : memref<80x80xf32, #tpu.memory_space<vmem>>, vector<16xf32>,
          tpu.vector_store %arg13[%swap3A_779, %swap3A_780], %mul3A_778 {strides = array<i32>} : memref<80x80xf32, #tpu.memory_space<vmem>>, vector<16xf32>,
          %get3A_782 = arith.index_cast %add3A_773 : i32 to index
          %get3A_783 = arith.constant 16 : index
          %get3A_784 = tpu.vector_load %arg13[%get3A_782, %get3A_783] {strides = array<i32>} : memref<80x80xf32, #tpu.memory_space<vmem>>, vector<16xf32>,
          %mul3A_785 = vector.broadcast %squeeze3A_769 : f32 to vector<16xf32>
          %mul3A_786 = arith.mulf %get3A_784, %mul3A_785 : vector<16xf32>
          %swap3A_787 = arith.index_cast %add3A_773 : i32 to index
          %swap3A_788 = arith.constant 16 : index
          %swap3A_789 = tpu.vector_load %arg13[%swap3A_787, %swap3A_788] {strides = array<i32>} : memref<80x80xf32, #tpu.memory_space<vmem>>, vector<16xf32>,
          tpu.vector_store %arg13[%swap3A_787, %swap3A_788], %mul3A_786 {strides = array<i32>} : memref<80x80xf32, #tpu.memory_space<vmem>>, vector<16xf32>,
          %get3A_790 = arith.index_cast %add3A_773 : i32 to index
          %get3A_791 = arith.constant 32 : index
          %get3A_792 = tpu.vector_load %arg13[%get3A_790, %get3A_791] {strides = array<i32>} : memref<80x80xf32, #tpu.memory_space<vmem>>, vector<16xf32>,
          %mul3A_793 = vector.broadcast %squeeze3A_769 : f32 to vector<16xf32>
          %mul3A_794 = arith.mulf %get3A_792, %mul3A_793 : vector<16xf32>
          %swap3A_795 = arith.index_cast %add3A_773 : i32 to index
          %swap3A_796 = arith.constant 32 : index
          %swap3A_797 = tpu.vector_load %arg13[%swap3A_795, %swap3A_796] {strides = array<i32>} : memref<80x80xf32, #tpu.memory_space<vmem>>, vector<16xf32>,
          tpu.vector_store %arg13[%swap3A_795, %swap3A_796], %mul3A_794 {strides = array<i32>} : memref<80x80xf32, #tpu.memory_space<vmem>>, vector<16xf32>,
          %get3A_798 = arith.index_cast %add3A_773 : i32 to index
          %get3A_799 = arith.constant 48 : index
          %get3A_800 = tpu.vector_load %arg13[%get3A_798, %get3A_799] {strides = array<i32>} : memref<80x80xf32, #tpu.memory_space<vmem>>, vector<16xf32>,
          %mul3A_801 = vector.broadcast %squeeze3A_769 : f32 to vector<16xf32>
          %mul3A_802 = arith.mulf %get3A_800, %mul3A_801 : vector<16xf32>
          %swap3A_803 = arith.index_cast %add3A_773 : i32 to index
          %swap3A_804 = arith.constant 48 : index
          %swap3A_805 = tpu.vector_load %arg13[%swap3A_803, %swap3A_804] {strides = array<i32>} : memref<80x80xf32, #tpu.memory_space<vmem>>, vector<16xf32>,
          tpu.vector_store %arg13[%swap3A_803, %swap3A_804], %mul3A_802 {strides = array<i32>} : memref<80x80xf32, #tpu.memory_space<vmem>>, vector<16xf32>,
          %get3A_806 = arith.index_cast %add3A_773 : i32 to index
          %get3A_807 = arith.constant 64 : index
          %get3A_808 = tpu.vector_load %arg13[%get3A_806, %get3A_807] {strides = array<i32>} : memref<80x80xf32, #tpu.memory_space<vmem>>, vector<16xf32>,
          %mul3A_809 = vector.broadcast %squeeze3A_769 : f32 to vector<16xf32>
          %mul3A_810 = arith.mulf %get3A_808, %mul3A_809 : vector<16xf32>
          %swap3A_811 = arith.index_cast %add3A_773 : i32 to index
          %swap3A_812 = arith.constant 64 : index
          %swap3A_813 = tpu.vector_load %arg13[%swap3A_811, %swap3A_812] {strides = array<i32>} : memref<80x80xf32, #tpu.memory_space<vmem>>, vector<16xf32>,
          tpu.vector_store %arg13[%swap3A_811, %swap3A_812], %mul3A_810 {strides = array<i32>} : memref<80x80xf32, #tpu.memory_space<vmem>>, vector<16xf32>,
          %slice3A_814 = vector.extract_strided_slice %get3A_126 {offsets = [15], sizes = [1], strides = [1]} : vector<16xf32> to vector<1xf32>
          %squeeze3A_815 = vector.extract %slice3A_814[0] : f32 from vector<1xf32>
          %mul3A_816 = arith.constant 16 : i32
          %mul3A_817 = arith.muli %scan3A_119, %mul3A_816 : i32
          %add3A_818 = arith.constant 15 : i32
          %add3A_819 = arith.addi %mul3A_817, %add3A_818 : i32
          %get3A_820 = arith.index_cast %add3A_819 : i32 to index
          %get3A_821 = arith.constant 0 : index
          %get3A_822 = tpu.vector_load %arg13[%get3A_820, %get3A_821] {strides = array<i32>} : memref<80x80xf32, #tpu.memory_space<vmem>>, vector<16xf32>,
          %mul3A_823 = vector.broadcast %squeeze3A_815 : f32 to vector<16xf32>
          %mul3A_824 = arith.mulf %get3A_822, %mul3A_823 : vector<16xf32>
          %swap3A_825 = arith.index_cast %add3A_819 : i32 to index
          %swap3A_826 = arith.constant 0 : index
          %swap3A_827 = tpu.vector_load %arg13[%swap3A_825, %swap3A_826] {strides = array<i32>} : memref<80x80xf32, #tpu.memory_space<vmem>>, vector<16xf32>,
          tpu.vector_store %arg13[%swap3A_825, %swap3A_826], %mul3A_824 {strides = array<i32>} : memref<80x80xf32, #tpu.memory_space<vmem>>, vector<16xf32>,
          %get3A_828 = arith.index_cast %add3A_819 : i32 to index
          %get3A_829 = arith.constant 16 : index
          %get3A_830 = tpu.vector_load %arg13[%get3A_828, %get3A_829] {strides = array<i32>} : memref<80x80xf32, #tpu.memory_space<vmem>>, vector<16xf32>,
          %mul3A_831 = vector.broadcast %squeeze3A_815 : f32 to vector<16xf32>
          %mul3A_832 = arith.mulf %get3A_830, %mul3A_831 : vector<16xf32>
          %swap3A_833 = arith.index_cast %add3A_819 : i32 to index
          %swap3A_834 = arith.constant 16 : index
          %swap3A_835 = tpu.vector_load %arg13[%swap3A_833, %swap3A_834] {strides = array<i32>} : memref<80x80xf32, #tpu.memory_space<vmem>>, vector<16xf32>,
          tpu.vector_store %arg13[%swap3A_833, %swap3A_834], %mul3A_832 {strides = array<i32>} : memref<80x80xf32, #tpu.memory_space<vmem>>, vector<16xf32>,
          %get3A_836 = arith.index_cast %add3A_819 : i32 to index
          %get3A_837 = arith.constant 32 : index
          %get3A_838 = tpu.vector_load %arg13[%get3A_836, %get3A_837] {strides = array<i32>} : memref<80x80xf32, #tpu.memory_space<vmem>>, vector<16xf32>,
          %mul3A_839 = vector.broadcast %squeeze3A_815 : f32 to vector<16xf32>
          %mul3A_840 = arith.mulf %get3A_838, %mul3A_839 : vector<16xf32>
          %swap3A_841 = arith.index_cast %add3A_819 : i32 to index
          %swap3A_842 = arith.constant 32 : index
          %swap3A_843 = tpu.vector_load %arg13[%swap3A_841, %swap3A_842] {strides = array<i32>} : memref<80x80xf32, #tpu.memory_space<vmem>>, vector<16xf32>,
          tpu.vector_store %arg13[%swap3A_841, %swap3A_842], %mul3A_840 {strides = array<i32>} : memref<80x80xf32, #tpu.memory_space<vmem>>, vector<16xf32>,
          %get3A_844 = arith.index_cast %add3A_819 : i32 to index
          %get3A_845 = arith.constant 48 : index
          %get3A_846 = tpu.vector_load %arg13[%get3A_844, %get3A_845] {strides = array<i32>} : memref<80x80xf32, #tpu.memory_space<vmem>>, vector<16xf32>,
          %mul3A_847 = vector.broadcast %squeeze3A_815 : f32 to vector<16xf32>
          %mul3A_848 = arith.mulf %get3A_846, %mul3A_847 : vector<16xf32>
          %swap3A_849 = arith.index_cast %add3A_819 : i32 to index
          %swap3A_850 = arith.constant 48 : index
          %swap3A_851 = tpu.vector_load %arg13[%swap3A_849, %swap3A_850] {strides = array<i32>} : memref<80x80xf32, #tpu.memory_space<vmem>>, vector<16xf32>,
          tpu.vector_store %arg13[%swap3A_849, %swap3A_850], %mul3A_848 {strides = array<i32>} : memref<80x80xf32, #tpu.memory_space<vmem>>, vector<16xf32>,
          %get3A_852 = arith.index_cast %add3A_819 : i32 to index
          %get3A_853 = arith.constant 64 : index
          %get3A_854 = tpu.vector_load %arg13[%get3A_852, %get3A_853] {strides = array<i32>} : memref<80x80xf32, #tpu.memory_space<vmem>>, vector<16xf32>,
          %mul3A_855 = vector.broadcast %squeeze3A_815 : f32 to vector<16xf32>
          %mul3A_856 = arith.mulf %get3A_854, %mul3A_855 : vector<16xf32>
          %swap3A_857 = arith.index_cast %add3A_819 : i32 to index
          %swap3A_858 = arith.constant 64 : index
          %swap3A_859 = tpu.vector_load %arg13[%swap3A_857, %swap3A_858] {strides = array<i32>} : memref<80x80xf32, #tpu.memory_space<vmem>>, vector<16xf32>,
          tpu.vector_store %arg13[%swap3A_857, %swap3A_858], %mul3A_856 {strides = array<i32>} : memref<80x80xf32, #tpu.memory_space<vmem>>, vector<16xf32>,
          %scan3A_860 = arith.constant 0 : i32
          scf.yield %scan3A_860 : i32
        }
        %scan3A_95 = arith.constant 5 : i32
        "tpu.region"() ({
          %run_scoped3A_119 = tpu.sem_alloc : memref<!tpu.dma_semaphore, #tpu.memory_space<semaphore_mem>>
          %dma_start3A_120 = arith.constant 0 : i32
          %dma_start3A_121 = tpu.memref_slice %arg11[%mul3A_75, %dma_start3A_120] : memref<125x80xi32, #tpu.memory_space<vmem>> -> memref<1x80xi32, #tpu.memory_space<vmem>>
          %dma_start3A_122 = tpu.memref_squeeze %dma_start3A_121 : memref<1x80xi32, #tpu.memory_space<vmem>> -> memref<80xi32, #tpu.memory_space<vmem>>
          %dma_start3A_123 = arith.constant 0 : i32
          %dma_start3A_124 = arith.constant 0 : i32
          %dma_start3A_125 = tpu.memref_slice %arg17[%dma_start3A_123, %dma_start3A_124] : memref<10240x80xf32, #tpu.memory_space<vmem_shared>> -> memref<10240x80xf32, #tpu.memory_space<vmem_shared>>
          tpu.enqueue_indirect_dma source(%arg13 : memref<80x80xf32, #tpu.memory_space<vmem>>) target(%dma_start3A_125 : memref<10240x80xf32, #tpu.memory_space<vmem_shared>>) offsets(%dma_start3A_122 : memref<80xi32, #tpu.memory_space<vmem>>) semaphore(%run_scoped3A_119 : memref<!tpu.dma_semaphore, #tpu.memory_space<semaphore_mem>>) {add = true}
          %dma_wait3A_126 = arith.constant 0 : i32
          %dma_wait3A_127 = tpu.memref_slice %arg11[%mul3A_75, %dma_wait3A_126] : memref<125x80xi32, #tpu.memory_space<vmem>> -> memref<1x80xi32, #tpu.memory_space<vmem>>
          %dma_wait3A_128 = tpu.memref_squeeze %dma_wait3A_127 : memref<1x80xi32, #tpu.memory_space<vmem>> -> memref<80xi32, #tpu.memory_space<vmem>>
          %dma_wait3A_129 = arith.constant 0 : i32
          %dma_wait3A_130 = arith.constant 0 : i32
          %dma_wait3A_131 = tpu.memref_slice %arg17[%dma_wait3A_129, %dma_wait3A_130] : memref<10240x80xf32, #tpu.memory_space<vmem_shared>> -> memref<10240x80xf32, #tpu.memory_space<vmem_shared>>
          tpu.wait_indirect_dma semaphore(%run_scoped3A_119 : memref<!tpu.dma_semaphore, #tpu.memory_space<semaphore_mem>>) src(%arg13 : memref<80x80xf32, #tpu.memory_space<vmem>>) dst(%dma_wait3A_131 : memref<10240x80xf32, #tpu.memory_space<vmem_shared>>)
          tpu.yield
        }) : () -> ()
        %dma_wait3A_96 = arith.constant 0 : i32
        %dma_wait3A_97 = tpu.memref_slice %arg10[%dma_wait3A_96] : memref<10000xi32, #tpu.memory_space<vmem>> -> memref<80xi32, #tpu.memory_space<vmem>>
        %dma_wait3A_98 = arith.constant 0 : i32
        %dma_wait3A_99 = arith.constant 0 : i32
        %dma_wait3A_100 = tpu.memref_slice %arg2[%dma_wait3A_98, %dma_wait3A_99] : memref<80000x80xf32, #tpu.memory_space<hbm>> -> memref<80000x80xf32, #tpu.memory_space<hbm>>
        tpu.wait_indirect_dma semaphore(%arg19 : memref<!tpu.dma_semaphore, #tpu.memory_space<semaphore_mem>>) src(%dma_wait3A_100 : memref<80000x80xf32, #tpu.memory_space<hbm>>) dst(%arg14 : memref<80x80xf32, #tpu.memory_space<vmem>>)
        %add3A_101 = arith.constant 2 : i32
        %add3A_102 = arith.addi %mul3A_75, %add3A_101 : i32
        %mul3A_103 = arith.constant 80 : i32
        %mul3A_104 = arith.muli %add3A_102, %mul3A_103 : i32
        %dma_start3A_105 = tpu.memref_slice %arg10[%mul3A_104] : memref<10000xi32, #tpu.memory_space<vmem>> -> memref<80xi32, #tpu.memory_space<vmem>>
        %dma_start3A_106 = arith.constant 0 : i32
        %dma_start3A_107 = arith.constant 0 : i32
        %dma_start3A_108 = tpu.memref_slice %arg2[%dma_start3A_106, %dma_start3A_107] : memref<80000x80xf32, #tpu.memory_space<hbm>> -> memref<80000x80xf32, #tpu.memory_space<hbm>>
        tpu.enqueue_indirect_dma source(%dma_start3A_108 : memref<80000x80xf32, #tpu.memory_space<hbm>>) target(%arg13 : memref<80x80xf32, #tpu.memory_space<vmem>>) offsets(%dma_start3A_105 : memref<80xi32, #tpu.memory_space<vmem>>) semaphore(%arg18 : memref<!tpu.dma_semaphore, #tpu.memory_space<semaphore_mem>>)
        %add3A_109 = arith.constant 1 : i32
        %add3A_110 = arith.addi %mul3A_75, %add3A_109 : i32
        %scan3A_111 = arith.constant 0 : i32
        %scan3A_112 = arith.constant 0 : i32
        %scan3A_113 = arith.constant 5 : i32
        %scan3A_114 = arith.addi %scan3A_112, %scan3A_113 : i32
        %scan3A_115 = arith.constant 1 : i32
        %scan3A_116 = scf.for %scan3A_119 = %scan3A_112 to %scan3A_114 step %scan3A_115 iter_args(%scan3A_120 = %scan3A_111) -> (i32)  : i32 {
          %mul3A_121 = arith.constant 80 : i32
          %mul3A_122 = arith.muli %add3A_110, %mul3A_121 : i32
          %mul3A_123 = arith.constant 16 : i32
          %mul3A_124 = arith.muli %scan3A_119, %mul3A_123 : i32
          %add3A_125 = arith.addi %mul3A_122, %mul3A_124 : i32
          %get3A = arith.index_cast %add3A_125 : i32 to index
          %get3A_126 = tpu.vector_load %arg12[%get3A] {strides = array<i32>} : memref<10000xf32, #tpu.memory_space<vmem>>, vector<16xf32>,
          %slice3A = vector.extract_strided_slice %get3A_126 {offsets = [0], sizes = [1], strides = [1]} : vector<16xf32> to vector<1xf32>
          %squeeze3A = vector.extract %slice3A[0] : f32 from vector<1xf32>
          %mul3A_127 = arith.constant 16 : i32
          %mul3A_128 = arith.muli %scan3A_119, %mul3A_127 : i32
          %add3A_129 = arith.constant 0 : i32
          %add3A_130 = arith.addi %mul3A_128, %add3A_129 : i32
          %get3A_131 = arith.index_cast %add3A_130 : i32 to index
          %get3A_132 = arith.constant 0 : index
          %get3A_133 = tpu.vector_load %arg14[%get3A_131, %get3A_132] {strides = array<i32>} : memref<80x80xf32, #tpu.memory_space<vmem>>, vector<16xf32>,
          %mul3A_134 = vector.broadcast %squeeze3A : f32 to vector<16xf32>
          %mul3A_135 = arith.mulf %get3A_133, %mul3A_134 : vector<16xf32>
          %swap3A = arith.index_cast %add3A_130 : i32 to index
          %swap3A_136 = arith.constant 0 : index
          %swap3A_137 = tpu.vector_load %arg14[%swap3A, %swap3A_136] {strides = array<i32>} : memref<80x80xf32, #tpu.memory_space<vmem>>, vector<16xf32>,
          tpu.vector_store %arg14[%swap3A, %swap3A_136], %mul3A_135 {strides = array<i32>} : memref<80x80xf32, #tpu.memory_space<vmem>>, vector<16xf32>,
          %get3A_138 = arith.index_cast %add3A_130 : i32 to index
          %get3A_139 = arith.constant 16 : index
          %get3A_140 = tpu.vector_load %arg14[%get3A_138, %get3A_139] {strides = array<i32>} : memref<80x80xf32, #tpu.memory_space<vmem>>, vector<16xf32>,
          %mul3A_141 = vector.broadcast %squeeze3A : f32 to vector<16xf32>
          %mul3A_142 = arith.mulf %get3A_140, %mul3A_141 : vector<16xf32>
          %swap3A_143 = arith.index_cast %add3A_130 : i32 to index
          %swap3A_144 = arith.constant 16 : index
          %swap3A_145 = tpu.vector_load %arg14[%swap3A_143, %swap3A_144] {strides = array<i32>} : memref<80x80xf32, #tpu.memory_space<vmem>>, vector<16xf32>,
          tpu.vector_store %arg14[%swap3A_143, %swap3A_144], %mul3A_142 {strides = array<i32>} : memref<80x80xf32, #tpu.memory_space<vmem>>, vector<16xf32>,
          %get3A_146 = arith.index_cast %add3A_130 : i32 to index
          %get3A_147 = arith.constant 32 : index
          %get3A_148 = tpu.vector_load %arg14[%get3A_146, %get3A_147] {strides = array<i32>} : memref<80x80xf32, #tpu.memory_space<vmem>>, vector<16xf32>,
          %mul3A_149 = vector.broadcast %squeeze3A : f32 to vector<16xf32>
          %mul3A_150 = arith.mulf %get3A_148, %mul3A_149 : vector<16xf32>
          %swap3A_151 = arith.index_cast %add3A_130 : i32 to index
          %swap3A_152 = arith.constant 32 : index
          %swap3A_153 = tpu.vector_load %arg14[%swap3A_151, %swap3A_152] {strides = array<i32>} : memref<80x80xf32, #tpu.memory_space<vmem>>, vector<16xf32>,
          tpu.vector_store %arg14[%swap3A_151, %swap3A_152], %mul3A_150 {strides = array<i32>} : memref<80x80xf32, #tpu.memory_space<vmem>>, vector<16xf32>,
          %get3A_154 = arith.index_cast %add3A_130 : i32 to index
          %get3A_155 = arith.constant 48 : index
          %get3A_156 = tpu.vector_load %arg14[%get3A_154, %get3A_155] {strides = array<i32>} : memref<80x80xf32, #tpu.memory_space<vmem>>, vector<16xf32>,
          %mul3A_157 = vector.broadcast %squeeze3A : f32 to vector<16xf32>
          %mul3A_158 = arith.mulf %get3A_156, %mul3A_157 : vector<16xf32>
          %swap3A_159 = arith.index_cast %add3A_130 : i32 to index
          %swap3A_160 = arith.constant 48 : index
          %swap3A_161 = tpu.vector_load %arg14[%swap3A_159, %swap3A_160] {strides = array<i32>} : memref<80x80xf32, #tpu.memory_space<vmem>>, vector<16xf32>,
          tpu.vector_store %arg14[%swap3A_159, %swap3A_160], %mul3A_158 {strides = array<i32>} : memref<80x80xf32, #tpu.memory_space<vmem>>, vector<16xf32>,
          %get3A_162 = arith.index_cast %add3A_130 : i32 to index
          %get3A_163 = arith.constant 64 : index
          %get3A_164 = tpu.vector_load %arg14[%get3A_162, %get3A_163] {strides = array<i32>} : memref<80x80xf32, #tpu.memory_space<vmem>>, vector<16xf32>,
          %mul3A_165 = vector.broadcast %squeeze3A : f32 to vector<16xf32>
          %mul3A_166 = arith.mulf %get3A_164, %mul3A_165 : vector<16xf32>
          %swap3A_167 = arith.index_cast %add3A_130 : i32 to index
          %swap3A_168 = arith.constant 64 : index
          %swap3A_169 = tpu.vector_load %arg14[%swap3A_167, %swap3A_168] {strides = array<i32>} : memref<80x80xf32, #tpu.memory_space<vmem>>, vector<16xf32>,
          tpu.vector_store %arg14[%swap3A_167, %swap3A_168], %mul3A_166 {strides = array<i32>} : memref<80x80xf32, #tpu.memory_space<vmem>>, vector<16xf32>,
          %slice3A_170 = vector.extract_strided_slice %get3A_126 {offsets = [1], sizes = [1], strides = [1]} : vector<16xf32> to vector<1xf32>
          %squeeze3A_171 = vector.extract %slice3A_170[0] : f32 from vector<1xf32>
          %mul3A_172 = arith.constant 16 : i32
          %mul3A_173 = arith.muli %scan3A_119, %mul3A_172 : i32
          %add3A_174 = arith.constant 1 : i32
          %add3A_175 = arith.addi %mul3A_173, %add3A_174 : i32
          %get3A_176 = arith.index_cast %add3A_175 : i32 to index
          %get3A_177 = arith.constant 0 : index
          %get3A_178 = tpu.vector_load %arg14[%get3A_176, %get3A_177] {strides = array<i32>} : memref<80x80xf32, #tpu.memory_space<vmem>>, vector<16xf32>,
          %mul3A_179 = vector.broadcast %squeeze3A_171 : f32 to vector<16xf32>
          %mul3A_180 = arith.mulf %get3A_178, %mul3A_179 : vector<16xf32>
          %swap3A_181 = arith.index_cast %add3A_175 : i32 to index
          %swap3A_182 = arith.constant 0 : index
          %swap3A_183 = tpu.vector_load %arg14[%swap3A_181, %swap3A_182] {strides = array<i32>} : memref<80x80xf32, #tpu.memory_space<vmem>>, vector<16xf32>,
          tpu.vector_store %arg14[%swap3A_181, %swap3A_182], %mul3A_180 {strides = array<i32>} : memref<80x80xf32, #tpu.memory_space<vmem>>, vector<16xf32>,
          %get3A_184 = arith.index_cast %add3A_175 : i32 to index
          %get3A_185 = arith.constant 16 : index
          %get3A_186 = tpu.vector_load %arg14[%get3A_184, %get3A_185] {strides = array<i32>} : memref<80x80xf32, #tpu.memory_space<vmem>>, vector<16xf32>,
          %mul3A_187 = vector.broadcast %squeeze3A_171 : f32 to vector<16xf32>
          %mul3A_188 = arith.mulf %get3A_186, %mul3A_187 : vector<16xf32>
          %swap3A_189 = arith.index_cast %add3A_175 : i32 to index
          %swap3A_190 = arith.constant 16 : index
          %swap3A_191 = tpu.vector_load %arg14[%swap3A_189, %swap3A_190] {strides = array<i32>} : memref<80x80xf32, #tpu.memory_space<vmem>>, vector<16xf32>,
          tpu.vector_store %arg14[%swap3A_189, %swap3A_190], %mul3A_188 {strides = array<i32>} : memref<80x80xf32, #tpu.memory_space<vmem>>, vector<16xf32>,
          %get3A_192 = arith.index_cast %add3A_175 : i32 to index
          %get3A_193 = arith.constant 32 : index
          %get3A_194 = tpu.vector_load %arg14[%get3A_192, %get3A_193] {strides = array<i32>} : memref<80x80xf32, #tpu.memory_space<vmem>>, vector<16xf32>,
          %mul3A_195 = vector.broadcast %squeeze3A_171 : f32 to vector<16xf32>
          %mul3A_196 = arith.mulf %get3A_194, %mul3A_195 : vector<16xf32>
          %swap3A_197 = arith.index_cast %add3A_175 : i32 to index
          %swap3A_198 = arith.constant 32 : index
          %swap3A_199 = tpu.vector_load %arg14[%swap3A_197, %swap3A_198] {strides = array<i32>} : memref<80x80xf32, #tpu.memory_space<vmem>>, vector<16xf32>,
          tpu.vector_store %arg14[%swap3A_197, %swap3A_198], %mul3A_196 {strides = array<i32>} : memref<80x80xf32, #tpu.memory_space<vmem>>, vector<16xf32>,
          %get3A_200 = arith.index_cast %add3A_175 : i32 to index
          %get3A_201 = arith.constant 48 : index
          %get3A_202 = tpu.vector_load %arg14[%get3A_200, %get3A_201] {strides = array<i32>} : memref<80x80xf32, #tpu.memory_space<vmem>>, vector<16xf32>,
          %mul3A_203 = vector.broadcast %squeeze3A_171 : f32 to vector<16xf32>
          %mul3A_204 = arith.mulf %get3A_202, %mul3A_203 : vector<16xf32>
          %swap3A_205 = arith.index_cast %add3A_175 : i32 to index
          %swap3A_206 = arith.constant 48 : index
          %swap3A_207 = tpu.vector_load %arg14[%swap3A_205, %swap3A_206] {strides = array<i32>} : memref<80x80xf32, #tpu.memory_space<vmem>>, vector<16xf32>,
          tpu.vector_store %arg14[%swap3A_205, %swap3A_206], %mul3A_204 {strides = array<i32>} : memref<80x80xf32, #tpu.memory_space<vmem>>, vector<16xf32>,
          %get3A_208 = arith.index_cast %add3A_175 : i32 to index
          %get3A_209 = arith.constant 64 : index
          %get3A_210 = tpu.vector_load %arg14[%get3A_208, %get3A_209] {strides = array<i32>} : memref<80x80xf32, #tpu.memory_space<vmem>>, vector<16xf32>,
          %mul3A_211 = vector.broadcast %squeeze3A_171 : f32 to vector<16xf32>
          %mul3A_212 = arith.mulf %get3A_210, %mul3A_211 : vector<16xf32>
          %swap3A_213 = arith.index_cast %add3A_175 : i32 to index
          %swap3A_214 = arith.constant 64 : index
          %swap3A_215 = tpu.vector_load %arg14[%swap3A_213, %swap3A_214] {strides = array<i32>} : memref<80x80xf32, #tpu.memory_space<vmem>>, vector<16xf32>,
          tpu.vector_store %arg14[%swap3A_213, %swap3A_214], %mul3A_212 {strides = array<i32>} : memref<80x80xf32, #tpu.memory_space<vmem>>, vector<16xf32>,
          %slice3A_216 = vector.extract_strided_slice %get3A_126 {offsets = [2], sizes = [1], strides = [1]} : vector<16xf32> to vector<1xf32>
          %squeeze3A_217 = vector.extract %slice3A_216[0] : f32 from vector<1xf32>
          %mul3A_218 = arith.constant 16 : i32
          %mul3A_219 = arith.muli %scan3A_119, %mul3A_218 : i32
          %add3A_220 = arith.constant 2 : i32
          %add3A_221 = arith.addi %mul3A_219, %add3A_220 : i32
          %get3A_222 = arith.index_cast %add3A_221 : i32 to index
          %get3A_223 = arith.constant 0 : index
          %get3A_224 = tpu.vector_load %arg14[%get3A_222, %get3A_223] {strides = array<i32>} : memref<80x80xf32, #tpu.memory_space<vmem>>, vector<16xf32>,
          %mul3A_225 = vector.broadcast %squeeze3A_217 : f32 to vector<16xf32>
          %mul3A_226 = arith.mulf %get3A_224, %mul3A_225 : vector<16xf32>
          %swap3A_227 = arith.index_cast %add3A_221 : i32 to index
          %swap3A_228 = arith.constant 0 : index
          %swap3A_229 = tpu.vector_load %arg14[%swap3A_227, %swap3A_228] {strides = array<i32>} : memref<80x80xf32, #tpu.memory_space<vmem>>, vector<16xf32>,
          tpu.vector_store %arg14[%swap3A_227, %swap3A_228], %mul3A_226 {strides = array<i32>} : memref<80x80xf32, #tpu.memory_space<vmem>>, vector<16xf32>,
          %get3A_230 = arith.index_cast %add3A_221 : i32 to index
          %get3A_231 = arith.constant 16 : index
          %get3A_232 = tpu.vector_load %arg14[%get3A_230, %get3A_231] {strides = array<i32>} : memref<80x80xf32, #tpu.memory_space<vmem>>, vector<16xf32>,
          %mul3A_233 = vector.broadcast %squeeze3A_217 : f32 to vector<16xf32>
          %mul3A_234 = arith.mulf %get3A_232, %mul3A_233 : vector<16xf32>
          %swap3A_235 = arith.index_cast %add3A_221 : i32 to index
          %swap3A_236 = arith.constant 16 : index
          %swap3A_237 = tpu.vector_load %arg14[%swap3A_235, %swap3A_236] {strides = array<i32>} : memref<80x80xf32, #tpu.memory_space<vmem>>, vector<16xf32>,
          tpu.vector_store %arg14[%swap3A_235, %swap3A_236], %mul3A_234 {strides = array<i32>} : memref<80x80xf32, #tpu.memory_space<vmem>>, vector<16xf32>,
          %get3A_238 = arith.index_cast %add3A_221 : i32 to index
          %get3A_239 = arith.constant 32 : index
          %get3A_240 = tpu.vector_load %arg14[%get3A_238, %get3A_239] {strides = array<i32>} : memref<80x80xf32, #tpu.memory_space<vmem>>, vector<16xf32>,
          %mul3A_241 = vector.broadcast %squeeze3A_217 : f32 to vector<16xf32>
          %mul3A_242 = arith.mulf %get3A_240, %mul3A_241 : vector<16xf32>
          %swap3A_243 = arith.index_cast %add3A_221 : i32 to index
          %swap3A_244 = arith.constant 32 : index
          %swap3A_245 = tpu.vector_load %arg14[%swap3A_243, %swap3A_244] {strides = array<i32>} : memref<80x80xf32, #tpu.memory_space<vmem>>, vector<16xf32>,
          tpu.vector_store %arg14[%swap3A_243, %swap3A_244], %mul3A_242 {strides = array<i32>} : memref<80x80xf32, #tpu.memory_space<vmem>>, vector<16xf32>,
          %get3A_246 = arith.index_cast %add3A_221 : i32 to index
          %get3A_247 = arith.constant 48 : index
          %get3A_248 = tpu.vector_load %arg14[%get3A_246, %get3A_247] {strides = array<i32>} : memref<80x80xf32, #tpu.memory_space<vmem>>, vector<16xf32>,
          %mul3A_249 = vector.broadcast %squeeze3A_217 : f32 to vector<16xf32>
          %mul3A_250 = arith.mulf %get3A_248, %mul3A_249 : vector<16xf32>
          %swap3A_251 = arith.index_cast %add3A_221 : i32 to index
          %swap3A_252 = arith.constant 48 : index
          %swap3A_253 = tpu.vector_load %arg14[%swap3A_251, %swap3A_252] {strides = array<i32>} : memref<80x80xf32, #tpu.memory_space<vmem>>, vector<16xf32>,
          tpu.vector_store %arg14[%swap3A_251, %swap3A_252], %mul3A_250 {strides = array<i32>} : memref<80x80xf32, #tpu.memory_space<vmem>>, vector<16xf32>,
          %get3A_254 = arith.index_cast %add3A_221 : i32 to index
          %get3A_255 = arith.constant 64 : index
          %get3A_256 = tpu.vector_load %arg14[%get3A_254, %get3A_255] {strides = array<i32>} : memref<80x80xf32, #tpu.memory_space<vmem>>, vector<16xf32>,
          %mul3A_257 = vector.broadcast %squeeze3A_217 : f32 to vector<16xf32>
          %mul3A_258 = arith.mulf %get3A_256, %mul3A_257 : vector<16xf32>
          %swap3A_259 = arith.index_cast %add3A_221 : i32 to index
          %swap3A_260 = arith.constant 64 : index
          %swap3A_261 = tpu.vector_load %arg14[%swap3A_259, %swap3A_260] {strides = array<i32>} : memref<80x80xf32, #tpu.memory_space<vmem>>, vector<16xf32>,
          tpu.vector_store %arg14[%swap3A_259, %swap3A_260], %mul3A_258 {strides = array<i32>} : memref<80x80xf32, #tpu.memory_space<vmem>>, vector<16xf32>,
          %slice3A_262 = vector.extract_strided_slice %get3A_126 {offsets = [3], sizes = [1], strides = [1]} : vector<16xf32> to vector<1xf32>
          %squeeze3A_263 = vector.extract %slice3A_262[0] : f32 from vector<1xf32>
          %mul3A_264 = arith.constant 16 : i32
          %mul3A_265 = arith.muli %scan3A_119, %mul3A_264 : i32
          %add3A_266 = arith.constant 3 : i32
          %add3A_267 = arith.addi %mul3A_265, %add3A_266 : i32
          %get3A_268 = arith.index_cast %add3A_267 : i32 to index
          %get3A_269 = arith.constant 0 : index
          %get3A_270 = tpu.vector_load %arg14[%get3A_268, %get3A_269] {strides = array<i32>} : memref<80x80xf32, #tpu.memory_space<vmem>>, vector<16xf32>,
          %mul3A_271 = vector.broadcast %squeeze3A_263 : f32 to vector<16xf32>
          %mul3A_272 = arith.mulf %get3A_270, %mul3A_271 : vector<16xf32>
          %swap3A_273 = arith.index_cast %add3A_267 : i32 to index
          %swap3A_274 = arith.constant 0 : index
          %swap3A_275 = tpu.vector_load %arg14[%swap3A_273, %swap3A_274] {strides = array<i32>} : memref<80x80xf32, #tpu.memory_space<vmem>>, vector<16xf32>,
          tpu.vector_store %arg14[%swap3A_273, %swap3A_274], %mul3A_272 {strides = array<i32>} : memref<80x80xf32, #tpu.memory_space<vmem>>, vector<16xf32>,
          %get3A_276 = arith.index_cast %add3A_267 : i32 to index
          %get3A_277 = arith.constant 16 : index
          %get3A_278 = tpu.vector_load %arg14[%get3A_276, %get3A_277] {strides = array<i32>} : memref<80x80xf32, #tpu.memory_space<vmem>>, vector<16xf32>,
          %mul3A_279 = vector.broadcast %squeeze3A_263 : f32 to vector<16xf32>
          %mul3A_280 = arith.mulf %get3A_278, %mul3A_279 : vector<16xf32>
          %swap3A_281 = arith.index_cast %add3A_267 : i32 to index
          %swap3A_282 = arith.constant 16 : index
          %swap3A_283 = tpu.vector_load %arg14[%swap3A_281, %swap3A_282] {strides = array<i32>} : memref<80x80xf32, #tpu.memory_space<vmem>>, vector<16xf32>,
          tpu.vector_store %arg14[%swap3A_281, %swap3A_282], %mul3A_280 {strides = array<i32>} : memref<80x80xf32, #tpu.memory_space<vmem>>, vector<16xf32>,
          %get3A_284 = arith.index_cast %add3A_267 : i32 to index
          %get3A_285 = arith.constant 32 : index
          %get3A_286 = tpu.vector_load %arg14[%get3A_284, %get3A_285] {strides = array<i32>} : memref<80x80xf32, #tpu.memory_space<vmem>>, vector<16xf32>,
          %mul3A_287 = vector.broadcast %squeeze3A_263 : f32 to vector<16xf32>
          %mul3A_288 = arith.mulf %get3A_286, %mul3A_287 : vector<16xf32>
          %swap3A_289 = arith.index_cast %add3A_267 : i32 to index
          %swap3A_290 = arith.constant 32 : index
          %swap3A_291 = tpu.vector_load %arg14[%swap3A_289, %swap3A_290] {strides = array<i32>} : memref<80x80xf32, #tpu.memory_space<vmem>>, vector<16xf32>,
          tpu.vector_store %arg14[%swap3A_289, %swap3A_290], %mul3A_288 {strides = array<i32>} : memref<80x80xf32, #tpu.memory_space<vmem>>, vector<16xf32>,
          %get3A_292 = arith.index_cast %add3A_267 : i32 to index
          %get3A_293 = arith.constant 48 : index
          %get3A_294 = tpu.vector_load %arg14[%get3A_292, %get3A_293] {strides = array<i32>} : memref<80x80xf32, #tpu.memory_space<vmem>>, vector<16xf32>,
          %mul3A_295 = vector.broadcast %squeeze3A_263 : f32 to vector<16xf32>
          %mul3A_296 = arith.mulf %get3A_294, %mul3A_295 : vector<16xf32>
          %swap3A_297 = arith.index_cast %add3A_267 : i32 to index
          %swap3A_298 = arith.constant 48 : index
          %swap3A_299 = tpu.vector_load %arg14[%swap3A_297, %swap3A_298] {strides = array<i32>} : memref<80x80xf32, #tpu.memory_space<vmem>>, vector<16xf32>,
          tpu.vector_store %arg14[%swap3A_297, %swap3A_298], %mul3A_296 {strides = array<i32>} : memref<80x80xf32, #tpu.memory_space<vmem>>, vector<16xf32>,
          %get3A_300 = arith.index_cast %add3A_267 : i32 to index
          %get3A_301 = arith.constant 64 : index
          %get3A_302 = tpu.vector_load %arg14[%get3A_300, %get3A_301] {strides = array<i32>} : memref<80x80xf32, #tpu.memory_space<vmem>>, vector<16xf32>,
          %mul3A_303 = vector.broadcast %squeeze3A_263 : f32 to vector<16xf32>
          %mul3A_304 = arith.mulf %get3A_302, %mul3A_303 : vector<16xf32>
          %swap3A_305 = arith.index_cast %add3A_267 : i32 to index
          %swap3A_306 = arith.constant 64 : index
          %swap3A_307 = tpu.vector_load %arg14[%swap3A_305, %swap3A_306] {strides = array<i32>} : memref<80x80xf32, #tpu.memory_space<vmem>>, vector<16xf32>,
          tpu.vector_store %arg14[%swap3A_305, %swap3A_306], %mul3A_304 {strides = array<i32>} : memref<80x80xf32, #tpu.memory_space<vmem>>, vector<16xf32>,
          %slice3A_308 = vector.extract_strided_slice %get3A_126 {offsets = [4], sizes = [1], strides = [1]} : vector<16xf32> to vector<1xf32>
          %squeeze3A_309 = vector.extract %slice3A_308[0] : f32 from vector<1xf32>
          %mul3A_310 = arith.constant 16 : i32
          %mul3A_311 = arith.muli %scan3A_119, %mul3A_310 : i32
          %add3A_312 = arith.constant 4 : i32
          %add3A_313 = arith.addi %mul3A_311, %add3A_312 : i32
          %get3A_314 = arith.index_cast %add3A_313 : i32 to index
          %get3A_315 = arith.constant 0 : index
          %get3A_316 = tpu.vector_load %arg14[%get3A_314, %get3A_315] {strides = array<i32>} : memref<80x80xf32, #tpu.memory_space<vmem>>, vector<16xf32>,
          %mul3A_317 = vector.broadcast %squeeze3A_309 : f32 to vector<16xf32>
          %mul3A_318 = arith.mulf %get3A_316, %mul3A_317 : vector<16xf32>
          %swap3A_319 = arith.index_cast %add3A_313 : i32 to index
          %swap3A_320 = arith.constant 0 : index
          %swap3A_321 = tpu.vector_load %arg14[%swap3A_319, %swap3A_320] {strides = array<i32>} : memref<80x80xf32, #tpu.memory_space<vmem>>, vector<16xf32>,
          tpu.vector_store %arg14[%swap3A_319, %swap3A_320], %mul3A_318 {strides = array<i32>} : memref<80x80xf32, #tpu.memory_space<vmem>>, vector<16xf32>,
          %get3A_322 = arith.index_cast %add3A_313 : i32 to index
          %get3A_323 = arith.constant 16 : index
          %get3A_324 = tpu.vector_load %arg14[%get3A_322, %get3A_323] {strides = array<i32>} : memref<80x80xf32, #tpu.memory_space<vmem>>, vector<16xf32>,
          %mul3A_325 = vector.broadcast %squeeze3A_309 : f32 to vector<16xf32>
          %mul3A_326 = arith.mulf %get3A_324, %mul3A_325 : vector<16xf32>
          %swap3A_327 = arith.index_cast %add3A_313 : i32 to index
          %swap3A_328 = arith.constant 16 : index
          %swap3A_329 = tpu.vector_load %arg14[%swap3A_327, %swap3A_328] {strides = array<i32>} : memref<80x80xf32, #tpu.memory_space<vmem>>, vector<16xf32>,
          tpu.vector_store %arg14[%swap3A_327, %swap3A_328], %mul3A_326 {strides = array<i32>} : memref<80x80xf32, #tpu.memory_space<vmem>>, vector<16xf32>,
          %get3A_330 = arith.index_cast %add3A_313 : i32 to index
          %get3A_331 = arith.constant 32 : index
          %get3A_332 = tpu.vector_load %arg14[%get3A_330, %get3A_331] {strides = array<i32>} : memref<80x80xf32, #tpu.memory_space<vmem>>, vector<16xf32>,
          %mul3A_333 = vector.broadcast %squeeze3A_309 : f32 to vector<16xf32>
          %mul3A_334 = arith.mulf %get3A_332, %mul3A_333 : vector<16xf32>
          %swap3A_335 = arith.index_cast %add3A_313 : i32 to index
          %swap3A_336 = arith.constant 32 : index
          %swap3A_337 = tpu.vector_load %arg14[%swap3A_335, %swap3A_336] {strides = array<i32>} : memref<80x80xf32, #tpu.memory_space<vmem>>, vector<16xf32>,
          tpu.vector_store %arg14[%swap3A_335, %swap3A_336], %mul3A_334 {strides = array<i32>} : memref<80x80xf32, #tpu.memory_space<vmem>>, vector<16xf32>,
          %get3A_338 = arith.index_cast %add3A_313 : i32 to index
          %get3A_339 = arith.constant 48 : index
          %get3A_340 = tpu.vector_load %arg14[%get3A_338, %get3A_339] {strides = array<i32>} : memref<80x80xf32, #tpu.memory_space<vmem>>, vector<16xf32>,
          %mul3A_341 = vector.broadcast %squeeze3A_309 : f32 to vector<16xf32>
          %mul3A_342 = arith.mulf %get3A_340, %mul3A_341 : vector<16xf32>
          %swap3A_343 = arith.index_cast %add3A_313 : i32 to index
          %swap3A_344 = arith.constant 48 : index
          %swap3A_345 = tpu.vector_load %arg14[%swap3A_343, %swap3A_344] {strides = array<i32>} : memref<80x80xf32, #tpu.memory_space<vmem>>, vector<16xf32>,
          tpu.vector_store %arg14[%swap3A_343, %swap3A_344], %mul3A_342 {strides = array<i32>} : memref<80x80xf32, #tpu.memory_space<vmem>>, vector<16xf32>,
          %get3A_346 = arith.index_cast %add3A_313 : i32 to index
          %get3A_347 = arith.constant 64 : index
          %get3A_348 = tpu.vector_load %arg14[%get3A_346, %get3A_347] {strides = array<i32>} : memref<80x80xf32, #tpu.memory_space<vmem>>, vector<16xf32>,
          %mul3A_349 = vector.broadcast %squeeze3A_309 : f32 to vector<16xf32>
          %mul3A_350 = arith.mulf %get3A_348, %mul3A_349 : vector<16xf32>
          %swap3A_351 = arith.index_cast %add3A_313 : i32 to index
          %swap3A_352 = arith.constant 64 : index
          %swap3A_353 = tpu.vector_load %arg14[%swap3A_351, %swap3A_352] {strides = array<i32>} : memref<80x80xf32, #tpu.memory_space<vmem>>, vector<16xf32>,
          tpu.vector_store %arg14[%swap3A_351, %swap3A_352], %mul3A_350 {strides = array<i32>} : memref<80x80xf32, #tpu.memory_space<vmem>>, vector<16xf32>,
          %slice3A_354 = vector.extract_strided_slice %get3A_126 {offsets = [5], sizes = [1], strides = [1]} : vector<16xf32> to vector<1xf32>
          %squeeze3A_355 = vector.extract %slice3A_354[0] : f32 from vector<1xf32>
          %mul3A_356 = arith.constant 16 : i32
          %mul3A_357 = arith.muli %scan3A_119, %mul3A_356 : i32
          %add3A_358 = arith.constant 5 : i32
          %add3A_359 = arith.addi %mul3A_357, %add3A_358 : i32
          %get3A_360 = arith.index_cast %add3A_359 : i32 to index
          %get3A_361 = arith.constant 0 : index
          %get3A_362 = tpu.vector_load %arg14[%get3A_360, %get3A_361] {strides = array<i32>} : memref<80x80xf32, #tpu.memory_space<vmem>>, vector<16xf32>,
          %mul3A_363 = vector.broadcast %squeeze3A_355 : f32 to vector<16xf32>
          %mul3A_364 = arith.mulf %get3A_362, %mul3A_363 : vector<16xf32>
          %swap3A_365 = arith.index_cast %add3A_359 : i32 to index
          %swap3A_366 = arith.constant 0 : index
          %swap3A_367 = tpu.vector_load %arg14[%swap3A_365, %swap3A_366] {strides = array<i32>} : memref<80x80xf32, #tpu.memory_space<vmem>>, vector<16xf32>,
          tpu.vector_store %arg14[%swap3A_365, %swap3A_366], %mul3A_364 {strides = array<i32>} : memref<80x80xf32, #tpu.memory_space<vmem>>, vector<16xf32>,
          %get3A_368 = arith.index_cast %add3A_359 : i32 to index
          %get3A_369 = arith.constant 16 : index
          %get3A_370 = tpu.vector_load %arg14[%get3A_368, %get3A_369] {strides = array<i32>} : memref<80x80xf32, #tpu.memory_space<vmem>>, vector<16xf32>,
          %mul3A_371 = vector.broadcast %squeeze3A_355 : f32 to vector<16xf32>
          %mul3A_372 = arith.mulf %get3A_370, %mul3A_371 : vector<16xf32>
          %swap3A_373 = arith.index_cast %add3A_359 : i32 to index
          %swap3A_374 = arith.constant 16 : index
          %swap3A_375 = tpu.vector_load %arg14[%swap3A_373, %swap3A_374] {strides = array<i32>} : memref<80x80xf32, #tpu.memory_space<vmem>>, vector<16xf32>,
          tpu.vector_store %arg14[%swap3A_373, %swap3A_374], %mul3A_372 {strides = array<i32>} : memref<80x80xf32, #tpu.memory_space<vmem>>, vector<16xf32>,
          %get3A_376 = arith.index_cast %add3A_359 : i32 to index
          %get3A_377 = arith.constant 32 : index
          %get3A_378 = tpu.vector_load %arg14[%get3A_376, %get3A_377] {strides = array<i32>} : memref<80x80xf32, #tpu.memory_space<vmem>>, vector<16xf32>,
          %mul3A_379 = vector.broadcast %squeeze3A_355 : f32 to vector<16xf32>
          %mul3A_380 = arith.mulf %get3A_378, %mul3A_379 : vector<16xf32>
          %swap3A_381 = arith.index_cast %add3A_359 : i32 to index
          %swap3A_382 = arith.constant 32 : index
          %swap3A_383 = tpu.vector_load %arg14[%swap3A_381, %swap3A_382] {strides = array<i32>} : memref<80x80xf32, #tpu.memory_space<vmem>>, vector<16xf32>,
          tpu.vector_store %arg14[%swap3A_381, %swap3A_382], %mul3A_380 {strides = array<i32>} : memref<80x80xf32, #tpu.memory_space<vmem>>, vector<16xf32>,
          %get3A_384 = arith.index_cast %add3A_359 : i32 to index
          %get3A_385 = arith.constant 48 : index
          %get3A_386 = tpu.vector_load %arg14[%get3A_384, %get3A_385] {strides = array<i32>} : memref<80x80xf32, #tpu.memory_space<vmem>>, vector<16xf32>,
          %mul3A_387 = vector.broadcast %squeeze3A_355 : f32 to vector<16xf32>
          %mul3A_388 = arith.mulf %get3A_386, %mul3A_387 : vector<16xf32>
          %swap3A_389 = arith.index_cast %add3A_359 : i32 to index
          %swap3A_390 = arith.constant 48 : index
          %swap3A_391 = tpu.vector_load %arg14[%swap3A_389, %swap3A_390] {strides = array<i32>} : memref<80x80xf32, #tpu.memory_space<vmem>>, vector<16xf32>,
          tpu.vector_store %arg14[%swap3A_389, %swap3A_390], %mul3A_388 {strides = array<i32>} : memref<80x80xf32, #tpu.memory_space<vmem>>, vector<16xf32>,
          %get3A_392 = arith.index_cast %add3A_359 : i32 to index
          %get3A_393 = arith.constant 64 : index
          %get3A_394 = tpu.vector_load %arg14[%get3A_392, %get3A_393] {strides = array<i32>} : memref<80x80xf32, #tpu.memory_space<vmem>>, vector<16xf32>,
          %mul3A_395 = vector.broadcast %squeeze3A_355 : f32 to vector<16xf32>
          %mul3A_396 = arith.mulf %get3A_394, %mul3A_395 : vector<16xf32>
          %swap3A_397 = arith.index_cast %add3A_359 : i32 to index
          %swap3A_398 = arith.constant 64 : index
          %swap3A_399 = tpu.vector_load %arg14[%swap3A_397, %swap3A_398] {strides = array<i32>} : memref<80x80xf32, #tpu.memory_space<vmem>>, vector<16xf32>,
          tpu.vector_store %arg14[%swap3A_397, %swap3A_398], %mul3A_396 {strides = array<i32>} : memref<80x80xf32, #tpu.memory_space<vmem>>, vector<16xf32>,
          %slice3A_400 = vector.extract_strided_slice %get3A_126 {offsets = [6], sizes = [1], strides = [1]} : vector<16xf32> to vector<1xf32>
          %squeeze3A_401 = vector.extract %slice3A_400[0] : f32 from vector<1xf32>
          %mul3A_402 = arith.constant 16 : i32
          %mul3A_403 = arith.muli %scan3A_119, %mul3A_402 : i32
          %add3A_404 = arith.constant 6 : i32
          %add3A_405 = arith.addi %mul3A_403, %add3A_404 : i32
          %get3A_406 = arith.index_cast %add3A_405 : i32 to index
          %get3A_407 = arith.constant 0 : index
          %get3A_408 = tpu.vector_load %arg14[%get3A_406, %get3A_407] {strides = array<i32>} : memref<80x80xf32, #tpu.memory_space<vmem>>, vector<16xf32>,
          %mul3A_409 = vector.broadcast %squeeze3A_401 : f32 to vector<16xf32>
          %mul3A_410 = arith.mulf %get3A_408, %mul3A_409 : vector<16xf32>
          %swap3A_411 = arith.index_cast %add3A_405 : i32 to index
          %swap3A_412 = arith.constant 0 : index
          %swap3A_413 = tpu.vector_load %arg14[%swap3A_411, %swap3A_412] {strides = array<i32>} : memref<80x80xf32, #tpu.memory_space<vmem>>, vector<16xf32>,
          tpu.vector_store %arg14[%swap3A_411, %swap3A_412], %mul3A_410 {strides = array<i32>} : memref<80x80xf32, #tpu.memory_space<vmem>>, vector<16xf32>,
          %get3A_414 = arith.index_cast %add3A_405 : i32 to index
          %get3A_415 = arith.constant 16 : index
          %get3A_416 = tpu.vector_load %arg14[%get3A_414, %get3A_415] {strides = array<i32>} : memref<80x80xf32, #tpu.memory_space<vmem>>, vector<16xf32>,
          %mul3A_417 = vector.broadcast %squeeze3A_401 : f32 to vector<16xf32>
          %mul3A_418 = arith.mulf %get3A_416, %mul3A_417 : vector<16xf32>
          %swap3A_419 = arith.index_cast %add3A_405 : i32 to index
          %swap3A_420 = arith.constant 16 : index
          %swap3A_421 = tpu.vector_load %arg14[%swap3A_419, %swap3A_420] {strides = array<i32>} : memref<80x80xf32, #tpu.memory_space<vmem>>, vector<16xf32>,
          tpu.vector_store %arg14[%swap3A_419, %swap3A_420], %mul3A_418 {strides = array<i32>} : memref<80x80xf32, #tpu.memory_space<vmem>>, vector<16xf32>,
          %get3A_422 = arith.index_cast %add3A_405 : i32 to index
          %get3A_423 = arith.constant 32 : index
          %get3A_424 = tpu.vector_load %arg14[%get3A_422, %get3A_423] {strides = array<i32>} : memref<80x80xf32, #tpu.memory_space<vmem>>, vector<16xf32>,
          %mul3A_425 = vector.broadcast %squeeze3A_401 : f32 to vector<16xf32>
          %mul3A_426 = arith.mulf %get3A_424, %mul3A_425 : vector<16xf32>
          %swap3A_427 = arith.index_cast %add3A_405 : i32 to index
          %swap3A_428 = arith.constant 32 : index
          %swap3A_429 = tpu.vector_load %arg14[%swap3A_427, %swap3A_428] {strides = array<i32>} : memref<80x80xf32, #tpu.memory_space<vmem>>, vector<16xf32>,
          tpu.vector_store %arg14[%swap3A_427, %swap3A_428], %mul3A_426 {strides = array<i32>} : memref<80x80xf32, #tpu.memory_space<vmem>>, vector<16xf32>,
          %get3A_430 = arith.index_cast %add3A_405 : i32 to index
          %get3A_431 = arith.constant 48 : index
          %get3A_432 = tpu.vector_load %arg14[%get3A_430, %get3A_431] {strides = array<i32>} : memref<80x80xf32, #tpu.memory_space<vmem>>, vector<16xf32>,
          %mul3A_433 = vector.broadcast %squeeze3A_401 : f32 to vector<16xf32>
          %mul3A_434 = arith.mulf %get3A_432, %mul3A_433 : vector<16xf32>
          %swap3A_435 = arith.index_cast %add3A_405 : i32 to index
          %swap3A_436 = arith.constant 48 : index
          %swap3A_437 = tpu.vector_load %arg14[%swap3A_435, %swap3A_436] {strides = array<i32>} : memref<80x80xf32, #tpu.memory_space<vmem>>, vector<16xf32>,
          tpu.vector_store %arg14[%swap3A_435, %swap3A_436], %mul3A_434 {strides = array<i32>} : memref<80x80xf32, #tpu.memory_space<vmem>>, vector<16xf32>,
          %get3A_438 = arith.index_cast %add3A_405 : i32 to index
          %get3A_439 = arith.constant 64 : index
          %get3A_440 = tpu.vector_load %arg14[%get3A_438, %get3A_439] {strides = array<i32>} : memref<80x80xf32, #tpu.memory_space<vmem>>, vector<16xf32>,
          %mul3A_441 = vector.broadcast %squeeze3A_401 : f32 to vector<16xf32>
          %mul3A_442 = arith.mulf %get3A_440, %mul3A_441 : vector<16xf32>
          %swap3A_443 = arith.index_cast %add3A_405 : i32 to index
          %swap3A_444 = arith.constant 64 : index
          %swap3A_445 = tpu.vector_load %arg14[%swap3A_443, %swap3A_444] {strides = array<i32>} : memref<80x80xf32, #tpu.memory_space<vmem>>, vector<16xf32>,
          tpu.vector_store %arg14[%swap3A_443, %swap3A_444], %mul3A_442 {strides = array<i32>} : memref<80x80xf32, #tpu.memory_space<vmem>>, vector<16xf32>,
          %slice3A_446 = vector.extract_strided_slice %get3A_126 {offsets = [7], sizes = [1], strides = [1]} : vector<16xf32> to vector<1xf32>
          %squeeze3A_447 = vector.extract %slice3A_446[0] : f32 from vector<1xf32>
          %mul3A_448 = arith.constant 16 : i32
          %mul3A_449 = arith.muli %scan3A_119, %mul3A_448 : i32
          %add3A_450 = arith.constant 7 : i32
          %add3A_451 = arith.addi %mul3A_449, %add3A_450 : i32
          %get3A_452 = arith.index_cast %add3A_451 : i32 to index
          %get3A_453 = arith.constant 0 : index
          %get3A_454 = tpu.vector_load %arg14[%get3A_452, %get3A_453] {strides = array<i32>} : memref<80x80xf32, #tpu.memory_space<vmem>>, vector<16xf32>,
          %mul3A_455 = vector.broadcast %squeeze3A_447 : f32 to vector<16xf32>
          %mul3A_456 = arith.mulf %get3A_454, %mul3A_455 : vector<16xf32>
          %swap3A_457 = arith.index_cast %add3A_451 : i32 to index
          %swap3A_458 = arith.constant 0 : index
          %swap3A_459 = tpu.vector_load %arg14[%swap3A_457, %swap3A_458] {strides = array<i32>} : memref<80x80xf32, #tpu.memory_space<vmem>>, vector<16xf32>,
          tpu.vector_store %arg14[%swap3A_457, %swap3A_458], %mul3A_456 {strides = array<i32>} : memref<80x80xf32, #tpu.memory_space<vmem>>, vector<16xf32>,
          %get3A_460 = arith.index_cast %add3A_451 : i32 to index
          %get3A_461 = arith.constant 16 : index
          %get3A_462 = tpu.vector_load %arg14[%get3A_460, %get3A_461] {strides = array<i32>} : memref<80x80xf32, #tpu.memory_space<vmem>>, vector<16xf32>,
          %mul3A_463 = vector.broadcast %squeeze3A_447 : f32 to vector<16xf32>
          %mul3A_464 = arith.mulf %get3A_462, %mul3A_463 : vector<16xf32>
          %swap3A_465 = arith.index_cast %add3A_451 : i32 to index
          %swap3A_466 = arith.constant 16 : index
          %swap3A_467 = tpu.vector_load %arg14[%swap3A_465, %swap3A_466] {strides = array<i32>} : memref<80x80xf32, #tpu.memory_space<vmem>>, vector<16xf32>,
          tpu.vector_store %arg14[%swap3A_465, %swap3A_466], %mul3A_464 {strides = array<i32>} : memref<80x80xf32, #tpu.memory_space<vmem>>, vector<16xf32>,
          %get3A_468 = arith.index_cast %add3A_451 : i32 to index
          %get3A_469 = arith.constant 32 : index
          %get3A_470 = tpu.vector_load %arg14[%get3A_468, %get3A_469] {strides = array<i32>} : memref<80x80xf32, #tpu.memory_space<vmem>>, vector<16xf32>,
          %mul3A_471 = vector.broadcast %squeeze3A_447 : f32 to vector<16xf32>
          %mul3A_472 = arith.mulf %get3A_470, %mul3A_471 : vector<16xf32>
          %swap3A_473 = arith.index_cast %add3A_451 : i32 to index
          %swap3A_474 = arith.constant 32 : index
          %swap3A_475 = tpu.vector_load %arg14[%swap3A_473, %swap3A_474] {strides = array<i32>} : memref<80x80xf32, #tpu.memory_space<vmem>>, vector<16xf32>,
          tpu.vector_store %arg14[%swap3A_473, %swap3A_474], %mul3A_472 {strides = array<i32>} : memref<80x80xf32, #tpu.memory_space<vmem>>, vector<16xf32>,
          %get3A_476 = arith.index_cast %add3A_451 : i32 to index
          %get3A_477 = arith.constant 48 : index
          %get3A_478 = tpu.vector_load %arg14[%get3A_476, %get3A_477] {strides = array<i32>} : memref<80x80xf32, #tpu.memory_space<vmem>>, vector<16xf32>,
          %mul3A_479 = vector.broadcast %squeeze3A_447 : f32 to vector<16xf32>
          %mul3A_480 = arith.mulf %get3A_478, %mul3A_479 : vector<16xf32>
          %swap3A_481 = arith.index_cast %add3A_451 : i32 to index
          %swap3A_482 = arith.constant 48 : index
          %swap3A_483 = tpu.vector_load %arg14[%swap3A_481, %swap3A_482] {strides = array<i32>} : memref<80x80xf32, #tpu.memory_space<vmem>>, vector<16xf32>,
          tpu.vector_store %arg14[%swap3A_481, %swap3A_482], %mul3A_480 {strides = array<i32>} : memref<80x80xf32, #tpu.memory_space<vmem>>, vector<16xf32>,
          %get3A_484 = arith.index_cast %add3A_451 : i32 to index
          %get3A_485 = arith.constant 64 : index
          %get3A_486 = tpu.vector_load %arg14[%get3A_484, %get3A_485] {strides = array<i32>} : memref<80x80xf32, #tpu.memory_space<vmem>>, vector<16xf32>,
          %mul3A_487 = vector.broadcast %squeeze3A_447 : f32 to vector<16xf32>
          %mul3A_488 = arith.mulf %get3A_486, %mul3A_487 : vector<16xf32>
          %swap3A_489 = arith.index_cast %add3A_451 : i32 to index
          %swap3A_490 = arith.constant 64 : index
          %swap3A_491 = tpu.vector_load %arg14[%swap3A_489, %swap3A_490] {strides = array<i32>} : memref<80x80xf32, #tpu.memory_space<vmem>>, vector<16xf32>,
          tpu.vector_store %arg14[%swap3A_489, %swap3A_490], %mul3A_488 {strides = array<i32>} : memref<80x80xf32, #tpu.memory_space<vmem>>, vector<16xf32>,
          %slice3A_492 = vector.extract_strided_slice %get3A_126 {offsets = [8], sizes = [1], strides = [1]} : vector<16xf32> to vector<1xf32>
          %squeeze3A_493 = vector.extract %slice3A_492[0] : f32 from vector<1xf32>
          %mul3A_494 = arith.constant 16 : i32
          %mul3A_495 = arith.muli %scan3A_119, %mul3A_494 : i32
          %add3A_496 = arith.constant 8 : i32
          %add3A_497 = arith.addi %mul3A_495, %add3A_496 : i32
          %get3A_498 = arith.index_cast %add3A_497 : i32 to index
          %get3A_499 = arith.constant 0 : index
          %get3A_500 = tpu.vector_load %arg14[%get3A_498, %get3A_499] {strides = array<i32>} : memref<80x80xf32, #tpu.memory_space<vmem>>, vector<16xf32>,
          %mul3A_501 = vector.broadcast %squeeze3A_493 : f32 to vector<16xf32>
          %mul3A_502 = arith.mulf %get3A_500, %mul3A_501 : vector<16xf32>
          %swap3A_503 = arith.index_cast %add3A_497 : i32 to index
          %swap3A_504 = arith.constant 0 : index
          %swap3A_505 = tpu.vector_load %arg14[%swap3A_503, %swap3A_504] {strides = array<i32>} : memref<80x80xf32, #tpu.memory_space<vmem>>, vector<16xf32>,
          tpu.vector_store %arg14[%swap3A_503, %swap3A_504], %mul3A_502 {strides = array<i32>} : memref<80x80xf32, #tpu.memory_space<vmem>>, vector<16xf32>,
          %get3A_506 = arith.index_cast %add3A_497 : i32 to index
          %get3A_507 = arith.constant 16 : index
          %get3A_508 = tpu.vector_load %arg14[%get3A_506, %get3A_507] {strides = array<i32>} : memref<80x80xf32, #tpu.memory_space<vmem>>, vector<16xf32>,
          %mul3A_509 = vector.broadcast %squeeze3A_493 : f32 to vector<16xf32>
          %mul3A_510 = arith.mulf %get3A_508, %mul3A_509 : vector<16xf32>
          %swap3A_511 = arith.index_cast %add3A_497 : i32 to index
          %swap3A_512 = arith.constant 16 : index
          %swap3A_513 = tpu.vector_load %arg14[%swap3A_511, %swap3A_512] {strides = array<i32>} : memref<80x80xf32, #tpu.memory_space<vmem>>, vector<16xf32>,
          tpu.vector_store %arg14[%swap3A_511, %swap3A_512], %mul3A_510 {strides = array<i32>} : memref<80x80xf32, #tpu.memory_space<vmem>>, vector<16xf32>,
          %get3A_514 = arith.index_cast %add3A_497 : i32 to index
          %get3A_515 = arith.constant 32 : index
          %get3A_516 = tpu.vector_load %arg14[%get3A_514, %get3A_515] {strides = array<i32>} : memref<80x80xf32, #tpu.memory_space<vmem>>, vector<16xf32>,
          %mul3A_517 = vector.broadcast %squeeze3A_493 : f32 to vector<16xf32>
          %mul3A_518 = arith.mulf %get3A_516, %mul3A_517 : vector<16xf32>
          %swap3A_519 = arith.index_cast %add3A_497 : i32 to index
          %swap3A_520 = arith.constant 32 : index
          %swap3A_521 = tpu.vector_load %arg14[%swap3A_519, %swap3A_520] {strides = array<i32>} : memref<80x80xf32, #tpu.memory_space<vmem>>, vector<16xf32>,
          tpu.vector_store %arg14[%swap3A_519, %swap3A_520], %mul3A_518 {strides = array<i32>} : memref<80x80xf32, #tpu.memory_space<vmem>>, vector<16xf32>,
          %get3A_522 = arith.index_cast %add3A_497 : i32 to index
          %get3A_523 = arith.constant 48 : index
          %get3A_524 = tpu.vector_load %arg14[%get3A_522, %get3A_523] {strides = array<i32>} : memref<80x80xf32, #tpu.memory_space<vmem>>, vector<16xf32>,
          %mul3A_525 = vector.broadcast %squeeze3A_493 : f32 to vector<16xf32>
          %mul3A_526 = arith.mulf %get3A_524, %mul3A_525 : vector<16xf32>
          %swap3A_527 = arith.index_cast %add3A_497 : i32 to index
          %swap3A_528 = arith.constant 48 : index
          %swap3A_529 = tpu.vector_load %arg14[%swap3A_527, %swap3A_528] {strides = array<i32>} : memref<80x80xf32, #tpu.memory_space<vmem>>, vector<16xf32>,
          tpu.vector_store %arg14[%swap3A_527, %swap3A_528], %mul3A_526 {strides = array<i32>} : memref<80x80xf32, #tpu.memory_space<vmem>>, vector<16xf32>,
          %get3A_530 = arith.index_cast %add3A_497 : i32 to index
          %get3A_531 = arith.constant 64 : index
          %get3A_532 = tpu.vector_load %arg14[%get3A_530, %get3A_531] {strides = array<i32>} : memref<80x80xf32, #tpu.memory_space<vmem>>, vector<16xf32>,
          %mul3A_533 = vector.broadcast %squeeze3A_493 : f32 to vector<16xf32>
          %mul3A_534 = arith.mulf %get3A_532, %mul3A_533 : vector<16xf32>
          %swap3A_535 = arith.index_cast %add3A_497 : i32 to index
          %swap3A_536 = arith.constant 64 : index
          %swap3A_537 = tpu.vector_load %arg14[%swap3A_535, %swap3A_536] {strides = array<i32>} : memref<80x80xf32, #tpu.memory_space<vmem>>, vector<16xf32>,
          tpu.vector_store %arg14[%swap3A_535, %swap3A_536], %mul3A_534 {strides = array<i32>} : memref<80x80xf32, #tpu.memory_space<vmem>>, vector<16xf32>,
          %slice3A_538 = vector.extract_strided_slice %get3A_126 {offsets = [9], sizes = [1], strides = [1]} : vector<16xf32> to vector<1xf32>
          %squeeze3A_539 = vector.extract %slice3A_538[0] : f32 from vector<1xf32>
          %mul3A_540 = arith.constant 16 : i32
          %mul3A_541 = arith.muli %scan3A_119, %mul3A_540 : i32
          %add3A_542 = arith.constant 9 : i32
          %add3A_543 = arith.addi %mul3A_541, %add3A_542 : i32
          %get3A_544 = arith.index_cast %add3A_543 : i32 to index
          %get3A_545 = arith.constant 0 : index
          %get3A_546 = tpu.vector_load %arg14[%get3A_544, %get3A_545] {strides = array<i32>} : memref<80x80xf32, #tpu.memory_space<vmem>>, vector<16xf32>,
          %mul3A_547 = vector.broadcast %squeeze3A_539 : f32 to vector<16xf32>
          %mul3A_548 = arith.mulf %get3A_546, %mul3A_547 : vector<16xf32>
          %swap3A_549 = arith.index_cast %add3A_543 : i32 to index
          %swap3A_550 = arith.constant 0 : index
          %swap3A_551 = tpu.vector_load %arg14[%swap3A_549, %swap3A_550] {strides = array<i32>} : memref<80x80xf32, #tpu.memory_space<vmem>>, vector<16xf32>,
          tpu.vector_store %arg14[%swap3A_549, %swap3A_550], %mul3A_548 {strides = array<i32>} : memref<80x80xf32, #tpu.memory_space<vmem>>, vector<16xf32>,
          %get3A_552 = arith.index_cast %add3A_543 : i32 to index
          %get3A_553 = arith.constant 16 : index
          %get3A_554 = tpu.vector_load %arg14[%get3A_552, %get3A_553] {strides = array<i32>} : memref<80x80xf32, #tpu.memory_space<vmem>>, vector<16xf32>,
          %mul3A_555 = vector.broadcast %squeeze3A_539 : f32 to vector<16xf32>
          %mul3A_556 = arith.mulf %get3A_554, %mul3A_555 : vector<16xf32>
          %swap3A_557 = arith.index_cast %add3A_543 : i32 to index
          %swap3A_558 = arith.constant 16 : index
          %swap3A_559 = tpu.vector_load %arg14[%swap3A_557, %swap3A_558] {strides = array<i32>} : memref<80x80xf32, #tpu.memory_space<vmem>>, vector<16xf32>,
          tpu.vector_store %arg14[%swap3A_557, %swap3A_558], %mul3A_556 {strides = array<i32>} : memref<80x80xf32, #tpu.memory_space<vmem>>, vector<16xf32>,
          %get3A_560 = arith.index_cast %add3A_543 : i32 to index
          %get3A_561 = arith.constant 32 : index
          %get3A_562 = tpu.vector_load %arg14[%get3A_560, %get3A_561] {strides = array<i32>} : memref<80x80xf32, #tpu.memory_space<vmem>>, vector<16xf32>,
          %mul3A_563 = vector.broadcast %squeeze3A_539 : f32 to vector<16xf32>
          %mul3A_564 = arith.mulf %get3A_562, %mul3A_563 : vector<16xf32>
          %swap3A_565 = arith.index_cast %add3A_543 : i32 to index
          %swap3A_566 = arith.constant 32 : index
          %swap3A_567 = tpu.vector_load %arg14[%swap3A_565, %swap3A_566] {strides = array<i32>} : memref<80x80xf32, #tpu.memory_space<vmem>>, vector<16xf32>,
          tpu.vector_store %arg14[%swap3A_565, %swap3A_566], %mul3A_564 {strides = array<i32>} : memref<80x80xf32, #tpu.memory_space<vmem>>, vector<16xf32>,
          %get3A_568 = arith.index_cast %add3A_543 : i32 to index
          %get3A_569 = arith.constant 48 : index
          %get3A_570 = tpu.vector_load %arg14[%get3A_568, %get3A_569] {strides = array<i32>} : memref<80x80xf32, #tpu.memory_space<vmem>>, vector<16xf32>,
          %mul3A_571 = vector.broadcast %squeeze3A_539 : f32 to vector<16xf32>
          %mul3A_572 = arith.mulf %get3A_570, %mul3A_571 : vector<16xf32>
          %swap3A_573 = arith.index_cast %add3A_543 : i32 to index
          %swap3A_574 = arith.constant 48 : index
          %swap3A_575 = tpu.vector_load %arg14[%swap3A_573, %swap3A_574] {strides = array<i32>} : memref<80x80xf32, #tpu.memory_space<vmem>>, vector<16xf32>,
          tpu.vector_store %arg14[%swap3A_573, %swap3A_574], %mul3A_572 {strides = array<i32>} : memref<80x80xf32, #tpu.memory_space<vmem>>, vector<16xf32>,
          %get3A_576 = arith.index_cast %add3A_543 : i32 to index
          %get3A_577 = arith.constant 64 : index
          %get3A_578 = tpu.vector_load %arg14[%get3A_576, %get3A_577] {strides = array<i32>} : memref<80x80xf32, #tpu.memory_space<vmem>>, vector<16xf32>,
          %mul3A_579 = vector.broadcast %squeeze3A_539 : f32 to vector<16xf32>
          %mul3A_580 = arith.mulf %get3A_578, %mul3A_579 : vector<16xf32>
          %swap3A_581 = arith.index_cast %add3A_543 : i32 to index
          %swap3A_582 = arith.constant 64 : index
          %swap3A_583 = tpu.vector_load %arg14[%swap3A_581, %swap3A_582] {strides = array<i32>} : memref<80x80xf32, #tpu.memory_space<vmem>>, vector<16xf32>,
          tpu.vector_store %arg14[%swap3A_581, %swap3A_582], %mul3A_580 {strides = array<i32>} : memref<80x80xf32, #tpu.memory_space<vmem>>, vector<16xf32>,
          %slice3A_584 = vector.extract_strided_slice %get3A_126 {offsets = [10], sizes = [1], strides = [1]} : vector<16xf32> to vector<1xf32>
          %squeeze3A_585 = vector.extract %slice3A_584[0] : f32 from vector<1xf32>
          %mul3A_586 = arith.constant 16 : i32
          %mul3A_587 = arith.muli %scan3A_119, %mul3A_586 : i32
          %add3A_588 = arith.constant 10 : i32
          %add3A_589 = arith.addi %mul3A_587, %add3A_588 : i32
          %get3A_590 = arith.index_cast %add3A_589 : i32 to index
          %get3A_591 = arith.constant 0 : index
          %get3A_592 = tpu.vector_load %arg14[%get3A_590, %get3A_591] {strides = array<i32>} : memref<80x80xf32, #tpu.memory_space<vmem>>, vector<16xf32>,
          %mul3A_593 = vector.broadcast %squeeze3A_585 : f32 to vector<16xf32>
          %mul3A_594 = arith.mulf %get3A_592, %mul3A_593 : vector<16xf32>
          %swap3A_595 = arith.index_cast %add3A_589 : i32 to index
          %swap3A_596 = arith.constant 0 : index
          %swap3A_597 = tpu.vector_load %arg14[%swap3A_595, %swap3A_596] {strides = array<i32>} : memref<80x80xf32, #tpu.memory_space<vmem>>, vector<16xf32>,
          tpu.vector_store %arg14[%swap3A_595, %swap3A_596], %mul3A_594 {strides = array<i32>} : memref<80x80xf32, #tpu.memory_space<vmem>>, vector<16xf32>,
          %get3A_598 = arith.index_cast %add3A_589 : i32 to index
          %get3A_599 = arith.constant 16 : index
          %get3A_600 = tpu.vector_load %arg14[%get3A_598, %get3A_599] {strides = array<i32>} : memref<80x80xf32, #tpu.memory_space<vmem>>, vector<16xf32>,
          %mul3A_601 = vector.broadcast %squeeze3A_585 : f32 to vector<16xf32>
          %mul3A_602 = arith.mulf %get3A_600, %mul3A_601 : vector<16xf32>
          %swap3A_603 = arith.index_cast %add3A_589 : i32 to index
          %swap3A_604 = arith.constant 16 : index
          %swap3A_605 = tpu.vector_load %arg14[%swap3A_603, %swap3A_604] {strides = array<i32>} : memref<80x80xf32, #tpu.memory_space<vmem>>, vector<16xf32>,
          tpu.vector_store %arg14[%swap3A_603, %swap3A_604], %mul3A_602 {strides = array<i32>} : memref<80x80xf32, #tpu.memory_space<vmem>>, vector<16xf32>,
          %get3A_606 = arith.index_cast %add3A_589 : i32 to index
          %get3A_607 = arith.constant 32 : index
          %get3A_608 = tpu.vector_load %arg14[%get3A_606, %get3A_607] {strides = array<i32>} : memref<80x80xf32, #tpu.memory_space<vmem>>, vector<16xf32>,
          %mul3A_609 = vector.broadcast %squeeze3A_585 : f32 to vector<16xf32>
          %mul3A_610 = arith.mulf %get3A_608, %mul3A_609 : vector<16xf32>
          %swap3A_611 = arith.index_cast %add3A_589 : i32 to index
          %swap3A_612 = arith.constant 32 : index
          %swap3A_613 = tpu.vector_load %arg14[%swap3A_611, %swap3A_612] {strides = array<i32>} : memref<80x80xf32, #tpu.memory_space<vmem>>, vector<16xf32>,
          tpu.vector_store %arg14[%swap3A_611, %swap3A_612], %mul3A_610 {strides = array<i32>} : memref<80x80xf32, #tpu.memory_space<vmem>>, vector<16xf32>,
          %get3A_614 = arith.index_cast %add3A_589 : i32 to index
          %get3A_615 = arith.constant 48 : index
          %get3A_616 = tpu.vector_load %arg14[%get3A_614, %get3A_615] {strides = array<i32>} : memref<80x80xf32, #tpu.memory_space<vmem>>, vector<16xf32>,
          %mul3A_617 = vector.broadcast %squeeze3A_585 : f32 to vector<16xf32>
          %mul3A_618 = arith.mulf %get3A_616, %mul3A_617 : vector<16xf32>
          %swap3A_619 = arith.index_cast %add3A_589 : i32 to index
          %swap3A_620 = arith.constant 48 : index
          %swap3A_621 = tpu.vector_load %arg14[%swap3A_619, %swap3A_620] {strides = array<i32>} : memref<80x80xf32, #tpu.memory_space<vmem>>, vector<16xf32>,
          tpu.vector_store %arg14[%swap3A_619, %swap3A_620], %mul3A_618 {strides = array<i32>} : memref<80x80xf32, #tpu.memory_space<vmem>>, vector<16xf32>,
          %get3A_622 = arith.index_cast %add3A_589 : i32 to index
          %get3A_623 = arith.constant 64 : index
          %get3A_624 = tpu.vector_load %arg14[%get3A_622, %get3A_623] {strides = array<i32>} : memref<80x80xf32, #tpu.memory_space<vmem>>, vector<16xf32>,
          %mul3A_625 = vector.broadcast %squeeze3A_585 : f32 to vector<16xf32>
          %mul3A_626 = arith.mulf %get3A_624, %mul3A_625 : vector<16xf32>
          %swap3A_627 = arith.index_cast %add3A_589 : i32 to index
          %swap3A_628 = arith.constant 64 : index
          %swap3A_629 = tpu.vector_load %arg14[%swap3A_627, %swap3A_628] {strides = array<i32>} : memref<80x80xf32, #tpu.memory_space<vmem>>, vector<16xf32>,
          tpu.vector_store %arg14[%swap3A_627, %swap3A_628], %mul3A_626 {strides = array<i32>} : memref<80x80xf32, #tpu.memory_space<vmem>>, vector<16xf32>,
          %slice3A_630 = vector.extract_strided_slice %get3A_126 {offsets = [11], sizes = [1], strides = [1]} : vector<16xf32> to vector<1xf32>
          %squeeze3A_631 = vector.extract %slice3A_630[0] : f32 from vector<1xf32>
          %mul3A_632 = arith.constant 16 : i32
          %mul3A_633 = arith.muli %scan3A_119, %mul3A_632 : i32
          %add3A_634 = arith.constant 11 : i32
          %add3A_635 = arith.addi %mul3A_633, %add3A_634 : i32
          %get3A_636 = arith.index_cast %add3A_635 : i32 to index
          %get3A_637 = arith.constant 0 : index
          %get3A_638 = tpu.vector_load %arg14[%get3A_636, %get3A_637] {strides = array<i32>} : memref<80x80xf32, #tpu.memory_space<vmem>>, vector<16xf32>,
          %mul3A_639 = vector.broadcast %squeeze3A_631 : f32 to vector<16xf32>
          %mul3A_640 = arith.mulf %get3A_638, %mul3A_639 : vector<16xf32>
          %swap3A_641 = arith.index_cast %add3A_635 : i32 to index
          %swap3A_642 = arith.constant 0 : index
          %swap3A_643 = tpu.vector_load %arg14[%swap3A_641, %swap3A_642] {strides = array<i32>} : memref<80x80xf32, #tpu.memory_space<vmem>>, vector<16xf32>,
          tpu.vector_store %arg14[%swap3A_641, %swap3A_642], %mul3A_640 {strides = array<i32>} : memref<80x80xf32, #tpu.memory_space<vmem>>, vector<16xf32>,
          %get3A_644 = arith.index_cast %add3A_635 : i32 to index
          %get3A_645 = arith.constant 16 : index
          %get3A_646 = tpu.vector_load %arg14[%get3A_644, %get3A_645] {strides = array<i32>} : memref<80x80xf32, #tpu.memory_space<vmem>>, vector<16xf32>,
          %mul3A_647 = vector.broadcast %squeeze3A_631 : f32 to vector<16xf32>
          %mul3A_648 = arith.mulf %get3A_646, %mul3A_647 : vector<16xf32>
          %swap3A_649 = arith.index_cast %add3A_635 : i32 to index
          %swap3A_650 = arith.constant 16 : index
          %swap3A_651 = tpu.vector_load %arg14[%swap3A_649, %swap3A_650] {strides = array<i32>} : memref<80x80xf32, #tpu.memory_space<vmem>>, vector<16xf32>,
          tpu.vector_store %arg14[%swap3A_649, %swap3A_650], %mul3A_648 {strides = array<i32>} : memref<80x80xf32, #tpu.memory_space<vmem>>, vector<16xf32>,
          %get3A_652 = arith.index_cast %add3A_635 : i32 to index
          %get3A_653 = arith.constant 32 : index
          %get3A_654 = tpu.vector_load %arg14[%get3A_652, %get3A_653] {strides = array<i32>} : memref<80x80xf32, #tpu.memory_space<vmem>>, vector<16xf32>,
          %mul3A_655 = vector.broadcast %squeeze3A_631 : f32 to vector<16xf32>
          %mul3A_656 = arith.mulf %get3A_654, %mul3A_655 : vector<16xf32>
          %swap3A_657 = arith.index_cast %add3A_635 : i32 to index
          %swap3A_658 = arith.constant 32 : index
          %swap3A_659 = tpu.vector_load %arg14[%swap3A_657, %swap3A_658] {strides = array<i32>} : memref<80x80xf32, #tpu.memory_space<vmem>>, vector<16xf32>,
          tpu.vector_store %arg14[%swap3A_657, %swap3A_658], %mul3A_656 {strides = array<i32>} : memref<80x80xf32, #tpu.memory_space<vmem>>, vector<16xf32>,
          %get3A_660 = arith.index_cast %add3A_635 : i32 to index
          %get3A_661 = arith.constant 48 : index
          %get3A_662 = tpu.vector_load %arg14[%get3A_660, %get3A_661] {strides = array<i32>} : memref<80x80xf32, #tpu.memory_space<vmem>>, vector<16xf32>,
          %mul3A_663 = vector.broadcast %squeeze3A_631 : f32 to vector<16xf32>
          %mul3A_664 = arith.mulf %get3A_662, %mul3A_663 : vector<16xf32>
          %swap3A_665 = arith.index_cast %add3A_635 : i32 to index
          %swap3A_666 = arith.constant 48 : index
          %swap3A_667 = tpu.vector_load %arg14[%swap3A_665, %swap3A_666] {strides = array<i32>} : memref<80x80xf32, #tpu.memory_space<vmem>>, vector<16xf32>,
          tpu.vector_store %arg14[%swap3A_665, %swap3A_666], %mul3A_664 {strides = array<i32>} : memref<80x80xf32, #tpu.memory_space<vmem>>, vector<16xf32>,
          %get3A_668 = arith.index_cast %add3A_635 : i32 to index
          %get3A_669 = arith.constant 64 : index
          %get3A_670 = tpu.vector_load %arg14[%get3A_668, %get3A_669] {strides = array<i32>} : memref<80x80xf32, #tpu.memory_space<vmem>>, vector<16xf32>,
          %mul3A_671 = vector.broadcast %squeeze3A_631 : f32 to vector<16xf32>
          %mul3A_672 = arith.mulf %get3A_670, %mul3A_671 : vector<16xf32>
          %swap3A_673 = arith.index_cast %add3A_635 : i32 to index
          %swap3A_674 = arith.constant 64 : index
          %swap3A_675 = tpu.vector_load %arg14[%swap3A_673, %swap3A_674] {strides = array<i32>} : memref<80x80xf32, #tpu.memory_space<vmem>>, vector<16xf32>,
          tpu.vector_store %arg14[%swap3A_673, %swap3A_674], %mul3A_672 {strides = array<i32>} : memref<80x80xf32, #tpu.memory_space<vmem>>, vector<16xf32>,
          %slice3A_676 = vector.extract_strided_slice %get3A_126 {offsets = [12], sizes = [1], strides = [1]} : vector<16xf32> to vector<1xf32>
          %squeeze3A_677 = vector.extract %slice3A_676[0] : f32 from vector<1xf32>
          %mul3A_678 = arith.constant 16 : i32
          %mul3A_679 = arith.muli %scan3A_119, %mul3A_678 : i32
          %add3A_680 = arith.constant 12 : i32
          %add3A_681 = arith.addi %mul3A_679, %add3A_680 : i32
          %get3A_682 = arith.index_cast %add3A_681 : i32 to index
          %get3A_683 = arith.constant 0 : index
          %get3A_684 = tpu.vector_load %arg14[%get3A_682, %get3A_683] {strides = array<i32>} : memref<80x80xf32, #tpu.memory_space<vmem>>, vector<16xf32>,
          %mul3A_685 = vector.broadcast %squeeze3A_677 : f32 to vector<16xf32>
          %mul3A_686 = arith.mulf %get3A_684, %mul3A_685 : vector<16xf32>
          %swap3A_687 = arith.index_cast %add3A_681 : i32 to index
          %swap3A_688 = arith.constant 0 : index
          %swap3A_689 = tpu.vector_load %arg14[%swap3A_687, %swap3A_688] {strides = array<i32>} : memref<80x80xf32, #tpu.memory_space<vmem>>, vector<16xf32>,
          tpu.vector_store %arg14[%swap3A_687, %swap3A_688], %mul3A_686 {strides = array<i32>} : memref<80x80xf32, #tpu.memory_space<vmem>>, vector<16xf32>,
          %get3A_690 = arith.index_cast %add3A_681 : i32 to index
          %get3A_691 = arith.constant 16 : index
          %get3A_692 = tpu.vector_load %arg14[%get3A_690, %get3A_691] {strides = array<i32>} : memref<80x80xf32, #tpu.memory_space<vmem>>, vector<16xf32>,
          %mul3A_693 = vector.broadcast %squeeze3A_677 : f32 to vector<16xf32>
          %mul3A_694 = arith.mulf %get3A_692, %mul3A_693 : vector<16xf32>
          %swap3A_695 = arith.index_cast %add3A_681 : i32 to index
          %swap3A_696 = arith.constant 16 : index
          %swap3A_697 = tpu.vector_load %arg14[%swap3A_695, %swap3A_696] {strides = array<i32>} : memref<80x80xf32, #tpu.memory_space<vmem>>, vector<16xf32>,
          tpu.vector_store %arg14[%swap3A_695, %swap3A_696], %mul3A_694 {strides = array<i32>} : memref<80x80xf32, #tpu.memory_space<vmem>>, vector<16xf32>,
          %get3A_698 = arith.index_cast %add3A_681 : i32 to index
          %get3A_699 = arith.constant 32 : index
          %get3A_700 = tpu.vector_load %arg14[%get3A_698, %get3A_699] {strides = array<i32>} : memref<80x80xf32, #tpu.memory_space<vmem>>, vector<16xf32>,
          %mul3A_701 = vector.broadcast %squeeze3A_677 : f32 to vector<16xf32>
          %mul3A_702 = arith.mulf %get3A_700, %mul3A_701 : vector<16xf32>
          %swap3A_703 = arith.index_cast %add3A_681 : i32 to index
          %swap3A_704 = arith.constant 32 : index
          %swap3A_705 = tpu.vector_load %arg14[%swap3A_703, %swap3A_704] {strides = array<i32>} : memref<80x80xf32, #tpu.memory_space<vmem>>, vector<16xf32>,
          tpu.vector_store %arg14[%swap3A_703, %swap3A_704], %mul3A_702 {strides = array<i32>} : memref<80x80xf32, #tpu.memory_space<vmem>>, vector<16xf32>,
          %get3A_706 = arith.index_cast %add3A_681 : i32 to index
          %get3A_707 = arith.constant 48 : index
          %get3A_708 = tpu.vector_load %arg14[%get3A_706, %get3A_707] {strides = array<i32>} : memref<80x80xf32, #tpu.memory_space<vmem>>, vector<16xf32>,
          %mul3A_709 = vector.broadcast %squeeze3A_677 : f32 to vector<16xf32>
          %mul3A_710 = arith.mulf %get3A_708, %mul3A_709 : vector<16xf32>
          %swap3A_711 = arith.index_cast %add3A_681 : i32 to index
          %swap3A_712 = arith.constant 48 : index
          %swap3A_713 = tpu.vector_load %arg14[%swap3A_711, %swap3A_712] {strides = array<i32>} : memref<80x80xf32, #tpu.memory_space<vmem>>, vector<16xf32>,
          tpu.vector_store %arg14[%swap3A_711, %swap3A_712], %mul3A_710 {strides = array<i32>} : memref<80x80xf32, #tpu.memory_space<vmem>>, vector<16xf32>,
          %get3A_714 = arith.index_cast %add3A_681 : i32 to index
          %get3A_715 = arith.constant 64 : index
          %get3A_716 = tpu.vector_load %arg14[%get3A_714, %get3A_715] {strides = array<i32>} : memref<80x80xf32, #tpu.memory_space<vmem>>, vector<16xf32>,
          %mul3A_717 = vector.broadcast %squeeze3A_677 : f32 to vector<16xf32>
          %mul3A_718 = arith.mulf %get3A_716, %mul3A_717 : vector<16xf32>
          %swap3A_719 = arith.index_cast %add3A_681 : i32 to index
          %swap3A_720 = arith.constant 64 : index
          %swap3A_721 = tpu.vector_load %arg14[%swap3A_719, %swap3A_720] {strides = array<i32>} : memref<80x80xf32, #tpu.memory_space<vmem>>, vector<16xf32>,
          tpu.vector_store %arg14[%swap3A_719, %swap3A_720], %mul3A_718 {strides = array<i32>} : memref<80x80xf32, #tpu.memory_space<vmem>>, vector<16xf32>,
          %slice3A_722 = vector.extract_strided_slice %get3A_126 {offsets = [13], sizes = [1], strides = [1]} : vector<16xf32> to vector<1xf32>
          %squeeze3A_723 = vector.extract %slice3A_722[0] : f32 from vector<1xf32>
          %mul3A_724 = arith.constant 16 : i32
          %mul3A_725 = arith.muli %scan3A_119, %mul3A_724 : i32
          %add3A_726 = arith.constant 13 : i32
          %add3A_727 = arith.addi %mul3A_725, %add3A_726 : i32
          %get3A_728 = arith.index_cast %add3A_727 : i32 to index
          %get3A_729 = arith.constant 0 : index
          %get3A_730 = tpu.vector_load %arg14[%get3A_728, %get3A_729] {strides = array<i32>} : memref<80x80xf32, #tpu.memory_space<vmem>>, vector<16xf32>,
          %mul3A_731 = vector.broadcast %squeeze3A_723 : f32 to vector<16xf32>
          %mul3A_732 = arith.mulf %get3A_730, %mul3A_731 : vector<16xf32>
          %swap3A_733 = arith.index_cast %add3A_727 : i32 to index
          %swap3A_734 = arith.constant 0 : index
          %swap3A_735 = tpu.vector_load %arg14[%swap3A_733, %swap3A_734] {strides = array<i32>} : memref<80x80xf32, #tpu.memory_space<vmem>>, vector<16xf32>,
          tpu.vector_store %arg14[%swap3A_733, %swap3A_734], %mul3A_732 {strides = array<i32>} : memref<80x80xf32, #tpu.memory_space<vmem>>, vector<16xf32>,
          %get3A_736 = arith.index_cast %add3A_727 : i32 to index
          %get3A_737 = arith.constant 16 : index
          %get3A_738 = tpu.vector_load %arg14[%get3A_736, %get3A_737] {strides = array<i32>} : memref<80x80xf32, #tpu.memory_space<vmem>>, vector<16xf32>,
          %mul3A_739 = vector.broadcast %squeeze3A_723 : f32 to vector<16xf32>
          %mul3A_740 = arith.mulf %get3A_738, %mul3A_739 : vector<16xf32>
          %swap3A_741 = arith.index_cast %add3A_727 : i32 to index
          %swap3A_742 = arith.constant 16 : index
          %swap3A_743 = tpu.vector_load %arg14[%swap3A_741, %swap3A_742] {strides = array<i32>} : memref<80x80xf32, #tpu.memory_space<vmem>>, vector<16xf32>,
          tpu.vector_store %arg14[%swap3A_741, %swap3A_742], %mul3A_740 {strides = array<i32>} : memref<80x80xf32, #tpu.memory_space<vmem>>, vector<16xf32>,
          %get3A_744 = arith.index_cast %add3A_727 : i32 to index
          %get3A_745 = arith.constant 32 : index
          %get3A_746 = tpu.vector_load %arg14[%get3A_744, %get3A_745] {strides = array<i32>} : memref<80x80xf32, #tpu.memory_space<vmem>>, vector<16xf32>,
          %mul3A_747 = vector.broadcast %squeeze3A_723 : f32 to vector<16xf32>
          %mul3A_748 = arith.mulf %get3A_746, %mul3A_747 : vector<16xf32>
          %swap3A_749 = arith.index_cast %add3A_727 : i32 to index
          %swap3A_750 = arith.constant 32 : index
          %swap3A_751 = tpu.vector_load %arg14[%swap3A_749, %swap3A_750] {strides = array<i32>} : memref<80x80xf32, #tpu.memory_space<vmem>>, vector<16xf32>,
          tpu.vector_store %arg14[%swap3A_749, %swap3A_750], %mul3A_748 {strides = array<i32>} : memref<80x80xf32, #tpu.memory_space<vmem>>, vector<16xf32>,
          %get3A_752 = arith.index_cast %add3A_727 : i32 to index
          %get3A_753 = arith.constant 48 : index
          %get3A_754 = tpu.vector_load %arg14[%get3A_752, %get3A_753] {strides = array<i32>} : memref<80x80xf32, #tpu.memory_space<vmem>>, vector<16xf32>,
          %mul3A_755 = vector.broadcast %squeeze3A_723 : f32 to vector<16xf32>
          %mul3A_756 = arith.mulf %get3A_754, %mul3A_755 : vector<16xf32>
          %swap3A_757 = arith.index_cast %add3A_727 : i32 to index
          %swap3A_758 = arith.constant 48 : index
          %swap3A_759 = tpu.vector_load %arg14[%swap3A_757, %swap3A_758] {strides = array<i32>} : memref<80x80xf32, #tpu.memory_space<vmem>>, vector<16xf32>,
          tpu.vector_store %arg14[%swap3A_757, %swap3A_758], %mul3A_756 {strides = array<i32>} : memref<80x80xf32, #tpu.memory_space<vmem>>, vector<16xf32>,
          %get3A_760 = arith.index_cast %add3A_727 : i32 to index
          %get3A_761 = arith.constant 64 : index
          %get3A_762 = tpu.vector_load %arg14[%get3A_760, %get3A_761] {strides = array<i32>} : memref<80x80xf32, #tpu.memory_space<vmem>>, vector<16xf32>,
          %mul3A_763 = vector.broadcast %squeeze3A_723 : f32 to vector<16xf32>
          %mul3A_764 = arith.mulf %get3A_762, %mul3A_763 : vector<16xf32>
          %swap3A_765 = arith.index_cast %add3A_727 : i32 to index
          %swap3A_766 = arith.constant 64 : index
          %swap3A_767 = tpu.vector_load %arg14[%swap3A_765, %swap3A_766] {strides = array<i32>} : memref<80x80xf32, #tpu.memory_space<vmem>>, vector<16xf32>,
          tpu.vector_store %arg14[%swap3A_765, %swap3A_766], %mul3A_764 {strides = array<i32>} : memref<80x80xf32, #tpu.memory_space<vmem>>, vector<16xf32>,
          %slice3A_768 = vector.extract_strided_slice %get3A_126 {offsets = [14], sizes = [1], strides = [1]} : vector<16xf32> to vector<1xf32>
          %squeeze3A_769 = vector.extract %slice3A_768[0] : f32 from vector<1xf32>
          %mul3A_770 = arith.constant 16 : i32
          %mul3A_771 = arith.muli %scan3A_119, %mul3A_770 : i32
          %add3A_772 = arith.constant 14 : i32
          %add3A_773 = arith.addi %mul3A_771, %add3A_772 : i32
          %get3A_774 = arith.index_cast %add3A_773 : i32 to index
          %get3A_775 = arith.constant 0 : index
          %get3A_776 = tpu.vector_load %arg14[%get3A_774, %get3A_775] {strides = array<i32>} : memref<80x80xf32, #tpu.memory_space<vmem>>, vector<16xf32>,
          %mul3A_777 = vector.broadcast %squeeze3A_769 : f32 to vector<16xf32>
          %mul3A_778 = arith.mulf %get3A_776, %mul3A_777 : vector<16xf32>
          %swap3A_779 = arith.index_cast %add3A_773 : i32 to index
          %swap3A_780 = arith.constant 0 : index
          %swap3A_781 = tpu.vector_load %arg14[%swap3A_779, %swap3A_780] {strides = array<i32>} : memref<80x80xf32, #tpu.memory_space<vmem>>, vector<16xf32>,
          tpu.vector_store %arg14[%swap3A_779, %swap3A_780], %mul3A_778 {strides = array<i32>} : memref<80x80xf32, #tpu.memory_space<vmem>>, vector<16xf32>,
          %get3A_782 = arith.index_cast %add3A_773 : i32 to index
          %get3A_783 = arith.constant 16 : index
          %get3A_784 = tpu.vector_load %arg14[%get3A_782, %get3A_783] {strides = array<i32>} : memref<80x80xf32, #tpu.memory_space<vmem>>, vector<16xf32>,
          %mul3A_785 = vector.broadcast %squeeze3A_769 : f32 to vector<16xf32>
          %mul3A_786 = arith.mulf %get3A_784, %mul3A_785 : vector<16xf32>
          %swap3A_787 = arith.index_cast %add3A_773 : i32 to index
          %swap3A_788 = arith.constant 16 : index
          %swap3A_789 = tpu.vector_load %arg14[%swap3A_787, %swap3A_788] {strides = array<i32>} : memref<80x80xf32, #tpu.memory_space<vmem>>, vector<16xf32>,
          tpu.vector_store %arg14[%swap3A_787, %swap3A_788], %mul3A_786 {strides = array<i32>} : memref<80x80xf32, #tpu.memory_space<vmem>>, vector<16xf32>,
          %get3A_790 = arith.index_cast %add3A_773 : i32 to index
          %get3A_791 = arith.constant 32 : index
          %get3A_792 = tpu.vector_load %arg14[%get3A_790, %get3A_791] {strides = array<i32>} : memref<80x80xf32, #tpu.memory_space<vmem>>, vector<16xf32>,
          %mul3A_793 = vector.broadcast %squeeze3A_769 : f32 to vector<16xf32>
          %mul3A_794 = arith.mulf %get3A_792, %mul3A_793 : vector<16xf32>
          %swap3A_795 = arith.index_cast %add3A_773 : i32 to index
          %swap3A_796 = arith.constant 32 : index
          %swap3A_797 = tpu.vector_load %arg14[%swap3A_795, %swap3A_796] {strides = array<i32>} : memref<80x80xf32, #tpu.memory_space<vmem>>, vector<16xf32>,
          tpu.vector_store %arg14[%swap3A_795, %swap3A_796], %mul3A_794 {strides = array<i32>} : memref<80x80xf32, #tpu.memory_space<vmem>>, vector<16xf32>,
          %get3A_798 = arith.index_cast %add3A_773 : i32 to index
          %get3A_799 = arith.constant 48 : index
          %get3A_800 = tpu.vector_load %arg14[%get3A_798, %get3A_799] {strides = array<i32>} : memref<80x80xf32, #tpu.memory_space<vmem>>, vector<16xf32>,
          %mul3A_801 = vector.broadcast %squeeze3A_769 : f32 to vector<16xf32>
          %mul3A_802 = arith.mulf %get3A_800, %mul3A_801 : vector<16xf32>
          %swap3A_803 = arith.index_cast %add3A_773 : i32 to index
          %swap3A_804 = arith.constant 48 : index
          %swap3A_805 = tpu.vector_load %arg14[%swap3A_803, %swap3A_804] {strides = array<i32>} : memref<80x80xf32, #tpu.memory_space<vmem>>, vector<16xf32>,
          tpu.vector_store %arg14[%swap3A_803, %swap3A_804], %mul3A_802 {strides = array<i32>} : memref<80x80xf32, #tpu.memory_space<vmem>>, vector<16xf32>,
          %get3A_806 = arith.index_cast %add3A_773 : i32 to index
          %get3A_807 = arith.constant 64 : index
          %get3A_808 = tpu.vector_load %arg14[%get3A_806, %get3A_807] {strides = array<i32>} : memref<80x80xf32, #tpu.memory_space<vmem>>, vector<16xf32>,
          %mul3A_809 = vector.broadcast %squeeze3A_769 : f32 to vector<16xf32>
          %mul3A_810 = arith.mulf %get3A_808, %mul3A_809 : vector<16xf32>
          %swap3A_811 = arith.index_cast %add3A_773 : i32 to index
          %swap3A_812 = arith.constant 64 : index
          %swap3A_813 = tpu.vector_load %arg14[%swap3A_811, %swap3A_812] {strides = array<i32>} : memref<80x80xf32, #tpu.memory_space<vmem>>, vector<16xf32>,
          tpu.vector_store %arg14[%swap3A_811, %swap3A_812], %mul3A_810 {strides = array<i32>} : memref<80x80xf32, #tpu.memory_space<vmem>>, vector<16xf32>,
          %slice3A_814 = vector.extract_strided_slice %get3A_126 {offsets = [15], sizes = [1], strides = [1]} : vector<16xf32> to vector<1xf32>
          %squeeze3A_815 = vector.extract %slice3A_814[0] : f32 from vector<1xf32>
          %mul3A_816 = arith.constant 16 : i32
          %mul3A_817 = arith.muli %scan3A_119, %mul3A_816 : i32
          %add3A_818 = arith.constant 15 : i32
          %add3A_819 = arith.addi %mul3A_817, %add3A_818 : i32
          %get3A_820 = arith.index_cast %add3A_819 : i32 to index
          %get3A_821 = arith.constant 0 : index
          %get3A_822 = tpu.vector_load %arg14[%get3A_820, %get3A_821] {strides = array<i32>} : memref<80x80xf32, #tpu.memory_space<vmem>>, vector<16xf32>,
          %mul3A_823 = vector.broadcast %squeeze3A_815 : f32 to vector<16xf32>
          %mul3A_824 = arith.mulf %get3A_822, %mul3A_823 : vector<16xf32>
          %swap3A_825 = arith.index_cast %add3A_819 : i32 to index
          %swap3A_826 = arith.constant 0 : index
          %swap3A_827 = tpu.vector_load %arg14[%swap3A_825, %swap3A_826] {strides = array<i32>} : memref<80x80xf32, #tpu.memory_space<vmem>>, vector<16xf32>,
          tpu.vector_store %arg14[%swap3A_825, %swap3A_826], %mul3A_824 {strides = array<i32>} : memref<80x80xf32, #tpu.memory_space<vmem>>, vector<16xf32>,
          %get3A_828 = arith.index_cast %add3A_819 : i32 to index
          %get3A_829 = arith.constant 16 : index
          %get3A_830 = tpu.vector_load %arg14[%get3A_828, %get3A_829] {strides = array<i32>} : memref<80x80xf32, #tpu.memory_space<vmem>>, vector<16xf32>,
          %mul3A_831 = vector.broadcast %squeeze3A_815 : f32 to vector<16xf32>
          %mul3A_832 = arith.mulf %get3A_830, %mul3A_831 : vector<16xf32>
          %swap3A_833 = arith.index_cast %add3A_819 : i32 to index
          %swap3A_834 = arith.constant 16 : index
          %swap3A_835 = tpu.vector_load %arg14[%swap3A_833, %swap3A_834] {strides = array<i32>} : memref<80x80xf32, #tpu.memory_space<vmem>>, vector<16xf32>,
          tpu.vector_store %arg14[%swap3A_833, %swap3A_834], %mul3A_832 {strides = array<i32>} : memref<80x80xf32, #tpu.memory_space<vmem>>, vector<16xf32>,
          %get3A_836 = arith.index_cast %add3A_819 : i32 to index
          %get3A_837 = arith.constant 32 : index
          %get3A_838 = tpu.vector_load %arg14[%get3A_836, %get3A_837] {strides = array<i32>} : memref<80x80xf32, #tpu.memory_space<vmem>>, vector<16xf32>,
          %mul3A_839 = vector.broadcast %squeeze3A_815 : f32 to vector<16xf32>
          %mul3A_840 = arith.mulf %get3A_838, %mul3A_839 : vector<16xf32>
          %swap3A_841 = arith.index_cast %add3A_819 : i32 to index
          %swap3A_842 = arith.constant 32 : index
          %swap3A_843 = tpu.vector_load %arg14[%swap3A_841, %swap3A_842] {strides = array<i32>} : memref<80x80xf32, #tpu.memory_space<vmem>>, vector<16xf32>,
          tpu.vector_store %arg14[%swap3A_841, %swap3A_842], %mul3A_840 {strides = array<i32>} : memref<80x80xf32, #tpu.memory_space<vmem>>, vector<16xf32>,
          %get3A_844 = arith.index_cast %add3A_819 : i32 to index
          %get3A_845 = arith.constant 48 : index
          %get3A_846 = tpu.vector_load %arg14[%get3A_844, %get3A_845] {strides = array<i32>} : memref<80x80xf32, #tpu.memory_space<vmem>>, vector<16xf32>,
          %mul3A_847 = vector.broadcast %squeeze3A_815 : f32 to vector<16xf32>
          %mul3A_848 = arith.mulf %get3A_846, %mul3A_847 : vector<16xf32>
          %swap3A_849 = arith.index_cast %add3A_819 : i32 to index
          %swap3A_850 = arith.constant 48 : index
          %swap3A_851 = tpu.vector_load %arg14[%swap3A_849, %swap3A_850] {strides = array<i32>} : memref<80x80xf32, #tpu.memory_space<vmem>>, vector<16xf32>,
          tpu.vector_store %arg14[%swap3A_849, %swap3A_850], %mul3A_848 {strides = array<i32>} : memref<80x80xf32, #tpu.memory_space<vmem>>, vector<16xf32>,
          %get3A_852 = arith.index_cast %add3A_819 : i32 to index
          %get3A_853 = arith.constant 64 : index
          %get3A_854 = tpu.vector_load %arg14[%get3A_852, %get3A_853] {strides = array<i32>} : memref<80x80xf32, #tpu.memory_space<vmem>>, vector<16xf32>,
          %mul3A_855 = vector.broadcast %squeeze3A_815 : f32 to vector<16xf32>
          %mul3A_856 = arith.mulf %get3A_854, %mul3A_855 : vector<16xf32>
          %swap3A_857 = arith.index_cast %add3A_819 : i32 to index
          %swap3A_858 = arith.constant 64 : index
          %swap3A_859 = tpu.vector_load %arg14[%swap3A_857, %swap3A_858] {strides = array<i32>} : memref<80x80xf32, #tpu.memory_space<vmem>>, vector<16xf32>,
          tpu.vector_store %arg14[%swap3A_857, %swap3A_858], %mul3A_856 {strides = array<i32>} : memref<80x80xf32, #tpu.memory_space<vmem>>, vector<16xf32>,
          %scan3A_860 = arith.constant 0 : i32
          scf.yield %scan3A_860 : i32
        }
        %scan3A_117 = arith.constant 5 : i32
        "tpu.region"() ({
          %run_scoped3A_119 = tpu.sem_alloc : memref<!tpu.dma_semaphore, #tpu.memory_space<semaphore_mem>>
          %dma_start3A_120 = arith.constant 0 : i32
          %dma_start3A_121 = tpu.memref_slice %arg11[%add3A_110, %dma_start3A_120] : memref<125x80xi32, #tpu.memory_space<vmem>> -> memref<1x80xi32, #tpu.memory_space<vmem>>
          %dma_start3A_122 = tpu.memref_squeeze %dma_start3A_121 : memref<1x80xi32, #tpu.memory_space<vmem>> -> memref<80xi32, #tpu.memory_space<vmem>>
          %dma_start3A_123 = arith.constant 0 : i32
          %dma_start3A_124 = arith.constant 0 : i32
          %dma_start3A_125 = tpu.memref_slice %arg17[%dma_start3A_123, %dma_start3A_124] : memref<10240x80xf32, #tpu.memory_space<vmem_shared>> -> memref<10240x80xf32, #tpu.memory_space<vmem_shared>>
          tpu.enqueue_indirect_dma source(%arg14 : memref<80x80xf32, #tpu.memory_space<vmem>>) target(%dma_start3A_125 : memref<10240x80xf32, #tpu.memory_space<vmem_shared>>) offsets(%dma_start3A_122 : memref<80xi32, #tpu.memory_space<vmem>>) semaphore(%run_scoped3A_119 : memref<!tpu.dma_semaphore, #tpu.memory_space<semaphore_mem>>) {add = true}
          %dma_wait3A_126 = arith.constant 0 : i32
          %dma_wait3A_127 = tpu.memref_slice %arg11[%add3A_110, %dma_wait3A_126] : memref<125x80xi32, #tpu.memory_space<vmem>> -> memref<1x80xi32, #tpu.memory_space<vmem>>
          %dma_wait3A_128 = tpu.memref_squeeze %dma_wait3A_127 : memref<1x80xi32, #tpu.memory_space<vmem>> -> memref<80xi32, #tpu.memory_space<vmem>>
          %dma_wait3A_129 = arith.constant 0 : i32
          %dma_wait3A_130 = arith.constant 0 : i32
          %dma_wait3A_131 = tpu.memref_slice %arg17[%dma_wait3A_129, %dma_wait3A_130] : memref<10240x80xf32, #tpu.memory_space<vmem_shared>> -> memref<10240x80xf32, #tpu.memory_space<vmem_shared>>
          tpu.wait_indirect_dma semaphore(%run_scoped3A_119 : memref<!tpu.dma_semaphore, #tpu.memory_space<semaphore_mem>>) src(%arg14 : memref<80x80xf32, #tpu.memory_space<vmem>>) dst(%dma_wait3A_131 : memref<10240x80xf32, #tpu.memory_space<vmem_shared>>)
          tpu.yield
        }) : () -> ()
        %scan3A_118 = arith.constant 0 : i32
        scf.yield %scan3A_118 : i32
      }
      %scan3A_51 = arith.constant 62 : i32
      %dma_wait3A = arith.constant 0 : i32
      %dma_wait3A_52 = tpu.memref_slice %arg10[%dma_wait3A] : memref<10000xi32, #tpu.memory_space<vmem>> -> memref<80xi32, #tpu.memory_space<vmem>>
      %dma_wait3A_53 = arith.constant 0 : i32
      %dma_wait3A_54 = arith.constant 0 : i32
      %dma_wait3A_55 = tpu.memref_slice %arg2[%dma_wait3A_53, %dma_wait3A_54] : memref<80000x80xf32, #tpu.memory_space<hbm>> -> memref<80000x80xf32, #tpu.memory_space<hbm>>
      tpu.wait_indirect_dma semaphore(%arg18 : memref<!tpu.dma_semaphore, #tpu.memory_space<semaphore_mem>>) src(%dma_wait3A_55 : memref<80000x80xf32, #tpu.memory_space<hbm>>) dst(%arg13 : memref<80x80xf32, #tpu.memory_space<vmem>>)
      %scan3A_56 = arith.constant 0 : i32
      %scan3A_57 = arith.constant 0 : i32
      %scan3A_58 = arith.constant 5 : i32
      %scan3A_59 = arith.addi %scan3A_57, %scan3A_58 : i32
      %scan3A_60 = arith.constant 1 : i32
      %scan3A_61 = scf.for %scan3A_72 = %scan3A_57 to %scan3A_59 step %scan3A_60 iter_args(%scan3A_73 = %scan3A_56) -> (i32)  : i32 {
        %mul3A_74 = arith.constant 16 : i32
        %mul3A_75 = arith.muli %scan3A_72, %mul3A_74 : i32
        %add3A_76 = arith.constant 9920 : i32
        %add3A_77 = arith.addi %add3A_76, %mul3A_75 : i32
        %get3A = arith.index_cast %add3A_77 : i32 to index
        %get3A_78 = tpu.vector_load %arg12[%get3A] {strides = array<i32>} : memref<10000xf32, #tpu.memory_space<vmem>>, vector<16xf32>,
        %slice3A = vector.extract_strided_slice %get3A_78 {offsets = [0], sizes = [1], strides = [1]} : vector<16xf32> to vector<1xf32>
        %squeeze3A = vector.extract %slice3A[0] : f32 from vector<1xf32>
        %mul3A_79 = arith.constant 16 : i32
        %mul3A_80 = arith.muli %scan3A_72, %mul3A_79 : i32
        %add3A_81 = arith.constant 0 : i32
        %add3A_82 = arith.addi %mul3A_80, %add3A_81 : i32
        %get3A_83 = arith.index_cast %add3A_82 : i32 to index
        %get3A_84 = arith.constant 0 : index
        %get3A_85 = tpu.vector_load %arg13[%get3A_83, %get3A_84] {strides = array<i32>} : memref<80x80xf32, #tpu.memory_space<vmem>>, vector<16xf32>,
        %mul3A_86 = vector.broadcast %squeeze3A : f32 to vector<16xf32>
        %mul3A_87 = arith.mulf %get3A_85, %mul3A_86 : vector<16xf32>
        %swap3A = arith.index_cast %add3A_82 : i32 to index
        %swap3A_88 = arith.constant 0 : index
        %swap3A_89 = tpu.vector_load %arg13[%swap3A, %swap3A_88] {strides = array<i32>} : memref<80x80xf32, #tpu.memory_space<vmem>>, vector<16xf32>,
        tpu.vector_store %arg13[%swap3A, %swap3A_88], %mul3A_87 {strides = array<i32>} : memref<80x80xf32, #tpu.memory_space<vmem>>, vector<16xf32>,
        %get3A_90 = arith.index_cast %add3A_82 : i32 to index
        %get3A_91 = arith.constant 16 : index
        %get3A_92 = tpu.vector_load %arg13[%get3A_90, %get3A_91] {strides = array<i32>} : memref<80x80xf32, #tpu.memory_space<vmem>>, vector<16xf32>,
        %mul3A_93 = vector.broadcast %squeeze3A : f32 to vector<16xf32>
        %mul3A_94 = arith.mulf %get3A_92, %mul3A_93 : vector<16xf32>
        %swap3A_95 = arith.index_cast %add3A_82 : i32 to index
        %swap3A_96 = arith.constant 16 : index
        %swap3A_97 = tpu.vector_load %arg13[%swap3A_95, %swap3A_96] {strides = array<i32>} : memref<80x80xf32, #tpu.memory_space<vmem>>, vector<16xf32>,
        tpu.vector_store %arg13[%swap3A_95, %swap3A_96], %mul3A_94 {strides = array<i32>} : memref<80x80xf32, #tpu.memory_space<vmem>>, vector<16xf32>,
        %get3A_98 = arith.index_cast %add3A_82 : i32 to index
        %get3A_99 = arith.constant 32 : index
        %get3A_100 = tpu.vector_load %arg13[%get3A_98, %get3A_99] {strides = array<i32>} : memref<80x80xf32, #tpu.memory_space<vmem>>, vector<16xf32>,
        %mul3A_101 = vector.broadcast %squeeze3A : f32 to vector<16xf32>
        %mul3A_102 = arith.mulf %get3A_100, %mul3A_101 : vector<16xf32>
        %swap3A_103 = arith.index_cast %add3A_82 : i32 to index
        %swap3A_104 = arith.constant 32 : index
        %swap3A_105 = tpu.vector_load %arg13[%swap3A_103, %swap3A_104] {strides = array<i32>} : memref<80x80xf32, #tpu.memory_space<vmem>>, vector<16xf32>,
        tpu.vector_store %arg13[%swap3A_103, %swap3A_104], %mul3A_102 {strides = array<i32>} : memref<80x80xf32, #tpu.memory_space<vmem>>, vector<16xf32>,
        %get3A_106 = arith.index_cast %add3A_82 : i32 to index
        %get3A_107 = arith.constant 48 : index
        %get3A_108 = tpu.vector_load %arg13[%get3A_106, %get3A_107] {strides = array<i32>} : memref<80x80xf32, #tpu.memory_space<vmem>>, vector<16xf32>,
        %mul3A_109 = vector.broadcast %squeeze3A : f32 to vector<16xf32>
        %mul3A_110 = arith.mulf %get3A_108, %mul3A_109 : vector<16xf32>
        %swap3A_111 = arith.index_cast %add3A_82 : i32 to index
        %swap3A_112 = arith.constant 48 : index
        %swap3A_113 = tpu.vector_load %arg13[%swap3A_111, %swap3A_112] {strides = array<i32>} : memref<80x80xf32, #tpu.memory_space<vmem>>, vector<16xf32>,
        tpu.vector_store %arg13[%swap3A_111, %swap3A_112], %mul3A_110 {strides = array<i32>} : memref<80x80xf32, #tpu.memory_space<vmem>>, vector<16xf32>,
        %get3A_114 = arith.index_cast %add3A_82 : i32 to index
        %get3A_115 = arith.constant 64 : index
        %get3A_116 = tpu.vector_load %arg13[%get3A_114, %get3A_115] {strides = array<i32>} : memref<80x80xf32, #tpu.memory_space<vmem>>, vector<16xf32>,
        %mul3A_117 = vector.broadcast %squeeze3A : f32 to vector<16xf32>
        %mul3A_118 = arith.mulf %get3A_116, %mul3A_117 : vector<16xf32>
        %swap3A_119 = arith.index_cast %add3A_82 : i32 to index
        %swap3A_120 = arith.constant 64 : index
        %swap3A_121 = tpu.vector_load %arg13[%swap3A_119, %swap3A_120] {strides = array<i32>} : memref<80x80xf32, #tpu.memory_space<vmem>>, vector<16xf32>,
        tpu.vector_store %arg13[%swap3A_119, %swap3A_120], %mul3A_118 {strides = array<i32>} : memref<80x80xf32, #tpu.memory_space<vmem>>, vector<16xf32>,
        %slice3A_122 = vector.extract_strided_slice %get3A_78 {offsets = [1], sizes = [1], strides = [1]} : vector<16xf32> to vector<1xf32>
        %squeeze3A_123 = vector.extract %slice3A_122[0] : f32 from vector<1xf32>
        %mul3A_124 = arith.constant 16 : i32
        %mul3A_125 = arith.muli %scan3A_72, %mul3A_124 : i32
        %add3A_126 = arith.constant 1 : i32
        %add3A_127 = arith.addi %mul3A_125, %add3A_126 : i32
        %get3A_128 = arith.index_cast %add3A_127 : i32 to index
        %get3A_129 = arith.constant 0 : index
        %get3A_130 = tpu.vector_load %arg13[%get3A_128, %get3A_129] {strides = array<i32>} : memref<80x80xf32, #tpu.memory_space<vmem>>, vector<16xf32>,
        %mul3A_131 = vector.broadcast %squeeze3A_123 : f32 to vector<16xf32>
        %mul3A_132 = arith.mulf %get3A_130, %mul3A_131 : vector<16xf32>
        %swap3A_133 = arith.index_cast %add3A_127 : i32 to index
        %swap3A_134 = arith.constant 0 : index
        %swap3A_135 = tpu.vector_load %arg13[%swap3A_133, %swap3A_134] {strides = array<i32>} : memref<80x80xf32, #tpu.memory_space<vmem>>, vector<16xf32>,
        tpu.vector_store %arg13[%swap3A_133, %swap3A_134], %mul3A_132 {strides = array<i32>} : memref<80x80xf32, #tpu.memory_space<vmem>>, vector<16xf32>,
        %get3A_136 = arith.index_cast %add3A_127 : i32 to index
        %get3A_137 = arith.constant 16 : index
        %get3A_138 = tpu.vector_load %arg13[%get3A_136, %get3A_137] {strides = array<i32>} : memref<80x80xf32, #tpu.memory_space<vmem>>, vector<16xf32>,
        %mul3A_139 = vector.broadcast %squeeze3A_123 : f32 to vector<16xf32>
        %mul3A_140 = arith.mulf %get3A_138, %mul3A_139 : vector<16xf32>
        %swap3A_141 = arith.index_cast %add3A_127 : i32 to index
        %swap3A_142 = arith.constant 16 : index
        %swap3A_143 = tpu.vector_load %arg13[%swap3A_141, %swap3A_142] {strides = array<i32>} : memref<80x80xf32, #tpu.memory_space<vmem>>, vector<16xf32>,
        tpu.vector_store %arg13[%swap3A_141, %swap3A_142], %mul3A_140 {strides = array<i32>} : memref<80x80xf32, #tpu.memory_space<vmem>>, vector<16xf32>,
        %get3A_144 = arith.index_cast %add3A_127 : i32 to index
        %get3A_145 = arith.constant 32 : index
        %get3A_146 = tpu.vector_load %arg13[%get3A_144, %get3A_145] {strides = array<i32>} : memref<80x80xf32, #tpu.memory_space<vmem>>, vector<16xf32>,
        %mul3A_147 = vector.broadcast %squeeze3A_123 : f32 to vector<16xf32>
        %mul3A_148 = arith.mulf %get3A_146, %mul3A_147 : vector<16xf32>
        %swap3A_149 = arith.index_cast %add3A_127 : i32 to index
        %swap3A_150 = arith.constant 32 : index
        %swap3A_151 = tpu.vector_load %arg13[%swap3A_149, %swap3A_150] {strides = array<i32>} : memref<80x80xf32, #tpu.memory_space<vmem>>, vector<16xf32>,
        tpu.vector_store %arg13[%swap3A_149, %swap3A_150], %mul3A_148 {strides = array<i32>} : memref<80x80xf32, #tpu.memory_space<vmem>>, vector<16xf32>,
        %get3A_152 = arith.index_cast %add3A_127 : i32 to index
        %get3A_153 = arith.constant 48 : index
        %get3A_154 = tpu.vector_load %arg13[%get3A_152, %get3A_153] {strides = array<i32>} : memref<80x80xf32, #tpu.memory_space<vmem>>, vector<16xf32>,
        %mul3A_155 = vector.broadcast %squeeze3A_123 : f32 to vector<16xf32>
        %mul3A_156 = arith.mulf %get3A_154, %mul3A_155 : vector<16xf32>
        %swap3A_157 = arith.index_cast %add3A_127 : i32 to index
        %swap3A_158 = arith.constant 48 : index
        %swap3A_159 = tpu.vector_load %arg13[%swap3A_157, %swap3A_158] {strides = array<i32>} : memref<80x80xf32, #tpu.memory_space<vmem>>, vector<16xf32>,
        tpu.vector_store %arg13[%swap3A_157, %swap3A_158], %mul3A_156 {strides = array<i32>} : memref<80x80xf32, #tpu.memory_space<vmem>>, vector<16xf32>,
        %get3A_160 = arith.index_cast %add3A_127 : i32 to index
        %get3A_161 = arith.constant 64 : index
        %get3A_162 = tpu.vector_load %arg13[%get3A_160, %get3A_161] {strides = array<i32>} : memref<80x80xf32, #tpu.memory_space<vmem>>, vector<16xf32>,
        %mul3A_163 = vector.broadcast %squeeze3A_123 : f32 to vector<16xf32>
        %mul3A_164 = arith.mulf %get3A_162, %mul3A_163 : vector<16xf32>
        %swap3A_165 = arith.index_cast %add3A_127 : i32 to index
        %swap3A_166 = arith.constant 64 : index
        %swap3A_167 = tpu.vector_load %arg13[%swap3A_165, %swap3A_166] {strides = array<i32>} : memref<80x80xf32, #tpu.memory_space<vmem>>, vector<16xf32>,
        tpu.vector_store %arg13[%swap3A_165, %swap3A_166], %mul3A_164 {strides = array<i32>} : memref<80x80xf32, #tpu.memory_space<vmem>>, vector<16xf32>,
        %slice3A_168 = vector.extract_strided_slice %get3A_78 {offsets = [2], sizes = [1], strides = [1]} : vector<16xf32> to vector<1xf32>
        %squeeze3A_169 = vector.extract %slice3A_168[0] : f32 from vector<1xf32>
        %mul3A_170 = arith.constant 16 : i32
        %mul3A_171 = arith.muli %scan3A_72, %mul3A_170 : i32
        %add3A_172 = arith.constant 2 : i32
        %add3A_173 = arith.addi %mul3A_171, %add3A_172 : i32
        %get3A_174 = arith.index_cast %add3A_173 : i32 to index
        %get3A_175 = arith.constant 0 : index
        %get3A_176 = tpu.vector_load %arg13[%get3A_174, %get3A_175] {strides = array<i32>} : memref<80x80xf32, #tpu.memory_space<vmem>>, vector<16xf32>,
        %mul3A_177 = vector.broadcast %squeeze3A_169 : f32 to vector<16xf32>
        %mul3A_178 = arith.mulf %get3A_176, %mul3A_177 : vector<16xf32>
        %swap3A_179 = arith.index_cast %add3A_173 : i32 to index
        %swap3A_180 = arith.constant 0 : index
        %swap3A_181 = tpu.vector_load %arg13[%swap3A_179, %swap3A_180] {strides = array<i32>} : memref<80x80xf32, #tpu.memory_space<vmem>>, vector<16xf32>,
        tpu.vector_store %arg13[%swap3A_179, %swap3A_180], %mul3A_178 {strides = array<i32>} : memref<80x80xf32, #tpu.memory_space<vmem>>, vector<16xf32>,
        %get3A_182 = arith.index_cast %add3A_173 : i32 to index
        %get3A_183 = arith.constant 16 : index
        %get3A_184 = tpu.vector_load %arg13[%get3A_182, %get3A_183] {strides = array<i32>} : memref<80x80xf32, #tpu.memory_space<vmem>>, vector<16xf32>,
        %mul3A_185 = vector.broadcast %squeeze3A_169 : f32 to vector<16xf32>
        %mul3A_186 = arith.mulf %get3A_184, %mul3A_185 : vector<16xf32>
        %swap3A_187 = arith.index_cast %add3A_173 : i32 to index
        %swap3A_188 = arith.constant 16 : index
        %swap3A_189 = tpu.vector_load %arg13[%swap3A_187, %swap3A_188] {strides = array<i32>} : memref<80x80xf32, #tpu.memory_space<vmem>>, vector<16xf32>,
        tpu.vector_store %arg13[%swap3A_187, %swap3A_188], %mul3A_186 {strides = array<i32>} : memref<80x80xf32, #tpu.memory_space<vmem>>, vector<16xf32>,
        %get3A_190 = arith.index_cast %add3A_173 : i32 to index
        %get3A_191 = arith.constant 32 : index
        %get3A_192 = tpu.vector_load %arg13[%get3A_190, %get3A_191] {strides = array<i32>} : memref<80x80xf32, #tpu.memory_space<vmem>>, vector<16xf32>,
        %mul3A_193 = vector.broadcast %squeeze3A_169 : f32 to vector<16xf32>
        %mul3A_194 = arith.mulf %get3A_192, %mul3A_193 : vector<16xf32>
        %swap3A_195 = arith.index_cast %add3A_173 : i32 to index
        %swap3A_196 = arith.constant 32 : index
        %swap3A_197 = tpu.vector_load %arg13[%swap3A_195, %swap3A_196] {strides = array<i32>} : memref<80x80xf32, #tpu.memory_space<vmem>>, vector<16xf32>,
        tpu.vector_store %arg13[%swap3A_195, %swap3A_196], %mul3A_194 {strides = array<i32>} : memref<80x80xf32, #tpu.memory_space<vmem>>, vector<16xf32>,
        %get3A_198 = arith.index_cast %add3A_173 : i32 to index
        %get3A_199 = arith.constant 48 : index
        %get3A_200 = tpu.vector_load %arg13[%get3A_198, %get3A_199] {strides = array<i32>} : memref<80x80xf32, #tpu.memory_space<vmem>>, vector<16xf32>,
        %mul3A_201 = vector.broadcast %squeeze3A_169 : f32 to vector<16xf32>
        %mul3A_202 = arith.mulf %get3A_200, %mul3A_201 : vector<16xf32>
        %swap3A_203 = arith.index_cast %add3A_173 : i32 to index
        %swap3A_204 = arith.constant 48 : index
        %swap3A_205 = tpu.vector_load %arg13[%swap3A_203, %swap3A_204] {strides = array<i32>} : memref<80x80xf32, #tpu.memory_space<vmem>>, vector<16xf32>,
        tpu.vector_store %arg13[%swap3A_203, %swap3A_204], %mul3A_202 {strides = array<i32>} : memref<80x80xf32, #tpu.memory_space<vmem>>, vector<16xf32>,
        %get3A_206 = arith.index_cast %add3A_173 : i32 to index
        %get3A_207 = arith.constant 64 : index
        %get3A_208 = tpu.vector_load %arg13[%get3A_206, %get3A_207] {strides = array<i32>} : memref<80x80xf32, #tpu.memory_space<vmem>>, vector<16xf32>,
        %mul3A_209 = vector.broadcast %squeeze3A_169 : f32 to vector<16xf32>
        %mul3A_210 = arith.mulf %get3A_208, %mul3A_209 : vector<16xf32>
        %swap3A_211 = arith.index_cast %add3A_173 : i32 to index
        %swap3A_212 = arith.constant 64 : index
        %swap3A_213 = tpu.vector_load %arg13[%swap3A_211, %swap3A_212] {strides = array<i32>} : memref<80x80xf32, #tpu.memory_space<vmem>>, vector<16xf32>,
        tpu.vector_store %arg13[%swap3A_211, %swap3A_212], %mul3A_210 {strides = array<i32>} : memref<80x80xf32, #tpu.memory_space<vmem>>, vector<16xf32>,
        %slice3A_214 = vector.extract_strided_slice %get3A_78 {offsets = [3], sizes = [1], strides = [1]} : vector<16xf32> to vector<1xf32>
        %squeeze3A_215 = vector.extract %slice3A_214[0] : f32 from vector<1xf32>
        %mul3A_216 = arith.constant 16 : i32
        %mul3A_217 = arith.muli %scan3A_72, %mul3A_216 : i32
        %add3A_218 = arith.constant 3 : i32
        %add3A_219 = arith.addi %mul3A_217, %add3A_218 : i32
        %get3A_220 = arith.index_cast %add3A_219 : i32 to index
        %get3A_221 = arith.constant 0 : index
        %get3A_222 = tpu.vector_load %arg13[%get3A_220, %get3A_221] {strides = array<i32>} : memref<80x80xf32, #tpu.memory_space<vmem>>, vector<16xf32>,
        %mul3A_223 = vector.broadcast %squeeze3A_215 : f32 to vector<16xf32>
        %mul3A_224 = arith.mulf %get3A_222, %mul3A_223 : vector<16xf32>
        %swap3A_225 = arith.index_cast %add3A_219 : i32 to index
        %swap3A_226 = arith.constant 0 : index
        %swap3A_227 = tpu.vector_load %arg13[%swap3A_225, %swap3A_226] {strides = array<i32>} : memref<80x80xf32, #tpu.memory_space<vmem>>, vector<16xf32>,
        tpu.vector_store %arg13[%swap3A_225, %swap3A_226], %mul3A_224 {strides = array<i32>} : memref<80x80xf32, #tpu.memory_space<vmem>>, vector<16xf32>,
        %get3A_228 = arith.index_cast %add3A_219 : i32 to index
        %get3A_229 = arith.constant 16 : index
        %get3A_230 = tpu.vector_load %arg13[%get3A_228, %get3A_229] {strides = array<i32>} : memref<80x80xf32, #tpu.memory_space<vmem>>, vector<16xf32>,
        %mul3A_231 = vector.broadcast %squeeze3A_215 : f32 to vector<16xf32>
        %mul3A_232 = arith.mulf %get3A_230, %mul3A_231 : vector<16xf32>
        %swap3A_233 = arith.index_cast %add3A_219 : i32 to index
        %swap3A_234 = arith.constant 16 : index
        %swap3A_235 = tpu.vector_load %arg13[%swap3A_233, %swap3A_234] {strides = array<i32>} : memref<80x80xf32, #tpu.memory_space<vmem>>, vector<16xf32>,
        tpu.vector_store %arg13[%swap3A_233, %swap3A_234], %mul3A_232 {strides = array<i32>} : memref<80x80xf32, #tpu.memory_space<vmem>>, vector<16xf32>,
        %get3A_236 = arith.index_cast %add3A_219 : i32 to index
        %get3A_237 = arith.constant 32 : index
        %get3A_238 = tpu.vector_load %arg13[%get3A_236, %get3A_237] {strides = array<i32>} : memref<80x80xf32, #tpu.memory_space<vmem>>, vector<16xf32>,
        %mul3A_239 = vector.broadcast %squeeze3A_215 : f32 to vector<16xf32>
        %mul3A_240 = arith.mulf %get3A_238, %mul3A_239 : vector<16xf32>
        %swap3A_241 = arith.index_cast %add3A_219 : i32 to index
        %swap3A_242 = arith.constant 32 : index
        %swap3A_243 = tpu.vector_load %arg13[%swap3A_241, %swap3A_242] {strides = array<i32>} : memref<80x80xf32, #tpu.memory_space<vmem>>, vector<16xf32>,
        tpu.vector_store %arg13[%swap3A_241, %swap3A_242], %mul3A_240 {strides = array<i32>} : memref<80x80xf32, #tpu.memory_space<vmem>>, vector<16xf32>,
        %get3A_244 = arith.index_cast %add3A_219 : i32 to index
        %get3A_245 = arith.constant 48 : index
        %get3A_246 = tpu.vector_load %arg13[%get3A_244, %get3A_245] {strides = array<i32>} : memref<80x80xf32, #tpu.memory_space<vmem>>, vector<16xf32>,
        %mul3A_247 = vector.broadcast %squeeze3A_215 : f32 to vector<16xf32>
        %mul3A_248 = arith.mulf %get3A_246, %mul3A_247 : vector<16xf32>
        %swap3A_249 = arith.index_cast %add3A_219 : i32 to index
        %swap3A_250 = arith.constant 48 : index
        %swap3A_251 = tpu.vector_load %arg13[%swap3A_249, %swap3A_250] {strides = array<i32>} : memref<80x80xf32, #tpu.memory_space<vmem>>, vector<16xf32>,
        tpu.vector_store %arg13[%swap3A_249, %swap3A_250], %mul3A_248 {strides = array<i32>} : memref<80x80xf32, #tpu.memory_space<vmem>>, vector<16xf32>,
        %get3A_252 = arith.index_cast %add3A_219 : i32 to index
        %get3A_253 = arith.constant 64 : index
        %get3A_254 = tpu.vector_load %arg13[%get3A_252, %get3A_253] {strides = array<i32>} : memref<80x80xf32, #tpu.memory_space<vmem>>, vector<16xf32>,
        %mul3A_255 = vector.broadcast %squeeze3A_215 : f32 to vector<16xf32>
        %mul3A_256 = arith.mulf %get3A_254, %mul3A_255 : vector<16xf32>
        %swap3A_257 = arith.index_cast %add3A_219 : i32 to index
        %swap3A_258 = arith.constant 64 : index
        %swap3A_259 = tpu.vector_load %arg13[%swap3A_257, %swap3A_258] {strides = array<i32>} : memref<80x80xf32, #tpu.memory_space<vmem>>, vector<16xf32>,
        tpu.vector_store %arg13[%swap3A_257, %swap3A_258], %mul3A_256 {strides = array<i32>} : memref<80x80xf32, #tpu.memory_space<vmem>>, vector<16xf32>,
        %slice3A_260 = vector.extract_strided_slice %get3A_78 {offsets = [4], sizes = [1], strides = [1]} : vector<16xf32> to vector<1xf32>
        %squeeze3A_261 = vector.extract %slice3A_260[0] : f32 from vector<1xf32>
        %mul3A_262 = arith.constant 16 : i32
        %mul3A_263 = arith.muli %scan3A_72, %mul3A_262 : i32
        %add3A_264 = arith.constant 4 : i32
        %add3A_265 = arith.addi %mul3A_263, %add3A_264 : i32
        %get3A_266 = arith.index_cast %add3A_265 : i32 to index
        %get3A_267 = arith.constant 0 : index
        %get3A_268 = tpu.vector_load %arg13[%get3A_266, %get3A_267] {strides = array<i32>} : memref<80x80xf32, #tpu.memory_space<vmem>>, vector<16xf32>,
        %mul3A_269 = vector.broadcast %squeeze3A_261 : f32 to vector<16xf32>
        %mul3A_270 = arith.mulf %get3A_268, %mul3A_269 : vector<16xf32>
        %swap3A_271 = arith.index_cast %add3A_265 : i32 to index
        %swap3A_272 = arith.constant 0 : index
        %swap3A_273 = tpu.vector_load %arg13[%swap3A_271, %swap3A_272] {strides = array<i32>} : memref<80x80xf32, #tpu.memory_space<vmem>>, vector<16xf32>,
        tpu.vector_store %arg13[%swap3A_271, %swap3A_272], %mul3A_270 {strides = array<i32>} : memref<80x80xf32, #tpu.memory_space<vmem>>, vector<16xf32>,
        %get3A_274 = arith.index_cast %add3A_265 : i32 to index
        %get3A_275 = arith.constant 16 : index
        %get3A_276 = tpu.vector_load %arg13[%get3A_274, %get3A_275] {strides = array<i32>} : memref<80x80xf32, #tpu.memory_space<vmem>>, vector<16xf32>,
        %mul3A_277 = vector.broadcast %squeeze3A_261 : f32 to vector<16xf32>
        %mul3A_278 = arith.mulf %get3A_276, %mul3A_277 : vector<16xf32>
        %swap3A_279 = arith.index_cast %add3A_265 : i32 to index
        %swap3A_280 = arith.constant 16 : index
        %swap3A_281 = tpu.vector_load %arg13[%swap3A_279, %swap3A_280] {strides = array<i32>} : memref<80x80xf32, #tpu.memory_space<vmem>>, vector<16xf32>,
        tpu.vector_store %arg13[%swap3A_279, %swap3A_280], %mul3A_278 {strides = array<i32>} : memref<80x80xf32, #tpu.memory_space<vmem>>, vector<16xf32>,
        %get3A_282 = arith.index_cast %add3A_265 : i32 to index
        %get3A_283 = arith.constant 32 : index
        %get3A_284 = tpu.vector_load %arg13[%get3A_282, %get3A_283] {strides = array<i32>} : memref<80x80xf32, #tpu.memory_space<vmem>>, vector<16xf32>,
        %mul3A_285 = vector.broadcast %squeeze3A_261 : f32 to vector<16xf32>
        %mul3A_286 = arith.mulf %get3A_284, %mul3A_285 : vector<16xf32>
        %swap3A_287 = arith.index_cast %add3A_265 : i32 to index
        %swap3A_288 = arith.constant 32 : index
        %swap3A_289 = tpu.vector_load %arg13[%swap3A_287, %swap3A_288] {strides = array<i32>} : memref<80x80xf32, #tpu.memory_space<vmem>>, vector<16xf32>,
        tpu.vector_store %arg13[%swap3A_287, %swap3A_288], %mul3A_286 {strides = array<i32>} : memref<80x80xf32, #tpu.memory_space<vmem>>, vector<16xf32>,
        %get3A_290 = arith.index_cast %add3A_265 : i32 to index
        %get3A_291 = arith.constant 48 : index
        %get3A_292 = tpu.vector_load %arg13[%get3A_290, %get3A_291] {strides = array<i32>} : memref<80x80xf32, #tpu.memory_space<vmem>>, vector<16xf32>,
        %mul3A_293 = vector.broadcast %squeeze3A_261 : f32 to vector<16xf32>
        %mul3A_294 = arith.mulf %get3A_292, %mul3A_293 : vector<16xf32>
        %swap3A_295 = arith.index_cast %add3A_265 : i32 to index
        %swap3A_296 = arith.constant 48 : index
        %swap3A_297 = tpu.vector_load %arg13[%swap3A_295, %swap3A_296] {strides = array<i32>} : memref<80x80xf32, #tpu.memory_space<vmem>>, vector<16xf32>,
        tpu.vector_store %arg13[%swap3A_295, %swap3A_296], %mul3A_294 {strides = array<i32>} : memref<80x80xf32, #tpu.memory_space<vmem>>, vector<16xf32>,
        %get3A_298 = arith.index_cast %add3A_265 : i32 to index
        %get3A_299 = arith.constant 64 : index
        %get3A_300 = tpu.vector_load %arg13[%get3A_298, %get3A_299] {strides = array<i32>} : memref<80x80xf32, #tpu.memory_space<vmem>>, vector<16xf32>,
        %mul3A_301 = vector.broadcast %squeeze3A_261 : f32 to vector<16xf32>
        %mul3A_302 = arith.mulf %get3A_300, %mul3A_301 : vector<16xf32>
        %swap3A_303 = arith.index_cast %add3A_265 : i32 to index
        %swap3A_304 = arith.constant 64 : index
        %swap3A_305 = tpu.vector_load %arg13[%swap3A_303, %swap3A_304] {strides = array<i32>} : memref<80x80xf32, #tpu.memory_space<vmem>>, vector<16xf32>,
        tpu.vector_store %arg13[%swap3A_303, %swap3A_304], %mul3A_302 {strides = array<i32>} : memref<80x80xf32, #tpu.memory_space<vmem>>, vector<16xf32>,
        %slice3A_306 = vector.extract_strided_slice %get3A_78 {offsets = [5], sizes = [1], strides = [1]} : vector<16xf32> to vector<1xf32>
        %squeeze3A_307 = vector.extract %slice3A_306[0] : f32 from vector<1xf32>
        %mul3A_308 = arith.constant 16 : i32
        %mul3A_309 = arith.muli %scan3A_72, %mul3A_308 : i32
        %add3A_310 = arith.constant 5 : i32
        %add3A_311 = arith.addi %mul3A_309, %add3A_310 : i32
        %get3A_312 = arith.index_cast %add3A_311 : i32 to index
        %get3A_313 = arith.constant 0 : index
        %get3A_314 = tpu.vector_load %arg13[%get3A_312, %get3A_313] {strides = array<i32>} : memref<80x80xf32, #tpu.memory_space<vmem>>, vector<16xf32>,
        %mul3A_315 = vector.broadcast %squeeze3A_307 : f32 to vector<16xf32>
        %mul3A_316 = arith.mulf %get3A_314, %mul3A_315 : vector<16xf32>
        %swap3A_317 = arith.index_cast %add3A_311 : i32 to index
        %swap3A_318 = arith.constant 0 : index
        %swap3A_319 = tpu.vector_load %arg13[%swap3A_317, %swap3A_318] {strides = array<i32>} : memref<80x80xf32, #tpu.memory_space<vmem>>, vector<16xf32>,
        tpu.vector_store %arg13[%swap3A_317, %swap3A_318], %mul3A_316 {strides = array<i32>} : memref<80x80xf32, #tpu.memory_space<vmem>>, vector<16xf32>,
        %get3A_320 = arith.index_cast %add3A_311 : i32 to index
        %get3A_321 = arith.constant 16 : index
        %get3A_322 = tpu.vector_load %arg13[%get3A_320, %get3A_321] {strides = array<i32>} : memref<80x80xf32, #tpu.memory_space<vmem>>, vector<16xf32>,
        %mul3A_323 = vector.broadcast %squeeze3A_307 : f32 to vector<16xf32>
        %mul3A_324 = arith.mulf %get3A_322, %mul3A_323 : vector<16xf32>
        %swap3A_325 = arith.index_cast %add3A_311 : i32 to index
        %swap3A_326 = arith.constant 16 : index
        %swap3A_327 = tpu.vector_load %arg13[%swap3A_325, %swap3A_326] {strides = array<i32>} : memref<80x80xf32, #tpu.memory_space<vmem>>, vector<16xf32>,
        tpu.vector_store %arg13[%swap3A_325, %swap3A_326], %mul3A_324 {strides = array<i32>} : memref<80x80xf32, #tpu.memory_space<vmem>>, vector<16xf32>,
        %get3A_328 = arith.index_cast %add3A_311 : i32 to index
        %get3A_329 = arith.constant 32 : index
        %get3A_330 = tpu.vector_load %arg13[%get3A_328, %get3A_329] {strides = array<i32>} : memref<80x80xf32, #tpu.memory_space<vmem>>, vector<16xf32>,
        %mul3A_331 = vector.broadcast %squeeze3A_307 : f32 to vector<16xf32>
        %mul3A_332 = arith.mulf %get3A_330, %mul3A_331 : vector<16xf32>
        %swap3A_333 = arith.index_cast %add3A_311 : i32 to index
        %swap3A_334 = arith.constant 32 : index
        %swap3A_335 = tpu.vector_load %arg13[%swap3A_333, %swap3A_334] {strides = array<i32>} : memref<80x80xf32, #tpu.memory_space<vmem>>, vector<16xf32>,
        tpu.vector_store %arg13[%swap3A_333, %swap3A_334], %mul3A_332 {strides = array<i32>} : memref<80x80xf32, #tpu.memory_space<vmem>>, vector<16xf32>,
        %get3A_336 = arith.index_cast %add3A_311 : i32 to index
        %get3A_337 = arith.constant 48 : index
        %get3A_338 = tpu.vector_load %arg13[%get3A_336, %get3A_337] {strides = array<i32>} : memref<80x80xf32, #tpu.memory_space<vmem>>, vector<16xf32>,
        %mul3A_339 = vector.broadcast %squeeze3A_307 : f32 to vector<16xf32>
        %mul3A_340 = arith.mulf %get3A_338, %mul3A_339 : vector<16xf32>
        %swap3A_341 = arith.index_cast %add3A_311 : i32 to index
        %swap3A_342 = arith.constant 48 : index
        %swap3A_343 = tpu.vector_load %arg13[%swap3A_341, %swap3A_342] {strides = array<i32>} : memref<80x80xf32, #tpu.memory_space<vmem>>, vector<16xf32>,
        tpu.vector_store %arg13[%swap3A_341, %swap3A_342], %mul3A_340 {strides = array<i32>} : memref<80x80xf32, #tpu.memory_space<vmem>>, vector<16xf32>,
        %get3A_344 = arith.index_cast %add3A_311 : i32 to index
        %get3A_345 = arith.constant 64 : index
        %get3A_346 = tpu.vector_load %arg13[%get3A_344, %get3A_345] {strides = array<i32>} : memref<80x80xf32, #tpu.memory_space<vmem>>, vector<16xf32>,
        %mul3A_347 = vector.broadcast %squeeze3A_307 : f32 to vector<16xf32>
        %mul3A_348 = arith.mulf %get3A_346, %mul3A_347 : vector<16xf32>
        %swap3A_349 = arith.index_cast %add3A_311 : i32 to index
        %swap3A_350 = arith.constant 64 : index
        %swap3A_351 = tpu.vector_load %arg13[%swap3A_349, %swap3A_350] {strides = array<i32>} : memref<80x80xf32, #tpu.memory_space<vmem>>, vector<16xf32>,
        tpu.vector_store %arg13[%swap3A_349, %swap3A_350], %mul3A_348 {strides = array<i32>} : memref<80x80xf32, #tpu.memory_space<vmem>>, vector<16xf32>,
        %slice3A_352 = vector.extract_strided_slice %get3A_78 {offsets = [6], sizes = [1], strides = [1]} : vector<16xf32> to vector<1xf32>
        %squeeze3A_353 = vector.extract %slice3A_352[0] : f32 from vector<1xf32>
        %mul3A_354 = arith.constant 16 : i32
        %mul3A_355 = arith.muli %scan3A_72, %mul3A_354 : i32
        %add3A_356 = arith.constant 6 : i32
        %add3A_357 = arith.addi %mul3A_355, %add3A_356 : i32
        %get3A_358 = arith.index_cast %add3A_357 : i32 to index
        %get3A_359 = arith.constant 0 : index
        %get3A_360 = tpu.vector_load %arg13[%get3A_358, %get3A_359] {strides = array<i32>} : memref<80x80xf32, #tpu.memory_space<vmem>>, vector<16xf32>,
        %mul3A_361 = vector.broadcast %squeeze3A_353 : f32 to vector<16xf32>
        %mul3A_362 = arith.mulf %get3A_360, %mul3A_361 : vector<16xf32>
        %swap3A_363 = arith.index_cast %add3A_357 : i32 to index
        %swap3A_364 = arith.constant 0 : index
        %swap3A_365 = tpu.vector_load %arg13[%swap3A_363, %swap3A_364] {strides = array<i32>} : memref<80x80xf32, #tpu.memory_space<vmem>>, vector<16xf32>,
        tpu.vector_store %arg13[%swap3A_363, %swap3A_364], %mul3A_362 {strides = array<i32>} : memref<80x80xf32, #tpu.memory_space<vmem>>, vector<16xf32>,
        %get3A_366 = arith.index_cast %add3A_357 : i32 to index
        %get3A_367 = arith.constant 16 : index
        %get3A_368 = tpu.vector_load %arg13[%get3A_366, %get3A_367] {strides = array<i32>} : memref<80x80xf32, #tpu.memory_space<vmem>>, vector<16xf32>,
        %mul3A_369 = vector.broadcast %squeeze3A_353 : f32 to vector<16xf32>
        %mul3A_370 = arith.mulf %get3A_368, %mul3A_369 : vector<16xf32>
        %swap3A_371 = arith.index_cast %add3A_357 : i32 to index
        %swap3A_372 = arith.constant 16 : index
        %swap3A_373 = tpu.vector_load %arg13[%swap3A_371, %swap3A_372] {strides = array<i32>} : memref<80x80xf32, #tpu.memory_space<vmem>>, vector<16xf32>,
        tpu.vector_store %arg13[%swap3A_371, %swap3A_372], %mul3A_370 {strides = array<i32>} : memref<80x80xf32, #tpu.memory_space<vmem>>, vector<16xf32>,
        %get3A_374 = arith.index_cast %add3A_357 : i32 to index
        %get3A_375 = arith.constant 32 : index
        %get3A_376 = tpu.vector_load %arg13[%get3A_374, %get3A_375] {strides = array<i32>} : memref<80x80xf32, #tpu.memory_space<vmem>>, vector<16xf32>,
        %mul3A_377 = vector.broadcast %squeeze3A_353 : f32 to vector<16xf32>
        %mul3A_378 = arith.mulf %get3A_376, %mul3A_377 : vector<16xf32>
        %swap3A_379 = arith.index_cast %add3A_357 : i32 to index
        %swap3A_380 = arith.constant 32 : index
        %swap3A_381 = tpu.vector_load %arg13[%swap3A_379, %swap3A_380] {strides = array<i32>} : memref<80x80xf32, #tpu.memory_space<vmem>>, vector<16xf32>,
        tpu.vector_store %arg13[%swap3A_379, %swap3A_380], %mul3A_378 {strides = array<i32>} : memref<80x80xf32, #tpu.memory_space<vmem>>, vector<16xf32>,
        %get3A_382 = arith.index_cast %add3A_357 : i32 to index
        %get3A_383 = arith.constant 48 : index
        %get3A_384 = tpu.vector_load %arg13[%get3A_382, %get3A_383] {strides = array<i32>} : memref<80x80xf32, #tpu.memory_space<vmem>>, vector<16xf32>,
        %mul3A_385 = vector.broadcast %squeeze3A_353 : f32 to vector<16xf32>
        %mul3A_386 = arith.mulf %get3A_384, %mul3A_385 : vector<16xf32>
        %swap3A_387 = arith.index_cast %add3A_357 : i32 to index
        %swap3A_388 = arith.constant 48 : index
        %swap3A_389 = tpu.vector_load %arg13[%swap3A_387, %swap3A_388] {strides = array<i32>} : memref<80x80xf32, #tpu.memory_space<vmem>>, vector<16xf32>,
        tpu.vector_store %arg13[%swap3A_387, %swap3A_388], %mul3A_386 {strides = array<i32>} : memref<80x80xf32, #tpu.memory_space<vmem>>, vector<16xf32>,
        %get3A_390 = arith.index_cast %add3A_357 : i32 to index
        %get3A_391 = arith.constant 64 : index
        %get3A_392 = tpu.vector_load %arg13[%get3A_390, %get3A_391] {strides = array<i32>} : memref<80x80xf32, #tpu.memory_space<vmem>>, vector<16xf32>,
        %mul3A_393 = vector.broadcast %squeeze3A_353 : f32 to vector<16xf32>
        %mul3A_394 = arith.mulf %get3A_392, %mul3A_393 : vector<16xf32>
        %swap3A_395 = arith.index_cast %add3A_357 : i32 to index
        %swap3A_396 = arith.constant 64 : index
        %swap3A_397 = tpu.vector_load %arg13[%swap3A_395, %swap3A_396] {strides = array<i32>} : memref<80x80xf32, #tpu.memory_space<vmem>>, vector<16xf32>,
        tpu.vector_store %arg13[%swap3A_395, %swap3A_396], %mul3A_394 {strides = array<i32>} : memref<80x80xf32, #tpu.memory_space<vmem>>, vector<16xf32>,
        %slice3A_398 = vector.extract_strided_slice %get3A_78 {offsets = [7], sizes = [1], strides = [1]} : vector<16xf32> to vector<1xf32>
        %squeeze3A_399 = vector.extract %slice3A_398[0] : f32 from vector<1xf32>
        %mul3A_400 = arith.constant 16 : i32
        %mul3A_401 = arith.muli %scan3A_72, %mul3A_400 : i32
        %add3A_402 = arith.constant 7 : i32
        %add3A_403 = arith.addi %mul3A_401, %add3A_402 : i32
        %get3A_404 = arith.index_cast %add3A_403 : i32 to index
        %get3A_405 = arith.constant 0 : index
        %get3A_406 = tpu.vector_load %arg13[%get3A_404, %get3A_405] {strides = array<i32>} : memref<80x80xf32, #tpu.memory_space<vmem>>, vector<16xf32>,
        %mul3A_407 = vector.broadcast %squeeze3A_399 : f32 to vector<16xf32>
        %mul3A_408 = arith.mulf %get3A_406, %mul3A_407 : vector<16xf32>
        %swap3A_409 = arith.index_cast %add3A_403 : i32 to index
        %swap3A_410 = arith.constant 0 : index
        %swap3A_411 = tpu.vector_load %arg13[%swap3A_409, %swap3A_410] {strides = array<i32>} : memref<80x80xf32, #tpu.memory_space<vmem>>, vector<16xf32>,
        tpu.vector_store %arg13[%swap3A_409, %swap3A_410], %mul3A_408 {strides = array<i32>} : memref<80x80xf32, #tpu.memory_space<vmem>>, vector<16xf32>,
        %get3A_412 = arith.index_cast %add3A_403 : i32 to index
        %get3A_413 = arith.constant 16 : index
        %get3A_414 = tpu.vector_load %arg13[%get3A_412, %get3A_413] {strides = array<i32>} : memref<80x80xf32, #tpu.memory_space<vmem>>, vector<16xf32>,
        %mul3A_415 = vector.broadcast %squeeze3A_399 : f32 to vector<16xf32>
        %mul3A_416 = arith.mulf %get3A_414, %mul3A_415 : vector<16xf32>
        %swap3A_417 = arith.index_cast %add3A_403 : i32 to index
        %swap3A_418 = arith.constant 16 : index
        %swap3A_419 = tpu.vector_load %arg13[%swap3A_417, %swap3A_418] {strides = array<i32>} : memref<80x80xf32, #tpu.memory_space<vmem>>, vector<16xf32>,
        tpu.vector_store %arg13[%swap3A_417, %swap3A_418], %mul3A_416 {strides = array<i32>} : memref<80x80xf32, #tpu.memory_space<vmem>>, vector<16xf32>,
        %get3A_420 = arith.index_cast %add3A_403 : i32 to index
        %get3A_421 = arith.constant 32 : index
        %get3A_422 = tpu.vector_load %arg13[%get3A_420, %get3A_421] {strides = array<i32>} : memref<80x80xf32, #tpu.memory_space<vmem>>, vector<16xf32>,
        %mul3A_423 = vector.broadcast %squeeze3A_399 : f32 to vector<16xf32>
        %mul3A_424 = arith.mulf %get3A_422, %mul3A_423 : vector<16xf32>
        %swap3A_425 = arith.index_cast %add3A_403 : i32 to index
        %swap3A_426 = arith.constant 32 : index
        %swap3A_427 = tpu.vector_load %arg13[%swap3A_425, %swap3A_426] {strides = array<i32>} : memref<80x80xf32, #tpu.memory_space<vmem>>, vector<16xf32>,
        tpu.vector_store %arg13[%swap3A_425, %swap3A_426], %mul3A_424 {strides = array<i32>} : memref<80x80xf32, #tpu.memory_space<vmem>>, vector<16xf32>,
        %get3A_428 = arith.index_cast %add3A_403 : i32 to index
        %get3A_429 = arith.constant 48 : index
        %get3A_430 = tpu.vector_load %arg13[%get3A_428, %get3A_429] {strides = array<i32>} : memref<80x80xf32, #tpu.memory_space<vmem>>, vector<16xf32>,
        %mul3A_431 = vector.broadcast %squeeze3A_399 : f32 to vector<16xf32>
        %mul3A_432 = arith.mulf %get3A_430, %mul3A_431 : vector<16xf32>
        %swap3A_433 = arith.index_cast %add3A_403 : i32 to index
        %swap3A_434 = arith.constant 48 : index
        %swap3A_435 = tpu.vector_load %arg13[%swap3A_433, %swap3A_434] {strides = array<i32>} : memref<80x80xf32, #tpu.memory_space<vmem>>, vector<16xf32>,
        tpu.vector_store %arg13[%swap3A_433, %swap3A_434], %mul3A_432 {strides = array<i32>} : memref<80x80xf32, #tpu.memory_space<vmem>>, vector<16xf32>,
        %get3A_436 = arith.index_cast %add3A_403 : i32 to index
        %get3A_437 = arith.constant 64 : index
        %get3A_438 = tpu.vector_load %arg13[%get3A_436, %get3A_437] {strides = array<i32>} : memref<80x80xf32, #tpu.memory_space<vmem>>, vector<16xf32>,
        %mul3A_439 = vector.broadcast %squeeze3A_399 : f32 to vector<16xf32>
        %mul3A_440 = arith.mulf %get3A_438, %mul3A_439 : vector<16xf32>
        %swap3A_441 = arith.index_cast %add3A_403 : i32 to index
        %swap3A_442 = arith.constant 64 : index
        %swap3A_443 = tpu.vector_load %arg13[%swap3A_441, %swap3A_442] {strides = array<i32>} : memref<80x80xf32, #tpu.memory_space<vmem>>, vector<16xf32>,
        tpu.vector_store %arg13[%swap3A_441, %swap3A_442], %mul3A_440 {strides = array<i32>} : memref<80x80xf32, #tpu.memory_space<vmem>>, vector<16xf32>,
        %slice3A_444 = vector.extract_strided_slice %get3A_78 {offsets = [8], sizes = [1], strides = [1]} : vector<16xf32> to vector<1xf32>
        %squeeze3A_445 = vector.extract %slice3A_444[0] : f32 from vector<1xf32>
        %mul3A_446 = arith.constant 16 : i32
        %mul3A_447 = arith.muli %scan3A_72, %mul3A_446 : i32
        %add3A_448 = arith.constant 8 : i32
        %add3A_449 = arith.addi %mul3A_447, %add3A_448 : i32
        %get3A_450 = arith.index_cast %add3A_449 : i32 to index
        %get3A_451 = arith.constant 0 : index
        %get3A_452 = tpu.vector_load %arg13[%get3A_450, %get3A_451] {strides = array<i32>} : memref<80x80xf32, #tpu.memory_space<vmem>>, vector<16xf32>,
        %mul3A_453 = vector.broadcast %squeeze3A_445 : f32 to vector<16xf32>
        %mul3A_454 = arith.mulf %get3A_452, %mul3A_453 : vector<16xf32>
        %swap3A_455 = arith.index_cast %add3A_449 : i32 to index
        %swap3A_456 = arith.constant 0 : index
        %swap3A_457 = tpu.vector_load %arg13[%swap3A_455, %swap3A_456] {strides = array<i32>} : memref<80x80xf32, #tpu.memory_space<vmem>>, vector<16xf32>,
        tpu.vector_store %arg13[%swap3A_455, %swap3A_456], %mul3A_454 {strides = array<i32>} : memref<80x80xf32, #tpu.memory_space<vmem>>, vector<16xf32>,
        %get3A_458 = arith.index_cast %add3A_449 : i32 to index
        %get3A_459 = arith.constant 16 : index
        %get3A_460 = tpu.vector_load %arg13[%get3A_458, %get3A_459] {strides = array<i32>} : memref<80x80xf32, #tpu.memory_space<vmem>>, vector<16xf32>,
        %mul3A_461 = vector.broadcast %squeeze3A_445 : f32 to vector<16xf32>
        %mul3A_462 = arith.mulf %get3A_460, %mul3A_461 : vector<16xf32>
        %swap3A_463 = arith.index_cast %add3A_449 : i32 to index
        %swap3A_464 = arith.constant 16 : index
        %swap3A_465 = tpu.vector_load %arg13[%swap3A_463, %swap3A_464] {strides = array<i32>} : memref<80x80xf32, #tpu.memory_space<vmem>>, vector<16xf32>,
        tpu.vector_store %arg13[%swap3A_463, %swap3A_464], %mul3A_462 {strides = array<i32>} : memref<80x80xf32, #tpu.memory_space<vmem>>, vector<16xf32>,
        %get3A_466 = arith.index_cast %add3A_449 : i32 to index
        %get3A_467 = arith.constant 32 : index
        %get3A_468 = tpu.vector_load %arg13[%get3A_466, %get3A_467] {strides = array<i32>} : memref<80x80xf32, #tpu.memory_space<vmem>>, vector<16xf32>,
        %mul3A_469 = vector.broadcast %squeeze3A_445 : f32 to vector<16xf32>
        %mul3A_470 = arith.mulf %get3A_468, %mul3A_469 : vector<16xf32>
        %swap3A_471 = arith.index_cast %add3A_449 : i32 to index
        %swap3A_472 = arith.constant 32 : index
        %swap3A_473 = tpu.vector_load %arg13[%swap3A_471, %swap3A_472] {strides = array<i32>} : memref<80x80xf32, #tpu.memory_space<vmem>>, vector<16xf32>,
        tpu.vector_store %arg13[%swap3A_471, %swap3A_472], %mul3A_470 {strides = array<i32>} : memref<80x80xf32, #tpu.memory_space<vmem>>, vector<16xf32>,
        %get3A_474 = arith.index_cast %add3A_449 : i32 to index
        %get3A_475 = arith.constant 48 : index
        %get3A_476 = tpu.vector_load %arg13[%get3A_474, %get3A_475] {strides = array<i32>} : memref<80x80xf32, #tpu.memory_space<vmem>>, vector<16xf32>,
        %mul3A_477 = vector.broadcast %squeeze3A_445 : f32 to vector<16xf32>
        %mul3A_478 = arith.mulf %get3A_476, %mul3A_477 : vector<16xf32>
        %swap3A_479 = arith.index_cast %add3A_449 : i32 to index
        %swap3A_480 = arith.constant 48 : index
        %swap3A_481 = tpu.vector_load %arg13[%swap3A_479, %swap3A_480] {strides = array<i32>} : memref<80x80xf32, #tpu.memory_space<vmem>>, vector<16xf32>,
        tpu.vector_store %arg13[%swap3A_479, %swap3A_480], %mul3A_478 {strides = array<i32>} : memref<80x80xf32, #tpu.memory_space<vmem>>, vector<16xf32>,
        %get3A_482 = arith.index_cast %add3A_449 : i32 to index
        %get3A_483 = arith.constant 64 : index
        %get3A_484 = tpu.vector_load %arg13[%get3A_482, %get3A_483] {strides = array<i32>} : memref<80x80xf32, #tpu.memory_space<vmem>>, vector<16xf32>,
        %mul3A_485 = vector.broadcast %squeeze3A_445 : f32 to vector<16xf32>
        %mul3A_486 = arith.mulf %get3A_484, %mul3A_485 : vector<16xf32>
        %swap3A_487 = arith.index_cast %add3A_449 : i32 to index
        %swap3A_488 = arith.constant 64 : index
        %swap3A_489 = tpu.vector_load %arg13[%swap3A_487, %swap3A_488] {strides = array<i32>} : memref<80x80xf32, #tpu.memory_space<vmem>>, vector<16xf32>,
        tpu.vector_store %arg13[%swap3A_487, %swap3A_488], %mul3A_486 {strides = array<i32>} : memref<80x80xf32, #tpu.memory_space<vmem>>, vector<16xf32>,
        %slice3A_490 = vector.extract_strided_slice %get3A_78 {offsets = [9], sizes = [1], strides = [1]} : vector<16xf32> to vector<1xf32>
        %squeeze3A_491 = vector.extract %slice3A_490[0] : f32 from vector<1xf32>
        %mul3A_492 = arith.constant 16 : i32
        %mul3A_493 = arith.muli %scan3A_72, %mul3A_492 : i32
        %add3A_494 = arith.constant 9 : i32
        %add3A_495 = arith.addi %mul3A_493, %add3A_494 : i32
        %get3A_496 = arith.index_cast %add3A_495 : i32 to index
        %get3A_497 = arith.constant 0 : index
        %get3A_498 = tpu.vector_load %arg13[%get3A_496, %get3A_497] {strides = array<i32>} : memref<80x80xf32, #tpu.memory_space<vmem>>, vector<16xf32>,
        %mul3A_499 = vector.broadcast %squeeze3A_491 : f32 to vector<16xf32>
        %mul3A_500 = arith.mulf %get3A_498, %mul3A_499 : vector<16xf32>
        %swap3A_501 = arith.index_cast %add3A_495 : i32 to index
        %swap3A_502 = arith.constant 0 : index
        %swap3A_503 = tpu.vector_load %arg13[%swap3A_501, %swap3A_502] {strides = array<i32>} : memref<80x80xf32, #tpu.memory_space<vmem>>, vector<16xf32>,
        tpu.vector_store %arg13[%swap3A_501, %swap3A_502], %mul3A_500 {strides = array<i32>} : memref<80x80xf32, #tpu.memory_space<vmem>>, vector<16xf32>,
        %get3A_504 = arith.index_cast %add3A_495 : i32 to index
        %get3A_505 = arith.constant 16 : index
        %get3A_506 = tpu.vector_load %arg13[%get3A_504, %get3A_505] {strides = array<i32>} : memref<80x80xf32, #tpu.memory_space<vmem>>, vector<16xf32>,
        %mul3A_507 = vector.broadcast %squeeze3A_491 : f32 to vector<16xf32>
        %mul3A_508 = arith.mulf %get3A_506, %mul3A_507 : vector<16xf32>
        %swap3A_509 = arith.index_cast %add3A_495 : i32 to index
        %swap3A_510 = arith.constant 16 : index
        %swap3A_511 = tpu.vector_load %arg13[%swap3A_509, %swap3A_510] {strides = array<i32>} : memref<80x80xf32, #tpu.memory_space<vmem>>, vector<16xf32>,
        tpu.vector_store %arg13[%swap3A_509, %swap3A_510], %mul3A_508 {strides = array<i32>} : memref<80x80xf32, #tpu.memory_space<vmem>>, vector<16xf32>,
        %get3A_512 = arith.index_cast %add3A_495 : i32 to index
        %get3A_513 = arith.constant 32 : index
        %get3A_514 = tpu.vector_load %arg13[%get3A_512, %get3A_513] {strides = array<i32>} : memref<80x80xf32, #tpu.memory_space<vmem>>, vector<16xf32>,
        %mul3A_515 = vector.broadcast %squeeze3A_491 : f32 to vector<16xf32>
        %mul3A_516 = arith.mulf %get3A_514, %mul3A_515 : vector<16xf32>
        %swap3A_517 = arith.index_cast %add3A_495 : i32 to index
        %swap3A_518 = arith.constant 32 : index
        %swap3A_519 = tpu.vector_load %arg13[%swap3A_517, %swap3A_518] {strides = array<i32>} : memref<80x80xf32, #tpu.memory_space<vmem>>, vector<16xf32>,
        tpu.vector_store %arg13[%swap3A_517, %swap3A_518], %mul3A_516 {strides = array<i32>} : memref<80x80xf32, #tpu.memory_space<vmem>>, vector<16xf32>,
        %get3A_520 = arith.index_cast %add3A_495 : i32 to index
        %get3A_521 = arith.constant 48 : index
        %get3A_522 = tpu.vector_load %arg13[%get3A_520, %get3A_521] {strides = array<i32>} : memref<80x80xf32, #tpu.memory_space<vmem>>, vector<16xf32>,
        %mul3A_523 = vector.broadcast %squeeze3A_491 : f32 to vector<16xf32>
        %mul3A_524 = arith.mulf %get3A_522, %mul3A_523 : vector<16xf32>
        %swap3A_525 = arith.index_cast %add3A_495 : i32 to index
        %swap3A_526 = arith.constant 48 : index
        %swap3A_527 = tpu.vector_load %arg13[%swap3A_525, %swap3A_526] {strides = array<i32>} : memref<80x80xf32, #tpu.memory_space<vmem>>, vector<16xf32>,
        tpu.vector_store %arg13[%swap3A_525, %swap3A_526], %mul3A_524 {strides = array<i32>} : memref<80x80xf32, #tpu.memory_space<vmem>>, vector<16xf32>,
        %get3A_528 = arith.index_cast %add3A_495 : i32 to index
        %get3A_529 = arith.constant 64 : index
        %get3A_530 = tpu.vector_load %arg13[%get3A_528, %get3A_529] {strides = array<i32>} : memref<80x80xf32, #tpu.memory_space<vmem>>, vector<16xf32>,
        %mul3A_531 = vector.broadcast %squeeze3A_491 : f32 to vector<16xf32>
        %mul3A_532 = arith.mulf %get3A_530, %mul3A_531 : vector<16xf32>
        %swap3A_533 = arith.index_cast %add3A_495 : i32 to index
        %swap3A_534 = arith.constant 64 : index
        %swap3A_535 = tpu.vector_load %arg13[%swap3A_533, %swap3A_534] {strides = array<i32>} : memref<80x80xf32, #tpu.memory_space<vmem>>, vector<16xf32>,
        tpu.vector_store %arg13[%swap3A_533, %swap3A_534], %mul3A_532 {strides = array<i32>} : memref<80x80xf32, #tpu.memory_space<vmem>>, vector<16xf32>,
        %slice3A_536 = vector.extract_strided_slice %get3A_78 {offsets = [10], sizes = [1], strides = [1]} : vector<16xf32> to vector<1xf32>
        %squeeze3A_537 = vector.extract %slice3A_536[0] : f32 from vector<1xf32>
        %mul3A_538 = arith.constant 16 : i32
        %mul3A_539 = arith.muli %scan3A_72, %mul3A_538 : i32
        %add3A_540 = arith.constant 10 : i32
        %add3A_541 = arith.addi %mul3A_539, %add3A_540 : i32
        %get3A_542 = arith.index_cast %add3A_541 : i32 to index
        %get3A_543 = arith.constant 0 : index
        %get3A_544 = tpu.vector_load %arg13[%get3A_542, %get3A_543] {strides = array<i32>} : memref<80x80xf32, #tpu.memory_space<vmem>>, vector<16xf32>,
        %mul3A_545 = vector.broadcast %squeeze3A_537 : f32 to vector<16xf32>
        %mul3A_546 = arith.mulf %get3A_544, %mul3A_545 : vector<16xf32>
        %swap3A_547 = arith.index_cast %add3A_541 : i32 to index
        %swap3A_548 = arith.constant 0 : index
        %swap3A_549 = tpu.vector_load %arg13[%swap3A_547, %swap3A_548] {strides = array<i32>} : memref<80x80xf32, #tpu.memory_space<vmem>>, vector<16xf32>,
        tpu.vector_store %arg13[%swap3A_547, %swap3A_548], %mul3A_546 {strides = array<i32>} : memref<80x80xf32, #tpu.memory_space<vmem>>, vector<16xf32>,
        %get3A_550 = arith.index_cast %add3A_541 : i32 to index
        %get3A_551 = arith.constant 16 : index
        %get3A_552 = tpu.vector_load %arg13[%get3A_550, %get3A_551] {strides = array<i32>} : memref<80x80xf32, #tpu.memory_space<vmem>>, vector<16xf32>,
        %mul3A_553 = vector.broadcast %squeeze3A_537 : f32 to vector<16xf32>
        %mul3A_554 = arith.mulf %get3A_552, %mul3A_553 : vector<16xf32>
        %swap3A_555 = arith.index_cast %add3A_541 : i32 to index
        %swap3A_556 = arith.constant 16 : index
        %swap3A_557 = tpu.vector_load %arg13[%swap3A_555, %swap3A_556] {strides = array<i32>} : memref<80x80xf32, #tpu.memory_space<vmem>>, vector<16xf32>,
        tpu.vector_store %arg13[%swap3A_555, %swap3A_556], %mul3A_554 {strides = array<i32>} : memref<80x80xf32, #tpu.memory_space<vmem>>, vector<16xf32>,
        %get3A_558 = arith.index_cast %add3A_541 : i32 to index
        %get3A_559 = arith.constant 32 : index
        %get3A_560 = tpu.vector_load %arg13[%get3A_558, %get3A_559] {strides = array<i32>} : memref<80x80xf32, #tpu.memory_space<vmem>>, vector<16xf32>,
        %mul3A_561 = vector.broadcast %squeeze3A_537 : f32 to vector<16xf32>
        %mul3A_562 = arith.mulf %get3A_560, %mul3A_561 : vector<16xf32>
        %swap3A_563 = arith.index_cast %add3A_541 : i32 to index
        %swap3A_564 = arith.constant 32 : index
        %swap3A_565 = tpu.vector_load %arg13[%swap3A_563, %swap3A_564] {strides = array<i32>} : memref<80x80xf32, #tpu.memory_space<vmem>>, vector<16xf32>,
        tpu.vector_store %arg13[%swap3A_563, %swap3A_564], %mul3A_562 {strides = array<i32>} : memref<80x80xf32, #tpu.memory_space<vmem>>, vector<16xf32>,
        %get3A_566 = arith.index_cast %add3A_541 : i32 to index
        %get3A_567 = arith.constant 48 : index
        %get3A_568 = tpu.vector_load %arg13[%get3A_566, %get3A_567] {strides = array<i32>} : memref<80x80xf32, #tpu.memory_space<vmem>>, vector<16xf32>,
        %mul3A_569 = vector.broadcast %squeeze3A_537 : f32 to vector<16xf32>
        %mul3A_570 = arith.mulf %get3A_568, %mul3A_569 : vector<16xf32>
        %swap3A_571 = arith.index_cast %add3A_541 : i32 to index
        %swap3A_572 = arith.constant 48 : index
        %swap3A_573 = tpu.vector_load %arg13[%swap3A_571, %swap3A_572] {strides = array<i32>} : memref<80x80xf32, #tpu.memory_space<vmem>>, vector<16xf32>,
        tpu.vector_store %arg13[%swap3A_571, %swap3A_572], %mul3A_570 {strides = array<i32>} : memref<80x80xf32, #tpu.memory_space<vmem>>, vector<16xf32>,
        %get3A_574 = arith.index_cast %add3A_541 : i32 to index
        %get3A_575 = arith.constant 64 : index
        %get3A_576 = tpu.vector_load %arg13[%get3A_574, %get3A_575] {strides = array<i32>} : memref<80x80xf32, #tpu.memory_space<vmem>>, vector<16xf32>,
        %mul3A_577 = vector.broadcast %squeeze3A_537 : f32 to vector<16xf32>
        %mul3A_578 = arith.mulf %get3A_576, %mul3A_577 : vector<16xf32>
        %swap3A_579 = arith.index_cast %add3A_541 : i32 to index
        %swap3A_580 = arith.constant 64 : index
        %swap3A_581 = tpu.vector_load %arg13[%swap3A_579, %swap3A_580] {strides = array<i32>} : memref<80x80xf32, #tpu.memory_space<vmem>>, vector<16xf32>,
        tpu.vector_store %arg13[%swap3A_579, %swap3A_580], %mul3A_578 {strides = array<i32>} : memref<80x80xf32, #tpu.memory_space<vmem>>, vector<16xf32>,
        %slice3A_582 = vector.extract_strided_slice %get3A_78 {offsets = [11], sizes = [1], strides = [1]} : vector<16xf32> to vector<1xf32>
        %squeeze3A_583 = vector.extract %slice3A_582[0] : f32 from vector<1xf32>
        %mul3A_584 = arith.constant 16 : i32
        %mul3A_585 = arith.muli %scan3A_72, %mul3A_584 : i32
        %add3A_586 = arith.constant 11 : i32
        %add3A_587 = arith.addi %mul3A_585, %add3A_586 : i32
        %get3A_588 = arith.index_cast %add3A_587 : i32 to index
        %get3A_589 = arith.constant 0 : index
        %get3A_590 = tpu.vector_load %arg13[%get3A_588, %get3A_589] {strides = array<i32>} : memref<80x80xf32, #tpu.memory_space<vmem>>, vector<16xf32>,
        %mul3A_591 = vector.broadcast %squeeze3A_583 : f32 to vector<16xf32>
        %mul3A_592 = arith.mulf %get3A_590, %mul3A_591 : vector<16xf32>
        %swap3A_593 = arith.index_cast %add3A_587 : i32 to index
        %swap3A_594 = arith.constant 0 : index
        %swap3A_595 = tpu.vector_load %arg13[%swap3A_593, %swap3A_594] {strides = array<i32>} : memref<80x80xf32, #tpu.memory_space<vmem>>, vector<16xf32>,
        tpu.vector_store %arg13[%swap3A_593, %swap3A_594], %mul3A_592 {strides = array<i32>} : memref<80x80xf32, #tpu.memory_space<vmem>>, vector<16xf32>,
        %get3A_596 = arith.index_cast %add3A_587 : i32 to index
        %get3A_597 = arith.constant 16 : index
        %get3A_598 = tpu.vector_load %arg13[%get3A_596, %get3A_597] {strides = array<i32>} : memref<80x80xf32, #tpu.memory_space<vmem>>, vector<16xf32>,
        %mul3A_599 = vector.broadcast %squeeze3A_583 : f32 to vector<16xf32>
        %mul3A_600 = arith.mulf %get3A_598, %mul3A_599 : vector<16xf32>
        %swap3A_601 = arith.index_cast %add3A_587 : i32 to index
        %swap3A_602 = arith.constant 16 : index
        %swap3A_603 = tpu.vector_load %arg13[%swap3A_601, %swap3A_602] {strides = array<i32>} : memref<80x80xf32, #tpu.memory_space<vmem>>, vector<16xf32>,
        tpu.vector_store %arg13[%swap3A_601, %swap3A_602], %mul3A_600 {strides = array<i32>} : memref<80x80xf32, #tpu.memory_space<vmem>>, vector<16xf32>,
        %get3A_604 = arith.index_cast %add3A_587 : i32 to index
        %get3A_605 = arith.constant 32 : index
        %get3A_606 = tpu.vector_load %arg13[%get3A_604, %get3A_605] {strides = array<i32>} : memref<80x80xf32, #tpu.memory_space<vmem>>, vector<16xf32>,
        %mul3A_607 = vector.broadcast %squeeze3A_583 : f32 to vector<16xf32>
        %mul3A_608 = arith.mulf %get3A_606, %mul3A_607 : vector<16xf32>
        %swap3A_609 = arith.index_cast %add3A_587 : i32 to index
        %swap3A_610 = arith.constant 32 : index
        %swap3A_611 = tpu.vector_load %arg13[%swap3A_609, %swap3A_610] {strides = array<i32>} : memref<80x80xf32, #tpu.memory_space<vmem>>, vector<16xf32>,
        tpu.vector_store %arg13[%swap3A_609, %swap3A_610], %mul3A_608 {strides = array<i32>} : memref<80x80xf32, #tpu.memory_space<vmem>>, vector<16xf32>,
        %get3A_612 = arith.index_cast %add3A_587 : i32 to index
        %get3A_613 = arith.constant 48 : index
        %get3A_614 = tpu.vector_load %arg13[%get3A_612, %get3A_613] {strides = array<i32>} : memref<80x80xf32, #tpu.memory_space<vmem>>, vector<16xf32>,
        %mul3A_615 = vector.broadcast %squeeze3A_583 : f32 to vector<16xf32>
        %mul3A_616 = arith.mulf %get3A_614, %mul3A_615 : vector<16xf32>
        %swap3A_617 = arith.index_cast %add3A_587 : i32 to index
        %swap3A_618 = arith.constant 48 : index
        %swap3A_619 = tpu.vector_load %arg13[%swap3A_617, %swap3A_618] {strides = array<i32>} : memref<80x80xf32, #tpu.memory_space<vmem>>, vector<16xf32>,
        tpu.vector_store %arg13[%swap3A_617, %swap3A_618], %mul3A_616 {strides = array<i32>} : memref<80x80xf32, #tpu.memory_space<vmem>>, vector<16xf32>,
        %get3A_620 = arith.index_cast %add3A_587 : i32 to index
        %get3A_621 = arith.constant 64 : index
        %get3A_622 = tpu.vector_load %arg13[%get3A_620, %get3A_621] {strides = array<i32>} : memref<80x80xf32, #tpu.memory_space<vmem>>, vector<16xf32>,
        %mul3A_623 = vector.broadcast %squeeze3A_583 : f32 to vector<16xf32>
        %mul3A_624 = arith.mulf %get3A_622, %mul3A_623 : vector<16xf32>
        %swap3A_625 = arith.index_cast %add3A_587 : i32 to index
        %swap3A_626 = arith.constant 64 : index
        %swap3A_627 = tpu.vector_load %arg13[%swap3A_625, %swap3A_626] {strides = array<i32>} : memref<80x80xf32, #tpu.memory_space<vmem>>, vector<16xf32>,
        tpu.vector_store %arg13[%swap3A_625, %swap3A_626], %mul3A_624 {strides = array<i32>} : memref<80x80xf32, #tpu.memory_space<vmem>>, vector<16xf32>,
        %slice3A_628 = vector.extract_strided_slice %get3A_78 {offsets = [12], sizes = [1], strides = [1]} : vector<16xf32> to vector<1xf32>
        %squeeze3A_629 = vector.extract %slice3A_628[0] : f32 from vector<1xf32>
        %mul3A_630 = arith.constant 16 : i32
        %mul3A_631 = arith.muli %scan3A_72, %mul3A_630 : i32
        %add3A_632 = arith.constant 12 : i32
        %add3A_633 = arith.addi %mul3A_631, %add3A_632 : i32
        %get3A_634 = arith.index_cast %add3A_633 : i32 to index
        %get3A_635 = arith.constant 0 : index
        %get3A_636 = tpu.vector_load %arg13[%get3A_634, %get3A_635] {strides = array<i32>} : memref<80x80xf32, #tpu.memory_space<vmem>>, vector<16xf32>,
        %mul3A_637 = vector.broadcast %squeeze3A_629 : f32 to vector<16xf32>
        %mul3A_638 = arith.mulf %get3A_636, %mul3A_637 : vector<16xf32>
        %swap3A_639 = arith.index_cast %add3A_633 : i32 to index
        %swap3A_640 = arith.constant 0 : index
        %swap3A_641 = tpu.vector_load %arg13[%swap3A_639, %swap3A_640] {strides = array<i32>} : memref<80x80xf32, #tpu.memory_space<vmem>>, vector<16xf32>,
        tpu.vector_store %arg13[%swap3A_639, %swap3A_640], %mul3A_638 {strides = array<i32>} : memref<80x80xf32, #tpu.memory_space<vmem>>, vector<16xf32>,
        %get3A_642 = arith.index_cast %add3A_633 : i32 to index
        %get3A_643 = arith.constant 16 : index
        %get3A_644 = tpu.vector_load %arg13[%get3A_642, %get3A_643] {strides = array<i32>} : memref<80x80xf32, #tpu.memory_space<vmem>>, vector<16xf32>,
        %mul3A_645 = vector.broadcast %squeeze3A_629 : f32 to vector<16xf32>
        %mul3A_646 = arith.mulf %get3A_644, %mul3A_645 : vector<16xf32>
        %swap3A_647 = arith.index_cast %add3A_633 : i32 to index
        %swap3A_648 = arith.constant 16 : index
        %swap3A_649 = tpu.vector_load %arg13[%swap3A_647, %swap3A_648] {strides = array<i32>} : memref<80x80xf32, #tpu.memory_space<vmem>>, vector<16xf32>,
        tpu.vector_store %arg13[%swap3A_647, %swap3A_648], %mul3A_646 {strides = array<i32>} : memref<80x80xf32, #tpu.memory_space<vmem>>, vector<16xf32>,
        %get3A_650 = arith.index_cast %add3A_633 : i32 to index
        %get3A_651 = arith.constant 32 : index
        %get3A_652 = tpu.vector_load %arg13[%get3A_650, %get3A_651] {strides = array<i32>} : memref<80x80xf32, #tpu.memory_space<vmem>>, vector<16xf32>,
        %mul3A_653 = vector.broadcast %squeeze3A_629 : f32 to vector<16xf32>
        %mul3A_654 = arith.mulf %get3A_652, %mul3A_653 : vector<16xf32>
        %swap3A_655 = arith.index_cast %add3A_633 : i32 to index
        %swap3A_656 = arith.constant 32 : index
        %swap3A_657 = tpu.vector_load %arg13[%swap3A_655, %swap3A_656] {strides = array<i32>} : memref<80x80xf32, #tpu.memory_space<vmem>>, vector<16xf32>,
        tpu.vector_store %arg13[%swap3A_655, %swap3A_656], %mul3A_654 {strides = array<i32>} : memref<80x80xf32, #tpu.memory_space<vmem>>, vector<16xf32>,
        %get3A_658 = arith.index_cast %add3A_633 : i32 to index
        %get3A_659 = arith.constant 48 : index
        %get3A_660 = tpu.vector_load %arg13[%get3A_658, %get3A_659] {strides = array<i32>} : memref<80x80xf32, #tpu.memory_space<vmem>>, vector<16xf32>,
        %mul3A_661 = vector.broadcast %squeeze3A_629 : f32 to vector<16xf32>
        %mul3A_662 = arith.mulf %get3A_660, %mul3A_661 : vector<16xf32>
        %swap3A_663 = arith.index_cast %add3A_633 : i32 to index
        %swap3A_664 = arith.constant 48 : index
        %swap3A_665 = tpu.vector_load %arg13[%swap3A_663, %swap3A_664] {strides = array<i32>} : memref<80x80xf32, #tpu.memory_space<vmem>>, vector<16xf32>,
        tpu.vector_store %arg13[%swap3A_663, %swap3A_664], %mul3A_662 {strides = array<i32>} : memref<80x80xf32, #tpu.memory_space<vmem>>, vector<16xf32>,
        %get3A_666 = arith.index_cast %add3A_633 : i32 to index
        %get3A_667 = arith.constant 64 : index
        %get3A_668 = tpu.vector_load %arg13[%get3A_666, %get3A_667] {strides = array<i32>} : memref<80x80xf32, #tpu.memory_space<vmem>>, vector<16xf32>,
        %mul3A_669 = vector.broadcast %squeeze3A_629 : f32 to vector<16xf32>
        %mul3A_670 = arith.mulf %get3A_668, %mul3A_669 : vector<16xf32>
        %swap3A_671 = arith.index_cast %add3A_633 : i32 to index
        %swap3A_672 = arith.constant 64 : index
        %swap3A_673 = tpu.vector_load %arg13[%swap3A_671, %swap3A_672] {strides = array<i32>} : memref<80x80xf32, #tpu.memory_space<vmem>>, vector<16xf32>,
        tpu.vector_store %arg13[%swap3A_671, %swap3A_672], %mul3A_670 {strides = array<i32>} : memref<80x80xf32, #tpu.memory_space<vmem>>, vector<16xf32>,
        %slice3A_674 = vector.extract_strided_slice %get3A_78 {offsets = [13], sizes = [1], strides = [1]} : vector<16xf32> to vector<1xf32>
        %squeeze3A_675 = vector.extract %slice3A_674[0] : f32 from vector<1xf32>
        %mul3A_676 = arith.constant 16 : i32
        %mul3A_677 = arith.muli %scan3A_72, %mul3A_676 : i32
        %add3A_678 = arith.constant 13 : i32
        %add3A_679 = arith.addi %mul3A_677, %add3A_678 : i32
        %get3A_680 = arith.index_cast %add3A_679 : i32 to index
        %get3A_681 = arith.constant 0 : index
        %get3A_682 = tpu.vector_load %arg13[%get3A_680, %get3A_681] {strides = array<i32>} : memref<80x80xf32, #tpu.memory_space<vmem>>, vector<16xf32>,
        %mul3A_683 = vector.broadcast %squeeze3A_675 : f32 to vector<16xf32>
        %mul3A_684 = arith.mulf %get3A_682, %mul3A_683 : vector<16xf32>
        %swap3A_685 = arith.index_cast %add3A_679 : i32 to index
        %swap3A_686 = arith.constant 0 : index
        %swap3A_687 = tpu.vector_load %arg13[%swap3A_685, %swap3A_686] {strides = array<i32>} : memref<80x80xf32, #tpu.memory_space<vmem>>, vector<16xf32>,
        tpu.vector_store %arg13[%swap3A_685, %swap3A_686], %mul3A_684 {strides = array<i32>} : memref<80x80xf32, #tpu.memory_space<vmem>>, vector<16xf32>,
        %get3A_688 = arith.index_cast %add3A_679 : i32 to index
        %get3A_689 = arith.constant 16 : index
        %get3A_690 = tpu.vector_load %arg13[%get3A_688, %get3A_689] {strides = array<i32>} : memref<80x80xf32, #tpu.memory_space<vmem>>, vector<16xf32>,
        %mul3A_691 = vector.broadcast %squeeze3A_675 : f32 to vector<16xf32>
        %mul3A_692 = arith.mulf %get3A_690, %mul3A_691 : vector<16xf32>
        %swap3A_693 = arith.index_cast %add3A_679 : i32 to index
        %swap3A_694 = arith.constant 16 : index
        %swap3A_695 = tpu.vector_load %arg13[%swap3A_693, %swap3A_694] {strides = array<i32>} : memref<80x80xf32, #tpu.memory_space<vmem>>, vector<16xf32>,
        tpu.vector_store %arg13[%swap3A_693, %swap3A_694], %mul3A_692 {strides = array<i32>} : memref<80x80xf32, #tpu.memory_space<vmem>>, vector<16xf32>,
        %get3A_696 = arith.index_cast %add3A_679 : i32 to index
        %get3A_697 = arith.constant 32 : index
        %get3A_698 = tpu.vector_load %arg13[%get3A_696, %get3A_697] {strides = array<i32>} : memref<80x80xf32, #tpu.memory_space<vmem>>, vector<16xf32>,
        %mul3A_699 = vector.broadcast %squeeze3A_675 : f32 to vector<16xf32>
        %mul3A_700 = arith.mulf %get3A_698, %mul3A_699 : vector<16xf32>
        %swap3A_701 = arith.index_cast %add3A_679 : i32 to index
        %swap3A_702 = arith.constant 32 : index
        %swap3A_703 = tpu.vector_load %arg13[%swap3A_701, %swap3A_702] {strides = array<i32>} : memref<80x80xf32, #tpu.memory_space<vmem>>, vector<16xf32>,
        tpu.vector_store %arg13[%swap3A_701, %swap3A_702], %mul3A_700 {strides = array<i32>} : memref<80x80xf32, #tpu.memory_space<vmem>>, vector<16xf32>,
        %get3A_704 = arith.index_cast %add3A_679 : i32 to index
        %get3A_705 = arith.constant 48 : index
        %get3A_706 = tpu.vector_load %arg13[%get3A_704, %get3A_705] {strides = array<i32>} : memref<80x80xf32, #tpu.memory_space<vmem>>, vector<16xf32>,
        %mul3A_707 = vector.broadcast %squeeze3A_675 : f32 to vector<16xf32>
        %mul3A_708 = arith.mulf %get3A_706, %mul3A_707 : vector<16xf32>
        %swap3A_709 = arith.index_cast %add3A_679 : i32 to index
        %swap3A_710 = arith.constant 48 : index
        %swap3A_711 = tpu.vector_load %arg13[%swap3A_709, %swap3A_710] {strides = array<i32>} : memref<80x80xf32, #tpu.memory_space<vmem>>, vector<16xf32>,
        tpu.vector_store %arg13[%swap3A_709, %swap3A_710], %mul3A_708 {strides = array<i32>} : memref<80x80xf32, #tpu.memory_space<vmem>>, vector<16xf32>,
        %get3A_712 = arith.index_cast %add3A_679 : i32 to index
        %get3A_713 = arith.constant 64 : index
        %get3A_714 = tpu.vector_load %arg13[%get3A_712, %get3A_713] {strides = array<i32>} : memref<80x80xf32, #tpu.memory_space<vmem>>, vector<16xf32>,
        %mul3A_715 = vector.broadcast %squeeze3A_675 : f32 to vector<16xf32>
        %mul3A_716 = arith.mulf %get3A_714, %mul3A_715 : vector<16xf32>
        %swap3A_717 = arith.index_cast %add3A_679 : i32 to index
        %swap3A_718 = arith.constant 64 : index
        %swap3A_719 = tpu.vector_load %arg13[%swap3A_717, %swap3A_718] {strides = array<i32>} : memref<80x80xf32, #tpu.memory_space<vmem>>, vector<16xf32>,
        tpu.vector_store %arg13[%swap3A_717, %swap3A_718], %mul3A_716 {strides = array<i32>} : memref<80x80xf32, #tpu.memory_space<vmem>>, vector<16xf32>,
        %slice3A_720 = vector.extract_strided_slice %get3A_78 {offsets = [14], sizes = [1], strides = [1]} : vector<16xf32> to vector<1xf32>
        %squeeze3A_721 = vector.extract %slice3A_720[0] : f32 from vector<1xf32>
        %mul3A_722 = arith.constant 16 : i32
        %mul3A_723 = arith.muli %scan3A_72, %mul3A_722 : i32
        %add3A_724 = arith.constant 14 : i32
        %add3A_725 = arith.addi %mul3A_723, %add3A_724 : i32
        %get3A_726 = arith.index_cast %add3A_725 : i32 to index
        %get3A_727 = arith.constant 0 : index
        %get3A_728 = tpu.vector_load %arg13[%get3A_726, %get3A_727] {strides = array<i32>} : memref<80x80xf32, #tpu.memory_space<vmem>>, vector<16xf32>,
        %mul3A_729 = vector.broadcast %squeeze3A_721 : f32 to vector<16xf32>
        %mul3A_730 = arith.mulf %get3A_728, %mul3A_729 : vector<16xf32>
        %swap3A_731 = arith.index_cast %add3A_725 : i32 to index
        %swap3A_732 = arith.constant 0 : index
        %swap3A_733 = tpu.vector_load %arg13[%swap3A_731, %swap3A_732] {strides = array<i32>} : memref<80x80xf32, #tpu.memory_space<vmem>>, vector<16xf32>,
        tpu.vector_store %arg13[%swap3A_731, %swap3A_732], %mul3A_730 {strides = array<i32>} : memref<80x80xf32, #tpu.memory_space<vmem>>, vector<16xf32>,
        %get3A_734 = arith.index_cast %add3A_725 : i32 to index
        %get3A_735 = arith.constant 16 : index
        %get3A_736 = tpu.vector_load %arg13[%get3A_734, %get3A_735] {strides = array<i32>} : memref<80x80xf32, #tpu.memory_space<vmem>>, vector<16xf32>,
        %mul3A_737 = vector.broadcast %squeeze3A_721 : f32 to vector<16xf32>
        %mul3A_738 = arith.mulf %get3A_736, %mul3A_737 : vector<16xf32>
        %swap3A_739 = arith.index_cast %add3A_725 : i32 to index
        %swap3A_740 = arith.constant 16 : index
        %swap3A_741 = tpu.vector_load %arg13[%swap3A_739, %swap3A_740] {strides = array<i32>} : memref<80x80xf32, #tpu.memory_space<vmem>>, vector<16xf32>,
        tpu.vector_store %arg13[%swap3A_739, %swap3A_740], %mul3A_738 {strides = array<i32>} : memref<80x80xf32, #tpu.memory_space<vmem>>, vector<16xf32>,
        %get3A_742 = arith.index_cast %add3A_725 : i32 to index
        %get3A_743 = arith.constant 32 : index
        %get3A_744 = tpu.vector_load %arg13[%get3A_742, %get3A_743] {strides = array<i32>} : memref<80x80xf32, #tpu.memory_space<vmem>>, vector<16xf32>,
        %mul3A_745 = vector.broadcast %squeeze3A_721 : f32 to vector<16xf32>
        %mul3A_746 = arith.mulf %get3A_744, %mul3A_745 : vector<16xf32>
        %swap3A_747 = arith.index_cast %add3A_725 : i32 to index
        %swap3A_748 = arith.constant 32 : index
        %swap3A_749 = tpu.vector_load %arg13[%swap3A_747, %swap3A_748] {strides = array<i32>} : memref<80x80xf32, #tpu.memory_space<vmem>>, vector<16xf32>,
        tpu.vector_store %arg13[%swap3A_747, %swap3A_748], %mul3A_746 {strides = array<i32>} : memref<80x80xf32, #tpu.memory_space<vmem>>, vector<16xf32>,
        %get3A_750 = arith.index_cast %add3A_725 : i32 to index
        %get3A_751 = arith.constant 48 : index
        %get3A_752 = tpu.vector_load %arg13[%get3A_750, %get3A_751] {strides = array<i32>} : memref<80x80xf32, #tpu.memory_space<vmem>>, vector<16xf32>,
        %mul3A_753 = vector.broadcast %squeeze3A_721 : f32 to vector<16xf32>
        %mul3A_754 = arith.mulf %get3A_752, %mul3A_753 : vector<16xf32>
        %swap3A_755 = arith.index_cast %add3A_725 : i32 to index
        %swap3A_756 = arith.constant 48 : index
        %swap3A_757 = tpu.vector_load %arg13[%swap3A_755, %swap3A_756] {strides = array<i32>} : memref<80x80xf32, #tpu.memory_space<vmem>>, vector<16xf32>,
        tpu.vector_store %arg13[%swap3A_755, %swap3A_756], %mul3A_754 {strides = array<i32>} : memref<80x80xf32, #tpu.memory_space<vmem>>, vector<16xf32>,
        %get3A_758 = arith.index_cast %add3A_725 : i32 to index
        %get3A_759 = arith.constant 64 : index
        %get3A_760 = tpu.vector_load %arg13[%get3A_758, %get3A_759] {strides = array<i32>} : memref<80x80xf32, #tpu.memory_space<vmem>>, vector<16xf32>,
        %mul3A_761 = vector.broadcast %squeeze3A_721 : f32 to vector<16xf32>
        %mul3A_762 = arith.mulf %get3A_760, %mul3A_761 : vector<16xf32>
        %swap3A_763 = arith.index_cast %add3A_725 : i32 to index
        %swap3A_764 = arith.constant 64 : index
        %swap3A_765 = tpu.vector_load %arg13[%swap3A_763, %swap3A_764] {strides = array<i32>} : memref<80x80xf32, #tpu.memory_space<vmem>>, vector<16xf32>,
        tpu.vector_store %arg13[%swap3A_763, %swap3A_764], %mul3A_762 {strides = array<i32>} : memref<80x80xf32, #tpu.memory_space<vmem>>, vector<16xf32>,
        %slice3A_766 = vector.extract_strided_slice %get3A_78 {offsets = [15], sizes = [1], strides = [1]} : vector<16xf32> to vector<1xf32>
        %squeeze3A_767 = vector.extract %slice3A_766[0] : f32 from vector<1xf32>
        %mul3A_768 = arith.constant 16 : i32
        %mul3A_769 = arith.muli %scan3A_72, %mul3A_768 : i32
        %add3A_770 = arith.constant 15 : i32
        %add3A_771 = arith.addi %mul3A_769, %add3A_770 : i32
        %get3A_772 = arith.index_cast %add3A_771 : i32 to index
        %get3A_773 = arith.constant 0 : index
        %get3A_774 = tpu.vector_load %arg13[%get3A_772, %get3A_773] {strides = array<i32>} : memref<80x80xf32, #tpu.memory_space<vmem>>, vector<16xf32>,
        %mul3A_775 = vector.broadcast %squeeze3A_767 : f32 to vector<16xf32>
        %mul3A_776 = arith.mulf %get3A_774, %mul3A_775 : vector<16xf32>
        %swap3A_777 = arith.index_cast %add3A_771 : i32 to index
        %swap3A_778 = arith.constant 0 : index
        %swap3A_779 = tpu.vector_load %arg13[%swap3A_777, %swap3A_778] {strides = array<i32>} : memref<80x80xf32, #tpu.memory_space<vmem>>, vector<16xf32>,
        tpu.vector_store %arg13[%swap3A_777, %swap3A_778], %mul3A_776 {strides = array<i32>} : memref<80x80xf32, #tpu.memory_space<vmem>>, vector<16xf32>,
        %get3A_780 = arith.index_cast %add3A_771 : i32 to index
        %get3A_781 = arith.constant 16 : index
        %get3A_782 = tpu.vector_load %arg13[%get3A_780, %get3A_781] {strides = array<i32>} : memref<80x80xf32, #tpu.memory_space<vmem>>, vector<16xf32>,
        %mul3A_783 = vector.broadcast %squeeze3A_767 : f32 to vector<16xf32>
        %mul3A_784 = arith.mulf %get3A_782, %mul3A_783 : vector<16xf32>
        %swap3A_785 = arith.index_cast %add3A_771 : i32 to index
        %swap3A_786 = arith.constant 16 : index
        %swap3A_787 = tpu.vector_load %arg13[%swap3A_785, %swap3A_786] {strides = array<i32>} : memref<80x80xf32, #tpu.memory_space<vmem>>, vector<16xf32>,
        tpu.vector_store %arg13[%swap3A_785, %swap3A_786], %mul3A_784 {strides = array<i32>} : memref<80x80xf32, #tpu.memory_space<vmem>>, vector<16xf32>,
        %get3A_788 = arith.index_cast %add3A_771 : i32 to index
        %get3A_789 = arith.constant 32 : index
        %get3A_790 = tpu.vector_load %arg13[%get3A_788, %get3A_789] {strides = array<i32>} : memref<80x80xf32, #tpu.memory_space<vmem>>, vector<16xf32>,
        %mul3A_791 = vector.broadcast %squeeze3A_767 : f32 to vector<16xf32>
        %mul3A_792 = arith.mulf %get3A_790, %mul3A_791 : vector<16xf32>
        %swap3A_793 = arith.index_cast %add3A_771 : i32 to index
        %swap3A_794 = arith.constant 32 : index
        %swap3A_795 = tpu.vector_load %arg13[%swap3A_793, %swap3A_794] {strides = array<i32>} : memref<80x80xf32, #tpu.memory_space<vmem>>, vector<16xf32>,
        tpu.vector_store %arg13[%swap3A_793, %swap3A_794], %mul3A_792 {strides = array<i32>} : memref<80x80xf32, #tpu.memory_space<vmem>>, vector<16xf32>,
        %get3A_796 = arith.index_cast %add3A_771 : i32 to index
        %get3A_797 = arith.constant 48 : index
        %get3A_798 = tpu.vector_load %arg13[%get3A_796, %get3A_797] {strides = array<i32>} : memref<80x80xf32, #tpu.memory_space<vmem>>, vector<16xf32>,
        %mul3A_799 = vector.broadcast %squeeze3A_767 : f32 to vector<16xf32>
        %mul3A_800 = arith.mulf %get3A_798, %mul3A_799 : vector<16xf32>
        %swap3A_801 = arith.index_cast %add3A_771 : i32 to index
        %swap3A_802 = arith.constant 48 : index
        %swap3A_803 = tpu.vector_load %arg13[%swap3A_801, %swap3A_802] {strides = array<i32>} : memref<80x80xf32, #tpu.memory_space<vmem>>, vector<16xf32>,
        tpu.vector_store %arg13[%swap3A_801, %swap3A_802], %mul3A_800 {strides = array<i32>} : memref<80x80xf32, #tpu.memory_space<vmem>>, vector<16xf32>,
        %get3A_804 = arith.index_cast %add3A_771 : i32 to index
        %get3A_805 = arith.constant 64 : index
        %get3A_806 = tpu.vector_load %arg13[%get3A_804, %get3A_805] {strides = array<i32>} : memref<80x80xf32, #tpu.memory_space<vmem>>, vector<16xf32>,
        %mul3A_807 = vector.broadcast %squeeze3A_767 : f32 to vector<16xf32>
        %mul3A_808 = arith.mulf %get3A_806, %mul3A_807 : vector<16xf32>
        %swap3A_809 = arith.index_cast %add3A_771 : i32 to index
        %swap3A_810 = arith.constant 64 : index
        %swap3A_811 = tpu.vector_load %arg13[%swap3A_809, %swap3A_810] {strides = array<i32>} : memref<80x80xf32, #tpu.memory_space<vmem>>, vector<16xf32>,
        tpu.vector_store %arg13[%swap3A_809, %swap3A_810], %mul3A_808 {strides = array<i32>} : memref<80x80xf32, #tpu.memory_space<vmem>>, vector<16xf32>,
        %scan3A_812 = arith.constant 0 : i32
        scf.yield %scan3A_812 : i32
      }
      %scan3A_62 = arith.constant 5 : i32
      %run_scoped3A = arith.constant 124 : i32
      "tpu.region"() ({
        %run_scoped3A_72 = tpu.sem_alloc : memref<!tpu.dma_semaphore, #tpu.memory_space<semaphore_mem>>
        %dma_start3A_73 = arith.constant 0 : i32
        %dma_start3A_74 = tpu.memref_slice %arg11[%run_scoped3A, %dma_start3A_73] : memref<125x80xi32, #tpu.memory_space<vmem>> -> memref<1x80xi32, #tpu.memory_space<vmem>>
        %dma_start3A_75 = tpu.memref_squeeze %dma_start3A_74 : memref<1x80xi32, #tpu.memory_space<vmem>> -> memref<80xi32, #tpu.memory_space<vmem>>
        %dma_start3A_76 = arith.constant 0 : i32
        %dma_start3A_77 = arith.constant 0 : i32
        %dma_start3A_78 = tpu.memref_slice %arg17[%dma_start3A_76, %dma_start3A_77] : memref<10240x80xf32, #tpu.memory_space<vmem_shared>> -> memref<10240x80xf32, #tpu.memory_space<vmem_shared>>
        tpu.enqueue_indirect_dma source(%arg13 : memref<80x80xf32, #tpu.memory_space<vmem>>) target(%dma_start3A_78 : memref<10240x80xf32, #tpu.memory_space<vmem_shared>>) offsets(%dma_start3A_75 : memref<80xi32, #tpu.memory_space<vmem>>) semaphore(%run_scoped3A_72 : memref<!tpu.dma_semaphore, #tpu.memory_space<semaphore_mem>>) {add = true}
        %dma_wait3A_79 = arith.constant 0 : i32
        %dma_wait3A_80 = tpu.memref_slice %arg11[%run_scoped3A, %dma_wait3A_79] : memref<125x80xi32, #tpu.memory_space<vmem>> -> memref<1x80xi32, #tpu.memory_space<vmem>>
        %dma_wait3A_81 = tpu.memref_squeeze %dma_wait3A_80 : memref<1x80xi32, #tpu.memory_space<vmem>> -> memref<80xi32, #tpu.memory_space<vmem>>
        %dma_wait3A_82 = arith.constant 0 : i32
        %dma_wait3A_83 = arith.constant 0 : i32
        %dma_wait3A_84 = tpu.memref_slice %arg17[%dma_wait3A_82, %dma_wait3A_83] : memref<10240x80xf32, #tpu.memory_space<vmem_shared>> -> memref<10240x80xf32, #tpu.memory_space<vmem_shared>>
        tpu.wait_indirect_dma semaphore(%run_scoped3A_72 : memref<!tpu.dma_semaphore, #tpu.memory_space<semaphore_mem>>) src(%arg13 : memref<80x80xf32, #tpu.memory_space<vmem>>) dst(%dma_wait3A_84 : memref<10240x80xf32, #tpu.memory_space<vmem_shared>>)
        tpu.yield
      }) : () -> ()
      %barrier3A_63 = arith.constant 0 : index
      tpu.barrier barrier_id(%barrier3A_63)
      %scan3A_64 = arith.constant 0 : i32
      %scan3A_65 = arith.constant 0 : i32
      %scan3A_66 = arith.constant 8 : i32
      %scan3A_67 = arith.addi %scan3A_65, %scan3A_66 : i32
      %scan3A_68 = arith.constant 1 : i32
      %scan3A_69 = scf.for %scan3A_72 = %scan3A_65 to %scan3A_67 step %scan3A_68 iter_args(%scan3A_73 = %scan3A_64) -> (i32)  : i32 {
        %mul3A_74 = arith.constant 640 : i32
        %mul3A_75 = arith.muli %arg1, %mul3A_74 : i32
        %mul3A_76 = arith.constant 80 : i32
        %mul3A_77 = arith.muli %scan3A_72, %mul3A_76 : i32
        %add3A_78 = arith.addi %mul3A_75, %mul3A_77 : i32
        %lt3A = arith.constant 10000 : i32
        %lt3A_79 = arith.cmpi slt, %add3A_78, %lt3A : i32
        %convert_element_type3A_80 = arith.extui %lt3A_79 : i1 to i32
        %cond3A_81 = arith.constant 0 : i32
        %cond3A_82 = arith.cmpi ne, %convert_element_type3A_80, %cond3A_81 : i32
        scf.if %cond3A_82 {
          "tpu.region"() ({
            %run_scoped3A_99 = tpu.sem_alloc : memref<!tpu.dma_semaphore, #tpu.memory_space<semaphore_mem>>
            %dma_start3A_100 = arith.constant 0 : i32
            %dma_start3A_101 = tpu.memref_slice %arg17[%add3A_78, %dma_start3A_100] : memref<10240x80xf32, #tpu.memory_space<vmem_shared>> -> memref<80x80xf32, #tpu.memory_space<vmem_shared>>
            %dma_start3A_102 = arith.constant 0 : i32
            %dma_start3A_103 = tpu.memref_slice %arg17[%add3A_78, %dma_start3A_102] : memref<10240x80xf32, #tpu.memory_space<vmem_shared>> -> memref<80x80xf32, #tpu.memory_space<vmem_shared>>
            tpu.enqueue_dma source(%dma_start3A_103 : memref<80x80xf32, #tpu.memory_space<vmem_shared>>) target(%arg13 : memref<80x80xf32, #tpu.memory_space<vmem>>) target_semaphore(%run_scoped3A_99 : memref<!tpu.dma_semaphore, #tpu.memory_space<semaphore_mem>>)
            %dma_wait3A_104 = arith.constant 0 : i32
            %dma_wait3A_105 = tpu.memref_slice %arg17[%add3A_78, %dma_wait3A_104] : memref<10240x80xf32, #tpu.memory_space<vmem_shared>> -> memref<80x80xf32, #tpu.memory_space<vmem_shared>>
            %dma_wait3A_106 = arith.constant 0 : i32
            %dma_wait3A_107 = tpu.memref_slice %arg17[%add3A_78, %dma_wait3A_106] : memref<10240x80xf32, #tpu.memory_space<vmem_shared>> -> memref<80x80xf32, #tpu.memory_space<vmem_shared>>
            tpu.wait_dma2 semaphore(%run_scoped3A_99 : memref<!tpu.dma_semaphore, #tpu.memory_space<semaphore_mem>>) src(%dma_wait3A_107 : memref<80x80xf32, #tpu.memory_space<vmem_shared>>) dst(%arg13 : memref<80x80xf32, #tpu.memory_space<vmem>>)
            tpu.yield
          }) : () -> ()
          %scan3A_84 = arith.constant 0 : i32
          %scan3A_85 = arith.constant 0 : i32
          %scan3A_86 = arith.constant 5 : i32
          %scan3A_87 = arith.addi %scan3A_85, %scan3A_86 : i32
          %scan3A_88 = arith.constant 1 : i32
          %scan3A_89 = scf.for %scan3A_99 = %scan3A_85 to %scan3A_87 step %scan3A_88 iter_args(%scan3A_100 = %scan3A_84) -> (i32)  : i32 {
            %iota3A = tpu.iota {dimensions = array<i32: 0>} : vector<16xi32>
            %mul3A_101 = arith.constant 16 : i32
            %mul3A_102 = arith.muli %scan3A_99, %mul3A_101 : i32
            %add3A_103 = vector.broadcast %mul3A_102 : i32 to vector<16xi32>
            %add3A_104 = arith.addi %iota3A, %add3A_103 : vector<16xi32>
            %broadcast_in_dim3A = arith.constant 64 : i32
            %broadcast_in_dim3A_105 = vector.broadcast %broadcast_in_dim3A : i32 to vector<16xi32>
            %gather3A = tpu.vector_load_idx %arg13[%add3A_104, %broadcast_in_dim3A_105] : memref<80x80xf32, #tpu.memory_space<vmem>>[vector<16xi32>, vector<16xi32>], vector<16xf32>,
            %broadcast_in_dim3A_106 = arith.constant 1.000000e+00 : f32
            %broadcast_in_dim3A_107 = vector.broadcast %broadcast_in_dim3A_106 : f32 to vector<16xf32>
            %add3A_108 = arith.constant 9.99999971E-10 : f32
            %add3A_109 = vector.broadcast %add3A_108 : f32 to vector<16xf32>
            %add3A_110 = arith.addf %gather3A, %add3A_109 : vector<16xf32>
            %div3A = arith.divf %broadcast_in_dim3A_107, %add3A_110 : vector<16xf32>
            %slice3A = vector.extract_strided_slice %div3A {offsets = [0], sizes = [1], strides = [1]} : vector<16xf32> to vector<1xf32>
            %squeeze3A = vector.extract %slice3A[0] : f32 from vector<1xf32>
            %mul3A_111 = arith.constant 16 : i32
            %mul3A_112 = arith.muli %scan3A_99, %mul3A_111 : i32
            %add3A_113 = arith.constant 0 : i32
            %add3A_114 = arith.addi %mul3A_112, %add3A_113 : i32
            %get3A = arith.index_cast %add3A_114 : i32 to index
            %get3A_115 = arith.constant 0 : index
            %get3A_116 = tpu.vector_load %arg13[%get3A, %get3A_115] {strides = array<i32>} : memref<80x80xf32, #tpu.memory_space<vmem>>, vector<16xf32>,
            %mul3A_117 = vector.broadcast %squeeze3A : f32 to vector<16xf32>
            %mul3A_118 = arith.mulf %get3A_116, %mul3A_117 : vector<16xf32>
            %max3A = arith.constant 0.000000e+00 : f32
            %max3A_119 = vector.broadcast %max3A : f32 to vector<16xf32>
            %max3A_120 = arith.maximumf %mul3A_118, %max3A_119 : vector<16xf32>
            %swap3A = arith.index_cast %add3A_114 : i32 to index
            %swap3A_121 = arith.constant 0 : index
            %swap3A_122 = tpu.vector_load %arg16[%swap3A, %swap3A_121] {strides = array<i32>} : memref<80x64xf32, #tpu.memory_space<vmem>>, vector<16xf32>,
            tpu.vector_store %arg16[%swap3A, %swap3A_121], %max3A_120 {strides = array<i32>} : memref<80x64xf32, #tpu.memory_space<vmem>>, vector<16xf32>,
            %get3A_123 = arith.index_cast %add3A_114 : i32 to index
            %get3A_124 = arith.constant 16 : index
            %get3A_125 = tpu.vector_load %arg13[%get3A_123, %get3A_124] {strides = array<i32>} : memref<80x80xf32, #tpu.memory_space<vmem>>, vector<16xf32>,
            %mul3A_126 = vector.broadcast %squeeze3A : f32 to vector<16xf32>
            %mul3A_127 = arith.mulf %get3A_125, %mul3A_126 : vector<16xf32>
            %max3A_128 = arith.constant 0.000000e+00 : f32
            %max3A_129 = vector.broadcast %max3A_128 : f32 to vector<16xf32>
            %max3A_130 = arith.maximumf %mul3A_127, %max3A_129 : vector<16xf32>
            %swap3A_131 = arith.index_cast %add3A_114 : i32 to index
            %swap3A_132 = arith.constant 16 : index
            %swap3A_133 = tpu.vector_load %arg16[%swap3A_131, %swap3A_132] {strides = array<i32>} : memref<80x64xf32, #tpu.memory_space<vmem>>, vector<16xf32>,
            tpu.vector_store %arg16[%swap3A_131, %swap3A_132], %max3A_130 {strides = array<i32>} : memref<80x64xf32, #tpu.memory_space<vmem>>, vector<16xf32>,
            %get3A_134 = arith.index_cast %add3A_114 : i32 to index
            %get3A_135 = arith.constant 32 : index
            %get3A_136 = tpu.vector_load %arg13[%get3A_134, %get3A_135] {strides = array<i32>} : memref<80x80xf32, #tpu.memory_space<vmem>>, vector<16xf32>,
            %mul3A_137 = vector.broadcast %squeeze3A : f32 to vector<16xf32>
            %mul3A_138 = arith.mulf %get3A_136, %mul3A_137 : vector<16xf32>
            %max3A_139 = arith.constant 0.000000e+00 : f32
            %max3A_140 = vector.broadcast %max3A_139 : f32 to vector<16xf32>
            %max3A_141 = arith.maximumf %mul3A_138, %max3A_140 : vector<16xf32>
            %swap3A_142 = arith.index_cast %add3A_114 : i32 to index
            %swap3A_143 = arith.constant 32 : index
            %swap3A_144 = tpu.vector_load %arg16[%swap3A_142, %swap3A_143] {strides = array<i32>} : memref<80x64xf32, #tpu.memory_space<vmem>>, vector<16xf32>,
            tpu.vector_store %arg16[%swap3A_142, %swap3A_143], %max3A_141 {strides = array<i32>} : memref<80x64xf32, #tpu.memory_space<vmem>>, vector<16xf32>,
            %get3A_145 = arith.index_cast %add3A_114 : i32 to index
            %get3A_146 = arith.constant 48 : index
            %get3A_147 = tpu.vector_load %arg13[%get3A_145, %get3A_146] {strides = array<i32>} : memref<80x80xf32, #tpu.memory_space<vmem>>, vector<16xf32>,
            %mul3A_148 = vector.broadcast %squeeze3A : f32 to vector<16xf32>
            %mul3A_149 = arith.mulf %get3A_147, %mul3A_148 : vector<16xf32>
            %max3A_150 = arith.constant 0.000000e+00 : f32
            %max3A_151 = vector.broadcast %max3A_150 : f32 to vector<16xf32>
            %max3A_152 = arith.maximumf %mul3A_149, %max3A_151 : vector<16xf32>
            %swap3A_153 = arith.index_cast %add3A_114 : i32 to index
            %swap3A_154 = arith.constant 48 : index
            %swap3A_155 = tpu.vector_load %arg16[%swap3A_153, %swap3A_154] {strides = array<i32>} : memref<80x64xf32, #tpu.memory_space<vmem>>, vector<16xf32>,
            tpu.vector_store %arg16[%swap3A_153, %swap3A_154], %max3A_152 {strides = array<i32>} : memref<80x64xf32, #tpu.memory_space<vmem>>, vector<16xf32>,
            %slice3A_156 = vector.extract_strided_slice %div3A {offsets = [1], sizes = [1], strides = [1]} : vector<16xf32> to vector<1xf32>
            %squeeze3A_157 = vector.extract %slice3A_156[0] : f32 from vector<1xf32>
            %mul3A_158 = arith.constant 16 : i32
            %mul3A_159 = arith.muli %scan3A_99, %mul3A_158 : i32
            %add3A_160 = arith.constant 1 : i32
            %add3A_161 = arith.addi %mul3A_159, %add3A_160 : i32
            %get3A_162 = arith.index_cast %add3A_161 : i32 to index
            %get3A_163 = arith.constant 0 : index
            %get3A_164 = tpu.vector_load %arg13[%get3A_162, %get3A_163] {strides = array<i32>} : memref<80x80xf32, #tpu.memory_space<vmem>>, vector<16xf32>,
            %mul3A_165 = vector.broadcast %squeeze3A_157 : f32 to vector<16xf32>
            %mul3A_166 = arith.mulf %get3A_164, %mul3A_165 : vector<16xf32>
            %max3A_167 = arith.constant 0.000000e+00 : f32
            %max3A_168 = vector.broadcast %max3A_167 : f32 to vector<16xf32>
            %max3A_169 = arith.maximumf %mul3A_166, %max3A_168 : vector<16xf32>
            %swap3A_170 = arith.index_cast %add3A_161 : i32 to index
            %swap3A_171 = arith.constant 0 : index
            %swap3A_172 = tpu.vector_load %arg16[%swap3A_170, %swap3A_171] {strides = array<i32>} : memref<80x64xf32, #tpu.memory_space<vmem>>, vector<16xf32>,
            tpu.vector_store %arg16[%swap3A_170, %swap3A_171], %max3A_169 {strides = array<i32>} : memref<80x64xf32, #tpu.memory_space<vmem>>, vector<16xf32>,
            %get3A_173 = arith.index_cast %add3A_161 : i32 to index
            %get3A_174 = arith.constant 16 : index
            %get3A_175 = tpu.vector_load %arg13[%get3A_173, %get3A_174] {strides = array<i32>} : memref<80x80xf32, #tpu.memory_space<vmem>>, vector<16xf32>,
            %mul3A_176 = vector.broadcast %squeeze3A_157 : f32 to vector<16xf32>
            %mul3A_177 = arith.mulf %get3A_175, %mul3A_176 : vector<16xf32>
            %max3A_178 = arith.constant 0.000000e+00 : f32
            %max3A_179 = vector.broadcast %max3A_178 : f32 to vector<16xf32>
            %max3A_180 = arith.maximumf %mul3A_177, %max3A_179 : vector<16xf32>
            %swap3A_181 = arith.index_cast %add3A_161 : i32 to index
            %swap3A_182 = arith.constant 16 : index
            %swap3A_183 = tpu.vector_load %arg16[%swap3A_181, %swap3A_182] {strides = array<i32>} : memref<80x64xf32, #tpu.memory_space<vmem>>, vector<16xf32>,
            tpu.vector_store %arg16[%swap3A_181, %swap3A_182], %max3A_180 {strides = array<i32>} : memref<80x64xf32, #tpu.memory_space<vmem>>, vector<16xf32>,
            %get3A_184 = arith.index_cast %add3A_161 : i32 to index
            %get3A_185 = arith.constant 32 : index
            %get3A_186 = tpu.vector_load %arg13[%get3A_184, %get3A_185] {strides = array<i32>} : memref<80x80xf32, #tpu.memory_space<vmem>>, vector<16xf32>,
            %mul3A_187 = vector.broadcast %squeeze3A_157 : f32 to vector<16xf32>
            %mul3A_188 = arith.mulf %get3A_186, %mul3A_187 : vector<16xf32>
            %max3A_189 = arith.constant 0.000000e+00 : f32
            %max3A_190 = vector.broadcast %max3A_189 : f32 to vector<16xf32>
            %max3A_191 = arith.maximumf %mul3A_188, %max3A_190 : vector<16xf32>
            %swap3A_192 = arith.index_cast %add3A_161 : i32 to index
            %swap3A_193 = arith.constant 32 : index
            %swap3A_194 = tpu.vector_load %arg16[%swap3A_192, %swap3A_193] {strides = array<i32>} : memref<80x64xf32, #tpu.memory_space<vmem>>, vector<16xf32>,
            tpu.vector_store %arg16[%swap3A_192, %swap3A_193], %max3A_191 {strides = array<i32>} : memref<80x64xf32, #tpu.memory_space<vmem>>, vector<16xf32>,
            %get3A_195 = arith.index_cast %add3A_161 : i32 to index
            %get3A_196 = arith.constant 48 : index
            %get3A_197 = tpu.vector_load %arg13[%get3A_195, %get3A_196] {strides = array<i32>} : memref<80x80xf32, #tpu.memory_space<vmem>>, vector<16xf32>,
            %mul3A_198 = vector.broadcast %squeeze3A_157 : f32 to vector<16xf32>
            %mul3A_199 = arith.mulf %get3A_197, %mul3A_198 : vector<16xf32>
            %max3A_200 = arith.constant 0.000000e+00 : f32
            %max3A_201 = vector.broadcast %max3A_200 : f32 to vector<16xf32>
            %max3A_202 = arith.maximumf %mul3A_199, %max3A_201 : vector<16xf32>
            %swap3A_203 = arith.index_cast %add3A_161 : i32 to index
            %swap3A_204 = arith.constant 48 : index
            %swap3A_205 = tpu.vector_load %arg16[%swap3A_203, %swap3A_204] {strides = array<i32>} : memref<80x64xf32, #tpu.memory_space<vmem>>, vector<16xf32>,
            tpu.vector_store %arg16[%swap3A_203, %swap3A_204], %max3A_202 {strides = array<i32>} : memref<80x64xf32, #tpu.memory_space<vmem>>, vector<16xf32>,
            %slice3A_206 = vector.extract_strided_slice %div3A {offsets = [2], sizes = [1], strides = [1]} : vector<16xf32> to vector<1xf32>
            %squeeze3A_207 = vector.extract %slice3A_206[0] : f32 from vector<1xf32>
            %mul3A_208 = arith.constant 16 : i32
            %mul3A_209 = arith.muli %scan3A_99, %mul3A_208 : i32
            %add3A_210 = arith.constant 2 : i32
            %add3A_211 = arith.addi %mul3A_209, %add3A_210 : i32
            %get3A_212 = arith.index_cast %add3A_211 : i32 to index
            %get3A_213 = arith.constant 0 : index
            %get3A_214 = tpu.vector_load %arg13[%get3A_212, %get3A_213] {strides = array<i32>} : memref<80x80xf32, #tpu.memory_space<vmem>>, vector<16xf32>,
            %mul3A_215 = vector.broadcast %squeeze3A_207 : f32 to vector<16xf32>
            %mul3A_216 = arith.mulf %get3A_214, %mul3A_215 : vector<16xf32>
            %max3A_217 = arith.constant 0.000000e+00 : f32
            %max3A_218 = vector.broadcast %max3A_217 : f32 to vector<16xf32>
            %max3A_219 = arith.maximumf %mul3A_216, %max3A_218 : vector<16xf32>
            %swap3A_220 = arith.index_cast %add3A_211 : i32 to index
            %swap3A_221 = arith.constant 0 : index
            %swap3A_222 = tpu.vector_load %arg16[%swap3A_220, %swap3A_221] {strides = array<i32>} : memref<80x64xf32, #tpu.memory_space<vmem>>, vector<16xf32>,
            tpu.vector_store %arg16[%swap3A_220, %swap3A_221], %max3A_219 {strides = array<i32>} : memref<80x64xf32, #tpu.memory_space<vmem>>, vector<16xf32>,
            %get3A_223 = arith.index_cast %add3A_211 : i32 to index
            %get3A_224 = arith.constant 16 : index
            %get3A_225 = tpu.vector_load %arg13[%get3A_223, %get3A_224] {strides = array<i32>} : memref<80x80xf32, #tpu.memory_space<vmem>>, vector<16xf32>,
            %mul3A_226 = vector.broadcast %squeeze3A_207 : f32 to vector<16xf32>
            %mul3A_227 = arith.mulf %get3A_225, %mul3A_226 : vector<16xf32>
            %max3A_228 = arith.constant 0.000000e+00 : f32
            %max3A_229 = vector.broadcast %max3A_228 : f32 to vector<16xf32>
            %max3A_230 = arith.maximumf %mul3A_227, %max3A_229 : vector<16xf32>
            %swap3A_231 = arith.index_cast %add3A_211 : i32 to index
            %swap3A_232 = arith.constant 16 : index
            %swap3A_233 = tpu.vector_load %arg16[%swap3A_231, %swap3A_232] {strides = array<i32>} : memref<80x64xf32, #tpu.memory_space<vmem>>, vector<16xf32>,
            tpu.vector_store %arg16[%swap3A_231, %swap3A_232], %max3A_230 {strides = array<i32>} : memref<80x64xf32, #tpu.memory_space<vmem>>, vector<16xf32>,
            %get3A_234 = arith.index_cast %add3A_211 : i32 to index
            %get3A_235 = arith.constant 32 : index
            %get3A_236 = tpu.vector_load %arg13[%get3A_234, %get3A_235] {strides = array<i32>} : memref<80x80xf32, #tpu.memory_space<vmem>>, vector<16xf32>,
            %mul3A_237 = vector.broadcast %squeeze3A_207 : f32 to vector<16xf32>
            %mul3A_238 = arith.mulf %get3A_236, %mul3A_237 : vector<16xf32>
            %max3A_239 = arith.constant 0.000000e+00 : f32
            %max3A_240 = vector.broadcast %max3A_239 : f32 to vector<16xf32>
            %max3A_241 = arith.maximumf %mul3A_238, %max3A_240 : vector<16xf32>
            %swap3A_242 = arith.index_cast %add3A_211 : i32 to index
            %swap3A_243 = arith.constant 32 : index
            %swap3A_244 = tpu.vector_load %arg16[%swap3A_242, %swap3A_243] {strides = array<i32>} : memref<80x64xf32, #tpu.memory_space<vmem>>, vector<16xf32>,
            tpu.vector_store %arg16[%swap3A_242, %swap3A_243], %max3A_241 {strides = array<i32>} : memref<80x64xf32, #tpu.memory_space<vmem>>, vector<16xf32>,
            %get3A_245 = arith.index_cast %add3A_211 : i32 to index
            %get3A_246 = arith.constant 48 : index
            %get3A_247 = tpu.vector_load %arg13[%get3A_245, %get3A_246] {strides = array<i32>} : memref<80x80xf32, #tpu.memory_space<vmem>>, vector<16xf32>,
            %mul3A_248 = vector.broadcast %squeeze3A_207 : f32 to vector<16xf32>
            %mul3A_249 = arith.mulf %get3A_247, %mul3A_248 : vector<16xf32>
            %max3A_250 = arith.constant 0.000000e+00 : f32
            %max3A_251 = vector.broadcast %max3A_250 : f32 to vector<16xf32>
            %max3A_252 = arith.maximumf %mul3A_249, %max3A_251 : vector<16xf32>
            %swap3A_253 = arith.index_cast %add3A_211 : i32 to index
            %swap3A_254 = arith.constant 48 : index
            %swap3A_255 = tpu.vector_load %arg16[%swap3A_253, %swap3A_254] {strides = array<i32>} : memref<80x64xf32, #tpu.memory_space<vmem>>, vector<16xf32>,
            tpu.vector_store %arg16[%swap3A_253, %swap3A_254], %max3A_252 {strides = array<i32>} : memref<80x64xf32, #tpu.memory_space<vmem>>, vector<16xf32>,
            %slice3A_256 = vector.extract_strided_slice %div3A {offsets = [3], sizes = [1], strides = [1]} : vector<16xf32> to vector<1xf32>
            %squeeze3A_257 = vector.extract %slice3A_256[0] : f32 from vector<1xf32>
            %mul3A_258 = arith.constant 16 : i32
            %mul3A_259 = arith.muli %scan3A_99, %mul3A_258 : i32
            %add3A_260 = arith.constant 3 : i32
            %add3A_261 = arith.addi %mul3A_259, %add3A_260 : i32
            %get3A_262 = arith.index_cast %add3A_261 : i32 to index
            %get3A_263 = arith.constant 0 : index
            %get3A_264 = tpu.vector_load %arg13[%get3A_262, %get3A_263] {strides = array<i32>} : memref<80x80xf32, #tpu.memory_space<vmem>>, vector<16xf32>,
            %mul3A_265 = vector.broadcast %squeeze3A_257 : f32 to vector<16xf32>
            %mul3A_266 = arith.mulf %get3A_264, %mul3A_265 : vector<16xf32>
            %max3A_267 = arith.constant 0.000000e+00 : f32
            %max3A_268 = vector.broadcast %max3A_267 : f32 to vector<16xf32>
            %max3A_269 = arith.maximumf %mul3A_266, %max3A_268 : vector<16xf32>
            %swap3A_270 = arith.index_cast %add3A_261 : i32 to index
            %swap3A_271 = arith.constant 0 : index
            %swap3A_272 = tpu.vector_load %arg16[%swap3A_270, %swap3A_271] {strides = array<i32>} : memref<80x64xf32, #tpu.memory_space<vmem>>, vector<16xf32>,
            tpu.vector_store %arg16[%swap3A_270, %swap3A_271], %max3A_269 {strides = array<i32>} : memref<80x64xf32, #tpu.memory_space<vmem>>, vector<16xf32>,
            %get3A_273 = arith.index_cast %add3A_261 : i32 to index
            %get3A_274 = arith.constant 16 : index
            %get3A_275 = tpu.vector_load %arg13[%get3A_273, %get3A_274] {strides = array<i32>} : memref<80x80xf32, #tpu.memory_space<vmem>>, vector<16xf32>,
            %mul3A_276 = vector.broadcast %squeeze3A_257 : f32 to vector<16xf32>
            %mul3A_277 = arith.mulf %get3A_275, %mul3A_276 : vector<16xf32>
            %max3A_278 = arith.constant 0.000000e+00 : f32
            %max3A_279 = vector.broadcast %max3A_278 : f32 to vector<16xf32>
            %max3A_280 = arith.maximumf %mul3A_277, %max3A_279 : vector<16xf32>
            %swap3A_281 = arith.index_cast %add3A_261 : i32 to index
            %swap3A_282 = arith.constant 16 : index
            %swap3A_283 = tpu.vector_load %arg16[%swap3A_281, %swap3A_282] {strides = array<i32>} : memref<80x64xf32, #tpu.memory_space<vmem>>, vector<16xf32>,
            tpu.vector_store %arg16[%swap3A_281, %swap3A_282], %max3A_280 {strides = array<i32>} : memref<80x64xf32, #tpu.memory_space<vmem>>, vector<16xf32>,
            %get3A_284 = arith.index_cast %add3A_261 : i32 to index
            %get3A_285 = arith.constant 32 : index
            %get3A_286 = tpu.vector_load %arg13[%get3A_284, %get3A_285] {strides = array<i32>} : memref<80x80xf32, #tpu.memory_space<vmem>>, vector<16xf32>,
            %mul3A_287 = vector.broadcast %squeeze3A_257 : f32 to vector<16xf32>
            %mul3A_288 = arith.mulf %get3A_286, %mul3A_287 : vector<16xf32>
            %max3A_289 = arith.constant 0.000000e+00 : f32
            %max3A_290 = vector.broadcast %max3A_289 : f32 to vector<16xf32>
            %max3A_291 = arith.maximumf %mul3A_288, %max3A_290 : vector<16xf32>
            %swap3A_292 = arith.index_cast %add3A_261 : i32 to index
            %swap3A_293 = arith.constant 32 : index
            %swap3A_294 = tpu.vector_load %arg16[%swap3A_292, %swap3A_293] {strides = array<i32>} : memref<80x64xf32, #tpu.memory_space<vmem>>, vector<16xf32>,
            tpu.vector_store %arg16[%swap3A_292, %swap3A_293], %max3A_291 {strides = array<i32>} : memref<80x64xf32, #tpu.memory_space<vmem>>, vector<16xf32>,
            %get3A_295 = arith.index_cast %add3A_261 : i32 to index
            %get3A_296 = arith.constant 48 : index
            %get3A_297 = tpu.vector_load %arg13[%get3A_295, %get3A_296] {strides = array<i32>} : memref<80x80xf32, #tpu.memory_space<vmem>>, vector<16xf32>,
            %mul3A_298 = vector.broadcast %squeeze3A_257 : f32 to vector<16xf32>
            %mul3A_299 = arith.mulf %get3A_297, %mul3A_298 : vector<16xf32>
            %max3A_300 = arith.constant 0.000000e+00 : f32
            %max3A_301 = vector.broadcast %max3A_300 : f32 to vector<16xf32>
            %max3A_302 = arith.maximumf %mul3A_299, %max3A_301 : vector<16xf32>
            %swap3A_303 = arith.index_cast %add3A_261 : i32 to index
            %swap3A_304 = arith.constant 48 : index
            %swap3A_305 = tpu.vector_load %arg16[%swap3A_303, %swap3A_304] {strides = array<i32>} : memref<80x64xf32, #tpu.memory_space<vmem>>, vector<16xf32>,
            tpu.vector_store %arg16[%swap3A_303, %swap3A_304], %max3A_302 {strides = array<i32>} : memref<80x64xf32, #tpu.memory_space<vmem>>, vector<16xf32>,
            %slice3A_306 = vector.extract_strided_slice %div3A {offsets = [4], sizes = [1], strides = [1]} : vector<16xf32> to vector<1xf32>
            %squeeze3A_307 = vector.extract %slice3A_306[0] : f32 from vector<1xf32>
            %mul3A_308 = arith.constant 16 : i32
            %mul3A_309 = arith.muli %scan3A_99, %mul3A_308 : i32
            %add3A_310 = arith.constant 4 : i32
            %add3A_311 = arith.addi %mul3A_309, %add3A_310 : i32
            %get3A_312 = arith.index_cast %add3A_311 : i32 to index
            %get3A_313 = arith.constant 0 : index
            %get3A_314 = tpu.vector_load %arg13[%get3A_312, %get3A_313] {strides = array<i32>} : memref<80x80xf32, #tpu.memory_space<vmem>>, vector<16xf32>,
            %mul3A_315 = vector.broadcast %squeeze3A_307 : f32 to vector<16xf32>
            %mul3A_316 = arith.mulf %get3A_314, %mul3A_315 : vector<16xf32>
            %max3A_317 = arith.constant 0.000000e+00 : f32
            %max3A_318 = vector.broadcast %max3A_317 : f32 to vector<16xf32>
            %max3A_319 = arith.maximumf %mul3A_316, %max3A_318 : vector<16xf32>
            %swap3A_320 = arith.index_cast %add3A_311 : i32 to index
            %swap3A_321 = arith.constant 0 : index
            %swap3A_322 = tpu.vector_load %arg16[%swap3A_320, %swap3A_321] {strides = array<i32>} : memref<80x64xf32, #tpu.memory_space<vmem>>, vector<16xf32>,
            tpu.vector_store %arg16[%swap3A_320, %swap3A_321], %max3A_319 {strides = array<i32>} : memref<80x64xf32, #tpu.memory_space<vmem>>, vector<16xf32>,
            %get3A_323 = arith.index_cast %add3A_311 : i32 to index
            %get3A_324 = arith.constant 16 : index
            %get3A_325 = tpu.vector_load %arg13[%get3A_323, %get3A_324] {strides = array<i32>} : memref<80x80xf32, #tpu.memory_space<vmem>>, vector<16xf32>,
            %mul3A_326 = vector.broadcast %squeeze3A_307 : f32 to vector<16xf32>
            %mul3A_327 = arith.mulf %get3A_325, %mul3A_326 : vector<16xf32>
            %max3A_328 = arith.constant 0.000000e+00 : f32
            %max3A_329 = vector.broadcast %max3A_328 : f32 to vector<16xf32>
            %max3A_330 = arith.maximumf %mul3A_327, %max3A_329 : vector<16xf32>
            %swap3A_331 = arith.index_cast %add3A_311 : i32 to index
            %swap3A_332 = arith.constant 16 : index
            %swap3A_333 = tpu.vector_load %arg16[%swap3A_331, %swap3A_332] {strides = array<i32>} : memref<80x64xf32, #tpu.memory_space<vmem>>, vector<16xf32>,
            tpu.vector_store %arg16[%swap3A_331, %swap3A_332], %max3A_330 {strides = array<i32>} : memref<80x64xf32, #tpu.memory_space<vmem>>, vector<16xf32>,
            %get3A_334 = arith.index_cast %add3A_311 : i32 to index
            %get3A_335 = arith.constant 32 : index
            %get3A_336 = tpu.vector_load %arg13[%get3A_334, %get3A_335] {strides = array<i32>} : memref<80x80xf32, #tpu.memory_space<vmem>>, vector<16xf32>,
            %mul3A_337 = vector.broadcast %squeeze3A_307 : f32 to vector<16xf32>
            %mul3A_338 = arith.mulf %get3A_336, %mul3A_337 : vector<16xf32>
            %max3A_339 = arith.constant 0.000000e+00 : f32
            %max3A_340 = vector.broadcast %max3A_339 : f32 to vector<16xf32>
            %max3A_341 = arith.maximumf %mul3A_338, %max3A_340 : vector<16xf32>
            %swap3A_342 = arith.index_cast %add3A_311 : i32 to index
            %swap3A_343 = arith.constant 32 : index
            %swap3A_344 = tpu.vector_load %arg16[%swap3A_342, %swap3A_343] {strides = array<i32>} : memref<80x64xf32, #tpu.memory_space<vmem>>, vector<16xf32>,
            tpu.vector_store %arg16[%swap3A_342, %swap3A_343], %max3A_341 {strides = array<i32>} : memref<80x64xf32, #tpu.memory_space<vmem>>, vector<16xf32>,
            %get3A_345 = arith.index_cast %add3A_311 : i32 to index
            %get3A_346 = arith.constant 48 : index
            %get3A_347 = tpu.vector_load %arg13[%get3A_345, %get3A_346] {strides = array<i32>} : memref<80x80xf32, #tpu.memory_space<vmem>>, vector<16xf32>,
            %mul3A_348 = vector.broadcast %squeeze3A_307 : f32 to vector<16xf32>
            %mul3A_349 = arith.mulf %get3A_347, %mul3A_348 : vector<16xf32>
            %max3A_350 = arith.constant 0.000000e+00 : f32
            %max3A_351 = vector.broadcast %max3A_350 : f32 to vector<16xf32>
            %max3A_352 = arith.maximumf %mul3A_349, %max3A_351 : vector<16xf32>
            %swap3A_353 = arith.index_cast %add3A_311 : i32 to index
            %swap3A_354 = arith.constant 48 : index
            %swap3A_355 = tpu.vector_load %arg16[%swap3A_353, %swap3A_354] {strides = array<i32>} : memref<80x64xf32, #tpu.memory_space<vmem>>, vector<16xf32>,
            tpu.vector_store %arg16[%swap3A_353, %swap3A_354], %max3A_352 {strides = array<i32>} : memref<80x64xf32, #tpu.memory_space<vmem>>, vector<16xf32>,
            %slice3A_356 = vector.extract_strided_slice %div3A {offsets = [5], sizes = [1], strides = [1]} : vector<16xf32> to vector<1xf32>
            %squeeze3A_357 = vector.extract %slice3A_356[0] : f32 from vector<1xf32>
            %mul3A_358 = arith.constant 16 : i32
            %mul3A_359 = arith.muli %scan3A_99, %mul3A_358 : i32
            %add3A_360 = arith.constant 5 : i32
            %add3A_361 = arith.addi %mul3A_359, %add3A_360 : i32
            %get3A_362 = arith.index_cast %add3A_361 : i32 to index
            %get3A_363 = arith.constant 0 : index
            %get3A_364 = tpu.vector_load %arg13[%get3A_362, %get3A_363] {strides = array<i32>} : memref<80x80xf32, #tpu.memory_space<vmem>>, vector<16xf32>,
            %mul3A_365 = vector.broadcast %squeeze3A_357 : f32 to vector<16xf32>
            %mul3A_366 = arith.mulf %get3A_364, %mul3A_365 : vector<16xf32>
            %max3A_367 = arith.constant 0.000000e+00 : f32
            %max3A_368 = vector.broadcast %max3A_367 : f32 to vector<16xf32>
            %max3A_369 = arith.maximumf %mul3A_366, %max3A_368 : vector<16xf32>
            %swap3A_370 = arith.index_cast %add3A_361 : i32 to index
            %swap3A_371 = arith.constant 0 : index
            %swap3A_372 = tpu.vector_load %arg16[%swap3A_370, %swap3A_371] {strides = array<i32>} : memref<80x64xf32, #tpu.memory_space<vmem>>, vector<16xf32>,
            tpu.vector_store %arg16[%swap3A_370, %swap3A_371], %max3A_369 {strides = array<i32>} : memref<80x64xf32, #tpu.memory_space<vmem>>, vector<16xf32>,
            %get3A_373 = arith.index_cast %add3A_361 : i32 to index
            %get3A_374 = arith.constant 16 : index
            %get3A_375 = tpu.vector_load %arg13[%get3A_373, %get3A_374] {strides = array<i32>} : memref<80x80xf32, #tpu.memory_space<vmem>>, vector<16xf32>,
            %mul3A_376 = vector.broadcast %squeeze3A_357 : f32 to vector<16xf32>
            %mul3A_377 = arith.mulf %get3A_375, %mul3A_376 : vector<16xf32>
            %max3A_378 = arith.constant 0.000000e+00 : f32
            %max3A_379 = vector.broadcast %max3A_378 : f32 to vector<16xf32>
            %max3A_380 = arith.maximumf %mul3A_377, %max3A_379 : vector<16xf32>
            %swap3A_381 = arith.index_cast %add3A_361 : i32 to index
            %swap3A_382 = arith.constant 16 : index
            %swap3A_383 = tpu.vector_load %arg16[%swap3A_381, %swap3A_382] {strides = array<i32>} : memref<80x64xf32, #tpu.memory_space<vmem>>, vector<16xf32>,
            tpu.vector_store %arg16[%swap3A_381, %swap3A_382], %max3A_380 {strides = array<i32>} : memref<80x64xf32, #tpu.memory_space<vmem>>, vector<16xf32>,
            %get3A_384 = arith.index_cast %add3A_361 : i32 to index
            %get3A_385 = arith.constant 32 : index
            %get3A_386 = tpu.vector_load %arg13[%get3A_384, %get3A_385] {strides = array<i32>} : memref<80x80xf32, #tpu.memory_space<vmem>>, vector<16xf32>,
            %mul3A_387 = vector.broadcast %squeeze3A_357 : f32 to vector<16xf32>
            %mul3A_388 = arith.mulf %get3A_386, %mul3A_387 : vector<16xf32>
            %max3A_389 = arith.constant 0.000000e+00 : f32
            %max3A_390 = vector.broadcast %max3A_389 : f32 to vector<16xf32>
            %max3A_391 = arith.maximumf %mul3A_388, %max3A_390 : vector<16xf32>
            %swap3A_392 = arith.index_cast %add3A_361 : i32 to index
            %swap3A_393 = arith.constant 32 : index
            %swap3A_394 = tpu.vector_load %arg16[%swap3A_392, %swap3A_393] {strides = array<i32>} : memref<80x64xf32, #tpu.memory_space<vmem>>, vector<16xf32>,
            tpu.vector_store %arg16[%swap3A_392, %swap3A_393], %max3A_391 {strides = array<i32>} : memref<80x64xf32, #tpu.memory_space<vmem>>, vector<16xf32>,
            %get3A_395 = arith.index_cast %add3A_361 : i32 to index
            %get3A_396 = arith.constant 48 : index
            %get3A_397 = tpu.vector_load %arg13[%get3A_395, %get3A_396] {strides = array<i32>} : memref<80x80xf32, #tpu.memory_space<vmem>>, vector<16xf32>,
            %mul3A_398 = vector.broadcast %squeeze3A_357 : f32 to vector<16xf32>
            %mul3A_399 = arith.mulf %get3A_397, %mul3A_398 : vector<16xf32>
            %max3A_400 = arith.constant 0.000000e+00 : f32
            %max3A_401 = vector.broadcast %max3A_400 : f32 to vector<16xf32>
            %max3A_402 = arith.maximumf %mul3A_399, %max3A_401 : vector<16xf32>
            %swap3A_403 = arith.index_cast %add3A_361 : i32 to index
            %swap3A_404 = arith.constant 48 : index
            %swap3A_405 = tpu.vector_load %arg16[%swap3A_403, %swap3A_404] {strides = array<i32>} : memref<80x64xf32, #tpu.memory_space<vmem>>, vector<16xf32>,
            tpu.vector_store %arg16[%swap3A_403, %swap3A_404], %max3A_402 {strides = array<i32>} : memref<80x64xf32, #tpu.memory_space<vmem>>, vector<16xf32>,
            %slice3A_406 = vector.extract_strided_slice %div3A {offsets = [6], sizes = [1], strides = [1]} : vector<16xf32> to vector<1xf32>
            %squeeze3A_407 = vector.extract %slice3A_406[0] : f32 from vector<1xf32>
            %mul3A_408 = arith.constant 16 : i32
            %mul3A_409 = arith.muli %scan3A_99, %mul3A_408 : i32
            %add3A_410 = arith.constant 6 : i32
            %add3A_411 = arith.addi %mul3A_409, %add3A_410 : i32
            %get3A_412 = arith.index_cast %add3A_411 : i32 to index
            %get3A_413 = arith.constant 0 : index
            %get3A_414 = tpu.vector_load %arg13[%get3A_412, %get3A_413] {strides = array<i32>} : memref<80x80xf32, #tpu.memory_space<vmem>>, vector<16xf32>,
            %mul3A_415 = vector.broadcast %squeeze3A_407 : f32 to vector<16xf32>
            %mul3A_416 = arith.mulf %get3A_414, %mul3A_415 : vector<16xf32>
            %max3A_417 = arith.constant 0.000000e+00 : f32
            %max3A_418 = vector.broadcast %max3A_417 : f32 to vector<16xf32>
            %max3A_419 = arith.maximumf %mul3A_416, %max3A_418 : vector<16xf32>
            %swap3A_420 = arith.index_cast %add3A_411 : i32 to index
            %swap3A_421 = arith.constant 0 : index
            %swap3A_422 = tpu.vector_load %arg16[%swap3A_420, %swap3A_421] {strides = array<i32>} : memref<80x64xf32, #tpu.memory_space<vmem>>, vector<16xf32>,
            tpu.vector_store %arg16[%swap3A_420, %swap3A_421], %max3A_419 {strides = array<i32>} : memref<80x64xf32, #tpu.memory_space<vmem>>, vector<16xf32>,
            %get3A_423 = arith.index_cast %add3A_411 : i32 to index
            %get3A_424 = arith.constant 16 : index
            %get3A_425 = tpu.vector_load %arg13[%get3A_423, %get3A_424] {strides = array<i32>} : memref<80x80xf32, #tpu.memory_space<vmem>>, vector<16xf32>,
            %mul3A_426 = vector.broadcast %squeeze3A_407 : f32 to vector<16xf32>
            %mul3A_427 = arith.mulf %get3A_425, %mul3A_426 : vector<16xf32>
            %max3A_428 = arith.constant 0.000000e+00 : f32
            %max3A_429 = vector.broadcast %max3A_428 : f32 to vector<16xf32>
            %max3A_430 = arith.maximumf %mul3A_427, %max3A_429 : vector<16xf32>
            %swap3A_431 = arith.index_cast %add3A_411 : i32 to index
            %swap3A_432 = arith.constant 16 : index
            %swap3A_433 = tpu.vector_load %arg16[%swap3A_431, %swap3A_432] {strides = array<i32>} : memref<80x64xf32, #tpu.memory_space<vmem>>, vector<16xf32>,
            tpu.vector_store %arg16[%swap3A_431, %swap3A_432], %max3A_430 {strides = array<i32>} : memref<80x64xf32, #tpu.memory_space<vmem>>, vector<16xf32>,
            %get3A_434 = arith.index_cast %add3A_411 : i32 to index
            %get3A_435 = arith.constant 32 : index
            %get3A_436 = tpu.vector_load %arg13[%get3A_434, %get3A_435] {strides = array<i32>} : memref<80x80xf32, #tpu.memory_space<vmem>>, vector<16xf32>,
            %mul3A_437 = vector.broadcast %squeeze3A_407 : f32 to vector<16xf32>
            %mul3A_438 = arith.mulf %get3A_436, %mul3A_437 : vector<16xf32>
            %max3A_439 = arith.constant 0.000000e+00 : f32
            %max3A_440 = vector.broadcast %max3A_439 : f32 to vector<16xf32>
            %max3A_441 = arith.maximumf %mul3A_438, %max3A_440 : vector<16xf32>
            %swap3A_442 = arith.index_cast %add3A_411 : i32 to index
            %swap3A_443 = arith.constant 32 : index
            %swap3A_444 = tpu.vector_load %arg16[%swap3A_442, %swap3A_443] {strides = array<i32>} : memref<80x64xf32, #tpu.memory_space<vmem>>, vector<16xf32>,
            tpu.vector_store %arg16[%swap3A_442, %swap3A_443], %max3A_441 {strides = array<i32>} : memref<80x64xf32, #tpu.memory_space<vmem>>, vector<16xf32>,
            %get3A_445 = arith.index_cast %add3A_411 : i32 to index
            %get3A_446 = arith.constant 48 : index
            %get3A_447 = tpu.vector_load %arg13[%get3A_445, %get3A_446] {strides = array<i32>} : memref<80x80xf32, #tpu.memory_space<vmem>>, vector<16xf32>,
            %mul3A_448 = vector.broadcast %squeeze3A_407 : f32 to vector<16xf32>
            %mul3A_449 = arith.mulf %get3A_447, %mul3A_448 : vector<16xf32>
            %max3A_450 = arith.constant 0.000000e+00 : f32
            %max3A_451 = vector.broadcast %max3A_450 : f32 to vector<16xf32>
            %max3A_452 = arith.maximumf %mul3A_449, %max3A_451 : vector<16xf32>
            %swap3A_453 = arith.index_cast %add3A_411 : i32 to index
            %swap3A_454 = arith.constant 48 : index
            %swap3A_455 = tpu.vector_load %arg16[%swap3A_453, %swap3A_454] {strides = array<i32>} : memref<80x64xf32, #tpu.memory_space<vmem>>, vector<16xf32>,
            tpu.vector_store %arg16[%swap3A_453, %swap3A_454], %max3A_452 {strides = array<i32>} : memref<80x64xf32, #tpu.memory_space<vmem>>, vector<16xf32>,
            %slice3A_456 = vector.extract_strided_slice %div3A {offsets = [7], sizes = [1], strides = [1]} : vector<16xf32> to vector<1xf32>
            %squeeze3A_457 = vector.extract %slice3A_456[0] : f32 from vector<1xf32>
            %mul3A_458 = arith.constant 16 : i32
            %mul3A_459 = arith.muli %scan3A_99, %mul3A_458 : i32
            %add3A_460 = arith.constant 7 : i32
            %add3A_461 = arith.addi %mul3A_459, %add3A_460 : i32
            %get3A_462 = arith.index_cast %add3A_461 : i32 to index
            %get3A_463 = arith.constant 0 : index
            %get3A_464 = tpu.vector_load %arg13[%get3A_462, %get3A_463] {strides = array<i32>} : memref<80x80xf32, #tpu.memory_space<vmem>>, vector<16xf32>,
            %mul3A_465 = vector.broadcast %squeeze3A_457 : f32 to vector<16xf32>
            %mul3A_466 = arith.mulf %get3A_464, %mul3A_465 : vector<16xf32>
            %max3A_467 = arith.constant 0.000000e+00 : f32
            %max3A_468 = vector.broadcast %max3A_467 : f32 to vector<16xf32>
            %max3A_469 = arith.maximumf %mul3A_466, %max3A_468 : vector<16xf32>
            %swap3A_470 = arith.index_cast %add3A_461 : i32 to index
            %swap3A_471 = arith.constant 0 : index
            %swap3A_472 = tpu.vector_load %arg16[%swap3A_470, %swap3A_471] {strides = array<i32>} : memref<80x64xf32, #tpu.memory_space<vmem>>, vector<16xf32>,
            tpu.vector_store %arg16[%swap3A_470, %swap3A_471], %max3A_469 {strides = array<i32>} : memref<80x64xf32, #tpu.memory_space<vmem>>, vector<16xf32>,
            %get3A_473 = arith.index_cast %add3A_461 : i32 to index
            %get3A_474 = arith.constant 16 : index
            %get3A_475 = tpu.vector_load %arg13[%get3A_473, %get3A_474] {strides = array<i32>} : memref<80x80xf32, #tpu.memory_space<vmem>>, vector<16xf32>,
            %mul3A_476 = vector.broadcast %squeeze3A_457 : f32 to vector<16xf32>
            %mul3A_477 = arith.mulf %get3A_475, %mul3A_476 : vector<16xf32>
            %max3A_478 = arith.constant 0.000000e+00 : f32
            %max3A_479 = vector.broadcast %max3A_478 : f32 to vector<16xf32>
            %max3A_480 = arith.maximumf %mul3A_477, %max3A_479 : vector<16xf32>
            %swap3A_481 = arith.index_cast %add3A_461 : i32 to index
            %swap3A_482 = arith.constant 16 : index
            %swap3A_483 = tpu.vector_load %arg16[%swap3A_481, %swap3A_482] {strides = array<i32>} : memref<80x64xf32, #tpu.memory_space<vmem>>, vector<16xf32>,
            tpu.vector_store %arg16[%swap3A_481, %swap3A_482], %max3A_480 {strides = array<i32>} : memref<80x64xf32, #tpu.memory_space<vmem>>, vector<16xf32>,
            %get3A_484 = arith.index_cast %add3A_461 : i32 to index
            %get3A_485 = arith.constant 32 : index
            %get3A_486 = tpu.vector_load %arg13[%get3A_484, %get3A_485] {strides = array<i32>} : memref<80x80xf32, #tpu.memory_space<vmem>>, vector<16xf32>,
            %mul3A_487 = vector.broadcast %squeeze3A_457 : f32 to vector<16xf32>
            %mul3A_488 = arith.mulf %get3A_486, %mul3A_487 : vector<16xf32>
            %max3A_489 = arith.constant 0.000000e+00 : f32
            %max3A_490 = vector.broadcast %max3A_489 : f32 to vector<16xf32>
            %max3A_491 = arith.maximumf %mul3A_488, %max3A_490 : vector<16xf32>
            %swap3A_492 = arith.index_cast %add3A_461 : i32 to index
            %swap3A_493 = arith.constant 32 : index
            %swap3A_494 = tpu.vector_load %arg16[%swap3A_492, %swap3A_493] {strides = array<i32>} : memref<80x64xf32, #tpu.memory_space<vmem>>, vector<16xf32>,
            tpu.vector_store %arg16[%swap3A_492, %swap3A_493], %max3A_491 {strides = array<i32>} : memref<80x64xf32, #tpu.memory_space<vmem>>, vector<16xf32>,
            %get3A_495 = arith.index_cast %add3A_461 : i32 to index
            %get3A_496 = arith.constant 48 : index
            %get3A_497 = tpu.vector_load %arg13[%get3A_495, %get3A_496] {strides = array<i32>} : memref<80x80xf32, #tpu.memory_space<vmem>>, vector<16xf32>,
            %mul3A_498 = vector.broadcast %squeeze3A_457 : f32 to vector<16xf32>
            %mul3A_499 = arith.mulf %get3A_497, %mul3A_498 : vector<16xf32>
            %max3A_500 = arith.constant 0.000000e+00 : f32
            %max3A_501 = vector.broadcast %max3A_500 : f32 to vector<16xf32>
            %max3A_502 = arith.maximumf %mul3A_499, %max3A_501 : vector<16xf32>
            %swap3A_503 = arith.index_cast %add3A_461 : i32 to index
            %swap3A_504 = arith.constant 48 : index
            %swap3A_505 = tpu.vector_load %arg16[%swap3A_503, %swap3A_504] {strides = array<i32>} : memref<80x64xf32, #tpu.memory_space<vmem>>, vector<16xf32>,
            tpu.vector_store %arg16[%swap3A_503, %swap3A_504], %max3A_502 {strides = array<i32>} : memref<80x64xf32, #tpu.memory_space<vmem>>, vector<16xf32>,
            %slice3A_506 = vector.extract_strided_slice %div3A {offsets = [8], sizes = [1], strides = [1]} : vector<16xf32> to vector<1xf32>
            %squeeze3A_507 = vector.extract %slice3A_506[0] : f32 from vector<1xf32>
            %mul3A_508 = arith.constant 16 : i32
            %mul3A_509 = arith.muli %scan3A_99, %mul3A_508 : i32
            %add3A_510 = arith.constant 8 : i32
            %add3A_511 = arith.addi %mul3A_509, %add3A_510 : i32
            %get3A_512 = arith.index_cast %add3A_511 : i32 to index
            %get3A_513 = arith.constant 0 : index
            %get3A_514 = tpu.vector_load %arg13[%get3A_512, %get3A_513] {strides = array<i32>} : memref<80x80xf32, #tpu.memory_space<vmem>>, vector<16xf32>,
            %mul3A_515 = vector.broadcast %squeeze3A_507 : f32 to vector<16xf32>
            %mul3A_516 = arith.mulf %get3A_514, %mul3A_515 : vector<16xf32>
            %max3A_517 = arith.constant 0.000000e+00 : f32
            %max3A_518 = vector.broadcast %max3A_517 : f32 to vector<16xf32>
            %max3A_519 = arith.maximumf %mul3A_516, %max3A_518 : vector<16xf32>
            %swap3A_520 = arith.index_cast %add3A_511 : i32 to index
            %swap3A_521 = arith.constant 0 : index
            %swap3A_522 = tpu.vector_load %arg16[%swap3A_520, %swap3A_521] {strides = array<i32>} : memref<80x64xf32, #tpu.memory_space<vmem>>, vector<16xf32>,
            tpu.vector_store %arg16[%swap3A_520, %swap3A_521], %max3A_519 {strides = array<i32>} : memref<80x64xf32, #tpu.memory_space<vmem>>, vector<16xf32>,
            %get3A_523 = arith.index_cast %add3A_511 : i32 to index
            %get3A_524 = arith.constant 16 : index
            %get3A_525 = tpu.vector_load %arg13[%get3A_523, %get3A_524] {strides = array<i32>} : memref<80x80xf32, #tpu.memory_space<vmem>>, vector<16xf32>,
            %mul3A_526 = vector.broadcast %squeeze3A_507 : f32 to vector<16xf32>
            %mul3A_527 = arith.mulf %get3A_525, %mul3A_526 : vector<16xf32>
            %max3A_528 = arith.constant 0.000000e+00 : f32
            %max3A_529 = vector.broadcast %max3A_528 : f32 to vector<16xf32>
            %max3A_530 = arith.maximumf %mul3A_527, %max3A_529 : vector<16xf32>
            %swap3A_531 = arith.index_cast %add3A_511 : i32 to index
            %swap3A_532 = arith.constant 16 : index
            %swap3A_533 = tpu.vector_load %arg16[%swap3A_531, %swap3A_532] {strides = array<i32>} : memref<80x64xf32, #tpu.memory_space<vmem>>, vector<16xf32>,
            tpu.vector_store %arg16[%swap3A_531, %swap3A_532], %max3A_530 {strides = array<i32>} : memref<80x64xf32, #tpu.memory_space<vmem>>, vector<16xf32>,
            %get3A_534 = arith.index_cast %add3A_511 : i32 to index
            %get3A_535 = arith.constant 32 : index
            %get3A_536 = tpu.vector_load %arg13[%get3A_534, %get3A_535] {strides = array<i32>} : memref<80x80xf32, #tpu.memory_space<vmem>>, vector<16xf32>,
            %mul3A_537 = vector.broadcast %squeeze3A_507 : f32 to vector<16xf32>
            %mul3A_538 = arith.mulf %get3A_536, %mul3A_537 : vector<16xf32>
            %max3A_539 = arith.constant 0.000000e+00 : f32
            %max3A_540 = vector.broadcast %max3A_539 : f32 to vector<16xf32>
            %max3A_541 = arith.maximumf %mul3A_538, %max3A_540 : vector<16xf32>
            %swap3A_542 = arith.index_cast %add3A_511 : i32 to index
            %swap3A_543 = arith.constant 32 : index
            %swap3A_544 = tpu.vector_load %arg16[%swap3A_542, %swap3A_543] {strides = array<i32>} : memref<80x64xf32, #tpu.memory_space<vmem>>, vector<16xf32>,
            tpu.vector_store %arg16[%swap3A_542, %swap3A_543], %max3A_541 {strides = array<i32>} : memref<80x64xf32, #tpu.memory_space<vmem>>, vector<16xf32>,
            %get3A_545 = arith.index_cast %add3A_511 : i32 to index
            %get3A_546 = arith.constant 48 : index
            %get3A_547 = tpu.vector_load %arg13[%get3A_545, %get3A_546] {strides = array<i32>} : memref<80x80xf32, #tpu.memory_space<vmem>>, vector<16xf32>,
            %mul3A_548 = vector.broadcast %squeeze3A_507 : f32 to vector<16xf32>
            %mul3A_549 = arith.mulf %get3A_547, %mul3A_548 : vector<16xf32>
            %max3A_550 = arith.constant 0.000000e+00 : f32
            %max3A_551 = vector.broadcast %max3A_550 : f32 to vector<16xf32>
            %max3A_552 = arith.maximumf %mul3A_549, %max3A_551 : vector<16xf32>
            %swap3A_553 = arith.index_cast %add3A_511 : i32 to index
            %swap3A_554 = arith.constant 48 : index
            %swap3A_555 = tpu.vector_load %arg16[%swap3A_553, %swap3A_554] {strides = array<i32>} : memref<80x64xf32, #tpu.memory_space<vmem>>, vector<16xf32>,
            tpu.vector_store %arg16[%swap3A_553, %swap3A_554], %max3A_552 {strides = array<i32>} : memref<80x64xf32, #tpu.memory_space<vmem>>, vector<16xf32>,
            %slice3A_556 = vector.extract_strided_slice %div3A {offsets = [9], sizes = [1], strides = [1]} : vector<16xf32> to vector<1xf32>
            %squeeze3A_557 = vector.extract %slice3A_556[0] : f32 from vector<1xf32>
            %mul3A_558 = arith.constant 16 : i32
            %mul3A_559 = arith.muli %scan3A_99, %mul3A_558 : i32
            %add3A_560 = arith.constant 9 : i32
            %add3A_561 = arith.addi %mul3A_559, %add3A_560 : i32
            %get3A_562 = arith.index_cast %add3A_561 : i32 to index
            %get3A_563 = arith.constant 0 : index
            %get3A_564 = tpu.vector_load %arg13[%get3A_562, %get3A_563] {strides = array<i32>} : memref<80x80xf32, #tpu.memory_space<vmem>>, vector<16xf32>,
            %mul3A_565 = vector.broadcast %squeeze3A_557 : f32 to vector<16xf32>
            %mul3A_566 = arith.mulf %get3A_564, %mul3A_565 : vector<16xf32>
            %max3A_567 = arith.constant 0.000000e+00 : f32
            %max3A_568 = vector.broadcast %max3A_567 : f32 to vector<16xf32>
            %max3A_569 = arith.maximumf %mul3A_566, %max3A_568 : vector<16xf32>
            %swap3A_570 = arith.index_cast %add3A_561 : i32 to index
            %swap3A_571 = arith.constant 0 : index
            %swap3A_572 = tpu.vector_load %arg16[%swap3A_570, %swap3A_571] {strides = array<i32>} : memref<80x64xf32, #tpu.memory_space<vmem>>, vector<16xf32>,
            tpu.vector_store %arg16[%swap3A_570, %swap3A_571], %max3A_569 {strides = array<i32>} : memref<80x64xf32, #tpu.memory_space<vmem>>, vector<16xf32>,
            %get3A_573 = arith.index_cast %add3A_561 : i32 to index
            %get3A_574 = arith.constant 16 : index
            %get3A_575 = tpu.vector_load %arg13[%get3A_573, %get3A_574] {strides = array<i32>} : memref<80x80xf32, #tpu.memory_space<vmem>>, vector<16xf32>,
            %mul3A_576 = vector.broadcast %squeeze3A_557 : f32 to vector<16xf32>
            %mul3A_577 = arith.mulf %get3A_575, %mul3A_576 : vector<16xf32>
            %max3A_578 = arith.constant 0.000000e+00 : f32
            %max3A_579 = vector.broadcast %max3A_578 : f32 to vector<16xf32>
            %max3A_580 = arith.maximumf %mul3A_577, %max3A_579 : vector<16xf32>
            %swap3A_581 = arith.index_cast %add3A_561 : i32 to index
            %swap3A_582 = arith.constant 16 : index
            %swap3A_583 = tpu.vector_load %arg16[%swap3A_581, %swap3A_582] {strides = array<i32>} : memref<80x64xf32, #tpu.memory_space<vmem>>, vector<16xf32>,
            tpu.vector_store %arg16[%swap3A_581, %swap3A_582], %max3A_580 {strides = array<i32>} : memref<80x64xf32, #tpu.memory_space<vmem>>, vector<16xf32>,
            %get3A_584 = arith.index_cast %add3A_561 : i32 to index
            %get3A_585 = arith.constant 32 : index
            %get3A_586 = tpu.vector_load %arg13[%get3A_584, %get3A_585] {strides = array<i32>} : memref<80x80xf32, #tpu.memory_space<vmem>>, vector<16xf32>,
            %mul3A_587 = vector.broadcast %squeeze3A_557 : f32 to vector<16xf32>
            %mul3A_588 = arith.mulf %get3A_586, %mul3A_587 : vector<16xf32>
            %max3A_589 = arith.constant 0.000000e+00 : f32
            %max3A_590 = vector.broadcast %max3A_589 : f32 to vector<16xf32>
            %max3A_591 = arith.maximumf %mul3A_588, %max3A_590 : vector<16xf32>
            %swap3A_592 = arith.index_cast %add3A_561 : i32 to index
            %swap3A_593 = arith.constant 32 : index
            %swap3A_594 = tpu.vector_load %arg16[%swap3A_592, %swap3A_593] {strides = array<i32>} : memref<80x64xf32, #tpu.memory_space<vmem>>, vector<16xf32>,
            tpu.vector_store %arg16[%swap3A_592, %swap3A_593], %max3A_591 {strides = array<i32>} : memref<80x64xf32, #tpu.memory_space<vmem>>, vector<16xf32>,
            %get3A_595 = arith.index_cast %add3A_561 : i32 to index
            %get3A_596 = arith.constant 48 : index
            %get3A_597 = tpu.vector_load %arg13[%get3A_595, %get3A_596] {strides = array<i32>} : memref<80x80xf32, #tpu.memory_space<vmem>>, vector<16xf32>,
            %mul3A_598 = vector.broadcast %squeeze3A_557 : f32 to vector<16xf32>
            %mul3A_599 = arith.mulf %get3A_597, %mul3A_598 : vector<16xf32>
            %max3A_600 = arith.constant 0.000000e+00 : f32
            %max3A_601 = vector.broadcast %max3A_600 : f32 to vector<16xf32>
            %max3A_602 = arith.maximumf %mul3A_599, %max3A_601 : vector<16xf32>
            %swap3A_603 = arith.index_cast %add3A_561 : i32 to index
            %swap3A_604 = arith.constant 48 : index
            %swap3A_605 = tpu.vector_load %arg16[%swap3A_603, %swap3A_604] {strides = array<i32>} : memref<80x64xf32, #tpu.memory_space<vmem>>, vector<16xf32>,
            tpu.vector_store %arg16[%swap3A_603, %swap3A_604], %max3A_602 {strides = array<i32>} : memref<80x64xf32, #tpu.memory_space<vmem>>, vector<16xf32>,
            %slice3A_606 = vector.extract_strided_slice %div3A {offsets = [10], sizes = [1], strides = [1]} : vector<16xf32> to vector<1xf32>
            %squeeze3A_607 = vector.extract %slice3A_606[0] : f32 from vector<1xf32>
            %mul3A_608 = arith.constant 16 : i32
            %mul3A_609 = arith.muli %scan3A_99, %mul3A_608 : i32
            %add3A_610 = arith.constant 10 : i32
            %add3A_611 = arith.addi %mul3A_609, %add3A_610 : i32
            %get3A_612 = arith.index_cast %add3A_611 : i32 to index
            %get3A_613 = arith.constant 0 : index
            %get3A_614 = tpu.vector_load %arg13[%get3A_612, %get3A_613] {strides = array<i32>} : memref<80x80xf32, #tpu.memory_space<vmem>>, vector<16xf32>,
            %mul3A_615 = vector.broadcast %squeeze3A_607 : f32 to vector<16xf32>
            %mul3A_616 = arith.mulf %get3A_614, %mul3A_615 : vector<16xf32>
            %max3A_617 = arith.constant 0.000000e+00 : f32
            %max3A_618 = vector.broadcast %max3A_617 : f32 to vector<16xf32>
            %max3A_619 = arith.maximumf %mul3A_616, %max3A_618 : vector<16xf32>
            %swap3A_620 = arith.index_cast %add3A_611 : i32 to index
            %swap3A_621 = arith.constant 0 : index
            %swap3A_622 = tpu.vector_load %arg16[%swap3A_620, %swap3A_621] {strides = array<i32>} : memref<80x64xf32, #tpu.memory_space<vmem>>, vector<16xf32>,
            tpu.vector_store %arg16[%swap3A_620, %swap3A_621], %max3A_619 {strides = array<i32>} : memref<80x64xf32, #tpu.memory_space<vmem>>, vector<16xf32>,
            %get3A_623 = arith.index_cast %add3A_611 : i32 to index
            %get3A_624 = arith.constant 16 : index
            %get3A_625 = tpu.vector_load %arg13[%get3A_623, %get3A_624] {strides = array<i32>} : memref<80x80xf32, #tpu.memory_space<vmem>>, vector<16xf32>,
            %mul3A_626 = vector.broadcast %squeeze3A_607 : f32 to vector<16xf32>
            %mul3A_627 = arith.mulf %get3A_625, %mul3A_626 : vector<16xf32>
            %max3A_628 = arith.constant 0.000000e+00 : f32
            %max3A_629 = vector.broadcast %max3A_628 : f32 to vector<16xf32>
            %max3A_630 = arith.maximumf %mul3A_627, %max3A_629 : vector<16xf32>
            %swap3A_631 = arith.index_cast %add3A_611 : i32 to index
            %swap3A_632 = arith.constant 16 : index
            %swap3A_633 = tpu.vector_load %arg16[%swap3A_631, %swap3A_632] {strides = array<i32>} : memref<80x64xf32, #tpu.memory_space<vmem>>, vector<16xf32>,
            tpu.vector_store %arg16[%swap3A_631, %swap3A_632], %max3A_630 {strides = array<i32>} : memref<80x64xf32, #tpu.memory_space<vmem>>, vector<16xf32>,
            %get3A_634 = arith.index_cast %add3A_611 : i32 to index
            %get3A_635 = arith.constant 32 : index
            %get3A_636 = tpu.vector_load %arg13[%get3A_634, %get3A_635] {strides = array<i32>} : memref<80x80xf32, #tpu.memory_space<vmem>>, vector<16xf32>,
            %mul3A_637 = vector.broadcast %squeeze3A_607 : f32 to vector<16xf32>
            %mul3A_638 = arith.mulf %get3A_636, %mul3A_637 : vector<16xf32>
            %max3A_639 = arith.constant 0.000000e+00 : f32
            %max3A_640 = vector.broadcast %max3A_639 : f32 to vector<16xf32>
            %max3A_641 = arith.maximumf %mul3A_638, %max3A_640 : vector<16xf32>
            %swap3A_642 = arith.index_cast %add3A_611 : i32 to index
            %swap3A_643 = arith.constant 32 : index
            %swap3A_644 = tpu.vector_load %arg16[%swap3A_642, %swap3A_643] {strides = array<i32>} : memref<80x64xf32, #tpu.memory_space<vmem>>, vector<16xf32>,
            tpu.vector_store %arg16[%swap3A_642, %swap3A_643], %max3A_641 {strides = array<i32>} : memref<80x64xf32, #tpu.memory_space<vmem>>, vector<16xf32>,
            %get3A_645 = arith.index_cast %add3A_611 : i32 to index
            %get3A_646 = arith.constant 48 : index
            %get3A_647 = tpu.vector_load %arg13[%get3A_645, %get3A_646] {strides = array<i32>} : memref<80x80xf32, #tpu.memory_space<vmem>>, vector<16xf32>,
            %mul3A_648 = vector.broadcast %squeeze3A_607 : f32 to vector<16xf32>
            %mul3A_649 = arith.mulf %get3A_647, %mul3A_648 : vector<16xf32>
            %max3A_650 = arith.constant 0.000000e+00 : f32
            %max3A_651 = vector.broadcast %max3A_650 : f32 to vector<16xf32>
            %max3A_652 = arith.maximumf %mul3A_649, %max3A_651 : vector<16xf32>
            %swap3A_653 = arith.index_cast %add3A_611 : i32 to index
            %swap3A_654 = arith.constant 48 : index
            %swap3A_655 = tpu.vector_load %arg16[%swap3A_653, %swap3A_654] {strides = array<i32>} : memref<80x64xf32, #tpu.memory_space<vmem>>, vector<16xf32>,
            tpu.vector_store %arg16[%swap3A_653, %swap3A_654], %max3A_652 {strides = array<i32>} : memref<80x64xf32, #tpu.memory_space<vmem>>, vector<16xf32>,
            %slice3A_656 = vector.extract_strided_slice %div3A {offsets = [11], sizes = [1], strides = [1]} : vector<16xf32> to vector<1xf32>
            %squeeze3A_657 = vector.extract %slice3A_656[0] : f32 from vector<1xf32>
            %mul3A_658 = arith.constant 16 : i32
            %mul3A_659 = arith.muli %scan3A_99, %mul3A_658 : i32
            %add3A_660 = arith.constant 11 : i32
            %add3A_661 = arith.addi %mul3A_659, %add3A_660 : i32
            %get3A_662 = arith.index_cast %add3A_661 : i32 to index
            %get3A_663 = arith.constant 0 : index
            %get3A_664 = tpu.vector_load %arg13[%get3A_662, %get3A_663] {strides = array<i32>} : memref<80x80xf32, #tpu.memory_space<vmem>>, vector<16xf32>,
            %mul3A_665 = vector.broadcast %squeeze3A_657 : f32 to vector<16xf32>
            %mul3A_666 = arith.mulf %get3A_664, %mul3A_665 : vector<16xf32>
            %max3A_667 = arith.constant 0.000000e+00 : f32
            %max3A_668 = vector.broadcast %max3A_667 : f32 to vector<16xf32>
            %max3A_669 = arith.maximumf %mul3A_666, %max3A_668 : vector<16xf32>
            %swap3A_670 = arith.index_cast %add3A_661 : i32 to index
            %swap3A_671 = arith.constant 0 : index
            %swap3A_672 = tpu.vector_load %arg16[%swap3A_670, %swap3A_671] {strides = array<i32>} : memref<80x64xf32, #tpu.memory_space<vmem>>, vector<16xf32>,
            tpu.vector_store %arg16[%swap3A_670, %swap3A_671], %max3A_669 {strides = array<i32>} : memref<80x64xf32, #tpu.memory_space<vmem>>, vector<16xf32>,
            %get3A_673 = arith.index_cast %add3A_661 : i32 to index
            %get3A_674 = arith.constant 16 : index
            %get3A_675 = tpu.vector_load %arg13[%get3A_673, %get3A_674] {strides = array<i32>} : memref<80x80xf32, #tpu.memory_space<vmem>>, vector<16xf32>,
            %mul3A_676 = vector.broadcast %squeeze3A_657 : f32 to vector<16xf32>
            %mul3A_677 = arith.mulf %get3A_675, %mul3A_676 : vector<16xf32>
            %max3A_678 = arith.constant 0.000000e+00 : f32
            %max3A_679 = vector.broadcast %max3A_678 : f32 to vector<16xf32>
            %max3A_680 = arith.maximumf %mul3A_677, %max3A_679 : vector<16xf32>
            %swap3A_681 = arith.index_cast %add3A_661 : i32 to index
            %swap3A_682 = arith.constant 16 : index
            %swap3A_683 = tpu.vector_load %arg16[%swap3A_681, %swap3A_682] {strides = array<i32>} : memref<80x64xf32, #tpu.memory_space<vmem>>, vector<16xf32>,
            tpu.vector_store %arg16[%swap3A_681, %swap3A_682], %max3A_680 {strides = array<i32>} : memref<80x64xf32, #tpu.memory_space<vmem>>, vector<16xf32>,
            %get3A_684 = arith.index_cast %add3A_661 : i32 to index
            %get3A_685 = arith.constant 32 : index
            %get3A_686 = tpu.vector_load %arg13[%get3A_684, %get3A_685] {strides = array<i32>} : memref<80x80xf32, #tpu.memory_space<vmem>>, vector<16xf32>,
            %mul3A_687 = vector.broadcast %squeeze3A_657 : f32 to vector<16xf32>
            %mul3A_688 = arith.mulf %get3A_686, %mul3A_687 : vector<16xf32>
            %max3A_689 = arith.constant 0.000000e+00 : f32
            %max3A_690 = vector.broadcast %max3A_689 : f32 to vector<16xf32>
            %max3A_691 = arith.maximumf %mul3A_688, %max3A_690 : vector<16xf32>
            %swap3A_692 = arith.index_cast %add3A_661 : i32 to index
            %swap3A_693 = arith.constant 32 : index
            %swap3A_694 = tpu.vector_load %arg16[%swap3A_692, %swap3A_693] {strides = array<i32>} : memref<80x64xf32, #tpu.memory_space<vmem>>, vector<16xf32>,
            tpu.vector_store %arg16[%swap3A_692, %swap3A_693], %max3A_691 {strides = array<i32>} : memref<80x64xf32, #tpu.memory_space<vmem>>, vector<16xf32>,
            %get3A_695 = arith.index_cast %add3A_661 : i32 to index
            %get3A_696 = arith.constant 48 : index
            %get3A_697 = tpu.vector_load %arg13[%get3A_695, %get3A_696] {strides = array<i32>} : memref<80x80xf32, #tpu.memory_space<vmem>>, vector<16xf32>,
            %mul3A_698 = vector.broadcast %squeeze3A_657 : f32 to vector<16xf32>
            %mul3A_699 = arith.mulf %get3A_697, %mul3A_698 : vector<16xf32>
            %max3A_700 = arith.constant 0.000000e+00 : f32
            %max3A_701 = vector.broadcast %max3A_700 : f32 to vector<16xf32>
            %max3A_702 = arith.maximumf %mul3A_699, %max3A_701 : vector<16xf32>
            %swap3A_703 = arith.index_cast %add3A_661 : i32 to index
            %swap3A_704 = arith.constant 48 : index
            %swap3A_705 = tpu.vector_load %arg16[%swap3A_703, %swap3A_704] {strides = array<i32>} : memref<80x64xf32, #tpu.memory_space<vmem>>, vector<16xf32>,
            tpu.vector_store %arg16[%swap3A_703, %swap3A_704], %max3A_702 {strides = array<i32>} : memref<80x64xf32, #tpu.memory_space<vmem>>, vector<16xf32>,
            %slice3A_706 = vector.extract_strided_slice %div3A {offsets = [12], sizes = [1], strides = [1]} : vector<16xf32> to vector<1xf32>
            %squeeze3A_707 = vector.extract %slice3A_706[0] : f32 from vector<1xf32>
            %mul3A_708 = arith.constant 16 : i32
            %mul3A_709 = arith.muli %scan3A_99, %mul3A_708 : i32
            %add3A_710 = arith.constant 12 : i32
            %add3A_711 = arith.addi %mul3A_709, %add3A_710 : i32
            %get3A_712 = arith.index_cast %add3A_711 : i32 to index
            %get3A_713 = arith.constant 0 : index
            %get3A_714 = tpu.vector_load %arg13[%get3A_712, %get3A_713] {strides = array<i32>} : memref<80x80xf32, #tpu.memory_space<vmem>>, vector<16xf32>,
            %mul3A_715 = vector.broadcast %squeeze3A_707 : f32 to vector<16xf32>
            %mul3A_716 = arith.mulf %get3A_714, %mul3A_715 : vector<16xf32>
            %max3A_717 = arith.constant 0.000000e+00 : f32
            %max3A_718 = vector.broadcast %max3A_717 : f32 to vector<16xf32>
            %max3A_719 = arith.maximumf %mul3A_716, %max3A_718 : vector<16xf32>
            %swap3A_720 = arith.index_cast %add3A_711 : i32 to index
            %swap3A_721 = arith.constant 0 : index
            %swap3A_722 = tpu.vector_load %arg16[%swap3A_720, %swap3A_721] {strides = array<i32>} : memref<80x64xf32, #tpu.memory_space<vmem>>, vector<16xf32>,
            tpu.vector_store %arg16[%swap3A_720, %swap3A_721], %max3A_719 {strides = array<i32>} : memref<80x64xf32, #tpu.memory_space<vmem>>, vector<16xf32>,
            %get3A_723 = arith.index_cast %add3A_711 : i32 to index
            %get3A_724 = arith.constant 16 : index
            %get3A_725 = tpu.vector_load %arg13[%get3A_723, %get3A_724] {strides = array<i32>} : memref<80x80xf32, #tpu.memory_space<vmem>>, vector<16xf32>,
            %mul3A_726 = vector.broadcast %squeeze3A_707 : f32 to vector<16xf32>
            %mul3A_727 = arith.mulf %get3A_725, %mul3A_726 : vector<16xf32>
            %max3A_728 = arith.constant 0.000000e+00 : f32
            %max3A_729 = vector.broadcast %max3A_728 : f32 to vector<16xf32>
            %max3A_730 = arith.maximumf %mul3A_727, %max3A_729 : vector<16xf32>
            %swap3A_731 = arith.index_cast %add3A_711 : i32 to index
            %swap3A_732 = arith.constant 16 : index
            %swap3A_733 = tpu.vector_load %arg16[%swap3A_731, %swap3A_732] {strides = array<i32>} : memref<80x64xf32, #tpu.memory_space<vmem>>, vector<16xf32>,
            tpu.vector_store %arg16[%swap3A_731, %swap3A_732], %max3A_730 {strides = array<i32>} : memref<80x64xf32, #tpu.memory_space<vmem>>, vector<16xf32>,
            %get3A_734 = arith.index_cast %add3A_711 : i32 to index
            %get3A_735 = arith.constant 32 : index
            %get3A_736 = tpu.vector_load %arg13[%get3A_734, %get3A_735] {strides = array<i32>} : memref<80x80xf32, #tpu.memory_space<vmem>>, vector<16xf32>,
            %mul3A_737 = vector.broadcast %squeeze3A_707 : f32 to vector<16xf32>
            %mul3A_738 = arith.mulf %get3A_736, %mul3A_737 : vector<16xf32>
            %max3A_739 = arith.constant 0.000000e+00 : f32
            %max3A_740 = vector.broadcast %max3A_739 : f32 to vector<16xf32>
            %max3A_741 = arith.maximumf %mul3A_738, %max3A_740 : vector<16xf32>
            %swap3A_742 = arith.index_cast %add3A_711 : i32 to index
            %swap3A_743 = arith.constant 32 : index
            %swap3A_744 = tpu.vector_load %arg16[%swap3A_742, %swap3A_743] {strides = array<i32>} : memref<80x64xf32, #tpu.memory_space<vmem>>, vector<16xf32>,
            tpu.vector_store %arg16[%swap3A_742, %swap3A_743], %max3A_741 {strides = array<i32>} : memref<80x64xf32, #tpu.memory_space<vmem>>, vector<16xf32>,
            %get3A_745 = arith.index_cast %add3A_711 : i32 to index
            %get3A_746 = arith.constant 48 : index
            %get3A_747 = tpu.vector_load %arg13[%get3A_745, %get3A_746] {strides = array<i32>} : memref<80x80xf32, #tpu.memory_space<vmem>>, vector<16xf32>,
            %mul3A_748 = vector.broadcast %squeeze3A_707 : f32 to vector<16xf32>
            %mul3A_749 = arith.mulf %get3A_747, %mul3A_748 : vector<16xf32>
            %max3A_750 = arith.constant 0.000000e+00 : f32
            %max3A_751 = vector.broadcast %max3A_750 : f32 to vector<16xf32>
            %max3A_752 = arith.maximumf %mul3A_749, %max3A_751 : vector<16xf32>
            %swap3A_753 = arith.index_cast %add3A_711 : i32 to index
            %swap3A_754 = arith.constant 48 : index
            %swap3A_755 = tpu.vector_load %arg16[%swap3A_753, %swap3A_754] {strides = array<i32>} : memref<80x64xf32, #tpu.memory_space<vmem>>, vector<16xf32>,
            tpu.vector_store %arg16[%swap3A_753, %swap3A_754], %max3A_752 {strides = array<i32>} : memref<80x64xf32, #tpu.memory_space<vmem>>, vector<16xf32>,
            %slice3A_756 = vector.extract_strided_slice %div3A {offsets = [13], sizes = [1], strides = [1]} : vector<16xf32> to vector<1xf32>
            %squeeze3A_757 = vector.extract %slice3A_756[0] : f32 from vector<1xf32>
            %mul3A_758 = arith.constant 16 : i32
            %mul3A_759 = arith.muli %scan3A_99, %mul3A_758 : i32
            %add3A_760 = arith.constant 13 : i32
            %add3A_761 = arith.addi %mul3A_759, %add3A_760 : i32
            %get3A_762 = arith.index_cast %add3A_761 : i32 to index
            %get3A_763 = arith.constant 0 : index
            %get3A_764 = tpu.vector_load %arg13[%get3A_762, %get3A_763] {strides = array<i32>} : memref<80x80xf32, #tpu.memory_space<vmem>>, vector<16xf32>,
            %mul3A_765 = vector.broadcast %squeeze3A_757 : f32 to vector<16xf32>
            %mul3A_766 = arith.mulf %get3A_764, %mul3A_765 : vector<16xf32>
            %max3A_767 = arith.constant 0.000000e+00 : f32
            %max3A_768 = vector.broadcast %max3A_767 : f32 to vector<16xf32>
            %max3A_769 = arith.maximumf %mul3A_766, %max3A_768 : vector<16xf32>
            %swap3A_770 = arith.index_cast %add3A_761 : i32 to index
            %swap3A_771 = arith.constant 0 : index
            %swap3A_772 = tpu.vector_load %arg16[%swap3A_770, %swap3A_771] {strides = array<i32>} : memref<80x64xf32, #tpu.memory_space<vmem>>, vector<16xf32>,
            tpu.vector_store %arg16[%swap3A_770, %swap3A_771], %max3A_769 {strides = array<i32>} : memref<80x64xf32, #tpu.memory_space<vmem>>, vector<16xf32>,
            %get3A_773 = arith.index_cast %add3A_761 : i32 to index
            %get3A_774 = arith.constant 16 : index
            %get3A_775 = tpu.vector_load %arg13[%get3A_773, %get3A_774] {strides = array<i32>} : memref<80x80xf32, #tpu.memory_space<vmem>>, vector<16xf32>,
            %mul3A_776 = vector.broadcast %squeeze3A_757 : f32 to vector<16xf32>
            %mul3A_777 = arith.mulf %get3A_775, %mul3A_776 : vector<16xf32>
            %max3A_778 = arith.constant 0.000000e+00 : f32
            %max3A_779 = vector.broadcast %max3A_778 : f32 to vector<16xf32>
            %max3A_780 = arith.maximumf %mul3A_777, %max3A_779 : vector<16xf32>
            %swap3A_781 = arith.index_cast %add3A_761 : i32 to index
            %swap3A_782 = arith.constant 16 : index
            %swap3A_783 = tpu.vector_load %arg16[%swap3A_781, %swap3A_782] {strides = array<i32>} : memref<80x64xf32, #tpu.memory_space<vmem>>, vector<16xf32>,
            tpu.vector_store %arg16[%swap3A_781, %swap3A_782], %max3A_780 {strides = array<i32>} : memref<80x64xf32, #tpu.memory_space<vmem>>, vector<16xf32>,
            %get3A_784 = arith.index_cast %add3A_761 : i32 to index
            %get3A_785 = arith.constant 32 : index
            %get3A_786 = tpu.vector_load %arg13[%get3A_784, %get3A_785] {strides = array<i32>} : memref<80x80xf32, #tpu.memory_space<vmem>>, vector<16xf32>,
            %mul3A_787 = vector.broadcast %squeeze3A_757 : f32 to vector<16xf32>
            %mul3A_788 = arith.mulf %get3A_786, %mul3A_787 : vector<16xf32>
            %max3A_789 = arith.constant 0.000000e+00 : f32
            %max3A_790 = vector.broadcast %max3A_789 : f32 to vector<16xf32>
            %max3A_791 = arith.maximumf %mul3A_788, %max3A_790 : vector<16xf32>
            %swap3A_792 = arith.index_cast %add3A_761 : i32 to index
            %swap3A_793 = arith.constant 32 : index
            %swap3A_794 = tpu.vector_load %arg16[%swap3A_792, %swap3A_793] {strides = array<i32>} : memref<80x64xf32, #tpu.memory_space<vmem>>, vector<16xf32>,
            tpu.vector_store %arg16[%swap3A_792, %swap3A_793], %max3A_791 {strides = array<i32>} : memref<80x64xf32, #tpu.memory_space<vmem>>, vector<16xf32>,
            %get3A_795 = arith.index_cast %add3A_761 : i32 to index
            %get3A_796 = arith.constant 48 : index
            %get3A_797 = tpu.vector_load %arg13[%get3A_795, %get3A_796] {strides = array<i32>} : memref<80x80xf32, #tpu.memory_space<vmem>>, vector<16xf32>,
            %mul3A_798 = vector.broadcast %squeeze3A_757 : f32 to vector<16xf32>
            %mul3A_799 = arith.mulf %get3A_797, %mul3A_798 : vector<16xf32>
            %max3A_800 = arith.constant 0.000000e+00 : f32
            %max3A_801 = vector.broadcast %max3A_800 : f32 to vector<16xf32>
            %max3A_802 = arith.maximumf %mul3A_799, %max3A_801 : vector<16xf32>
            %swap3A_803 = arith.index_cast %add3A_761 : i32 to index
            %swap3A_804 = arith.constant 48 : index
            %swap3A_805 = tpu.vector_load %arg16[%swap3A_803, %swap3A_804] {strides = array<i32>} : memref<80x64xf32, #tpu.memory_space<vmem>>, vector<16xf32>,
            tpu.vector_store %arg16[%swap3A_803, %swap3A_804], %max3A_802 {strides = array<i32>} : memref<80x64xf32, #tpu.memory_space<vmem>>, vector<16xf32>,
            %slice3A_806 = vector.extract_strided_slice %div3A {offsets = [14], sizes = [1], strides = [1]} : vector<16xf32> to vector<1xf32>
            %squeeze3A_807 = vector.extract %slice3A_806[0] : f32 from vector<1xf32>
            %mul3A_808 = arith.constant 16 : i32
            %mul3A_809 = arith.muli %scan3A_99, %mul3A_808 : i32
            %add3A_810 = arith.constant 14 : i32
            %add3A_811 = arith.addi %mul3A_809, %add3A_810 : i32
            %get3A_812 = arith.index_cast %add3A_811 : i32 to index
            %get3A_813 = arith.constant 0 : index
            %get3A_814 = tpu.vector_load %arg13[%get3A_812, %get3A_813] {strides = array<i32>} : memref<80x80xf32, #tpu.memory_space<vmem>>, vector<16xf32>,
            %mul3A_815 = vector.broadcast %squeeze3A_807 : f32 to vector<16xf32>
            %mul3A_816 = arith.mulf %get3A_814, %mul3A_815 : vector<16xf32>
            %max3A_817 = arith.constant 0.000000e+00 : f32
            %max3A_818 = vector.broadcast %max3A_817 : f32 to vector<16xf32>
            %max3A_819 = arith.maximumf %mul3A_816, %max3A_818 : vector<16xf32>
            %swap3A_820 = arith.index_cast %add3A_811 : i32 to index
            %swap3A_821 = arith.constant 0 : index
            %swap3A_822 = tpu.vector_load %arg16[%swap3A_820, %swap3A_821] {strides = array<i32>} : memref<80x64xf32, #tpu.memory_space<vmem>>, vector<16xf32>,
            tpu.vector_store %arg16[%swap3A_820, %swap3A_821], %max3A_819 {strides = array<i32>} : memref<80x64xf32, #tpu.memory_space<vmem>>, vector<16xf32>,
            %get3A_823 = arith.index_cast %add3A_811 : i32 to index
            %get3A_824 = arith.constant 16 : index
            %get3A_825 = tpu.vector_load %arg13[%get3A_823, %get3A_824] {strides = array<i32>} : memref<80x80xf32, #tpu.memory_space<vmem>>, vector<16xf32>,
            %mul3A_826 = vector.broadcast %squeeze3A_807 : f32 to vector<16xf32>
            %mul3A_827 = arith.mulf %get3A_825, %mul3A_826 : vector<16xf32>
            %max3A_828 = arith.constant 0.000000e+00 : f32
            %max3A_829 = vector.broadcast %max3A_828 : f32 to vector<16xf32>
            %max3A_830 = arith.maximumf %mul3A_827, %max3A_829 : vector<16xf32>
            %swap3A_831 = arith.index_cast %add3A_811 : i32 to index
            %swap3A_832 = arith.constant 16 : index
            %swap3A_833 = tpu.vector_load %arg16[%swap3A_831, %swap3A_832] {strides = array<i32>} : memref<80x64xf32, #tpu.memory_space<vmem>>, vector<16xf32>,
            tpu.vector_store %arg16[%swap3A_831, %swap3A_832], %max3A_830 {strides = array<i32>} : memref<80x64xf32, #tpu.memory_space<vmem>>, vector<16xf32>,
            %get3A_834 = arith.index_cast %add3A_811 : i32 to index
            %get3A_835 = arith.constant 32 : index
            %get3A_836 = tpu.vector_load %arg13[%get3A_834, %get3A_835] {strides = array<i32>} : memref<80x80xf32, #tpu.memory_space<vmem>>, vector<16xf32>,
            %mul3A_837 = vector.broadcast %squeeze3A_807 : f32 to vector<16xf32>
            %mul3A_838 = arith.mulf %get3A_836, %mul3A_837 : vector<16xf32>
            %max3A_839 = arith.constant 0.000000e+00 : f32
            %max3A_840 = vector.broadcast %max3A_839 : f32 to vector<16xf32>
            %max3A_841 = arith.maximumf %mul3A_838, %max3A_840 : vector<16xf32>
            %swap3A_842 = arith.index_cast %add3A_811 : i32 to index
            %swap3A_843 = arith.constant 32 : index
            %swap3A_844 = tpu.vector_load %arg16[%swap3A_842, %swap3A_843] {strides = array<i32>} : memref<80x64xf32, #tpu.memory_space<vmem>>, vector<16xf32>,
            tpu.vector_store %arg16[%swap3A_842, %swap3A_843], %max3A_841 {strides = array<i32>} : memref<80x64xf32, #tpu.memory_space<vmem>>, vector<16xf32>,
            %get3A_845 = arith.index_cast %add3A_811 : i32 to index
            %get3A_846 = arith.constant 48 : index
            %get3A_847 = tpu.vector_load %arg13[%get3A_845, %get3A_846] {strides = array<i32>} : memref<80x80xf32, #tpu.memory_space<vmem>>, vector<16xf32>,
            %mul3A_848 = vector.broadcast %squeeze3A_807 : f32 to vector<16xf32>
            %mul3A_849 = arith.mulf %get3A_847, %mul3A_848 : vector<16xf32>
            %max3A_850 = arith.constant 0.000000e+00 : f32
            %max3A_851 = vector.broadcast %max3A_850 : f32 to vector<16xf32>
            %max3A_852 = arith.maximumf %mul3A_849, %max3A_851 : vector<16xf32>
            %swap3A_853 = arith.index_cast %add3A_811 : i32 to index
            %swap3A_854 = arith.constant 48 : index
            %swap3A_855 = tpu.vector_load %arg16[%swap3A_853, %swap3A_854] {strides = array<i32>} : memref<80x64xf32, #tpu.memory_space<vmem>>, vector<16xf32>,
            tpu.vector_store %arg16[%swap3A_853, %swap3A_854], %max3A_852 {strides = array<i32>} : memref<80x64xf32, #tpu.memory_space<vmem>>, vector<16xf32>,
            %slice3A_856 = vector.extract_strided_slice %div3A {offsets = [15], sizes = [1], strides = [1]} : vector<16xf32> to vector<1xf32>
            %squeeze3A_857 = vector.extract %slice3A_856[0] : f32 from vector<1xf32>
            %mul3A_858 = arith.constant 16 : i32
            %mul3A_859 = arith.muli %scan3A_99, %mul3A_858 : i32
            %add3A_860 = arith.constant 15 : i32
            %add3A_861 = arith.addi %mul3A_859, %add3A_860 : i32
            %get3A_862 = arith.index_cast %add3A_861 : i32 to index
            %get3A_863 = arith.constant 0 : index
            %get3A_864 = tpu.vector_load %arg13[%get3A_862, %get3A_863] {strides = array<i32>} : memref<80x80xf32, #tpu.memory_space<vmem>>, vector<16xf32>,
            %mul3A_865 = vector.broadcast %squeeze3A_857 : f32 to vector<16xf32>
            %mul3A_866 = arith.mulf %get3A_864, %mul3A_865 : vector<16xf32>
            %max3A_867 = arith.constant 0.000000e+00 : f32
            %max3A_868 = vector.broadcast %max3A_867 : f32 to vector<16xf32>
            %max3A_869 = arith.maximumf %mul3A_866, %max3A_868 : vector<16xf32>
            %swap3A_870 = arith.index_cast %add3A_861 : i32 to index
            %swap3A_871 = arith.constant 0 : index
            %swap3A_872 = tpu.vector_load %arg16[%swap3A_870, %swap3A_871] {strides = array<i32>} : memref<80x64xf32, #tpu.memory_space<vmem>>, vector<16xf32>,
            tpu.vector_store %arg16[%swap3A_870, %swap3A_871], %max3A_869 {strides = array<i32>} : memref<80x64xf32, #tpu.memory_space<vmem>>, vector<16xf32>,
            %get3A_873 = arith.index_cast %add3A_861 : i32 to index
            %get3A_874 = arith.constant 16 : index
            %get3A_875 = tpu.vector_load %arg13[%get3A_873, %get3A_874] {strides = array<i32>} : memref<80x80xf32, #tpu.memory_space<vmem>>, vector<16xf32>,
            %mul3A_876 = vector.broadcast %squeeze3A_857 : f32 to vector<16xf32>
            %mul3A_877 = arith.mulf %get3A_875, %mul3A_876 : vector<16xf32>
            %max3A_878 = arith.constant 0.000000e+00 : f32
            %max3A_879 = vector.broadcast %max3A_878 : f32 to vector<16xf32>
            %max3A_880 = arith.maximumf %mul3A_877, %max3A_879 : vector<16xf32>
            %swap3A_881 = arith.index_cast %add3A_861 : i32 to index
            %swap3A_882 = arith.constant 16 : index
            %swap3A_883 = tpu.vector_load %arg16[%swap3A_881, %swap3A_882] {strides = array<i32>} : memref<80x64xf32, #tpu.memory_space<vmem>>, vector<16xf32>,
            tpu.vector_store %arg16[%swap3A_881, %swap3A_882], %max3A_880 {strides = array<i32>} : memref<80x64xf32, #tpu.memory_space<vmem>>, vector<16xf32>,
            %get3A_884 = arith.index_cast %add3A_861 : i32 to index
            %get3A_885 = arith.constant 32 : index
            %get3A_886 = tpu.vector_load %arg13[%get3A_884, %get3A_885] {strides = array<i32>} : memref<80x80xf32, #tpu.memory_space<vmem>>, vector<16xf32>,
            %mul3A_887 = vector.broadcast %squeeze3A_857 : f32 to vector<16xf32>
            %mul3A_888 = arith.mulf %get3A_886, %mul3A_887 : vector<16xf32>
            %max3A_889 = arith.constant 0.000000e+00 : f32
            %max3A_890 = vector.broadcast %max3A_889 : f32 to vector<16xf32>
            %max3A_891 = arith.maximumf %mul3A_888, %max3A_890 : vector<16xf32>
            %swap3A_892 = arith.index_cast %add3A_861 : i32 to index
            %swap3A_893 = arith.constant 32 : index
            %swap3A_894 = tpu.vector_load %arg16[%swap3A_892, %swap3A_893] {strides = array<i32>} : memref<80x64xf32, #tpu.memory_space<vmem>>, vector<16xf32>,
            tpu.vector_store %arg16[%swap3A_892, %swap3A_893], %max3A_891 {strides = array<i32>} : memref<80x64xf32, #tpu.memory_space<vmem>>, vector<16xf32>,
            %get3A_895 = arith.index_cast %add3A_861 : i32 to index
            %get3A_896 = arith.constant 48 : index
            %get3A_897 = tpu.vector_load %arg13[%get3A_895, %get3A_896] {strides = array<i32>} : memref<80x80xf32, #tpu.memory_space<vmem>>, vector<16xf32>,
            %mul3A_898 = vector.broadcast %squeeze3A_857 : f32 to vector<16xf32>
            %mul3A_899 = arith.mulf %get3A_897, %mul3A_898 : vector<16xf32>
            %max3A_900 = arith.constant 0.000000e+00 : f32
            %max3A_901 = vector.broadcast %max3A_900 : f32 to vector<16xf32>
            %max3A_902 = arith.maximumf %mul3A_899, %max3A_901 : vector<16xf32>
            %swap3A_903 = arith.index_cast %add3A_861 : i32 to index
            %swap3A_904 = arith.constant 48 : index
            %swap3A_905 = tpu.vector_load %arg16[%swap3A_903, %swap3A_904] {strides = array<i32>} : memref<80x64xf32, #tpu.memory_space<vmem>>, vector<16xf32>,
            tpu.vector_store %arg16[%swap3A_903, %swap3A_904], %max3A_902 {strides = array<i32>} : memref<80x64xf32, #tpu.memory_space<vmem>>, vector<16xf32>,
            %scan3A_906 = arith.constant 0 : i32
            scf.yield %scan3A_906 : i32
          }
          %scan3A_90 = arith.constant 5 : i32
          %mul3A_91 = arith.constant 2 : i32
          %mul3A_92 = arith.muli %scan3A_30, %mul3A_91 : i32
          %mul3A_93 = arith.constant 10000 : i32
          %mul3A_94 = arith.muli %mul3A_92, %mul3A_93 : i32
          %mul3A_95 = arith.constant 10000 : i32
          %mul3A_96 = arith.muli %arg0, %mul3A_95 : i32
          %add3A_97 = arith.addi %mul3A_94, %mul3A_96 : i32
          %add3A_98 = arith.addi %add3A_97, %add3A_78 : i32
          "tpu.region"() ({
            %run_scoped3A_99 = tpu.sem_alloc : memref<!tpu.dma_semaphore, #tpu.memory_space<semaphore_mem>>
            %dma_start3A_100 = arith.constant 0 : i32
            %dma_start3A_101 = tpu.memref_slice %arg7[%add3A_98, %dma_start3A_100] : memref<80000x64xf32, #tpu.memory_space<hbm>> -> memref<80x64xf32, #tpu.memory_space<hbm>>
            %dma_start3A_102 = arith.constant 0 : i32
            %dma_start3A_103 = tpu.memref_slice %arg7[%add3A_98, %dma_start3A_102] : memref<80000x64xf32, #tpu.memory_space<hbm>> -> memref<80x64xf32, #tpu.memory_space<hbm>>
            tpu.enqueue_dma source(%arg16 : memref<80x64xf32, #tpu.memory_space<vmem>>) target(%dma_start3A_103 : memref<80x64xf32, #tpu.memory_space<hbm>>) target_semaphore(%run_scoped3A_99 : memref<!tpu.dma_semaphore, #tpu.memory_space<semaphore_mem>>)
            %dma_wait3A_104 = arith.constant 0 : i32
            %dma_wait3A_105 = tpu.memref_slice %arg7[%add3A_98, %dma_wait3A_104] : memref<80000x64xf32, #tpu.memory_space<hbm>> -> memref<80x64xf32, #tpu.memory_space<hbm>>
            %dma_wait3A_106 = arith.constant 0 : i32
            %dma_wait3A_107 = tpu.memref_slice %arg7[%add3A_98, %dma_wait3A_106] : memref<80000x64xf32, #tpu.memory_space<hbm>> -> memref<80x64xf32, #tpu.memory_space<hbm>>
            tpu.wait_dma2 semaphore(%run_scoped3A_99 : memref<!tpu.dma_semaphore, #tpu.memory_space<semaphore_mem>>) src(%arg16 : memref<80x64xf32, #tpu.memory_space<vmem>>) dst(%dma_wait3A_107 : memref<80x64xf32, #tpu.memory_space<hbm>>)
            tpu.yield
          }) : () -> ()
        } else {
        }
        %scan3A_83 = arith.constant 0 : i32
        scf.yield %scan3A_83 : i32
      }
      %scan3A_70 = arith.constant 8 : i32
      %scan3A_71 = arith.constant 0 : i32
      scf.yield %scan3A_71 : i32
    }
    %scan3A_29 = arith.constant 4 : i32
    return
  }
}

module attributes {stable_mosaic.version = 14 : i64} {
  func.func @_item_dense_body(%arg0: i32, %arg1: memref<1000x256xf32, #tpu.memory_space<vmem>>, %arg2: memref<256x256xf32, #tpu.memory_space<vmem>>, %arg3: memref<1x256xf32, #tpu.memory_space<vmem>>, %arg4: memref<256x256xf32, #tpu.memory_space<vmem>>, %arg5: memref<256x1xf32, #tpu.memory_space<vmem>>, %arg6: memref<1000x1xf32, #tpu.memory_space<vmem>>) attributes {dimension_semantics = [#tpu.dimension_semantics<arbitrary>], iteration_bounds = array<i64: 10>, scalar_prefetch = 0 : i64, scratch_operands = 0 : i64, tpu.core_type = #tpu.core_type<tc>, window_params = [{transform_indices = @transform_0, window_bounds = array<i64: 1000, 256>}, {pipeline_mode = #tpu.pipeline_mode<synchronous>, transform_indices = @transform_1, window_bounds = array<i64: 256, 256>}, {pipeline_mode = #tpu.pipeline_mode<synchronous>, transform_indices = @transform_2, window_bounds = array<i64: 1, 256>}, {pipeline_mode = #tpu.pipeline_mode<synchronous>, transform_indices = @transform_3, window_bounds = array<i64: 256, 256>}, {pipeline_mode = #tpu.pipeline_mode<synchronous>, transform_indices = @transform_4, window_bounds = array<i64: 256, 1>}, {transform_indices = @transform_5, window_bounds = array<i64: 1000, 1>}]} {
    %get3A = arith.constant 0 : index
    %get3A_0 = arith.constant 0 : index
    %get3A_1 = vector.load %arg1[%get3A, %get3A_0] : memref<1000x256xf32, #tpu.memory_space<vmem>>, vector<1000x256xf32>
    %get3A_2 = arith.constant 0 : index
    %get3A_3 = arith.constant 0 : index
    %get3A_4 = vector.load %arg2[%get3A_2, %get3A_3] : memref<256x256xf32, #tpu.memory_space<vmem>>, vector<256x256xf32>
    %dot_general3A = arith.constant dense<0.000000e+00> : vector<1000x256xf32>
    %dot_general3A_5 = tpu.matmul %get3A_1, %get3A_4, %dot_general3A {dimension_numbers = #tpu.dot_dimension_numbers<[1], [0], [0], [1], [0, 0, 1, 1], [], []>, transpose_lhs_hint = false} : vector<1000x256xf32>, vector<256x256xf32>, vector<1000x256xf32> -> vector<1000x256xf32>
    %get3A_6 = arith.constant 0 : index
    %get3A_7 = arith.constant 0 : index
    %get3A_8 = vector.load %arg3[%get3A_6, %get3A_7] : memref<1x256xf32, #tpu.memory_space<vmem>>, vector<1x256xf32>
    %add3A = vector.broadcast %get3A_8 : vector<1x256xf32> to vector<1000x256xf32>
    %add3A_9 = arith.addf %dot_general3A_5, %add3A : vector<1000x256xf32>
    %get3A_10 = arith.constant 0 : index
    %get3A_11 = arith.constant 0 : index
    %get3A_12 = vector.load %arg4[%get3A_10, %get3A_11] : memref<256x256xf32, #tpu.memory_space<vmem>>, vector<256x256xf32>
    %get3A_13 = arith.constant 0 : index
    %get3A_14 = arith.constant 0 : index
    %get3A_15 = vector.load %arg5[%get3A_13, %get3A_14] : memref<256x1xf32, #tpu.memory_space<vmem>>, vector<256x1xf32>
    %dot_general3A_16 = arith.constant dense<0.000000e+00> : vector<256x1xf32>
    %dot_general3A_17 = tpu.matmul %get3A_12, %get3A_15, %dot_general3A_16 {dimension_numbers = #tpu.dot_dimension_numbers<[1], [0], [0], [1], [0, 0, 1, 1], [], []>, transpose_lhs_hint = false} : vector<256x256xf32>, vector<256x1xf32>, vector<256x1xf32> -> vector<256x1xf32>
    %dot_general3A_18 = arith.constant dense<0.000000e+00> : vector<1000x1xf32>
    %dot_general3A_19 = tpu.matmul %add3A_9, %dot_general3A_17, %dot_general3A_18 {dimension_numbers = #tpu.dot_dimension_numbers<[1], [0], [0], [1], [0, 0, 1, 1], [], []>, transpose_lhs_hint = false} : vector<1000x256xf32>, vector<256x1xf32>, vector<1000x1xf32> -> vector<1000x1xf32>
    %swap3A = arith.constant 0 : index
    %swap3A_20 = arith.constant 0 : index
    %swap3A_21 = vector.load %arg6[%swap3A, %swap3A_20] : memref<1000x1xf32, #tpu.memory_space<vmem>>, vector<1000x1xf32>
    tpu.vector_store %arg6[%swap3A, %swap3A_20], %dot_general3A_19 {strides = array<i32>} : memref<1000x1xf32, #tpu.memory_space<vmem>>, vector<1000x1xf32>,
    return
  }
  func.func @transform_0(%arg0: i32) -> (i32, i32) {
    %c0_i32 = arith.constant 0 : i32
    %c0_i32_0 = arith.constant 0 : i32
    return %arg0, %c0_i32 : i32, i32
  }
  func.func @transform_1(%arg0: i32) -> (i32, i32) {
    %c0_i32 = arith.constant 0 : i32
    %c0_i32_0 = arith.constant 0 : i32
    %c0_i32_1 = arith.constant 0 : i32
    return %c0_i32, %c0_i32_0 : i32, i32
  }
  func.func @transform_2(%arg0: i32) -> (i32, i32) {
    %c0_i32 = arith.constant 0 : i32
    %c0_i32_0 = arith.constant 0 : i32
    %c0_i32_1 = arith.constant 0 : i32
    return %c0_i32, %c0_i32_0 : i32, i32
  }
  func.func @transform_3(%arg0: i32) -> (i32, i32) {
    %c0_i32 = arith.constant 0 : i32
    %c0_i32_0 = arith.constant 0 : i32
    %c0_i32_1 = arith.constant 0 : i32
    return %c0_i32, %c0_i32_0 : i32, i32
  }
  func.func @transform_4(%arg0: i32) -> (i32, i32) {
    %c0_i32 = arith.constant 0 : i32
    %c0_i32_0 = arith.constant 0 : i32
    %c0_i32_1 = arith.constant 0 : i32
    return %c0_i32, %c0_i32_0 : i32, i32
  }
  func.func @transform_5(%arg0: i32) -> (i32, i32) {
    %c0_i32 = arith.constant 0 : i32
    %c0_i32_0 = arith.constant 0 : i32
    return %arg0, %c0_i32 : i32, i32
  }
}

module attributes {stable_mosaic.version = 14 : i64} {
  func.func @_user_dense_body(%arg0: i32, %arg1: memref<1000x256xf32, #tpu.memory_space<vmem>>, %arg2: memref<256x256xf32, #tpu.memory_space<vmem>>, %arg3: memref<1x256xf32, #tpu.memory_space<vmem>>, %arg4: memref<256x256xf32, #tpu.memory_space<vmem>>, %arg5: memref<256x1xf32, #tpu.memory_space<vmem>>, %arg6: memref<256x1xf32, #tpu.memory_space<vmem>>, %arg7: memref<256x256xf32, #tpu.memory_space<vmem>>, %arg8: memref<256x1xf32, #tpu.memory_space<vmem>>, %arg9: memref<1000x80xf32, #tpu.memory_space<vmem>>, %arg10: memref<1000x80xf32, #tpu.memory_space<vmem>>, %arg11: memref<1000x80xf32, #tpu.memory_space<vmem>>, %arg12: memref<1000x80xf32, #tpu.memory_space<vmem>>, %arg13: memref<1000x80xf32, #tpu.memory_space<vmem>>, %arg14: memref<1000x80xf32, #tpu.memory_space<vmem>>, %arg15: memref<1000x80xf32, #tpu.memory_space<vmem>>, %arg16: memref<1000x80xf32, #tpu.memory_space<vmem>>, %arg17: memref<1000x1xf32, #tpu.memory_space<vmem>>, %arg18: memref<1000x1xf32, #tpu.memory_space<vmem>>, %arg19: memref<1000x1xf32, #tpu.memory_space<vmem>>) attributes {dimension_semantics = [#tpu.dimension_semantics<arbitrary>], iteration_bounds = array<i64: 10>, scalar_prefetch = 0 : i64, scratch_operands = 0 : i64, tpu.core_type = #tpu.core_type<tc>, window_params = [{transform_indices = @transform_0, window_bounds = array<i64: 1000, 256>}, {pipeline_mode = #tpu.pipeline_mode<synchronous>, transform_indices = @transform_1, window_bounds = array<i64: 256, 256>}, {pipeline_mode = #tpu.pipeline_mode<synchronous>, transform_indices = @transform_2, window_bounds = array<i64: 1, 256>}, {pipeline_mode = #tpu.pipeline_mode<synchronous>, transform_indices = @transform_3, window_bounds = array<i64: 256, 256>}, {pipeline_mode = #tpu.pipeline_mode<synchronous>, transform_indices = @transform_4, window_bounds = array<i64: 256, 1>}, {pipeline_mode = #tpu.pipeline_mode<synchronous>, transform_indices = @transform_5, window_bounds = array<i64: 256, 1>}, {pipeline_mode = #tpu.pipeline_mode<synchronous>, transform_indices = @transform_6, window_bounds = array<i64: 256, 256>}, {pipeline_mode = #tpu.pipeline_mode<synchronous>, transform_indices = @transform_7, window_bounds = array<i64: 256, 1>}, {transform_indices = @transform_8, window_bounds = array<i64: 1000, 80>}, {transform_indices = @transform_9, window_bounds = array<i64: 1000, 80>}, {transform_indices = @transform_10, window_bounds = array<i64: 1000, 80>}, {transform_indices = @transform_11, window_bounds = array<i64: 1000, 80>}, {transform_indices = @transform_12, window_bounds = array<i64: 1000, 80>}, {transform_indices = @transform_13, window_bounds = array<i64: 1000, 80>}, {transform_indices = @transform_14, window_bounds = array<i64: 1000, 80>}, {transform_indices = @transform_15, window_bounds = array<i64: 1000, 80>}, {transform_indices = @transform_16, window_bounds = array<i64: 1000, 1>}, {transform_indices = @transform_17, window_bounds = array<i64: 1000, 1>}, {transform_indices = @transform_18, window_bounds = array<i64: 1000, 1>}]} {
    %get3A = arith.constant 0 : index
    %get3A_0 = arith.constant 0 : index
    %get3A_1 = vector.load %arg1[%get3A, %get3A_0] : memref<1000x256xf32, #tpu.memory_space<vmem>>, vector<1000x256xf32>
    %get3A_2 = arith.constant 0 : index
    %get3A_3 = arith.constant 0 : index
    %get3A_4 = vector.load %arg2[%get3A_2, %get3A_3] : memref<256x256xf32, #tpu.memory_space<vmem>>, vector<256x256xf32>
    %dot_general3A = arith.constant dense<0.000000e+00> : vector<1000x256xf32>
    %dot_general3A_5 = tpu.matmul %get3A_1, %get3A_4, %dot_general3A {dimension_numbers = #tpu.dot_dimension_numbers<[1], [0], [0], [1], [0, 0, 1, 1], [], []>, transpose_lhs_hint = false} : vector<1000x256xf32>, vector<256x256xf32>, vector<1000x256xf32> -> vector<1000x256xf32>
    %get3A_6 = arith.constant 0 : index
    %get3A_7 = arith.constant 0 : index
    %get3A_8 = vector.load %arg3[%get3A_6, %get3A_7] : memref<1x256xf32, #tpu.memory_space<vmem>>, vector<1x256xf32>
    %add3A = vector.broadcast %get3A_8 : vector<1x256xf32> to vector<1000x256xf32>
    %add3A_9 = arith.addf %dot_general3A_5, %add3A : vector<1000x256xf32>
    %get3A_10 = arith.constant 0 : index
    %get3A_11 = arith.constant 0 : index
    %get3A_12 = vector.load %arg4[%get3A_10, %get3A_11] : memref<256x256xf32, #tpu.memory_space<vmem>>, vector<256x256xf32>
    %dot_general3A_13 = arith.constant dense<0.000000e+00> : vector<1000x256xf32>
    %dot_general3A_14 = tpu.matmul %add3A_9, %get3A_12, %dot_general3A_13 {dimension_numbers = #tpu.dot_dimension_numbers<[1], [0], [0], [1], [0, 0, 1, 1], [], []>, transpose_lhs_hint = false} : vector<1000x256xf32>, vector<256x256xf32>, vector<1000x256xf32> -> vector<1000x256xf32>
    %get3A_15 = arith.constant 0 : index
    %get3A_16 = arith.constant 0 : index
    %get3A_17 = vector.load %arg7[%get3A_15, %get3A_16] : memref<256x256xf32, #tpu.memory_space<vmem>>, vector<256x256xf32>
    %dot_general3A_18 = arith.constant dense<0.000000e+00> : vector<1000x256xf32>
    %dot_general3A_19 = tpu.matmul %add3A_9, %get3A_17, %dot_general3A_18 {dimension_numbers = #tpu.dot_dimension_numbers<[1], [0], [0], [1], [0, 0, 1, 1], [], []>, transpose_lhs_hint = false} : vector<1000x256xf32>, vector<256x256xf32>, vector<1000x256xf32> -> vector<1000x256xf32>
    %broadcast_in_dim3A = arith.constant 1.000000e+00 : f32
    %broadcast_in_dim3A_20 = vector.broadcast %broadcast_in_dim3A : f32 to vector<1000x16xf32>
    %slice3A = vector.extract_strided_slice %dot_general3A_14 {offsets = [0, 0], sizes = [1000, 64], strides = [1, 1]} : vector<1000x256xf32> to vector<1000x64xf32>
    %concatenate3A = tpu.concatenate %slice3A, %broadcast_in_dim3A_20 in 1 : vector<1000x64xf32>, vector<1000x16xf32> -> vector<1000x80xf32>
    %swap3A = arith.constant 0 : index
    %swap3A_21 = arith.constant 0 : index
    %swap3A_22 = vector.load %arg9[%swap3A, %swap3A_21] : memref<1000x80xf32, #tpu.memory_space<vmem>>, vector<1000x80xf32>
    tpu.vector_store %arg9[%swap3A, %swap3A_21], %concatenate3A {strides = array<i32>} : memref<1000x80xf32, #tpu.memory_space<vmem>>, vector<1000x80xf32>,
    %slice3A_23 = vector.extract_strided_slice %dot_general3A_19 {offsets = [0, 0], sizes = [1000, 64], strides = [1, 1]} : vector<1000x256xf32> to vector<1000x64xf32>
    %concatenate3A_24 = tpu.concatenate %slice3A_23, %broadcast_in_dim3A_20 in 1 : vector<1000x64xf32>, vector<1000x16xf32> -> vector<1000x80xf32>
    %swap3A_25 = arith.constant 0 : index
    %swap3A_26 = arith.constant 0 : index
    %swap3A_27 = vector.load %arg13[%swap3A_25, %swap3A_26] : memref<1000x80xf32, #tpu.memory_space<vmem>>, vector<1000x80xf32>
    tpu.vector_store %arg13[%swap3A_25, %swap3A_26], %concatenate3A_24 {strides = array<i32>} : memref<1000x80xf32, #tpu.memory_space<vmem>>, vector<1000x80xf32>,
    %slice3A_28 = vector.extract_strided_slice %dot_general3A_14 {offsets = [0, 64], sizes = [1000, 64], strides = [1, 1]} : vector<1000x256xf32> to vector<1000x64xf32>
    %concatenate3A_29 = tpu.concatenate %slice3A_28, %broadcast_in_dim3A_20 in 1 : vector<1000x64xf32>, vector<1000x16xf32> -> vector<1000x80xf32>
    %swap3A_30 = arith.constant 0 : index
    %swap3A_31 = arith.constant 0 : index
    %swap3A_32 = vector.load %arg10[%swap3A_30, %swap3A_31] : memref<1000x80xf32, #tpu.memory_space<vmem>>, vector<1000x80xf32>
    tpu.vector_store %arg10[%swap3A_30, %swap3A_31], %concatenate3A_29 {strides = array<i32>} : memref<1000x80xf32, #tpu.memory_space<vmem>>, vector<1000x80xf32>,
    %slice3A_33 = vector.extract_strided_slice %dot_general3A_19 {offsets = [0, 64], sizes = [1000, 64], strides = [1, 1]} : vector<1000x256xf32> to vector<1000x64xf32>
    %concatenate3A_34 = tpu.concatenate %slice3A_33, %broadcast_in_dim3A_20 in 1 : vector<1000x64xf32>, vector<1000x16xf32> -> vector<1000x80xf32>
    %swap3A_35 = arith.constant 0 : index
    %swap3A_36 = arith.constant 0 : index
    %swap3A_37 = vector.load %arg14[%swap3A_35, %swap3A_36] : memref<1000x80xf32, #tpu.memory_space<vmem>>, vector<1000x80xf32>
    tpu.vector_store %arg14[%swap3A_35, %swap3A_36], %concatenate3A_34 {strides = array<i32>} : memref<1000x80xf32, #tpu.memory_space<vmem>>, vector<1000x80xf32>,
    %slice3A_38 = vector.extract_strided_slice %dot_general3A_14 {offsets = [0, 128], sizes = [1000, 64], strides = [1, 1]} : vector<1000x256xf32> to vector<1000x64xf32>
    %concatenate3A_39 = tpu.concatenate %slice3A_38, %broadcast_in_dim3A_20 in 1 : vector<1000x64xf32>, vector<1000x16xf32> -> vector<1000x80xf32>
    %swap3A_40 = arith.constant 0 : index
    %swap3A_41 = arith.constant 0 : index
    %swap3A_42 = vector.load %arg11[%swap3A_40, %swap3A_41] : memref<1000x80xf32, #tpu.memory_space<vmem>>, vector<1000x80xf32>
    tpu.vector_store %arg11[%swap3A_40, %swap3A_41], %concatenate3A_39 {strides = array<i32>} : memref<1000x80xf32, #tpu.memory_space<vmem>>, vector<1000x80xf32>,
    %slice3A_43 = vector.extract_strided_slice %dot_general3A_19 {offsets = [0, 128], sizes = [1000, 64], strides = [1, 1]} : vector<1000x256xf32> to vector<1000x64xf32>
    %concatenate3A_44 = tpu.concatenate %slice3A_43, %broadcast_in_dim3A_20 in 1 : vector<1000x64xf32>, vector<1000x16xf32> -> vector<1000x80xf32>
    %swap3A_45 = arith.constant 0 : index
    %swap3A_46 = arith.constant 0 : index
    %swap3A_47 = vector.load %arg15[%swap3A_45, %swap3A_46] : memref<1000x80xf32, #tpu.memory_space<vmem>>, vector<1000x80xf32>
    tpu.vector_store %arg15[%swap3A_45, %swap3A_46], %concatenate3A_44 {strides = array<i32>} : memref<1000x80xf32, #tpu.memory_space<vmem>>, vector<1000x80xf32>,
    %slice3A_48 = vector.extract_strided_slice %dot_general3A_14 {offsets = [0, 192], sizes = [1000, 64], strides = [1, 1]} : vector<1000x256xf32> to vector<1000x64xf32>
    %concatenate3A_49 = tpu.concatenate %slice3A_48, %broadcast_in_dim3A_20 in 1 : vector<1000x64xf32>, vector<1000x16xf32> -> vector<1000x80xf32>
    %swap3A_50 = arith.constant 0 : index
    %swap3A_51 = arith.constant 0 : index
    %swap3A_52 = vector.load %arg12[%swap3A_50, %swap3A_51] : memref<1000x80xf32, #tpu.memory_space<vmem>>, vector<1000x80xf32>
    tpu.vector_store %arg12[%swap3A_50, %swap3A_51], %concatenate3A_49 {strides = array<i32>} : memref<1000x80xf32, #tpu.memory_space<vmem>>, vector<1000x80xf32>,
    %slice3A_53 = vector.extract_strided_slice %dot_general3A_19 {offsets = [0, 192], sizes = [1000, 64], strides = [1, 1]} : vector<1000x256xf32> to vector<1000x64xf32>
    %concatenate3A_54 = tpu.concatenate %slice3A_53, %broadcast_in_dim3A_20 in 1 : vector<1000x64xf32>, vector<1000x16xf32> -> vector<1000x80xf32>
    %swap3A_55 = arith.constant 0 : index
    %swap3A_56 = arith.constant 0 : index
    %swap3A_57 = vector.load %arg16[%swap3A_55, %swap3A_56] : memref<1000x80xf32, #tpu.memory_space<vmem>>, vector<1000x80xf32>
    tpu.vector_store %arg16[%swap3A_55, %swap3A_56], %concatenate3A_54 {strides = array<i32>} : memref<1000x80xf32, #tpu.memory_space<vmem>>, vector<1000x80xf32>,
    %get3A_58 = arith.constant 0 : index
    %get3A_59 = arith.constant 0 : index
    %get3A_60 = vector.load %arg5[%get3A_58, %get3A_59] : memref<256x1xf32, #tpu.memory_space<vmem>>, vector<256x1xf32>
    %dot_general3A_61 = arith.constant dense<0.000000e+00> : vector<1000x1xf32>
    %dot_general3A_62 = tpu.matmul %dot_general3A_14, %get3A_60, %dot_general3A_61 {dimension_numbers = #tpu.dot_dimension_numbers<[1], [0], [0], [1], [0, 0, 1, 1], [], []>, transpose_lhs_hint = false} : vector<1000x256xf32>, vector<256x1xf32>, vector<1000x1xf32> -> vector<1000x1xf32>
    %swap3A_63 = arith.constant 0 : index
    %swap3A_64 = arith.constant 0 : index
    %swap3A_65 = vector.load %arg17[%swap3A_63, %swap3A_64] : memref<1000x1xf32, #tpu.memory_space<vmem>>, vector<1000x1xf32>
    tpu.vector_store %arg17[%swap3A_63, %swap3A_64], %dot_general3A_62 {strides = array<i32>} : memref<1000x1xf32, #tpu.memory_space<vmem>>, vector<1000x1xf32>,
    %get3A_66 = arith.constant 0 : index
    %get3A_67 = arith.constant 0 : index
    %get3A_68 = vector.load %arg6[%get3A_66, %get3A_67] : memref<256x1xf32, #tpu.memory_space<vmem>>, vector<256x1xf32>
    %dot_general3A_69 = arith.constant dense<0.000000e+00> : vector<1000x1xf32>
    %dot_general3A_70 = tpu.matmul %dot_general3A_14, %get3A_68, %dot_general3A_69 {dimension_numbers = #tpu.dot_dimension_numbers<[1], [0], [0], [1], [0, 0, 1, 1], [], []>, transpose_lhs_hint = false} : vector<1000x256xf32>, vector<256x1xf32>, vector<1000x1xf32> -> vector<1000x1xf32>
    %swap3A_71 = arith.constant 0 : index
    %swap3A_72 = arith.constant 0 : index
    %swap3A_73 = vector.load %arg18[%swap3A_71, %swap3A_72] : memref<1000x1xf32, #tpu.memory_space<vmem>>, vector<1000x1xf32>
    tpu.vector_store %arg18[%swap3A_71, %swap3A_72], %dot_general3A_70 {strides = array<i32>} : memref<1000x1xf32, #tpu.memory_space<vmem>>, vector<1000x1xf32>,
    %get3A_74 = arith.constant 0 : index
    %get3A_75 = arith.constant 0 : index
    %get3A_76 = vector.load %arg8[%get3A_74, %get3A_75] : memref<256x1xf32, #tpu.memory_space<vmem>>, vector<256x1xf32>
    %dot_general3A_77 = arith.constant dense<0.000000e+00> : vector<1000x1xf32>
    %dot_general3A_78 = tpu.matmul %dot_general3A_19, %get3A_76, %dot_general3A_77 {dimension_numbers = #tpu.dot_dimension_numbers<[1], [0], [0], [1], [0, 0, 1, 1], [], []>, transpose_lhs_hint = false} : vector<1000x256xf32>, vector<256x1xf32>, vector<1000x1xf32> -> vector<1000x1xf32>
    %swap3A_79 = arith.constant 0 : index
    %swap3A_80 = arith.constant 0 : index
    %swap3A_81 = vector.load %arg19[%swap3A_79, %swap3A_80] : memref<1000x1xf32, #tpu.memory_space<vmem>>, vector<1000x1xf32>
    tpu.vector_store %arg19[%swap3A_79, %swap3A_80], %dot_general3A_78 {strides = array<i32>} : memref<1000x1xf32, #tpu.memory_space<vmem>>, vector<1000x1xf32>,
    return
  }
  func.func @transform_0(%arg0: i32) -> (i32, i32) {
    %c0_i32 = arith.constant 0 : i32
    %c0_i32_0 = arith.constant 0 : i32
    return %arg0, %c0_i32 : i32, i32
  }
  func.func @transform_1(%arg0: i32) -> (i32, i32) {
    %c0_i32 = arith.constant 0 : i32
    %c0_i32_0 = arith.constant 0 : i32
    %c0_i32_1 = arith.constant 0 : i32
    return %c0_i32, %c0_i32_0 : i32, i32
  }
  func.func @transform_2(%arg0: i32) -> (i32, i32) {
    %c0_i32 = arith.constant 0 : i32
    %c0_i32_0 = arith.constant 0 : i32
    %c0_i32_1 = arith.constant 0 : i32
    return %c0_i32, %c0_i32_0 : i32, i32
  }
  func.func @transform_3(%arg0: i32) -> (i32, i32) {
    %c0_i32 = arith.constant 0 : i32
    %c0_i32_0 = arith.constant 0 : i32
    %c0_i32_1 = arith.constant 0 : i32
    return %c0_i32, %c0_i32_0 : i32, i32
  }
  func.func @transform_4(%arg0: i32) -> (i32, i32) {
    %c0_i32 = arith.constant 0 : i32
    %c0_i32_0 = arith.constant 0 : i32
    %c0_i32_1 = arith.constant 0 : i32
    return %c0_i32, %c0_i32_0 : i32, i32
  }
  func.func @transform_5(%arg0: i32) -> (i32, i32) {
    %c0_i32 = arith.constant 0 : i32
    %c0_i32_0 = arith.constant 0 : i32
    %c0_i32_1 = arith.constant 0 : i32
    return %c0_i32, %c0_i32_0 : i32, i32
  }
  func.func @transform_6(%arg0: i32) -> (i32, i32) {
    %c0_i32 = arith.constant 0 : i32
    %c0_i32_0 = arith.constant 0 : i32
    %c0_i32_1 = arith.constant 0 : i32
    return %c0_i32, %c0_i32_0 : i32, i32
  }
  func.func @transform_7(%arg0: i32) -> (i32, i32) {
    %c0_i32 = arith.constant 0 : i32
    %c0_i32_0 = arith.constant 0 : i32
    %c0_i32_1 = arith.constant 0 : i32
    return %c0_i32, %c0_i32_0 : i32, i32
  }
  func.func @transform_8(%arg0: i32) -> (i32, i32) {
    %c0_i32 = arith.constant 0 : i32
    %c0_i32_0 = arith.constant 0 : i32
    return %arg0, %c0_i32 : i32, i32
  }
  func.func @transform_9(%arg0: i32) -> (i32, i32) {
    %c0_i32 = arith.constant 0 : i32
    %c0_i32_0 = arith.constant 0 : i32
    return %arg0, %c0_i32 : i32, i32
  }
  func.func @transform_10(%arg0: i32) -> (i32, i32) {
    %c0_i32 = arith.constant 0 : i32
    %c0_i32_0 = arith.constant 0 : i32
    return %arg0, %c0_i32 : i32, i32
  }
  func.func @transform_11(%arg0: i32) -> (i32, i32) {
    %c0_i32 = arith.constant 0 : i32
    %c0_i32_0 = arith.constant 0 : i32
    return %arg0, %c0_i32 : i32, i32
  }
  func.func @transform_12(%arg0: i32) -> (i32, i32) {
    %c0_i32 = arith.constant 0 : i32
    %c0_i32_0 = arith.constant 0 : i32
    return %arg0, %c0_i32 : i32, i32
  }
  func.func @transform_13(%arg0: i32) -> (i32, i32) {
    %c0_i32 = arith.constant 0 : i32
    %c0_i32_0 = arith.constant 0 : i32
    return %arg0, %c0_i32 : i32, i32
  }
  func.func @transform_14(%arg0: i32) -> (i32, i32) {
    %c0_i32 = arith.constant 0 : i32
    %c0_i32_0 = arith.constant 0 : i32
    return %arg0, %c0_i32 : i32, i32
  }
  func.func @transform_15(%arg0: i32) -> (i32, i32) {
    %c0_i32 = arith.constant 0 : i32
    %c0_i32_0 = arith.constant 0 : i32
    return %arg0, %c0_i32 : i32, i32
  }
  func.func @transform_16(%arg0: i32) -> (i32, i32) {
    %c0_i32 = arith.constant 0 : i32
    %c0_i32_0 = arith.constant 0 : i32
    return %arg0, %c0_i32 : i32, i32
  }
  func.func @transform_17(%arg0: i32) -> (i32, i32) {
    %c0_i32 = arith.constant 0 : i32
    %c0_i32_0 = arith.constant 0 : i32
    return %arg0, %c0_i32 : i32, i32
  }
  func.func @transform_18(%arg0: i32) -> (i32, i32) {
    %c0_i32 = arith.constant 0 : i32
    %c0_i32_0 = arith.constant 0 : i32
    return %arg0, %c0_i32 : i32, i32
  }
}

</mosaic_0001>

<sc_bundles>
// kernel: kernel.5.cloned.1.call-start
scs
__scs_entry_jumppad:
0x0: {  	(pc) =	sbr.rel $0x88, $3  }
0x1: {  	(tag) =	ssettag $0x0;
	lr =	simm.s32 $0x1  }
0x2: {  	[smem:$0x3F93] =	sst lr;
	_ =	strace $0xD0000000  }
0x3: {  	_ = 	snop  }
0x4: {  	_ = 	snop  }
0x5: {  	_ = 	snop  }
0x6: {  	_ = 	snop  }
0x7: {  	_ = 	snop  }
__scs_overlays_trampoline_lowered:
0x8: {  	[smem:$0x3FA2] =	sst s0  }
0x9: {  	[smem:$0x3FA3] =	sst s1  }
0xa: {  	[smem:$0x3FA4] =	sst s2  }
0xb: {  	[smem:$0x3FA5] =	sst s3  }
0xc: {  	[smem:$0x3FA6] =	sst s4  }
0xd: {  	[smem:$0x3FA7] =	sst s5  }
0xe: {  	[smem:$0x3FA8] =	sst s6  }
0xf: {  	[smem:$0x3FA9] =	sst s7  }
0x10: {  	[smem:$0x3FAA] =	sst s8  }
0x11: {  	[smem:$0x3FAB] =	sst s9;
	s0 =	simm.s32 @!p0 $0x0  }
0x12: {  	s1 =	sld [smem:$0x3F91];
	s0 =	simm.s32 @p0 $0x1  }
0x13: {  	[smem:$0x3FAC] =	sst s0;
	s0 =	simm.s32 @!p1 $0x0  }
0x14: {  	s2 =	sld [smem:$0x3F90];
	s0 =	simm.s32 @p1 $0x1  }
0x15: {  	[smem:$0x3FAD] =	sst s0;
	s0 =	simm.s32 @!p2 $0x0  }
0x16: {  	s3 =	sld [smem:$0x3FDB];
	s0 =	simm.s32 @p2 $0x1  }
0x17: {  	s4 =	simm.s32 $0x1BF5;
	[smem:$0x3FAF] =	sst s0  }
0x18: {  	s0 =	sld [smem:$0x3F92];
	_ =	swait.ge [sflag:s4], $0x0  }
0x19: {  	s7 =	sld [smem:$0x3F93]  }
0x1a: {  	s8 =	sadd.s32 $0xFFFFE003, lr  }
0x1b: {  	s9 =	sadd.s32 $0xFFFFFEF7, lr;
	s5 =	simm.s32 $0xFFFFFFFF;
	p2 =	slt.u32 s8, $0xFFFFF086  }
0x1c: {  	p1 =	slt.u32 s9, $0xF7A;
	s5 =	simm.s32 @!p2 $0x0  }
0x1d: {  	s5 =	simm.s32 @p1 $0x1;
	p0 =	seq.s32 s7, s2  }
0x1e: {  	s7 =	smul.u32 @!p0 $0xF7A, s2;
	p2 =	seq.s32 @!p0 s5, $0x0  }
0x1f: {  	s9 =	smul.u32 $0xF7A, s1;
	s8 =	simm.s32 @!p0 $0x1BF5;
	p2 =	por !p2, p0  }
0x20: {  	[sflag:s8] =	ssyncset.s32 @!p0 $0xFFFFF086;
	s6 =	sadd.s32 @!p0 s3, s7;
	s7 =	simm.s32 @!p0 $0x108  }
0x21: {  	s3 =	sadd.s32 s3, s9;
	s6 =	sadd.s32 @!p0 $0x88, s6;
	s7 =	simm.s32 @p2 $0x1082  }
0x22: {  	[simem:s7], [sflag:s8] =	dma.local @!p0 [hbm:s6], $0xF7A  }
0x23: {  	s9 =	sor.u32 $0xD0000000, s2;
	s6 =	simm.s32 $0x108;
	_ =	swait.ge @!p0 [sflag:s8], $0x0  }
0x24: {  	s3 =	sadd.s32 $0x88, s3;
	s6 =	simm.s32 @!p1 $0x1082;
	[sflag:s4] =	ssyncset.s32 $0xFFFFF086  }
0x25: {  	[simem:s6], [sflag:s4] =	dma.local [hbm:s3], $0xF7A  }
0x26: {  	[smem:$0x3F93] =	sst s1;
	(tag) =	ssettag s2;
	_ =	strace s9  }
0x27: {  	s1 =	sld [smem:$0x3FA3]  }
0x28: {  	s2 =	sld [smem:$0x3FA4]  }
0x29: {  	s4 =	sld [smem:$0x3FA6]  }
0x2a: {  	p0 =	seq.s32 s5, $0x0;
	s5 =	sld [smem:$0x3FA7]  }
0x2b: {  	s6 =	sld [smem:$0x3FA8]  }
0x2c: {  	s7 =	sld [smem:$0x3FA9]  }
0x2d: {  	s3 =	simm.s32 $0x108;
	s8 =	sld [smem:$0x3FAA]  }
0x2e: {  	s3 =	simm.s32 @!p0 $0x1082;
	s9 =	sld [smem:$0x3FAB]  }
0x2f: {  	lr =	sadd.s32 s0, s3;
	s0 =	sld [smem:$0x3FA2]  }
0x30: {  	s3 =	sld [smem:$0x3FA5]  }
0x31: {  	[smem:$0x3FAE] =	sst s10  }
0x32: {  	s10 =	sld [smem:$0x3FAC];
	_ =	sdelay $0x3  }
0x33: {  	p0 =	seq.s32 s10, $0x1;
	s10 =	sld [smem:$0x3FAE];
	_ =	sdelay $0x3  }
0x34: {  	[smem:$0x3FAE] =	sst s10  }
0x35: {  	s10 =	sld [smem:$0x3FAD];
	_ =	sdelay $0x3  }
0x36: {  	p1 =	seq.s32 s10, $0x1;
	s10 =	sld [smem:$0x3FAE];
	_ =	sdelay $0x3  }
0x37: {  	[smem:$0x3FAE] =	sst s10  }
0x38: {  	s10 =	sld [smem:$0x3FAF]  }
0x39: {  	_ = 	snop;
	(pc) =	sbr.ind lr, $3  }
0x3a: {  	_ = 	snop  }
0x3b: {  	_ = 	snop  }
0x3c: {  	p2 =	seq.s32 s10, $0x1;
	s10 =	sld [smem:$0x3FAE]  }
0x3d: {  	_ =	shalt  }
0x3e: {  	_ =	shalt  }
0x3f: {  	_ =	shalt  }
0x40: {  	_ =	shalt  }
0x41: {  	_ =	shalt  }
0x42: {  	_ =	shalt  }
0x43: {  	_ =	shalt  }
0x44: {  	_ =	shalt  }
0x45: {  	_ =	shalt  }
0x46: {  	_ =	shalt  }
0x47: {  	_ =	shalt  }
0x48: {  	_ =	shalt  }
0x49: {  	_ =	shalt  }
0x4a: {  	_ =	shalt  }
0x4b: {  	_ =	shalt  }
0x4c: {  	_ =	shalt  }
0x4d: {  	_ =	shalt  }
0x4e: {  	_ =	shalt  }
0x4f: {  	_ =	shalt  }
0x50: {  	_ =	shalt  }
0x51: {  	_ =	shalt  }
0x52: {  	_ =	shalt  }
0x53: {  	_ =	shalt  }
0x54: {  	_ =	shalt  }
0x55: {  	_ =	shalt  }
0x56: {  	_ =	shalt  }
0x57: {  	_ =	shalt  }
0x58: {  	_ =	shalt  }
0x59: {  	_ =	shalt  }
0x5a: {  	_ =	shalt  }
0x5b: {  	_ =	shalt  }
0x5c: {  	_ =	shalt  }
0x5d: {  	_ =	shalt  }
0x5e: {  	_ =	shalt  }
0x5f: {  	_ =	shalt  }
0x60: {  	_ =	shalt  }
0x61: {  	_ =	shalt  }
0x62: {  	_ =	shalt  }
0x63: {  	_ =	shalt  }
0x64: {  	_ =	shalt  }
0x65: {  	_ =	shalt  }
0x66: {  	_ =	shalt  }
0x67: {  	_ =	shalt  }
0x68: {  	_ =	shalt  }
0x69: {  	_ =	shalt  }
0x6a: {  	_ =	shalt  }
0x6b: {  	_ =	shalt  }
0x6c: {  	_ =	shalt  }
0x6d: {  	_ =	shalt  }
0x6e: {  	_ =	shalt  }
0x6f: {  	_ =	shalt  }
0x70: {  	_ =	shalt  }
0x71: {  	_ =	shalt  }
0x72: {  	_ =	shalt  }
0x73: {  	_ =	shalt  }
0x74: {  	_ =	shalt  }
0x75: {  	_ =	shalt  }
0x76: {  	_ =	shalt  }
0x77: {  	_ =	shalt  }
0x78: {  	_ =	shalt  }
0x79: {  	_ =	shalt  }
0x7a: {  	_ =	shalt  }
0x7b: {  	_ =	shalt  }
0x7c: {  	_ =	shalt  }
0x7d: {  	_ =	shalt  }
0x7e: {  	_ =	shalt  }
0x7f: {  	_ =	shalt  }
0x80: {  	_ =	shalt  }
0x81: {  	_ =	shalt  }
0x82: {  	_ =	shalt  }
0x83: {  	_ =	shalt  }
0x84: {  	_ =	shalt  }
0x85: {  	_ =	shalt  }
0x86: {  	_ =	shalt  }
0x87: {  	_ =	shalt  }
.Lfunc_end0:
.L_simem_size_0:
called_computation_lowered:
.L_overlay_start_0:
0x88: {  	s2 =	sld [smem:$0x3FD9]  }
0x89: {  	s3 =	sld [smem:$0x3FFE];
	_ =	sdelay $0x1  }
0x8a: {  	s1 =	srdreg.scid  }
0x8b: {  	s0 =	sand.u32 $0x1, s1  }
0x8c: {  	s14 =	sshll.u32 s0, $0xA;
	s2 =	sadd.s32 s3, s2  }
0x8d: {  	s2 =	sadd.s32 s2, s14  }
0x8e: {  	[smem:$0x3FBA] =	sst s2  }
0x8f: {  	_ = 	snop  }
0x90: {  	s2 =	sld [smem:$0x3FD0];
	_ =	sdelay $0x2  }
0x91: {  	s15 =	simm.s32 $0xA;
	s4 =	simm.s32 $0x10  }
0x92: {  	[smem:s4], [sflag:s15] =	dma.local [hbm:s2], $0x1  }
0x93: {  	_ =	swait.eq [sflag:s15], $0x1  }
0x94: {  	[sflag:s15] =	ssyncset.done $0x0  }
0x95: {  	s16 =	sld [smem:$0x10];
	[sflag:s15] =	ssyncadd.s32 $0xFFFFFFFF  }
0x96: {  	s17 =	sld [smem:$0x11];
	(tm) =	ssettm $0x1  }
0x97: {  	s18 =	sld [smem:$0x3FFB];
	_ =	sdelay $0x3  }
0x98: {  	_ =	strace s18  }
0x99: {  	s4 =	sld [smem:$0x3FFC];
	_ =	sdelay $0x3  }
0x9a: {  	_ =	strace s4  }
0x9b: {  	s4 =	sld [smem:$0x3FFD];
	_ =	sdelay $0x3  }
0x9c: {  	_ =	strace s4  }
0x9d: {  	_ =	strace $0x8FFFFFFF  }
0x9e: {  	s19 =	sld [smem:$0x3FDB];
	_ =	sdelay $0x1  }
0x9f: {  	s5 =	simm.s32 $_scs_section_size  }
0xa0: {  	s6 =	simm.s32 $_size__tile_overlayer_lowered;
	s7 =	simm.s32 $_tile_overlayer_lowered  }
0xa1: {  	s22 =	simm.s32 $0x1BFF;
	s21 =	sshll.u32 s7, $0x1;
	s4 =	sadd.s32 s5, s19  }
0xa2: {  	s8 =	simm.s32 $0x0;
	s20 =	sshll.u32 s6, $0x1;
	s6 =	sadd.s32 s21, s4  }
0xa3: {  	[timem:s8], [sflag:s22] =	dma.local [hbm:s6], s20  }
0xa4: {  	_ =	swait.ge [sflag:s22], s20  }
0xa5: {  	s5 =	ssub.s32 $0x0, s20;
	[sflag:s22] =	ssyncset.done $0x0  }
0xa6: {  	[sflag:s22] =	ssyncadd.s32 s5;
	_ =	sdelay $0x1  }
0xa7: {  	s23 =	simm.s32 $0x1B8B  }
0xa8: {  	_ =	swait.ge [sflag:s23], $0x1  }
0xa9: {  	[sflag:s23] =	ssyncset.done $0x0  }
0xaa: {  	s25 =	simm.s32 $0x1B8E;
	s24 =	sld [smem:$0x3FFE];
	[sflag:s23] =	ssyncadd.s32 $0xFFFFFFFF  }
0xab: {  	s26 =	simm.s32 $execute0_lowered;
	[smem:$0x3FD2] =	sst s25  }
0xac: {  	s6 =	sshll.u32 s26, $0x1;
	_ =	strace $0x80000046;
	[dreg:$0x1] =	wrdreg $0xFFFFFFFF  }
0xad: {  	s28 =	simm.s32 $_size_execute0_lowered;
	s4 =	sadd.s32 s4, s6;
	[dreg:$0x0] =	wrdreg $0x0  }
0xae: {  	s6 =	sshll.u32 s28, $0x1;
	[dreg:$0x2] =	wrdreg s4  }
0xaf: {  	[dreg:$0x3] =	wrdreg s6  }
0xb0: {  	[dreg:$0x4] =	wrdreg $0xC0  }
0xb1: {  	_ =	task [dreg:s8], $0x5FFFF  }
0xb2: {  	[dreg:$0x1] =	wrdreg $0xFFFFFFFF  }
0xb3: {  	[dreg:$0x0] =	wrdreg $0x60  }
0xb4: {  	[dreg:$0x2] =	wrdreg s24  }
0xb5: {  	[dreg:$0x3] =	wrdreg s16  }
0xb6: {  	[dreg:$0x4] =	wrdreg s17  }
0xb7: {  	[dreg:$0x5] =	wrdreg $0x122500  }
0xb8: {  	[dreg:$0x6] =	wrdreg $0x9  }
0xb9: {  	_ =	task.clear_ibuf [dreg:s8], $0x7FFFF;
	_ =	strace $0x90000046  }
0xba: {  	s29 =	simm.s32 $0x9;
	_ =	strace $0x80000048  }
0xbb: {  	_ =	swait.ge [sflag:s29], $0x1  }
0xbc: {  	[sflag:s29] =	ssyncadd.s32 $0xFFFFFFFF  }
0xbd: {  	_ =	strace $0x90000048  }
0xbe: {  	_ =	sfence  }
0xbf: {  	s30 =	sld [smem:$0x0];
	_ =	sdelay $0x2  }
0xc0: {  	s31 =	sshll.u32 s1, $0xD;
	s1 =	sshrl.u32 s1, $0x2  }
0xc1: {  	s3 =	sand.u32 $0x4000, s31;
	s1 =	sadd.s32 s1, s30  }
0xc2: {  	s0 =	sor.u32 s3, s0;
	s1 =	sshll.u32 s1, $0x11  }
0xc3: {  	s0 =	sor.u32 s1, s0  }
0xc4: {  	s0 =	sadd.s32 $0x8F2B, s0  }
0xc5: {  	[sflag:s0] =	ssyncadd.remote.s32 $0x1  }
0xc6: {  	_ =	sfence.sel $0xFFFF  }
0xc7: {  	[dreg:$0x0] =	wrdreg $0xFFFFFFFF;
	(pc) =	sbr.abs _section_cstart, $3  }
0xc8: {  	[dreg:$0x1] =	wrdreg $0xFFFFFFFF  }
0xc9: {  	_ =	task.clear_ibuf [dreg:s8], $0x2FFFF;
	_ =	strace $0x9FFFFFFF  }
0xca: {  	(tm) =	ssettm $0x7FFFFFFF  }
0xcb: {  	_ =	shalt  }
tec
execute0_lowered:
.L_overlay_start_1:
0x0: {  	(tag) =	ssettag $0x1  }
0x1: {  	s0 =	rddreg [dreg:$0x0]  }
0x2: {  	s2 =	rddreg [dreg:$0x1]  }
0x3: {  	s4 =	rddreg [dreg:$0x2]  }
0x4: {  	s1 =	rddreg [dreg:$0x3]  }
0x5: {  	s3 =	srdreg.scid;
	s13 =	stileid.u32;
	s28 =	simm.s32 $0xC350  }
0x6: {  	s29 =	simm.s32 $0x1;
	s30 =	simm.s32 $0xDC50;
	s12 =	smul.u32 $0x2710, s13  }
0x7: {  	s31 =	simm.s32 $0x2;
	s6 =	sand.u32 $0x1, s3;
	s18 =	smul.u32 $0x32000, s13  }
0x8: {  	s3 =	simm.s32 $0x0;
	s5 =	sshll.u32 s6, $0x4;
	s14 =	smul.u32 $0x2710, s6  }
0x9: {  	[smem:$0x7FF] =	sst s3;
	s9 =	smul.u32 $0x27100, s6;
	s11 =	ssub.s32 $0x2, s6  }
0xa: {  	s6 =	sadd.s32 $0xCEA00, s0;
	s5 =	sor.u32 s13, s5;
	_ =	strace $0x80000047  }
0xb: {  	s17 =	sshrl.u32 s11, $0x1;
	s22 =	sshrl.u32 s18, $0x2;
	s7 =	smul.u32 $0x4E2, s5  }
0xc: {  	s5 =	sadd.s32 $0xAA00, s0;
	s8 =	sshrl.u32 s14, $0x3;
	s9 =	sadd.s32 s12, s9  }
0xd: {  	s10 =	sadd.s32 s8, s0;
	s2 =	sadd.s32 s2, s8;
	s20 =	sshrl.u32 s9, $0x3  }
0xe: {  	s7 =	sadd.s32 s7, s0;
	s0 =	ssub.s32 s11, s17;
	[dreg:$0x5] =	wrdreg s2  }
0xf: {  	s19 =	sadd.s32 $0xCE000, s10;
	s2 =	sadd.s32 s4, s20;
	s11 =	smul.u32 $0x280, s13  }
0x10: {  	s13 =	sadd.s32 s22, s1;
	s22 =	simm.s32 $0x2710;
	[dreg:$0x6] =	wrdreg s19  }
0x11: {  	s17 =	smov.u32 s14;
	[dreg:$0x7] =	wrdreg s2;
	s21 =	sadd.s32 $0xC00, s7  }
0x12: {  	s4 =	simm.s32 $0x0;
	s0 =	smax.u32 s0, $0x1;
	[dreg:$0x8] =	wrdreg s21  }
0x13: {  	s23 =	sadd.s32 $0x1900, s13;
	s24 =	sadd.s32 $0x3200, s13;
	[dreg:$0x9] =	wrdreg s0  }
.Ltmp0:
0x14: {  	s25 =	sadd.s32 $0x4B00, s13;
	[dreg:$0xa] =	wrdreg s23;
	(pc) =	sbr.rel .LBB2_1-.Ltmp0, $4  }
0x15: {  	v0 =	vlaneseq.u32;
	s26 =	sadd.s32 $0x6400, s13;
	s18 =	sadd.s32 $0x7D00, s13;
	[dreg:$0xb] =	wrdreg s24  }
0x16: {  	v2 =	vmul.u32 $0x50, v0;
	s19 =	sadd.s32 $0x9600, s13;
	s20 =	sadd.s32 $0xAF00, s13;
	[dreg:$0xc] =	wrdreg s25  }
0x17: {  	s2 =	simm.s32 $0x4;
	[dreg:$0xd] =	wrdreg s26;
	s21 =	simm.s32 $0x3  }
0x18: {  	v1 =	vimm.f32 $0.0e+00;
	v2 =	vadd.s32 $0x40, v2;
	v0 =	vmov s14;
	s25 =	simm.s32 $0xF550;
	s26 =	simm.s32 $0x50;
	s24 =	simm.s32 $0x10E50  }
.LBB2_25:
0x19: {  	s4 =	rddreg [dreg:$0xe]  }
0x1a: {  	s0 =	rddreg [dreg:$0x9];
	s4 =	sadd.s32 $0x1, s4  }
0x1b: {  	p0 =	sne.s32 s4, s0  }
.Ltmp1:
0x1c: {  	_ = 	snop;
	(pc) =	sbr.rel @!p0 .LBB2_26-.Ltmp1, $1  }
0x1d: {  	_ =	sdelay $0x3  }
.LBB2_1:
0x1e: {  	[dreg:$0xe] =	wrdreg s4  }
0x1f: {  	s0 =	rddreg [dreg:$0x5]  }
0x20: {  	[tilespmem:s3], [sflag:$0x3] =	stream.linear.gather [hbm4b:s0+s3], $0x2710, $0x38;
	[tilespmem:$0x1EA50] =	vst v63  }
0x21: {  	_ =	swait.ge [sflag:s21], $0x2710  }
0x22: {  	[sflag:s21] =	ssyncset.done $0x0  }
0x23: {  	s12 =	rddreg [dreg:$0x6];
	[sflag:s21] =	ssyncadd.s32 $0xFFFFD8F0  }
0x24: {  	[tilespmem:s22], [sflag:$0x3] =	stream.linear.gather [hbm4b:s12+s3], $0x2710, $0x38;
	[tilespmem:$0x1EA50] =	vst v63  }
0x25: {  	_ =	swait.ge [sflag:s21], $0x2710  }
0x26: {  	[sflag:s21] =	ssyncset.done $0x0  }
0x27: {  	s15 =	simm.s32 $0x4E20;
	s14 =	rddreg [dreg:$0x7];
	[sflag:s21] =	ssyncadd.s32 $0xFFFFD8F0  }
0x28: {  	[tilespmem:s15], [sflag:$0x3] =	stream.linear.gather [hbm4b:s14+s3], $0x2710, $0x38;
	[tilespmem:$0x1EA50] =	vst v63  }
0x29: {  	_ =	swait.ge [sflag:s21], $0x2710  }
0x2a: {  	[sflag:s21] =	ssyncset.done $0x0  }
0x2b: {  	s23 =	simm.s32 $0x7530;
	s16 =	rddreg [dreg:$0x8];
	[sflag:s21] =	ssyncadd.s32 $0xFFFFD8F0  }
0x2c: {  	[tilespmem:s23], [sflag:$0x3] =	stream.linear.gather [hbm4b:s16+s3], $0x2710, $0x38;
	[tilespmem:$0x1EA50] =	vst v63  }
0x2d: {  	_ =	swait.ge [sflag:s21], $0x2710  }
0x2e: {  	[sflag:s21] =	ssyncset.done $0x0  }
0x2f: {  	s4 =	simm.s32 $0x140;
	s0 =	simm.s32 $0x0;
	[sflag:s21] =	ssyncadd.s32 $0xFFFFD8F0  }
.LBB2_2:
0x30: {  	p0 =	sne.s32 s4, $0x62C0;
	[tilespmem:s0+$0xF590] =	vst v1;
	s7 =	smov.u32 s4;
	s4 =	sadd.s32 $0x140, s4  }
.Ltmp2:
0x31: {  	[tilespmem:s0+$0xF580] =	vst v1;
	(pc) =	sbr.rel @p0 .LBB2_2-.Ltmp2, $4  }
0x32: {  	[tilespmem:s0+$0xF570] =	vst v1  }
0x33: {  	[tilespmem:s0+$0xF550] =	vst v1  }
0x34: {  	[tilespmem:s0+$0xF560] =	vst v1  }
0x35: {  	s0 =	sshra.s32 s7, $0x2  }
0x36: {  	[tilespmem:s0+$0xF590] =	vst v1  }
0x37: {  	[tilespmem:s0+$0xF580] =	vst v1  }
0x38: {  	[tilespmem:s0+$0xF570] =	vst v1  }
0x39: {  	[tilespmem:s0+$0xF550] =	vst v1  }
0x3a: {  	[tilespmem:s0+$0xF560] =	vst v1;
	s0 =	simm.s32 $0x0  }
0x3b: {  	v3 =	vld [tilespmem:s0+$0x4E20];
	_ =	sdelay $0x2  }
0x3c: {  	v4 =	vld [tilespmem:s0+$0x7530];
	_ =	sdelay $0x1  }
0x3d: {  	v5 =	vsub.s32 v3, v0  }
0x3e: {  	v3 =	vand.u32 $0x7, v3;
	v5 =	vand.u32 $0xFFFFFFF8, v5  }
0x3f: {  	v3 =	vor.u32 v3, v5;
	_ =	sdelay $0x3  }
0x40: {  	s8 =	simm.s32 $0x0;
	v4 =	vld.idx.msk [tilespmem:v4+s22+$0x0], $0xffff  }
0x41: {  	v3 =	vld.idx.msk [tilespmem:v3+s8+$0x0], $0xffff;
	_ =	sdelay $0x4  }
0x42: {  	v3 =	vadd.f32 v4, v3;
	_ =	sdelay $0x1  }
0x43: {  	v4 =	vmul.f32 $2.000000030e-01, v3  }
0x44: {  	vm0 =	vgt.f32 v3, $0.0e+00  }
0x45: {  	v3 =	vsel vm0, v3, v4  }
0x46: {  	v3 =	vmul.f32 $1.442695020e+00, v3  }
0x47: {  	v4 =	vld [tilespmem:s0+$0x4E30]  }
0x48: {  	(erf) = vpow2.f32 v3;
	_ =	sdelay $0x3  }
0x49: {  	v3 =	vld [tilespmem:s0+$0x7540];
	v5 =	vsub.s32 v4, v0  }
0x4a: {  	v4 =	vand.u32 $0x7, v4;
	v5 =	vand.u32 $0xFFFFFFF8, v5  }
0x4b: {  	v4 =	vor.u32 v4, v5;
	_ =	sdelay $0x2  }
0x4c: {  	v8 =	vpop (erf)  }
0x4d: {  	[tilespmem:s0+$0x9C40] =	vst v8  }
0x4e: {  	v4 =	vld.idx.msk [tilespmem:v4+s8+$0x0], $0xffff  }
0x4f: {  	v3 =	vld.idx.msk [tilespmem:v3+s22+$0x0], $0xffff;
	_ =	sdelay $0x4  }
0x50: {  	v3 =	vadd.f32 v3, v4;
	_ =	sdelay $0x1  }
0x51: {  	v4 =	vmul.f32 $2.000000030e-01, v3  }
0x52: {  	vm12 =	vgt.f32 v3, $0.0e+00  }
0x53: {  	v3 =	vsel vm12, v3, v4  }
0x54: {  	v3 =	vmul.f32 $1.442695020e+00, v3  }
0x55: {  	v5 =	vld [tilespmem:s0+$0x4E40]  }
0x56: {  	(erf) = vpow2.f32 v3;
	_ =	sdelay $0x3  }
0x57: {  	v4 =	vld [tilespmem:s0+$0x7550];
	v3 =	vsub.s32 v5, v0  }
0x58: {  	v5 =	vand.u32 $0x7, v5;
	v3 =	vand.u32 $0xFFFFFFF8, v3  }
0x59: {  	v3 =	vor.u32 v5, v3;
	_ =	sdelay $0x2  }
0x5a: {  	v5 =	vpop (erf)  }
0x5b: {  	[tilespmem:s0+$0x9C50] =	vst v5  }
0x5c: {  	v3 =	vld.idx.msk [tilespmem:v3+s8+$0x0], $0xffff  }
0x5d: {  	v4 =	vld.idx.msk [tilespmem:v4+s22+$0x0], $0xffff;
	_ =	sdelay $0x4  }
0x5e: {  	v3 =	vadd.f32 v4, v3;
	_ =	sdelay $0x1  }
0x5f: {  	v4 =	vmul.f32 $2.000000030e-01, v3  }
0x60: {  	vm13 =	vgt.f32 v3, $0.0e+00  }
0x61: {  	v3 =	vsel vm13, v3, v4  }
0x62: {  	v3 =	vmul.f32 $1.442695020e+00, v3  }
0x63: {  	v6 =	vld [tilespmem:s0+$0x4E50]  }
0x64: {  	(erf) = vpow2.f32 v3;
	_ =	sdelay $0x3  }
0x65: {  	v4 =	vld [tilespmem:s0+$0x7560];
	v3 =	vsub.s32 v6, v0  }
0x66: {  	v5 =	vand.u32 $0x7, v6;
	v3 =	vand.u32 $0xFFFFFFF8, v3  }
0x67: {  	v3 =	vor.u32 v5, v3;
	_ =	sdelay $0x2  }
0x68: {  	v5 =	vpop (erf)  }
0x69: {  	[tilespmem:s0+$0x9C60] =	vst v5  }
0x6a: {  	v3 =	vld.idx.msk [tilespmem:v3+s8+$0x0], $0xffff  }
0x6b: {  	v4 =	vld.idx.msk [tilespmem:v4+s22+$0x0], $0xffff;
	_ =	sdelay $0x4  }
0x6c: {  	v3 =	vadd.f32 v4, v3;
	_ =	sdelay $0x1  }
0x6d: {  	v4 =	vmul.f32 $2.000000030e-01, v3  }
0x6e: {  	vm14 =	vgt.f32 v3, $0.0e+00  }
0x6f: {  	v3 =	vsel vm14, v3, v4  }
0x70: {  	v3 =	vmul.f32 $1.442695020e+00, v3  }
0x71: {  	v7 =	vld [tilespmem:s0+$0x4E60]  }
0x72: {  	(erf) = vpow2.f32 v3;
	_ =	sdelay $0x3  }
0x73: {  	v4 =	vld [tilespmem:s0+$0x7570];
	v3 =	vsub.s32 v7, v0  }
0x74: {  	v5 =	vand.u32 $0x7, v7;
	v3 =	vand.u32 $0xFFFFFFF8, v3  }
0x75: {  	v3 =	vor.u32 v5, v3;
	_ =	sdelay $0x2  }
0x76: {  	v5 =	vpop (erf)  }
0x77: {  	[tilespmem:s0+$0x9C70] =	vst v5  }
0x78: {  	v3 =	vld.idx.msk [tilespmem:v3+s8+$0x0], $0xffff  }
0x79: {  	v4 =	vld.idx.msk [tilespmem:v4+s22+$0x0], $0xffff;
	_ =	sdelay $0x4  }
0x7a: {  	v3 =	vadd.f32 v4, v3;
	_ =	sdelay $0x1  }
0x7b: {  	v4 =	vmul.f32 $2.000000030e-01, v3  }
0x7c: {  	vm15 =	vgt.f32 v3, $0.0e+00  }
0x7d: {  	v3 =	vsel vm15, v3, v4  }
0x7e: {  	v3 =	vmul.f32 $1.442695020e+00, v3  }
0x7f: {  	s9 =	simm.s32 $0x50  }
0x80: {  	v8 =	vld [tilespmem:s9+$0x4E20];
	(erf) = vpow2.f32 v3  }
0x81: {  	v7 =	vld [tilespmem:s9+$0x4E30]  }
0x82: {  	v6 =	vld [tilespmem:s9+$0x4E40]  }
0x83: {  	v5 =	vld [tilespmem:s9+$0x7530]  }
0x84: {  	v4 =	vld [tilespmem:s9+$0x4E50]  }
0x85: {  	s4 =	simm.s32 $0x280;
	v9 =	vsub.s32 v8, v0;
	v8 =	vand.u32 $0x7, v8;
	v3 =	vld [tilespmem:s9+$0x4E60]  }
.LBB2_4:
0x86: {  	p0 =	sne.s32 s4, $0x9B00;
	v9 =	vand.u32 $0xFFFFFFF8, v9;
	s7 =	smov.u32 s4;
	s4 =	sadd.s32 $0x140, s4  }
0x87: {  	v8 =	vor.u32 v8, v9;
	v9 =	vsub.s32 v6, v0  }
0x88: {  	v9 =	vand.u32 $0xFFFFFFF8, v9  }
0x89: {  	v10 =	vsub.s32 v4, v0;
	v11 =	vpop (erf)  }
0x8a: {  	v10 =	vand.u32 $0xFFFFFFF8, v10;
	v12 =	vsub.s32 v3, v0;
	[tilespmem:s0+$0x9C80] =	vst v11;
	s0 =	smov.u32 s9  }
0x8b: {  	v11 =	vld.idx.msk [tilespmem:v5+s22+$0x0], $0xffff;
	v5 =	vand.u32 $0xFFFFFFF8, v12  }
0x8c: {  	v8 =	vld.idx.msk [tilespmem:v8+s8+$0x0], $0xffff;
	_ =	sdelay $0x5  }
0x8d: {  	v8 =	vadd.f32 v11, v8;
	_ =	sdelay $0x1  }
0x8e: {  	v11 =	vmul.f32 $2.000000030e-01, v8  }
0x8f: {  	vm0 =	vgt.f32 v8, $0.0e+00  }
0x90: {  	v8 =	vsel vm0, v8, v11  }
0x91: {  	v8 =	vmul.f32 $1.442695020e+00, v8;
	_ =	sdelay $0x1  }
0x92: {  	(erf) = vpow2.f32 v8;
	_ =	sdelay $0x2  }
0x93: {  	v8 =	vld [tilespmem:s0+$0x7540]  }
0x94: {  	v11 =	vsub.s32 v7, v0  }
0x95: {  	v7 =	vand.u32 $0x7, v7;
	v11 =	vand.u32 $0xFFFFFFF8, v11  }
0x96: {  	v7 =	vor.u32 v7, v11;
	_ =	sdelay $0x2  }
0x97: {  	v11 =	vpop (erf)  }
0x98: {  	[tilespmem:s0+$0x9C40] =	vst v11  }
0x99: {  	v7 =	vld.idx.msk [tilespmem:v7+s8+$0x0], $0xffff  }
0x9a: {  	v8 =	vld.idx.msk [tilespmem:v8+s22+$0x0], $0xffff;
	_ =	sdelay $0x5  }
0x9b: {  	v7 =	vadd.f32 v8, v7;
	_ =	sdelay $0x1  }
0x9c: {  	vm0 =	vgt.f32 v7, $0.0e+00;
	v8 =	vmul.f32 $2.000000030e-01, v7;
	_ =	sdelay $0x1  }
0x9d: {  	v7 =	vsel vm0, v7, v8  }
0x9e: {  	v7 =	vmul.f32 $1.442695020e+00, v7;
	_ =	sdelay $0x1  }
0x9f: {  	(erf) = vpow2.f32 v7;
	_ =	sdelay $0x2  }
0xa0: {  	v7 =	vld [tilespmem:s0+$0x7550];
	_ =	sdelay $0x1  }
0xa1: {  	v6 =	vand.u32 $0x7, v6  }
0xa2: {  	v6 =	vor.u32 v6, v9;
	_ =	sdelay $0x2  }
0xa3: {  	v8 =	vpop (erf)  }
0xa4: {  	[tilespmem:s0+$0x9C50] =	vst v8  }
0xa5: {  	v6 =	vld.idx.msk [tilespmem:v6+s8+$0x0], $0xffff  }
0xa6: {  	v7 =	vld.idx.msk [tilespmem:v7+s22+$0x0], $0xffff;
	_ =	sdelay $0x5  }
0xa7: {  	v6 =	vadd.f32 v7, v6;
	_ =	sdelay $0x1  }
0xa8: {  	vm0 =	vgt.f32 v6, $0.0e+00;
	v7 =	vmul.f32 $2.000000030e-01, v6;
	_ =	sdelay $0x1  }
0xa9: {  	v6 =	vsel vm0, v6, v7  }
0xaa: {  	v6 =	vmul.f32 $1.442695020e+00, v6;
	_ =	sdelay $0x1  }
0xab: {  	(erf) = vpow2.f32 v6;
	_ =	sdelay $0x2  }
0xac: {  	v6 =	vld [tilespmem:s0+$0x7560];
	_ =	sdelay $0x1  }
0xad: {  	v4 =	vand.u32 $0x7, v4  }
0xae: {  	v4 =	vor.u32 v4, v10;
	_ =	sdelay $0x2  }
0xaf: {  	v7 =	vpop (erf)  }
0xb0: {  	[tilespmem:s0+$0x9C60] =	vst v7  }
0xb1: {  	v4 =	vld.idx.msk [tilespmem:v4+s8+$0x0], $0xffff  }
0xb2: {  	v6 =	vld.idx.msk [tilespmem:v6+s22+$0x0], $0xffff;
	_ =	sdelay $0x5  }
0xb3: {  	v4 =	vadd.f32 v6, v4;
	_ =	sdelay $0x1  }
0xb4: {  	vm0 =	vgt.f32 v4, $0.0e+00;
	v6 =	vmul.f32 $2.000000030e-01, v4;
	_ =	sdelay $0x1  }
0xb5: {  	v4 =	vsel vm0, v4, v6  }
0xb6: {  	v4 =	vmul.f32 $1.442695020e+00, v4;
	_ =	sdelay $0x1  }
0xb7: {  	(erf) = vpow2.f32 v4;
	_ =	sdelay $0x2  }
0xb8: {  	v4 =	vld [tilespmem:s0+$0x7570];
	_ =	sdelay $0x1  }
0xb9: {  	v3 =	vand.u32 $0x7, v3  }
0xba: {  	v3 =	vor.u32 v3, v5;
	_ =	sdelay $0x2  }
0xbb: {  	v5 =	vpop (erf)  }
0xbc: {  	[tilespmem:s0+$0x9C70] =	vst v5  }
0xbd: {  	v3 =	vld.idx.msk [tilespmem:v3+s8+$0x0], $0xffff  }
0xbe: {  	v4 =	vld.idx.msk [tilespmem:v4+s22+$0x0], $0xffff;
	_ =	sdelay $0x5  }
0xbf: {  	v3 =	vadd.f32 v4, v3;
	_ =	sdelay $0x1  }
0xc0: {  	vm0 =	vgt.f32 v3, $0.0e+00;
	v4 =	vmul.f32 $2.000000030e-01, v3;
	_ =	sdelay $0x1  }
0xc1: {  	v3 =	vsel vm0, v3, v4  }
0xc2: {  	v3 =	vmul.f32 $1.442695020e+00, v3  }
0xc3: {  	s9 =	sshra.s32 s7, $0x2  }
0xc4: {  	v8 =	vld [tilespmem:s9+$0x4E20];
	(erf) = vpow2.f32 v3  }
.Ltmp3:
0xc5: {  	v7 =	vld [tilespmem:s9+$0x4E30];
	(pc) =	sbr.rel @p0 .LBB2_4-.Ltmp3, $4  }
0xc6: {  	v6 =	vld [tilespmem:s9+$0x4E40]  }
0xc7: {  	v5 =	vld [tilespmem:s9+$0x7530]  }
0xc8: {  	v4 =	vld [tilespmem:s9+$0x4E50]  }
0xc9: {  	v9 =	vsub.s32 v8, v0;
	v8 =	vand.u32 $0x7, v8;
	v3 =	vld [tilespmem:s9+$0x4E60]  }
0xca: {  	_ = 	snop  }
0xcb: {  	v9 =	vand.u32 $0xFFFFFFF8, v9  }
0xcc: {  	v8 =	vor.u32 v8, v9;
	_ =	sdelay $0x1  }
0xcd: {  	v48 =	vpop (erf)  }
0xce: {  	[tilespmem:s0+$0x9C80] =	vst v48  }
0xcf: {  	v5 =	vld.idx.msk [tilespmem:v5+s22+$0x0], $0xffff  }
0xd0: {  	v8 =	vld.idx.msk [tilespmem:v8+s8+$0x0], $0xffff;
	_ =	sdelay $0x4  }
0xd1: {  	v5 =	vadd.f32 v5, v8;
	_ =	sdelay $0x1  }
0xd2: {  	v8 =	vmul.f32 $2.000000030e-01, v5  }
0xd3: {  	vm0 =	vgt.f32 v5, $0.0e+00  }
0xd4: {  	v5 =	vsel vm0, v5, v8  }
0xd5: {  	v5 =	vmul.f32 $1.442695020e+00, v5;
	_ =	sdelay $0x1  }
0xd6: {  	(erf) = vpow2.f32 v5;
	_ =	sdelay $0x3  }
0xd7: {  	v50 =	vsub.s32 v7, v0;
	v49 =	vld [tilespmem:s9+$0x7540]  }
0xd8: {  	v51 =	vand.u32 $0x7, v7;
	v8 =	vand.u32 $0xFFFFFFF8, v50  }
0xd9: {  	v7 =	vor.u32 v51, v8;
	_ =	sdelay $0x2  }
0xda: {  	v52 =	vpop (erf)  }
0xdb: {  	[tilespmem:s9+$0x9C40] =	vst v52  }
0xdc: {  	v7 =	vld.idx.msk [tilespmem:v7+s8+$0x0], $0xffff  }
0xdd: {  	v5 =	vld.idx.msk [tilespmem:v49+s22+$0x0], $0xffff;
	_ =	sdelay $0x4  }
0xde: {  	v5 =	vadd.f32 v5, v7;
	_ =	sdelay $0x1  }
0xdf: {  	v7 =	vmul.f32 $2.000000030e-01, v5  }
0xe0: {  	vm12 =	vgt.f32 v5, $0.0e+00  }
0xe1: {  	v5 =	vsel vm12, v5, v7  }
0xe2: {  	v5 =	vmul.f32 $1.442695020e+00, v5;
	_ =	sdelay $0x1  }
0xe3: {  	(erf) = vpow2.f32 v5;
	_ =	sdelay $0x3  }
0xe4: {  	v53 =	vsub.s32 v6, v0;
	v54 =	vld [tilespmem:s9+$0x7550]  }
0xe5: {  	v55 =	vand.u32 $0x7, v6;
	v5 =	vand.u32 $0xFFFFFFF8, v53  }
0xe6: {  	v5 =	vor.u32 v55, v5;
	_ =	sdelay $0x2  }
0xe7: {  	v56 =	vpop (erf)  }
0xe8: {  	[tilespmem:s9+$0x9C50] =	vst v56  }
0xe9: {  	v5 =	vld.idx.msk [tilespmem:v5+s8+$0x0], $0xffff  }
0xea: {  	v6 =	vld.idx.msk [tilespmem:v54+s22+$0x0], $0xffff;
	_ =	sdelay $0x4  }
0xeb: {  	v5 =	vadd.f32 v6, v5;
	_ =	sdelay $0x1  }
0xec: {  	v6 =	vmul.f32 $2.000000030e-01, v5  }
0xed: {  	vm13 =	vgt.f32 v5, $0.0e+00  }
0xee: {  	v5 =	vsel vm13, v5, v6  }
0xef: {  	v5 =	vmul.f32 $1.442695020e+00, v5;
	_ =	sdelay $0x1  }
0xf0: {  	(erf) = vpow2.f32 v5;
	_ =	sdelay $0x3  }
0xf1: {  	v57 =	vsub.s32 v4, v0;
	v58 =	vld [tilespmem:s9+$0x7560]  }
0xf2: {  	v59 =	vand.u32 $0x7, v4;
	v5 =	vand.u32 $0xFFFFFFF8, v57  }
0xf3: {  	v4 =	vor.u32 v59, v5;
	_ =	sdelay $0x2  }
0xf4: {  	v60 =	vpop (erf)  }
0xf5: {  	[tilespmem:s9+$0x9C60] =	vst v60  }
0xf6: {  	v4 =	vld.idx.msk [tilespmem:v4+s8+$0x0], $0xffff  }
0xf7: {  	v5 =	vld.idx.msk [tilespmem:v58+s22+$0x0], $0xffff;
	_ =	sdelay $0x4  }
0xf8: {  	v4 =	vadd.f32 v5, v4;
	_ =	sdelay $0x1  }
0xf9: {  	v5 =	vmul.f32 $2.000000030e-01, v4  }
0xfa: {  	vm14 =	vgt.f32 v4, $0.0e+00  }
0xfb: {  	v4 =	vsel vm14, v4, v5  }
0xfc: {  	v4 =	vmul.f32 $1.442695020e+00, v4;
	_ =	sdelay $0x1  }
0xfd: {  	(erf) = vpow2.f32 v4;
	_ =	sdelay $0x3  }
0xfe: {  	v61 =	vsub.s32 v3, v0;
	v62 =	vld [tilespmem:s9+$0x7570]  }
0xff: {  	v3 =	vand.u32 $0x7, v3;
	v4 =	vand.u32 $0xFFFFFFF8, v61  }
0x100: {  	v3 =	vor.u32 v3, v4;
	_ =	sdelay $0x2  }
0x101: {  	v63 =	vpop (erf)  }
0x102: {  	[tilespmem:s9+$0x9C70] =	vst v63  }
0x103: {  	v3 =	vld.idx.msk [tilespmem:v3+s8+$0x0], $0xffff  }
0x104: {  	v4 =	vld.idx.msk [tilespmem:v62+s22+$0x0], $0xffff;
	_ =	sdelay $0x4  }
0x105: {  	v3 =	vadd.f32 v4, v3;
	_ =	sdelay $0x1  }
0x106: {  	v4 =	vmul.f32 $2.000000030e-01, v3  }
0x107: {  	vm15 =	vgt.f32 v3, $0.0e+00  }
0x108: {  	v3 =	vsel vm15, v3, v4  }
0x109: {  	v3 =	vmul.f32 $1.442695020e+00, v3;
	_ =	sdelay $0x1  }
0x10a: {  	(erf) = vpow2.f32 v3;
	_ =	sdelay $0x5  }
.Ltmp4:
0x10b: {  	_ = 	snop;
	(pc) =	sbr.rel .LBB2_6-.Ltmp4, $3  }
0x10c: {  	_ =	sdelay $0x1  }
0x10d: {  	v3 =	vpop (erf)  }
0x10e: {  	[tilespmem:s9+$0x9C80] =	vst v3  }
.LBB2_24:
0x10f: {  	s8 =	sadd.s32 $0x1, s8  }
0x110: {  	p0 =	sne.s32 s8, $0x4  }
.Ltmp5:
0x111: {  	_ = 	snop;
	(pc) =	sbr.rel @!p0 .LBB2_25-.Ltmp5, $1  }
0x112: {  	_ =	sdelay $0x3  }
.LBB2_6:
0x113: {  	p0 =	seq.s32 s8, $0x0  }
.Ltmp6:
0x114: {  	_ = 	snop;
	(pc) =	sbr.rel @p0 .LBB2_10-.Ltmp6, $2  }
0x115: {  	_ =	sdelay $0x2  }
0x116: {  	s4 =	simm.s32 $0x0  }
0x117: {  	s0 =	sshra.s32 s4, $0x2;
	s4 =	sadd.s32 $0x40, s4  }
.LBB2_8:
0x118: {  	p0 =	sne.s32 s4, $0x9C00;
	v3 =	vld [tilespmem:s0+$0x4E20];
	_ =	sdelay $0x1  }
.Ltmp7:
0x119: {  	(pc) =	sbr.rel @p0 .LBB2_8-.Ltmp7, $3  }
0x11a: {  	_ =	sdelay $0x1  }
0x11b: {  	v3 =	vadd.s32 $0x4E20, v3  }
0x11c: {  	[tilespmem:s0+$0x4E20] =	vst v3;
	s0 =	sshra.s32 s4, $0x2;
	s4 =	sadd.s32 $0x40, s4  }
0x11d: {  	v3 =	vld [tilespmem:s0+$0x4E20];
	_ =	sdelay $0x4  }
0x11e: {  	v3 =	vadd.s32 $0x4E20, v3  }
0x11f: {  	[tilespmem:s0+$0x4E20] =	vst v3  }
.LBB2_10:
0x120: {  	[spmem:s13] =	stream.linear.scatter [tilespmem:s25], [sflag:$0x3], $0x1900, $0x38;
	[tilespmem:$0x1EA50] =	vst v63  }
0x121: {  	_ =	swait.ge [sflag:s21], $0x1900  }
0x122: {  	[sflag:s21] =	ssyncset.done $0x0  }
0x123: {  	s0 =	rddreg [dreg:$0xa];
	[sflag:s21] =	ssyncadd.s32 $0xFFFFE700  }
0x124: {  	[spmem:s0] =	stream.linear.scatter [tilespmem:s25], [sflag:$0x3], $0x1900, $0x38;
	[tilespmem:$0x1EA50] =	vst v63  }
0x125: {  	_ =	swait.ge [sflag:s21], $0x1900  }
0x126: {  	[sflag:s21] =	ssyncset.done $0x0  }
0x127: {  	s14 =	rddreg [dreg:$0xb];
	[sflag:s21] =	ssyncadd.s32 $0xFFFFE700  }
0x128: {  	[spmem:s14] =	stream.linear.scatter [tilespmem:s25], [sflag:$0x3], $0x1900, $0x38;
	[tilespmem:$0x1EA50] =	vst v63  }
0x129: {  	_ =	swait.ge [sflag:s21], $0x1900  }
0x12a: {  	[sflag:s21] =	ssyncset.done $0x0  }
0x12b: {  	s15 =	rddreg [dreg:$0xc];
	[sflag:s21] =	ssyncadd.s32 $0xFFFFE700  }
0x12c: {  	[spmem:s15] =	stream.linear.scatter [tilespmem:s25], [sflag:$0x3], $0x1900, $0x38;
	[tilespmem:$0x1EA50] =	vst v63  }
0x12d: {  	_ =	swait.ge [sflag:s21], $0x1900  }
0x12e: {  	[sflag:s21] =	ssyncset.done $0x0  }
0x12f: {  	s16 =	rddreg [dreg:$0xd];
	[sflag:s21] =	ssyncadd.s32 $0xFFFFE700  }
0x130: {  	[spmem:s16] =	stream.linear.scatter [tilespmem:s25], [sflag:$0x3], $0x1900, $0x38;
	[tilespmem:$0x1EA50] =	vst v63  }
0x131: {  	_ =	swait.ge [sflag:s21], $0x1900  }
0x132: {  	[sflag:s21] =	ssyncset.done $0x0  }
0x133: {  	[sflag:s21] =	ssyncadd.s32 $0xFFFFE700  }
0x134: {  	[spmem:s18] =	stream.linear.scatter [tilespmem:s25], [sflag:$0x3], $0x1900, $0x38;
	[tilespmem:$0x1EA50] =	vst v63  }
0x135: {  	_ =	swait.ge [sflag:s21], $0x1900  }
0x136: {  	[sflag:s21] =	ssyncset.done $0x0  }
0x137: {  	[sflag:s21] =	ssyncadd.s32 $0xFFFFE700  }
0x138: {  	[spmem:s19] =	stream.linear.scatter [tilespmem:s25], [sflag:$0x3], $0x1900, $0x38;
	[tilespmem:$0x1EA50] =	vst v63  }
0x139: {  	_ =	swait.ge [sflag:s21], $0x1900  }
0x13a: {  	[sflag:s21] =	ssyncset.done $0x0  }
0x13b: {  	[sflag:s21] =	ssyncadd.s32 $0xFFFFE700  }
0x13c: {  	[spmem:s20] =	stream.linear.scatter [tilespmem:s25], [sflag:$0x3], $0x1900, $0x38;
	[tilespmem:$0x1EA50] =	vst v63  }
0x13d: {  	_ =	swait.ge [sflag:s21], $0x1900  }
0x13e: {  	[sflag:s21] =	ssyncset.done $0x0  }
0x13f: {  	s23 =	simm.s32 $0x4E20;
	s9 =	simm.s32 $0x0;
	[sflag:s21] =	ssyncadd.s32 $0xFFFFE700  }
0x140: {  	s10 =	simm.s32 $0x9C40;
	s12 =	simm.s32 $0x9C90;
	[bflag:$0x0] =	sbarrier.arrive $0xFFFF  }
0x141: {  	[tilespmem:s28], [sflag:$0x1] =	stream.indirect.gather [hbm4b:s5+s26], $0x50, s23, s26, $0xb8;
	[tilespmem:$0x1EA50] =	vst v63  }
.LBB2_11:
0x142: {  	_ =	swait.ge [sflag:s29], $0x1900;
	s0 =	smul.u32 $0xA0, s9  }
0x143: {  	[sflag:s29] =	ssyncset.done $0x0  }
0x144: {  	s7 =	simm.s32 $0xC5D0;
	[sflag:s29] =	ssyncadd.s32 $0xFFFFE700;
	s4 =	sadd.s32 $0x4E70, s0  }
0x145: {  	[tilespmem:s30], [sflag:$0x2] =	stream.indirect.gather [hbm4b:s5+s26], $0x50, s4, s26, $0xb8;
	[tilespmem:$0x1EA50] =	vst v63  }
0x146: {  	v6 =	vld [tilespmem:s7+$0x1F0]  }
0x147: {  	v3 =	vmov s10;
	v5 =	vld [tilespmem:s7+$0x1B0]  }
0x148: {  	v4 =	vld [tilespmem:s7+$0x1A0]  }
0x149: {  	v8 =	vld [tilespmem:s7+$0x180]  }
0x14a: {  	v9 =	vld [tilespmem:s7+$0x170]  }
0x14b: {  	s23 =	simm.s32 $0x0;
	v10 =	vld [tilespmem:s7+$0x160]  }
0x14c: {  	v7 =	vld.idx.msk [tilespmem:v3+s23+$0x0 ss:$0x1], $0xffff  }
0x14d: {  	v11 =	vld [tilespmem:s7+$0x150]  }
0x14e: {  	v12 =	vld [tilespmem:s7+$0x140]  }
0x14f: {  	v13 =	vld [tilespmem:s7+$0x130]  }
0x150: {  	v14 =	vld [tilespmem:s7+$0x120]  }
0x151: {  	v15 =	vld [tilespmem:s7+$0x110];
	v16 =	vbroadcast v7, $0xC  }
0x152: {  	v17 =	vld [tilespmem:s7+$0x100]  }
0x153: {  	v18 =	vld [tilespmem:s7+$0xF0];
	v12 =	vmul.f32 v12, v16  }
0x154: {  	v19 =	vld [tilespmem:s7+$0xE0];
	v8 =	vmul.f32 v8, v16  }
0x155: {  	v20 =	vld [tilespmem:s7+$0xD0];
	v21 =	vbroadcast v7, $0xB;
	v9 =	vmul.f32 v9, v16;
	[tilespmem:s7+$0x140] =	vst v12  }
0x156: {  	v58 =	vld [tilespmem:s7+$0xFFFFFFB0];
	v10 =	vmul.f32 v10, v16;
	[tilespmem:s7+$0x180] =	vst v8  }
0x157: {  	v59 =	vld [tilespmem:s7+$0xFFFFFF30];
	v17 =	vmul.f32 v17, v21;
	[tilespmem:s7+$0x170] =	vst v9  }
0x158: {  	v18 =	vmul.f32 v18, v21;
	v9 =	vld [tilespmem:s7+$0xA0];
	[tilespmem:s7+$0x160] =	vst v10  }
0x159: {  	v14 =	vmul.f32 v14, v21;
	v10 =	vmul.f32 v15, v21;
	v15 =	vld [tilespmem:s7+$0x90];
	[tilespmem:s7+$0x100] =	vst v17  }
0x15a: {  	v17 =	vld [tilespmem:s7+$0x80];
	[tilespmem:s7+$0xF0] =	vst v18  }
0x15b: {  	v57 =	vbroadcast v7, $0xA;
	v13 =	vmul.f32 v13, v21;
	v18 =	vld [tilespmem:s7+$0x70];
	[tilespmem:s7+$0x120] =	vst v14  }
0x15c: {  	v12 =	vld [tilespmem:s7+$0xC0];
	[tilespmem:s7+$0x110] =	vst v10;
	v10 =	vmul.f32 v11, v16;
	v11 =	vbroadcast v7, $0x9  }
0x15d: {  	[tilespmem:s7+$0x130] =	vst v13;
	v16 =	vld [tilespmem:s7+$0x60];
	v9 =	vmul.f32 v9, v57  }
0x15e: {  	v14 =	vld [tilespmem:s7+$0x50];
	[tilespmem:s7+$0x150] =	vst v10;
	v15 =	vmul.f32 v15, v11  }
0x15f: {  	v8 =	vld [tilespmem:s7+$0xB0];
	v17 =	vmul.f32 v17, v11;
	[tilespmem:s7+$0xA0] =	vst v9  }
0x160: {  	v60 =	vld [tilespmem:s7+$0xFFFFFE90];
	v18 =	vmul.f32 v18, v11;
	[tilespmem:s7+$0x90] =	vst v15  }
0x161: {  	v61 =	vld [tilespmem:s7+$0xFFFFFE10];
	v12 =	vmul.f32 v12, v57;
	[tilespmem:s7+$0x80] =	vst v17  }
0x162: {  	v10 =	vld [tilespmem:s7+$0x30];
	v16 =	vmul.f32 v16, v11;
	[tilespmem:s7+$0x70] =	vst v18  }
0x163: {  	v13 =	vld [tilespmem:s7+$0x40];
	v11 =	vmul.f32 v14, v11;
	[tilespmem:s7+$0xC0] =	vst v12  }
0x164: {  	v8 =	vmul.f32 v8, v57;
	v17 =	vld [tilespmem:s7+$0x0];
	[tilespmem:s7+$0x60] =	vst v16;
	v16 =	vmul.f32 v19, v57  }
0x165: {  	v9 =	vld [tilespmem:s7+$0x20];
	[tilespmem:s7+$0x50] =	vst v11;
	v11 =	vmul.f32 v20, v57;
	v20 =	vbroadcast v7, $0x8  }
0x166: {  	v14 =	vld [tilespmem:s7+$0xFFFFFFF0];
	[tilespmem:s7+$0xB0] =	vst v8  }
0x167: {  	v18 =	vld [tilespmem:s7+$0xFFFFFFE0];
	[tilespmem:s7+$0xE0] =	vst v16;
	v10 =	vmul.f32 v10, v20  }
0x168: {  	v12 =	vld [tilespmem:s7+$0xFFFFFFC0];
	[tilespmem:s7+$0xD0] =	vst v11;
	v13 =	vmul.f32 v13, v20  }
0x169: {  	v19 =	vld [tilespmem:s7+$0xFFFFFFD0];
	v16 =	vbroadcast v7, $0x7;
	v17 =	vmul.f32 v17, v20;
	[tilespmem:s7+$0x30] =	vst v10  }
0x16a: {  	v15 =	vld [tilespmem:s7+$0x10];
	v9 =	vmul.f32 v9, v20;
	[tilespmem:s7+$0x40] =	vst v13  }
0x16b: {  	v62 =	vld [tilespmem:s7+$0xFFFFFDA0];
	v8 =	vmul.f32 v14, v16;
	[tilespmem:s7+$0x0] =	vst v17  }
0x16c: {  	v11 =	vld [tilespmem:s7+$0xFFFFFFA0];
	v10 =	vmul.f32 v18, v16;
	[tilespmem:s7+$0x20] =	vst v9  }
0x16d: {  	v14 =	vld [tilespmem:s7+$0xFFFFFF90];
	v12 =	vmul.f32 v12, v16;
	[tilespmem:s7+$0xFFFFFFF0] =	vst v8  }
0x16e: {  	v18 =	vld [tilespmem:s7+$0xFFFFFF70];
	v13 =	vmul.f32 v19, v16;
	v16 =	vmul.f32 v58, v16;
	[tilespmem:s7+$0xFFFFFFE0] =	vst v10  }
0x16f: {  	v8 =	vmul.f32 v15, v20;
	v15 =	vld [tilespmem:s7+$0xFFFFFF60];
	v10 =	vbroadcast v7, $0x6;
	[tilespmem:s7+$0xFFFFFFC0] =	vst v12  }
0x170: {  	v17 =	vld [tilespmem:s7+$0xFFFFFF80];
	[tilespmem:s7+$0xFFFFFFD0] =	vst v13  }
0x171: {  	v19 =	vld [tilespmem:s7+$0xFFFFFF50];
	[tilespmem:s7+$0xFFFFFFB0] =	vst v16;
	v11 =	vmul.f32 v11, v10  }
0x172: {  	[tilespmem:s7+$0x10] =	vst v8;
	v8 =	vld [tilespmem:s7+$0xFFFFFF40];
	v12 =	vmul.f32 v14, v10  }
0x173: {  	v13 =	vld [tilespmem:s7+$0xFFFFFF20];
	v18 =	vmul.f32 v18, v10;
	[tilespmem:s7+$0xFFFFFFA0] =	vst v11  }
0x174: {  	v14 =	vld [tilespmem:s7+$0xFFFFFF10];
	v11 =	vbroadcast v7, $0x5;
	[tilespmem:s7+$0xFFFFFF90] =	vst v12;
	v12 =	vmul.f32 v15, v10  }
0x175: {  	v20 =	vld [tilespmem:s7+$0xFFFFFEF0];
	[tilespmem:s7+$0xFFFFFF70] =	vst v18;
	v10 =	vmul.f32 v17, v10  }
0x176: {  	v16 =	vld [tilespmem:s7+$0xFFFFFF00];
	v9 =	vmul.f32 v19, v11;
	[tilespmem:s7+$0xFFFFFF60] =	vst v12  }
0x177: {  	v15 =	vld [tilespmem:s7+$0xFFFFFEE0];
	v8 =	vmul.f32 v8, v11;
	[tilespmem:s7+$0xFFFFFF80] =	vst v10  }
0x178: {  	v18 =	vld [tilespmem:s7+$0xFFFFFEC0];
	[tilespmem:s7+$0xFFFFFF50] =	vst v9;
	v9 =	vmul.f32 v13, v11  }
0x179: {  	v17 =	vbroadcast v7, $0x4;
	v19 =	vld [tilespmem:s7+$0xFFFFFED0];
	v10 =	vmul.f32 v14, v11;
	[tilespmem:s7+$0xFFFFFF40] =	vst v8  }
0x17a: {  	v12 =	vld [tilespmem:s7+$0xFFFFFEB0];
	v8 =	vmul.f32 v59, v11;
	[tilespmem:s7+$0xFFFFFF20] =	vst v9  }
0x17b: {  	v13 =	vld [tilespmem:s7+$0xFFFFFEA0];
	v9 =	vmul.f32 v20, v17;
	[tilespmem:s7+$0xFFFFFF10] =	vst v10  }
0x17c: {  	v14 =	vld [tilespmem:s7+$0xFFFFFE70];
	v10 =	vmul.f32 v16, v17;
	[tilespmem:s7+$0xFFFFFF30] =	vst v8  }
0x17d: {  	v11 =	vld [tilespmem:s7+$0xFFFFFE80];
	v16 =	vbroadcast v7, $0x3;
	v8 =	vmul.f32 v15, v17;
	[tilespmem:s7+$0xFFFFFEF0] =	vst v9  }
0x17e: {  	v20 =	vld [tilespmem:s7+$0xFFFFFE50];
	v9 =	vmul.f32 v18, v17;
	[tilespmem:s7+$0xFFFFFF00] =	vst v10  }
0x17f: {  	v15 =	vld [tilespmem:s7+$0xFFFFFE60];
	[tilespmem:s7+$0xFFFFFEE0] =	vst v8;
	v8 =	vmul.f32 v12, v16  }
0x180: {  	v18 =	vld [tilespmem:s7+$0xFFFFFE40];
	v10 =	vmul.f32 v13, v16;
	[tilespmem:s7+$0xFFFFFEC0] =	vst v9  }
0x181: {  	v12 =	vld [tilespmem:s7+$0xFFFFFE30];
	v9 =	vmul.f32 v60, v16;
	[tilespmem:s7+$0xFFFFFEB0] =	vst v8  }
0x182: {  	v22 =	vbroadcast v7, $0x2;
	v13 =	vld [tilespmem:s7+$0xFFFFFE20];
	v8 =	vmul.f32 v11, v16;
	[tilespmem:s7+$0xFFFFFEA0] =	vst v10  }
0x183: {  	v10 =	vld [tilespmem:s7+$0xFFFFFE00];
	v11 =	vmul.f32 v14, v16;
	[tilespmem:s7+$0xFFFFFE90] =	vst v9  }
0x184: {  	v14 =	vld [tilespmem:s7+$0xFFFFFDF0];
	v16 =	vmul.f32 v20, v22;
	[tilespmem:s7+$0xFFFFFE80] =	vst v8  }
0x185: {  	v25 =	vld [tilespmem:s7+$0xFFFFFD80];
	v63 =	vbroadcast v7, $0x0;
	v9 =	vmul.f32 v15, v22;
	[tilespmem:s7+$0xFFFFFE70] =	vst v11  }
0x186: {  	v15 =	vld [tilespmem:s7+$0xFFFFFDE0];
	v11 =	vmul.f32 v18, v22;
	v18 =	vbroadcast v7, $0x1;
	[tilespmem:s7+$0xFFFFFE50] =	vst v16  }
0x187: {  	v8 =	vmul.f32 v19, v17;
	v17 =	vld [tilespmem:s7+$0xFFFFFDD0];
	[tilespmem:s7+$0xFFFFFE60] =	vst v9;
	v9 =	vmul.f32 v12, v22  }
0x188: {  	v19 =	vld [tilespmem:s7+$0xFFFFFDC0];
	v12 =	vmul.f32 v13, v22;
	v16 =	vmul.f32 v61, v18;
	[tilespmem:s7+$0xFFFFFE40] =	vst v11  }
0x189: {  	v23 =	vld [tilespmem:s7+$0xFFFFFD90];
	v20 =	vmul.f32 v10, v18;
	v11 =	vmul.f32 v14, v18;
	[tilespmem:s7+$0xFFFFFE30] =	vst v9  }
0x18a: {  	v26 =	vld [tilespmem:s7+$0x190];
	[tilespmem:s7+$0xFFFFFE20] =	vst v12;
	v10 =	vbroadcast v7, $0xF;
	v9 =	vbroadcast v7, $0xE  }
0x18b: {  	v13 =	vld [tilespmem:s7+$0xFFFFFDB0];
	v14 =	vmul.f32 v62, v63;
	v7 =	vbroadcast v7, $0xD;
	[tilespmem:s7+$0xFFFFFE10] =	vst v16  }
0x18c: {  	v12 =	vmul.f32 v63, v25;
	v24 =	vmul.f32 v15, v18;
	[tilespmem:s7+$0xFFFFFE00] =	vst v20  }
0x18d: {  	v16 =	vld [tilespmem:s7+$0x260];
	v18 =	vmul.f32 v17, v18;
	v15 =	vmul.f32 v19, v63;
	[tilespmem:s7+$0xFFFFFDF0] =	vst v11  }
0x18e: {  	v17 =	vld [tilespmem:s7+$0x270];
	v11 =	vmul.f32 v23, v63;
	v20 =	vmul.f32 v6, v9;
	[tilespmem:s7+$0xFFFFFDE0] =	vst v24  }
0x18f: {  	s14 =	simm.s32 $0x40;
	v19 =	vmul.f32 v5, v7;
	v6 =	vld [tilespmem:s7+$0x250];
	v5 =	vmul.f32 v4, v7;
	[tilespmem:s7+$0xFFFFFDD0] =	vst v18  }
0x190: {  	s0 =	sadd.s32 $0x50, s0;
	s4 =	simm.s32 $0xC5D0;
	s23 =	smul.u32 $0x280, s9;
	v4 =	vld [tilespmem:s7+$0x240];
	v13 =	vmul.f32 v13, v63;
	v18 =	vmul.f32 v26, v7;
	[tilespmem:s7+$0x1F0] =	vst v20  }
.LBB2_12:
0x191: {  	s16 =	smov.u32 s14  }
0x192: {  	s15 =	sshra.s32 s14, $0x2;
	[tilespmem:s7+$0xFFFFFDC0] =	vst v15;
	v15 =	vld [tilespmem:s7+$0x230];
	s4 =	sadd.s32 $0x500, s4;
	s16 =	sadd.s32 $0x40, s14  }
0x193: {  	p0 =	sne.s32 s14, $0x100;
	v17 =	vmul.f32 v17, v10;
	[tilespmem:s7+$0x1B0] =	vst v19;
	v19 =	vld [tilespmem:s7+$0x220]  }
0x194: {  	v16 =	vmul.f32 v16, v10;
	[tilespmem:s7+$0xFFFFFDB0] =	vst v13;
	v13 =	vld [tilespmem:s7+$0x210]  }
0x195: {  	v6 =	vmul.f32 v6, v10;
	[tilespmem:s7+$0xFFFFFDA0] =	vst v14;
	v14 =	vld [tilespmem:s7+$0x200]  }
0x196: {  	[tilespmem:s7+$0x1A0] =	vst v5;
	v5 =	vmul.f32 v4, v10  }
0x197: {  	v10 =	vmul.f32 v15, v10;
	[tilespmem:s7+$0x190] =	vst v18;
	v4 =	vld [tilespmem:s7+$0x1E0]  }
0x198: {  	[tilespmem:s7+$0xFFFFFD90] =	vst v11;
	v11 =	vld [tilespmem:s7+$0x1D0];
	v15 =	vmul.f32 v19, v9  }
0x199: {  	[tilespmem:s7+$0xFFFFFD80] =	vst v12;
	v12 =	vld [tilespmem:s7+$0x1C0];
	v13 =	vmul.f32 v13, v9  }
0x19a: {  	v14 =	vmul.f32 v14, v9;
	[tilespmem:s7+$0x270] =	vst v17  }
0x19b: {  	[tilespmem:s7+$0x250] =	vst v6  }
0x19c: {  	[tilespmem:s7+$0xFFFFFED0] =	vst v8;
	v8 =	vmul.f32 v4, v9  }
0x19d: {  	v9 =	vmul.f32 v11, v7;
	[tilespmem:s7+$0x260] =	vst v16  }
0x19e: {  	v4 =	vld [tilespmem:s4+$0x1F0];
	v7 =	vmul.f32 v12, v7;
	[tilespmem:s7+$0x230] =	vst v10  }
0x19f: {  	[tilespmem:s7+$0x210] =	vst v13  }
0x1a0: {  	[tilespmem:s7+$0x220] =	vst v15  }
0x1a1: {  	[tilespmem:s7+$0x240] =	vst v5  }
0x1a2: {  	v6 =	vld [tilespmem:s4+$0x1B0];
	[tilespmem:s7+$0x1E0] =	vst v8  }
0x1a3: {  	v5 =	vld [tilespmem:s4+$0x1A0];
	[tilespmem:s7+$0x1D0] =	vst v9  }
0x1a4: {  	v8 =	vld [tilespmem:s4+$0x180];
	[tilespmem:s7+$0x1C0] =	vst v7  }
0x1a5: {  	v9 =	vld [tilespmem:s4+$0x170];
	[tilespmem:s7+$0x200] =	vst v14;
	s7 =	smov.u32 s4  }
0x1a6: {  	v7 =	vld.idx.msk [tilespmem:v3+s15+$0x0 ss:$0x1], $0xffff  }
0x1a7: {  	v10 =	vld [tilespmem:s4+$0x160]  }
0x1a8: {  	v11 =	vld [tilespmem:s4+$0x150]  }
0x1a9: {  	v12 =	vld [tilespmem:s4+$0x140]  }
0x1aa: {  	v13 =	vld [tilespmem:s4+$0x130]  }
0x1ab: {  	v14 =	vld [tilespmem:s4+$0x120]  }
0x1ac: {  	v16 =	vbroadcast v7, $0xC;
	v15 =	vld [tilespmem:s4+$0x110]  }
0x1ad: {  	v17 =	vld [tilespmem:s4+$0x100]  }
0x1ae: {  	v9 =	vmul.f32 v9, v16;
	v18 =	vld [tilespmem:s4+$0xF0];
	v12 =	vmul.f32 v12, v16  }
0x1af: {  	v10 =	vmul.f32 v10, v16;
	v8 =	vmul.f32 v8, v16;
	v19 =	vld [tilespmem:s4+$0xE0]  }
0x1b0: {  	v21 =	vbroadcast v7, $0xB;
	v11 =	vmul.f32 v11, v16;
	v20 =	vld [tilespmem:s4+$0xD0];
	[tilespmem:s4+$0x140] =	vst v12  }
0x1b1: {  	v12 =	vld [tilespmem:s4+$0xC0];
	[tilespmem:s4+$0x180] =	vst v8  }
0x1b2: {  	v15 =	vmul.f32 v15, v21;
	v8 =	vld [tilespmem:s4+$0xB0];
	v16 =	vmul.f32 v17, v21;
	[tilespmem:s4+$0x170] =	vst v9  }
0x1b3: {  	v13 =	vmul.f32 v13, v21;
	v9 =	vld [tilespmem:s4+$0xA0];
	v17 =	vmul.f32 v18, v21;
	[tilespmem:s4+$0x160] =	vst v10  }
0x1b4: {  	v14 =	vmul.f32 v14, v21;
	v10 =	vld [tilespmem:s4+$0x90];
	[tilespmem:s4+$0x100] =	vst v16  }
0x1b5: {  	v16 =	vld [tilespmem:s4+$0x80];
	[tilespmem:s4+$0xF0] =	vst v17  }
0x1b6: {  	v18 =	vbroadcast v7, $0xA;
	v17 =	vld [tilespmem:s4+$0x70];
	[tilespmem:s4+$0x110] =	vst v15  }
0x1b7: {  	v15 =	vbroadcast v7, $0x9;
	v21 =	vld [tilespmem:s4+$0x60];
	[tilespmem:s4+$0x120] =	vst v14  }
0x1b8: {  	v8 =	vmul.f32 v8, v18;
	v14 =	vld [tilespmem:s4+$0x50];
	v9 =	vmul.f32 v9, v18;
	[tilespmem:s4+$0x130] =	vst v13  }
0x1b9: {  	v12 =	vmul.f32 v12, v18;
	v13 =	vld [tilespmem:s4+$0x40];
	v10 =	vmul.f32 v10, v15;
	[tilespmem:s4+$0x150] =	vst v11  }
0x1ba: {  	v11 =	vld [tilespmem:s4+$0x30];
	v16 =	vmul.f32 v16, v15;
	[tilespmem:s4+$0xA0] =	vst v9;
	v9 =	vmul.f32 v20, v18  }
0x1bb: {  	v20 =	vld [tilespmem:s4+$0x20];
	v17 =	vmul.f32 v17, v15;
	[tilespmem:s4+$0x90] =	vst v10;
	v10 =	vmul.f32 v19, v18  }
0x1bc: {  	v18 =	vld [tilespmem:s4+$0x10];
	v19 =	vmul.f32 v21, v15;
	[tilespmem:s4+$0x80] =	vst v16  }
0x1bd: {  	v16 =	vld [tilespmem:s4+$0x0];
	v14 =	vmul.f32 v14, v15;
	[tilespmem:s4+$0x70] =	vst v17  }
0x1be: {  	v15 =	vld [tilespmem:s4+$0xFFFFFFF0];
	[tilespmem:s4+$0x60] =	vst v19  }
0x1bf: {  	v17 =	vld [tilespmem:s4+$0xFFFFFFE0];
	[tilespmem:s4+$0x50] =	vst v14  }
0x1c0: {  	v19 =	vbroadcast v7, $0x8;
	v14 =	vld [tilespmem:s4+$0xFFFFFFD0];
	[tilespmem:s4+$0xC0] =	vst v12  }
0x1c1: {  	v12 =	vbroadcast v7, $0x7;
	v21 =	vld [tilespmem:s4+$0xFFFFFFC0];
	[tilespmem:s4+$0xE0] =	vst v10  }
0x1c2: {  	v11 =	vmul.f32 v11, v19;
	v10 =	vld [tilespmem:s4+$0xFFFFFFB0];
	v16 =	vmul.f32 v16, v19;
	[tilespmem:s4+$0xD0] =	vst v9  }
0x1c3: {  	v13 =	vmul.f32 v13, v19;
	v9 =	vld [tilespmem:s4+$0xFFFFFFA0];
	v15 =	vmul.f32 v15, v12;
	[tilespmem:s4+$0xB0] =	vst v8  }
0x1c4: {  	v8 =	vld [tilespmem:s4+$0xFFFFFF90];
	v17 =	vmul.f32 v17, v12;
	[tilespmem:s4+$0x0] =	vst v16;
	v16 =	vmul.f32 v18, v19  }
0x1c5: {  	v19 =	vmul.f32 v20, v19;
	v18 =	vld [tilespmem:s4+$0xFFFFFF80];
	v14 =	vmul.f32 v14, v12;
	[tilespmem:s4+$0x30] =	vst v11  }
0x1c6: {  	v11 =	vbroadcast v7, $0x6;
	v20 =	vld [tilespmem:s4+$0xFFFFFF70];
	v21 =	vmul.f32 v21, v12;
	[tilespmem:s4+$0xFFFFFFF0] =	vst v15  }
0x1c7: {  	v15 =	vld [tilespmem:s4+$0xFFFFFF60];
	v10 =	vmul.f32 v10, v12;
	[tilespmem:s4+$0x40] =	vst v13  }
0x1c8: {  	v12 =	vld [tilespmem:s4+$0xFFFFFF50];
	v9 =	vmul.f32 v9, v11;
	[tilespmem:s4+$0xFFFFFFE0] =	vst v17  }
0x1c9: {  	v13 =	vld [tilespmem:s4+$0xFFFFFF40];
	v8 =	vmul.f32 v8, v11;
	[tilespmem:s4+$0x10] =	vst v16  }
0x1ca: {  	v16 =	vld [tilespmem:s4+$0xFFFFFF30];
	v17 =	vmul.f32 v18, v11;
	[tilespmem:s4+$0xFFFFFFD0] =	vst v14  }
0x1cb: {  	v14 =	vbroadcast v7, $0x5;
	v18 =	vld [tilespmem:s4+$0xFFFFFF20];
	v20 =	vmul.f32 v20, v11;
	[tilespmem:s4+$0xFFFFFFC0] =	vst v21  }
0x1cc: {  	v21 =	vld [tilespmem:s4+$0xFFFFFF10];
	v11 =	vmul.f32 v15, v11;
	[tilespmem:s4+$0xFFFFFFB0] =	vst v10  }
0x1cd: {  	v10 =	vld [tilespmem:s4+$0xFFFFFF00];
	v12 =	vmul.f32 v12, v14;
	[tilespmem:s4+$0xFFFFFFA0] =	vst v9  }
0x1ce: {  	v9 =	vld [tilespmem:s4+$0xFFFFFEF0];
	v13 =	vmul.f32 v13, v14;
	[tilespmem:s4+$0xFFFFFF90] =	vst v8  }
0x1cf: {  	v8 =	vld [tilespmem:s4+$0xFFFFFEE0];
	v15 =	vmul.f32 v16, v14;
	[tilespmem:s4+$0x20] =	vst v19  }
0x1d0: {  	v16 =	vbroadcast v7, $0x4;
	v19 =	vld [tilespmem:s4+$0xFFFFFED0];
	v18 =	vmul.f32 v18, v14;
	[tilespmem:s4+$0xFFFFFF70] =	vst v20  }
0x1d1: {  	v20 =	vld [tilespmem:s4+$0xFFFFFEC0];
	v14 =	vmul.f32 v21, v14;
	[tilespmem:s4+$0xFFFFFF60] =	vst v11  }
0x1d2: {  	v11 =	vld [tilespmem:s4+$0xFFFFFEB0];
	v10 =	vmul.f32 v10, v16;
	[tilespmem:s4+$0xFFFFFF50] =	vst v12  }
0x1d3: {  	v12 =	vld [tilespmem:s4+$0xFFFFFEA0];
	v9 =	vmul.f32 v9, v16;
	[tilespmem:s4+$0xFFFFFF40] =	vst v13  }
0x1d4: {  	v13 =	vld [tilespmem:s4+$0xFFFFFE90];
	v21 =	vmul.f32 v8, v16;
	[tilespmem:s4+$0xFFFFFF80] =	vst v17  }
0x1d5: {  	v17 =	vbroadcast v7, $0x3;
	v22 =	vld [tilespmem:s4+$0xFFFFFE80];
	v8 =	vmul.f32 v19, v16;
	[tilespmem:s4+$0xFFFFFF20] =	vst v18  }
0x1d6: {  	v18 =	vld [tilespmem:s4+$0xFFFFFE70];
	v16 =	vmul.f32 v20, v16;
	[tilespmem:s4+$0xFFFFFF30] =	vst v15  }
0x1d7: {  	v15 =	vld [tilespmem:s4+$0xFFFFFE60];
	v11 =	vmul.f32 v11, v17;
	[tilespmem:s4+$0xFFFFFF10] =	vst v14  }
0x1d8: {  	v14 =	vld [tilespmem:s4+$0xFFFFFE50];
	v12 =	vmul.f32 v12, v17;
	[tilespmem:s4+$0xFFFFFEF0] =	vst v9  }
0x1d9: {  	v9 =	vld [tilespmem:s4+$0xFFFFFE40];
	v13 =	vmul.f32 v13, v17;
	[tilespmem:s4+$0xFFFFFEE0] =	vst v21  }
0x1da: {  	v19 =	vbroadcast v7, $0x2;
	v20 =	vld [tilespmem:s4+$0xFFFFFE30];
	v21 =	vmul.f32 v22, v17;
	[tilespmem:s4+$0xFFFFFF00] =	vst v10  }
0x1db: {  	v10 =	vld [tilespmem:s4+$0xFFFFFE20];
	v17 =	vmul.f32 v18, v17;
	[tilespmem:s4+$0xFFFFFEC0] =	vst v16  }
0x1dc: {  	v16 =	vld [tilespmem:s4+$0xFFFFFE10];
	v15 =	vmul.f32 v15, v19;
	[tilespmem:s4+$0xFFFFFEB0] =	vst v11  }
0x1dd: {  	v11 =	vld [tilespmem:s4+$0xFFFFFE00];
	v14 =	vmul.f32 v14, v19;
	[tilespmem:s4+$0xFFFFFEA0] =	vst v12  }
0x1de: {  	v12 =	vld [tilespmem:s4+$0xFFFFFDF0];
	v9 =	vmul.f32 v9, v19;
	[tilespmem:s4+$0xFFFFFE90] =	vst v13  }
0x1df: {  	v13 =	vbroadcast v7, $0x1;
	v18 =	vld [tilespmem:s4+$0xFFFFFDE0];
	v20 =	vmul.f32 v20, v19;
	[tilespmem:s4+$0xFFFFFE80] =	vst v21  }
0x1e0: {  	v21 =	vld [tilespmem:s4+$0xFFFFFDD0];
	v10 =	vmul.f32 v10, v19;
	[tilespmem:s4+$0xFFFFFE70] =	vst v17  }
0x1e1: {  	v17 =	vld [tilespmem:s4+$0xFFFFFDC0];
	v16 =	vmul.f32 v16, v13;
	[tilespmem:s4+$0xFFFFFE60] =	vst v15  }
0x1e2: {  	v19 =	vld [tilespmem:s4+$0xFFFFFDB0];
	v11 =	vmul.f32 v11, v13;
	[tilespmem:s4+$0xFFFFFE50] =	vst v14  }
0x1e3: {  	v14 =	vld [tilespmem:s4+$0xFFFFFDA0];
	v12 =	vmul.f32 v12, v13;
	[tilespmem:s4+$0xFFFFFE40] =	vst v9  }
0x1e4: {  	v22 =	vbroadcast v7, $0x0;
	v23 =	vld [tilespmem:s4+$0xFFFFFD90];
	v18 =	vmul.f32 v18, v13;
	[tilespmem:s4+$0xFFFFFE30] =	vst v20  }
0x1e5: {  	v20 =	vld [tilespmem:s4+$0xFFFFFD80];
	v21 =	vmul.f32 v21, v13;
	[tilespmem:s4+$0xFFFFFE20] =	vst v10  }
0x1e6: {  	v10 =	vbroadcast v7, $0xF;
	v15 =	vmul.f32 v17, v22;
	[tilespmem:s4+$0xFFFFFE10] =	vst v16;
	v24 =	vld [tilespmem:s4+$0x190]  }
.Ltmp8:
0x1e7: {  	v9 =	vbroadcast v7, $0xE;
	v13 =	vmul.f32 v19, v22;
	[tilespmem:s4+$0xFFFFFE00] =	vst v11;
	(pc) =	sbr.rel @p0 .LBB2_12-.Ltmp8, $4  }
0x1e8: {  	v7 =	vbroadcast v7, $0xD;
	v14 =	vmul.f32 v14, v22;
	[tilespmem:s4+$0xFFFFFDF0] =	vst v12;
	v17 =	vld [tilespmem:s4+$0x270]  }
0x1e9: {  	v4 =	vmul.f32 v4, v9;
	v11 =	vmul.f32 v23, v22;
	[tilespmem:s4+$0xFFFFFDE0] =	vst v18;
	v16 =	vld [tilespmem:s4+$0x260]  }
0x1ea: {  	v19 =	vmul.f32 v6, v7;
	v12 =	vmul.f32 v22, v20;
	[tilespmem:s4+$0xFFFFFDD0] =	vst v21;
	v6 =	vld [tilespmem:s4+$0x250]  }
0x1eb: {  	s14 =	smov.u32 s16;
	v5 =	vmul.f32 v5, v7;
	v18 =	vmul.f32 v24, v7;
	[tilespmem:s4+$0x1F0] =	vst v4;
	v4 =	vld [tilespmem:s4+$0x240]  }
0x1ec: {  	[tilespmem:s7+$0xFFFFFDC0] =	vst v15  }
0x1ed: {  	[tilespmem:s7+$0x1B0] =	vst v19  }
0x1ee: {  	[tilespmem:s7+$0xFFFFFDB0] =	vst v13  }
0x1ef: {  	[tilespmem:s7+$0xFFFFFDA0] =	vst v14  }
0x1f0: {  	[tilespmem:s7+$0xFFFFFD90] =	vst v11  }
0x1f1: {  	v3 =	vld [tilespmem:s7+$0x230];
	[tilespmem:s7+$0xFFFFFD80] =	vst v12  }
0x1f2: {  	v13 =	vld [tilespmem:s7+$0x210];
	[tilespmem:s7+$0xFFFFFED0] =	vst v8  }
0x1f3: {  	v11 =	vld [tilespmem:s7+$0x220];
	[tilespmem:s7+$0x1A0] =	vst v5;
	v5 =	vmul.f32 v17, v10  }
0x1f4: {  	[tilespmem:s7+$0x190] =	vst v18;
	v6 =	vmul.f32 v6, v10  }
0x1f5: {  	v14 =	vld [tilespmem:s7+$0x1E0];
	[tilespmem:s7+$0x270] =	vst v5;
	v5 =	vmul.f32 v16, v10  }
0x1f6: {  	v8 =	vld [tilespmem:s7+$0x1C0];
	[tilespmem:s7+$0x250] =	vst v6;
	v3 =	vmul.f32 v3, v10  }
0x1f7: {  	v12 =	vld [tilespmem:s7+$0x200];
	v13 =	vmul.f32 v13, v9;
	[tilespmem:s7+$0x260] =	vst v5  }
0x1f8: {  	v6 =	vld [tilespmem:s7+$0x1D0];
	v5 =	vmul.f32 v11, v9;
	[tilespmem:s7+$0x230] =	vst v3  }
0x1f9: {  	v3 =	vmul.f32 v4, v10;
	[tilespmem:s7+$0x210] =	vst v13  }
0x1fa: {  	v4 =	vmul.f32 v14, v9;
	[tilespmem:s7+$0x220] =	vst v5  }
0x1fb: {  	[tilespmem:s7+$0x240] =	vst v3;
	v3 =	vmul.f32 v8, v7  }
0x1fc: {  	[tilespmem:s7+$0x1E0] =	vst v4;
	v4 =	vmul.f32 v12, v9  }
0x1fd: {  	v5 =	vmul.f32 v6, v7;
	[tilespmem:s7+$0x1C0] =	vst v3  }
0x1fe: {  	s4 =	sshra.s32 s23, $0x2;
	[tilespmem:s7+$0x200] =	vst v4  }
0x1ff: {  	s16 =	sadd.s32 $0x7530, s4;
	[tilespmem:s7+$0x1D0] =	vst v5  }
0x200: {  	[spmem:s1] =	stream.indirect.scatter.add.f32 [tilespmem:s28], [sflag:$0x3], $0x50, s16, s26, $0xb8;
	[tilespmem:$0x1EA50] =	vst v63  }
0x201: {  	_ =	swait.ge [sflag:s21], $0x1900  }
0x202: {  	[sflag:s21] =	ssyncset.done $0x0  }
0x203: {  	[sflag:s21] =	ssyncadd.s32 $0xFFFFE700  }
0x204: {  	_ =	swait.ge [sflag:s31], $0x1900  }
0x205: {  	[sflag:s31] =	ssyncset.done $0x0  }
0x206: {  	s4 =	sadd.s32 $0x4EC0, s4;
	s7 =	simm.s32 $0xDED0;
	[sflag:s31] =	ssyncadd.s32 $0xFFFFE700  }
0x207: {  	[tilespmem:s28], [sflag:$0x1] =	stream.indirect.gather [hbm4b:s5+s26], $0x50, s4, s26, $0xb8;
	[tilespmem:$0x1EA50] =	vst v63  }
0x208: {  	v3 =	vmov s12;
	v6 =	vld [tilespmem:s7+$0x1F0]  }
0x209: {  	v5 =	vld [tilespmem:s7+$0x1B0]  }
0x20a: {  	v4 =	vld [tilespmem:s7+$0x1A0]  }
0x20b: {  	v8 =	vld [tilespmem:s7+$0x180]  }
0x20c: {  	s23 =	simm.s32 $0x0;
	v9 =	vld [tilespmem:s7+$0x170]  }
0x20d: {  	v7 =	vld.idx.msk [tilespmem:v3+s23+$0x0 ss:$0x1], $0xffff  }
0x20e: {  	v10 =	vld [tilespmem:s7+$0x160]  }
0x20f: {  	v11 =	vld [tilespmem:s7+$0x150]  }
0x210: {  	v12 =	vld [tilespmem:s7+$0x140]  }
0x211: {  	v13 =	vld [tilespmem:s7+$0x130]  }
0x212: {  	v14 =	vld [tilespmem:s7+$0x120]  }
0x213: {  	v15 =	vld [tilespmem:s7+$0x110];
	v16 =	vbroadcast v7, $0xC  }
0x214: {  	v17 =	vld [tilespmem:s7+$0x100]  }
0x215: {  	v18 =	vld [tilespmem:s7+$0xF0];
	v12 =	vmul.f32 v12, v16  }
0x216: {  	v19 =	vld [tilespmem:s7+$0xE0];
	v8 =	vmul.f32 v8, v16  }
0x217: {  	v20 =	vld [tilespmem:s7+$0xD0];
	v21 =	vbroadcast v7, $0xB;
	v9 =	vmul.f32 v9, v16;
	[tilespmem:s7+$0x140] =	vst v12  }
0x218: {  	v58 =	vld [tilespmem:s7+$0xFFFFFFB0];
	v10 =	vmul.f32 v10, v16;
	[tilespmem:s7+$0x180] =	vst v8  }
0x219: {  	v59 =	vld [tilespmem:s7+$0xFFFFFF30];
	v17 =	vmul.f32 v17, v21;
	[tilespmem:s7+$0x170] =	vst v9  }
0x21a: {  	v18 =	vmul.f32 v18, v21;
	v9 =	vld [tilespmem:s7+$0xA0];
	[tilespmem:s7+$0x160] =	vst v10  }
0x21b: {  	v14 =	vmul.f32 v14, v21;
	v10 =	vmul.f32 v15, v21;
	v15 =	vld [tilespmem:s7+$0x90];
	[tilespmem:s7+$0x100] =	vst v17  }
0x21c: {  	v17 =	vld [tilespmem:s7+$0x80];
	[tilespmem:s7+$0xF0] =	vst v18  }
0x21d: {  	v57 =	vbroadcast v7, $0xA;
	v13 =	vmul.f32 v13, v21;
	v18 =	vld [tilespmem:s7+$0x70];
	[tilespmem:s7+$0x120] =	vst v14  }
0x21e: {  	v12 =	vld [tilespmem:s7+$0xC0];
	[tilespmem:s7+$0x110] =	vst v10;
	v10 =	vmul.f32 v11, v16;
	v11 =	vbroadcast v7, $0x9  }
0x21f: {  	[tilespmem:s7+$0x130] =	vst v13;
	v16 =	vld [tilespmem:s7+$0x60];
	v9 =	vmul.f32 v9, v57  }
0x220: {  	v14 =	vld [tilespmem:s7+$0x50];
	[tilespmem:s7+$0x150] =	vst v10;
	v15 =	vmul.f32 v15, v11  }
0x221: {  	v8 =	vld [tilespmem:s7+$0xB0];
	v17 =	vmul.f32 v17, v11;
	[tilespmem:s7+$0xA0] =	vst v9  }
0x222: {  	v60 =	vld [tilespmem:s7+$0xFFFFFE90];
	v18 =	vmul.f32 v18, v11;
	[tilespmem:s7+$0x90] =	vst v15  }
0x223: {  	v61 =	vld [tilespmem:s7+$0xFFFFFE10];
	v12 =	vmul.f32 v12, v57;
	[tilespmem:s7+$0x80] =	vst v17  }
0x224: {  	v10 =	vld [tilespmem:s7+$0x30];
	v16 =	vmul.f32 v16, v11;
	[tilespmem:s7+$0x70] =	vst v18  }
0x225: {  	v13 =	vld [tilespmem:s7+$0x40];
	v11 =	vmul.f32 v14, v11;
	[tilespmem:s7+$0xC0] =	vst v12  }
0x226: {  	v8 =	vmul.f32 v8, v57;
	v17 =	vld [tilespmem:s7+$0x0];
	[tilespmem:s7+$0x60] =	vst v16;
	v16 =	vmul.f32 v19, v57  }
0x227: {  	v9 =	vld [tilespmem:s7+$0x20];
	[tilespmem:s7+$0x50] =	vst v11;
	v11 =	vmul.f32 v20, v57;
	v20 =	vbroadcast v7, $0x8  }
0x228: {  	v14 =	vld [tilespmem:s7+$0xFFFFFFF0];
	[tilespmem:s7+$0xB0] =	vst v8  }
0x229: {  	v18 =	vld [tilespmem:s7+$0xFFFFFFE0];
	[tilespmem:s7+$0xE0] =	vst v16;
	v10 =	vmul.f32 v10, v20  }
0x22a: {  	v12 =	vld [tilespmem:s7+$0xFFFFFFC0];
	[tilespmem:s7+$0xD0] =	vst v11;
	v13 =	vmul.f32 v13, v20  }
0x22b: {  	v19 =	vld [tilespmem:s7+$0xFFFFFFD0];
	v16 =	vbroadcast v7, $0x7;
	v17 =	vmul.f32 v17, v20;
	[tilespmem:s7+$0x30] =	vst v10  }
0x22c: {  	v15 =	vld [tilespmem:s7+$0x10];
	v9 =	vmul.f32 v9, v20;
	[tilespmem:s7+$0x40] =	vst v13  }
0x22d: {  	v62 =	vld [tilespmem:s7+$0xFFFFFDA0];
	v8 =	vmul.f32 v14, v16;
	[tilespmem:s7+$0x0] =	vst v17  }
0x22e: {  	v11 =	vld [tilespmem:s7+$0xFFFFFFA0];
	v10 =	vmul.f32 v18, v16;
	[tilespmem:s7+$0x20] =	vst v9  }
0x22f: {  	v14 =	vld [tilespmem:s7+$0xFFFFFF90];
	v12 =	vmul.f32 v12, v16;
	[tilespmem:s7+$0xFFFFFFF0] =	vst v8  }
0x230: {  	v18 =	vld [tilespmem:s7+$0xFFFFFF70];
	v13 =	vmul.f32 v19, v16;
	v16 =	vmul.f32 v58, v16;
	[tilespmem:s7+$0xFFFFFFE0] =	vst v10  }
0x231: {  	v8 =	vmul.f32 v15, v20;
	v15 =	vld [tilespmem:s7+$0xFFFFFF60];
	v10 =	vbroadcast v7, $0x6;
	[tilespmem:s7+$0xFFFFFFC0] =	vst v12  }
0x232: {  	v17 =	vld [tilespmem:s7+$0xFFFFFF80];
	[tilespmem:s7+$0xFFFFFFD0] =	vst v13  }
0x233: {  	v19 =	vld [tilespmem:s7+$0xFFFFFF50];
	[tilespmem:s7+$0xFFFFFFB0] =	vst v16;
	v11 =	vmul.f32 v11, v10  }
0x234: {  	[tilespmem:s7+$0x10] =	vst v8;
	v8 =	vld [tilespmem:s7+$0xFFFFFF40];
	v12 =	vmul.f32 v14, v10  }
0x235: {  	v13 =	vld [tilespmem:s7+$0xFFFFFF20];
	v18 =	vmul.f32 v18, v10;
	[tilespmem:s7+$0xFFFFFFA0] =	vst v11  }
0x236: {  	v14 =	vld [tilespmem:s7+$0xFFFFFF10];
	v11 =	vbroadcast v7, $0x5;
	[tilespmem:s7+$0xFFFFFF90] =	vst v12;
	v12 =	vmul.f32 v15, v10  }
0x237: {  	v20 =	vld [tilespmem:s7+$0xFFFFFEF0];
	[tilespmem:s7+$0xFFFFFF70] =	vst v18;
	v10 =	vmul.f32 v17, v10  }
0x238: {  	v16 =	vld [tilespmem:s7+$0xFFFFFF00];
	v9 =	vmul.f32 v19, v11;
	[tilespmem:s7+$0xFFFFFF60] =	vst v12  }
0x239: {  	v15 =	vld [tilespmem:s7+$0xFFFFFEE0];
	v8 =	vmul.f32 v8, v11;
	[tilespmem:s7+$0xFFFFFF80] =	vst v10  }
0x23a: {  	v18 =	vld [tilespmem:s7+$0xFFFFFEC0];
	[tilespmem:s7+$0xFFFFFF50] =	vst v9;
	v9 =	vmul.f32 v13, v11  }
0x23b: {  	v17 =	vbroadcast v7, $0x4;
	v19 =	vld [tilespmem:s7+$0xFFFFFED0];
	v10 =	vmul.f32 v14, v11;
	[tilespmem:s7+$0xFFFFFF40] =	vst v8  }
0x23c: {  	v12 =	vld [tilespmem:s7+$0xFFFFFEB0];
	v8 =	vmul.f32 v59, v11;
	[tilespmem:s7+$0xFFFFFF20] =	vst v9  }
0x23d: {  	v13 =	vld [tilespmem:s7+$0xFFFFFEA0];
	v9 =	vmul.f32 v20, v17;
	[tilespmem:s7+$0xFFFFFF10] =	vst v10  }
0x23e: {  	v14 =	vld [tilespmem:s7+$0xFFFFFE70];
	v10 =	vmul.f32 v16, v17;
	[tilespmem:s7+$0xFFFFFF30] =	vst v8  }
0x23f: {  	v11 =	vld [tilespmem:s7+$0xFFFFFE80];
	v16 =	vbroadcast v7, $0x3;
	v8 =	vmul.f32 v15, v17;
	[tilespmem:s7+$0xFFFFFEF0] =	vst v9  }
0x240: {  	v20 =	vld [tilespmem:s7+$0xFFFFFE50];
	v9 =	vmul.f32 v18, v17;
	[tilespmem:s7+$0xFFFFFF00] =	vst v10  }
0x241: {  	v15 =	vld [tilespmem:s7+$0xFFFFFE60];
	[tilespmem:s7+$0xFFFFFEE0] =	vst v8;
	v8 =	vmul.f32 v12, v16  }
0x242: {  	v18 =	vld [tilespmem:s7+$0xFFFFFE40];
	v10 =	vmul.f32 v13, v16;
	[tilespmem:s7+$0xFFFFFEC0] =	vst v9  }
0x243: {  	v12 =	vld [tilespmem:s7+$0xFFFFFE30];
	v9 =	vmul.f32 v60, v16;
	[tilespmem:s7+$0xFFFFFEB0] =	vst v8  }
0x244: {  	v22 =	vbroadcast v7, $0x2;
	v13 =	vld [tilespmem:s7+$0xFFFFFE20];
	v8 =	vmul.f32 v11, v16;
	[tilespmem:s7+$0xFFFFFEA0] =	vst v10  }
0x245: {  	v10 =	vld [tilespmem:s7+$0xFFFFFE00];
	v11 =	vmul.f32 v14, v16;
	[tilespmem:s7+$0xFFFFFE90] =	vst v9  }
0x246: {  	v14 =	vld [tilespmem:s7+$0xFFFFFDF0];
	v16 =	vmul.f32 v20, v22;
	[tilespmem:s7+$0xFFFFFE80] =	vst v8  }
0x247: {  	v25 =	vld [tilespmem:s7+$0xFFFFFD80];
	v63 =	vbroadcast v7, $0x0;
	v9 =	vmul.f32 v15, v22;
	[tilespmem:s7+$0xFFFFFE70] =	vst v11  }
0x248: {  	v15 =	vld [tilespmem:s7+$0xFFFFFDE0];
	v11 =	vmul.f32 v18, v22;
	v18 =	vbroadcast v7, $0x1;
	[tilespmem:s7+$0xFFFFFE50] =	vst v16  }
0x249: {  	v8 =	vmul.f32 v19, v17;
	v17 =	vld [tilespmem:s7+$0xFFFFFDD0];
	[tilespmem:s7+$0xFFFFFE60] =	vst v9;
	v9 =	vmul.f32 v12, v22  }
0x24a: {  	v19 =	vld [tilespmem:s7+$0xFFFFFDC0];
	v12 =	vmul.f32 v13, v22;
	v16 =	vmul.f32 v61, v18;
	[tilespmem:s7+$0xFFFFFE40] =	vst v11  }
0x24b: {  	v23 =	vld [tilespmem:s7+$0xFFFFFD90];
	v20 =	vmul.f32 v10, v18;
	v11 =	vmul.f32 v14, v18;
	[tilespmem:s7+$0xFFFFFE30] =	vst v9  }
0x24c: {  	v26 =	vld [tilespmem:s7+$0x190];
	[tilespmem:s7+$0xFFFFFE20] =	vst v12;
	v10 =	vbroadcast v7, $0xF;
	v9 =	vbroadcast v7, $0xE  }
0x24d: {  	v13 =	vld [tilespmem:s7+$0xFFFFFDB0];
	v14 =	vmul.f32 v62, v63;
	v7 =	vbroadcast v7, $0xD;
	[tilespmem:s7+$0xFFFFFE10] =	vst v16  }
0x24e: {  	v12 =	vmul.f32 v63, v25;
	v24 =	vmul.f32 v15, v18;
	[tilespmem:s7+$0xFFFFFE00] =	vst v20  }
0x24f: {  	v16 =	vld [tilespmem:s7+$0x260];
	v18 =	vmul.f32 v17, v18;
	v15 =	vmul.f32 v19, v63;
	[tilespmem:s7+$0xFFFFFDF0] =	vst v11  }
0x250: {  	v17 =	vld [tilespmem:s7+$0x270];
	v11 =	vmul.f32 v23, v63;
	v20 =	vmul.f32 v6, v9;
	[tilespmem:s7+$0xFFFFFDE0] =	vst v24  }
0x251: {  	v19 =	vmul.f32 v5, v7;
	v6 =	vld [tilespmem:s7+$0x250];
	v5 =	vmul.f32 v4, v7;
	[tilespmem:s7+$0xFFFFFDD0] =	vst v18  }
0x252: {  	s16 =	simm.s32 $0x40;
	s4 =	simm.s32 $0xDED0;
	v4 =	vld [tilespmem:s7+$0x240];
	v13 =	vmul.f32 v13, v63;
	v18 =	vmul.f32 v26, v7;
	[tilespmem:s7+$0x1F0] =	vst v20  }
.LBB2_14:
0x253: {  	s14 =	smov.u32 s16  }
0x254: {  	s15 =	sshra.s32 s16, $0x2;
	[tilespmem:s7+$0xFFFFFDC0] =	vst v15;
	v15 =	vld [tilespmem:s7+$0x230];
	s4 =	sadd.s32 $0x500, s4;
	s14 =	sadd.s32 $0x40, s16  }
0x255: {  	p0 =	sne.s32 s16, $0x100;
	v17 =	vmul.f32 v17, v10;
	[tilespmem:s7+$0x1B0] =	vst v19;
	v19 =	vld [tilespmem:s7+$0x220]  }
0x256: {  	v16 =	vmul.f32 v16, v10;
	[tilespmem:s7+$0xFFFFFDB0] =	vst v13;
	v13 =	vld [tilespmem:s7+$0x210]  }
0x257: {  	v6 =	vmul.f32 v6, v10;
	[tilespmem:s7+$0xFFFFFDA0] =	vst v14;
	v14 =	vld [tilespmem:s7+$0x200]  }
0x258: {  	[tilespmem:s7+$0x1A0] =	vst v5;
	v5 =	vmul.f32 v4, v10  }
0x259: {  	v10 =	vmul.f32 v15, v10;
	[tilespmem:s7+$0x190] =	vst v18;
	v4 =	vld [tilespmem:s7+$0x1E0]  }
0x25a: {  	[tilespmem:s7+$0xFFFFFD90] =	vst v11;
	v11 =	vld [tilespmem:s7+$0x1D0];
	v15 =	vmul.f32 v19, v9  }
0x25b: {  	[tilespmem:s7+$0xFFFFFD80] =	vst v12;
	v12 =	vld [tilespmem:s7+$0x1C0];
	v13 =	vmul.f32 v13, v9  }
0x25c: {  	v14 =	vmul.f32 v14, v9;
	[tilespmem:s7+$0x270] =	vst v17  }
0x25d: {  	[tilespmem:s7+$0x250] =	vst v6  }
0x25e: {  	[tilespmem:s7+$0xFFFFFED0] =	vst v8;
	v8 =	vmul.f32 v4, v9  }
0x25f: {  	v9 =	vmul.f32 v11, v7;
	[tilespmem:s7+$0x260] =	vst v16  }
0x260: {  	v4 =	vld [tilespmem:s4+$0x1F0];
	v7 =	vmul.f32 v12, v7;
	[tilespmem:s7+$0x230] =	vst v10  }
0x261: {  	[tilespmem:s7+$0x210] =	vst v13  }
0x262: {  	[tilespmem:s7+$0x220] =	vst v15  }
0x263: {  	[tilespmem:s7+$0x240] =	vst v5  }
0x264: {  	v6 =	vld [tilespmem:s4+$0x1B0];
	[tilespmem:s7+$0x1E0] =	vst v8  }
0x265: {  	v5 =	vld [tilespmem:s4+$0x1A0];
	[tilespmem:s7+$0x1D0] =	vst v9  }
0x266: {  	v8 =	vld [tilespmem:s4+$0x180];
	[tilespmem:s7+$0x1C0] =	vst v7  }
0x267: {  	v9 =	vld [tilespmem:s4+$0x170];
	[tilespmem:s7+$0x200] =	vst v14;
	s7 =	smov.u32 s4  }
0x268: {  	v7 =	vld.idx.msk [tilespmem:v3+s15+$0x0 ss:$0x1], $0xffff  }
0x269: {  	v10 =	vld [tilespmem:s4+$0x160]  }
0x26a: {  	v11 =	vld [tilespmem:s4+$0x150]  }
0x26b: {  	v12 =	vld [tilespmem:s4+$0x140]  }
0x26c: {  	v13 =	vld [tilespmem:s4+$0x130]  }
0x26d: {  	v14 =	vld [tilespmem:s4+$0x120]  }
0x26e: {  	v16 =	vbroadcast v7, $0xC;
	v15 =	vld [tilespmem:s4+$0x110]  }
0x26f: {  	v17 =	vld [tilespmem:s4+$0x100]  }
0x270: {  	v9 =	vmul.f32 v9, v16;
	v18 =	vld [tilespmem:s4+$0xF0];
	v12 =	vmul.f32 v12, v16  }
0x271: {  	v10 =	vmul.f32 v10, v16;
	v8 =	vmul.f32 v8, v16;
	v19 =	vld [tilespmem:s4+$0xE0]  }
0x272: {  	v21 =	vbroadcast v7, $0xB;
	v11 =	vmul.f32 v11, v16;
	v20 =	vld [tilespmem:s4+$0xD0];
	[tilespmem:s4+$0x140] =	vst v12  }
0x273: {  	v12 =	vld [tilespmem:s4+$0xC0];
	[tilespmem:s4+$0x180] =	vst v8  }
0x274: {  	v15 =	vmul.f32 v15, v21;
	v8 =	vld [tilespmem:s4+$0xB0];
	v16 =	vmul.f32 v17, v21;
	[tilespmem:s4+$0x170] =	vst v9  }
0x275: {  	v13 =	vmul.f32 v13, v21;
	v9 =	vld [tilespmem:s4+$0xA0];
	v17 =	vmul.f32 v18, v21;
	[tilespmem:s4+$0x160] =	vst v10  }
0x276: {  	v14 =	vmul.f32 v14, v21;
	v10 =	vld [tilespmem:s4+$0x90];
	[tilespmem:s4+$0x100] =	vst v16  }
0x277: {  	v16 =	vld [tilespmem:s4+$0x80];
	[tilespmem:s4+$0xF0] =	vst v17  }
0x278: {  	v18 =	vbroadcast v7, $0xA;
	v17 =	vld [tilespmem:s4+$0x70];
	[tilespmem:s4+$0x110] =	vst v15  }
0x279: {  	v15 =	vbroadcast v7, $0x9;
	v21 =	vld [tilespmem:s4+$0x60];
	[tilespmem:s4+$0x120] =	vst v14  }
0x27a: {  	v8 =	vmul.f32 v8, v18;
	v14 =	vld [tilespmem:s4+$0x50];
	v9 =	vmul.f32 v9, v18;
	[tilespmem:s4+$0x130] =	vst v13  }
0x27b: {  	v12 =	vmul.f32 v12, v18;
	v13 =	vld [tilespmem:s4+$0x40];
	v10 =	vmul.f32 v10, v15;
	[tilespmem:s4+$0x150] =	vst v11  }
0x27c: {  	v11 =	vld [tilespmem:s4+$0x30];
	v16 =	vmul.f32 v16, v15;
	[tilespmem:s4+$0xA0] =	vst v9;
	v9 =	vmul.f32 v20, v18  }
0x27d: {  	v20 =	vld [tilespmem:s4+$0x20];
	v17 =	vmul.f32 v17, v15;
	[tilespmem:s4+$0x90] =	vst v10;
	v10 =	vmul.f32 v19, v18  }
0x27e: {  	v18 =	vld [tilespmem:s4+$0x10];
	v19 =	vmul.f32 v21, v15;
	[tilespmem:s4+$0x80] =	vst v16  }
0x27f: {  	v16 =	vld [tilespmem:s4+$0x0];
	v14 =	vmul.f32 v14, v15;
	[tilespmem:s4+$0x70] =	vst v17  }
0x280: {  	v15 =	vld [tilespmem:s4+$0xFFFFFFF0];
	[tilespmem:s4+$0x60] =	vst v19  }
0x281: {  	v17 =	vld [tilespmem:s4+$0xFFFFFFE0];
	[tilespmem:s4+$0x50] =	vst v14  }
0x282: {  	v19 =	vbroadcast v7, $0x8;
	v14 =	vld [tilespmem:s4+$0xFFFFFFD0];
	[tilespmem:s4+$0xC0] =	vst v12  }
0x283: {  	v12 =	vbroadcast v7, $0x7;
	v21 =	vld [tilespmem:s4+$0xFFFFFFC0];
	[tilespmem:s4+$0xE0] =	vst v10  }
0x284: {  	v11 =	vmul.f32 v11, v19;
	v10 =	vld [tilespmem:s4+$0xFFFFFFB0];
	v16 =	vmul.f32 v16, v19;
	[tilespmem:s4+$0xD0] =	vst v9  }
0x285: {  	v13 =	vmul.f32 v13, v19;
	v9 =	vld [tilespmem:s4+$0xFFFFFFA0];
	v15 =	vmul.f32 v15, v12;
	[tilespmem:s4+$0xB0] =	vst v8  }
0x286: {  	v8 =	vld [tilespmem:s4+$0xFFFFFF90];
	v17 =	vmul.f32 v17, v12;
	[tilespmem:s4+$0x0] =	vst v16;
	v16 =	vmul.f32 v18, v19  }
0x287: {  	v19 =	vmul.f32 v20, v19;
	v18 =	vld [tilespmem:s4+$0xFFFFFF80];
	v14 =	vmul.f32 v14, v12;
	[tilespmem:s4+$0x30] =	vst v11  }
0x288: {  	v11 =	vbroadcast v7, $0x6;
	v20 =	vld [tilespmem:s4+$0xFFFFFF70];
	v21 =	vmul.f32 v21, v12;
	[tilespmem:s4+$0xFFFFFFF0] =	vst v15  }
0x289: {  	v15 =	vld [tilespmem:s4+$0xFFFFFF60];
	v10 =	vmul.f32 v10, v12;
	[tilespmem:s4+$0x40] =	vst v13  }
0x28a: {  	v12 =	vld [tilespmem:s4+$0xFFFFFF50];
	v9 =	vmul.f32 v9, v11;
	[tilespmem:s4+$0xFFFFFFE0] =	vst v17  }
0x28b: {  	v13 =	vld [tilespmem:s4+$0xFFFFFF40];
	v8 =	vmul.f32 v8, v11;
	[tilespmem:s4+$0x10] =	vst v16  }
0x28c: {  	v16 =	vld [tilespmem:s4+$0xFFFFFF30];
	v17 =	vmul.f32 v18, v11;
	[tilespmem:s4+$0xFFFFFFD0] =	vst v14  }
0x28d: {  	v14 =	vbroadcast v7, $0x5;
	v18 =	vld [tilespmem:s4+$0xFFFFFF20];
	v20 =	vmul.f32 v20, v11;
	[tilespmem:s4+$0xFFFFFFC0] =	vst v21  }
0x28e: {  	v21 =	vld [tilespmem:s4+$0xFFFFFF10];
	v11 =	vmul.f32 v15, v11;
	[tilespmem:s4+$0xFFFFFFB0] =	vst v10  }
0x28f: {  	v10 =	vld [tilespmem:s4+$0xFFFFFF00];
	v12 =	vmul.f32 v12, v14;
	[tilespmem:s4+$0xFFFFFFA0] =	vst v9  }
0x290: {  	v9 =	vld [tilespmem:s4+$0xFFFFFEF0];
	v13 =	vmul.f32 v13, v14;
	[tilespmem:s4+$0xFFFFFF90] =	vst v8  }
0x291: {  	v8 =	vld [tilespmem:s4+$0xFFFFFEE0];
	v15 =	vmul.f32 v16, v14;
	[tilespmem:s4+$0x20] =	vst v19  }
0x292: {  	v16 =	vbroadcast v7, $0x4;
	v19 =	vld [tilespmem:s4+$0xFFFFFED0];
	v18 =	vmul.f32 v18, v14;
	[tilespmem:s4+$0xFFFFFF70] =	vst v20  }
0x293: {  	v20 =	vld [tilespmem:s4+$0xFFFFFEC0];
	v14 =	vmul.f32 v21, v14;
	[tilespmem:s4+$0xFFFFFF60] =	vst v11  }
0x294: {  	v11 =	vld [tilespmem:s4+$0xFFFFFEB0];
	v10 =	vmul.f32 v10, v16;
	[tilespmem:s4+$0xFFFFFF50] =	vst v12  }
0x295: {  	v12 =	vld [tilespmem:s4+$0xFFFFFEA0];
	v9 =	vmul.f32 v9, v16;
	[tilespmem:s4+$0xFFFFFF40] =	vst v13  }
0x296: {  	v13 =	vld [tilespmem:s4+$0xFFFFFE90];
	v21 =	vmul.f32 v8, v16;
	[tilespmem:s4+$0xFFFFFF80] =	vst v17  }
0x297: {  	v17 =	vbroadcast v7, $0x3;
	v22 =	vld [tilespmem:s4+$0xFFFFFE80];
	v8 =	vmul.f32 v19, v16;
	[tilespmem:s4+$0xFFFFFF20] =	vst v18  }
0x298: {  	v18 =	vld [tilespmem:s4+$0xFFFFFE70];
	v16 =	vmul.f32 v20, v16;
	[tilespmem:s4+$0xFFFFFF30] =	vst v15  }
0x299: {  	v15 =	vld [tilespmem:s4+$0xFFFFFE60];
	v11 =	vmul.f32 v11, v17;
	[tilespmem:s4+$0xFFFFFF10] =	vst v14  }
0x29a: {  	v14 =	vld [tilespmem:s4+$0xFFFFFE50];
	v12 =	vmul.f32 v12, v17;
	[tilespmem:s4+$0xFFFFFEF0] =	vst v9  }
0x29b: {  	v9 =	vld [tilespmem:s4+$0xFFFFFE40];
	v13 =	vmul.f32 v13, v17;
	[tilespmem:s4+$0xFFFFFEE0] =	vst v21  }
0x29c: {  	v19 =	vbroadcast v7, $0x2;
	v20 =	vld [tilespmem:s4+$0xFFFFFE30];
	v21 =	vmul.f32 v22, v17;
	[tilespmem:s4+$0xFFFFFF00] =	vst v10  }
0x29d: {  	v10 =	vld [tilespmem:s4+$0xFFFFFE20];
	v17 =	vmul.f32 v18, v17;
	[tilespmem:s4+$0xFFFFFEC0] =	vst v16  }
0x29e: {  	v16 =	vld [tilespmem:s4+$0xFFFFFE10];
	v15 =	vmul.f32 v15, v19;
	[tilespmem:s4+$0xFFFFFEB0] =	vst v11  }
0x29f: {  	v11 =	vld [tilespmem:s4+$0xFFFFFE00];
	v14 =	vmul.f32 v14, v19;
	[tilespmem:s4+$0xFFFFFEA0] =	vst v12  }
0x2a0: {  	v12 =	vld [tilespmem:s4+$0xFFFFFDF0];
	v9 =	vmul.f32 v9, v19;
	[tilespmem:s4+$0xFFFFFE90] =	vst v13  }
0x2a1: {  	v13 =	vbroadcast v7, $0x1;
	v18 =	vld [tilespmem:s4+$0xFFFFFDE0];
	v20 =	vmul.f32 v20, v19;
	[tilespmem:s4+$0xFFFFFE80] =	vst v21  }
0x2a2: {  	v21 =	vld [tilespmem:s4+$0xFFFFFDD0];
	v10 =	vmul.f32 v10, v19;
	[tilespmem:s4+$0xFFFFFE70] =	vst v17  }
0x2a3: {  	v17 =	vld [tilespmem:s4+$0xFFFFFDC0];
	v16 =	vmul.f32 v16, v13;
	[tilespmem:s4+$0xFFFFFE60] =	vst v15  }
0x2a4: {  	v19 =	vld [tilespmem:s4+$0xFFFFFDB0];
	v11 =	vmul.f32 v11, v13;
	[tilespmem:s4+$0xFFFFFE50] =	vst v14  }
0x2a5: {  	v14 =	vld [tilespmem:s4+$0xFFFFFDA0];
	v12 =	vmul.f32 v12, v13;
	[tilespmem:s4+$0xFFFFFE40] =	vst v9  }
0x2a6: {  	v22 =	vbroadcast v7, $0x0;
	v23 =	vld [tilespmem:s4+$0xFFFFFD90];
	v18 =	vmul.f32 v18, v13;
	[tilespmem:s4+$0xFFFFFE30] =	vst v20  }
0x2a7: {  	v20 =	vld [tilespmem:s4+$0xFFFFFD80];
	v21 =	vmul.f32 v21, v13;
	[tilespmem:s4+$0xFFFFFE20] =	vst v10  }
0x2a8: {  	v10 =	vbroadcast v7, $0xF;
	v15 =	vmul.f32 v17, v22;
	[tilespmem:s4+$0xFFFFFE10] =	vst v16;
	v24 =	vld [tilespmem:s4+$0x190]  }
.Ltmp9:
0x2a9: {  	v9 =	vbroadcast v7, $0xE;
	v13 =	vmul.f32 v19, v22;
	[tilespmem:s4+$0xFFFFFE00] =	vst v11;
	(pc) =	sbr.rel @p0 .LBB2_14-.Ltmp9, $4  }
0x2aa: {  	v7 =	vbroadcast v7, $0xD;
	v14 =	vmul.f32 v14, v22;
	[tilespmem:s4+$0xFFFFFDF0] =	vst v12;
	v17 =	vld [tilespmem:s4+$0x270]  }
0x2ab: {  	v4 =	vmul.f32 v4, v9;
	v11 =	vmul.f32 v23, v22;
	[tilespmem:s4+$0xFFFFFDE0] =	vst v18;
	v16 =	vld [tilespmem:s4+$0x260]  }
0x2ac: {  	v19 =	vmul.f32 v6, v7;
	v12 =	vmul.f32 v22, v20;
	[tilespmem:s4+$0xFFFFFDD0] =	vst v21;
	v6 =	vld [tilespmem:s4+$0x250]  }
0x2ad: {  	s16 =	smov.u32 s14;
	v5 =	vmul.f32 v5, v7;
	v18 =	vmul.f32 v24, v7;
	[tilespmem:s4+$0x1F0] =	vst v4;
	v4 =	vld [tilespmem:s4+$0x240]  }
0x2ae: {  	[tilespmem:s7+$0xFFFFFDC0] =	vst v15  }
0x2af: {  	[tilespmem:s7+$0x1B0] =	vst v19  }
0x2b0: {  	[tilespmem:s7+$0xFFFFFDB0] =	vst v13  }
0x2b1: {  	[tilespmem:s7+$0xFFFFFDA0] =	vst v14  }
0x2b2: {  	[tilespmem:s7+$0xFFFFFD90] =	vst v11  }
0x2b3: {  	v3 =	vld [tilespmem:s7+$0x230];
	[tilespmem:s7+$0xFFFFFD80] =	vst v12  }
0x2b4: {  	v53 =	vld [tilespmem:s7+$0x210];
	[tilespmem:s7+$0xFFFFFED0] =	vst v8  }
0x2b5: {  	v54 =	vld [tilespmem:s7+$0x220];
	[tilespmem:s7+$0x1A0] =	vst v5;
	v52 =	vmul.f32 v17, v10  }
0x2b6: {  	v57 =	vld [tilespmem:s7+$0x1E0];
	[tilespmem:s7+$0x190] =	vst v18;
	v56 =	vmul.f32 v16, v10  }
0x2b7: {  	v58 =	vld [tilespmem:s7+$0x1D0];
	v6 =	vmul.f32 v6, v10;
	[tilespmem:s7+$0x270] =	vst v52  }
0x2b8: {  	[tilespmem:s7+$0x260] =	vst v56;
	v3 =	vmul.f32 v3, v10  }
0x2b9: {  	v55 =	vld [tilespmem:s7+$0x200];
	[tilespmem:s7+$0x250] =	vst v6;
	v13 =	vmul.f32 v53, v9  }
0x2ba: {  	v59 =	vld [tilespmem:s7+$0x1C0];
	v60 =	vmul.f32 v54, v9;
	[tilespmem:s7+$0x230] =	vst v3  }
0x2bb: {  	v61 =	vmul.f32 v57, v9;
	[tilespmem:s7+$0x210] =	vst v13  }
0x2bc: {  	v62 =	vmul.f32 v58, v7;
	[tilespmem:s7+$0x220] =	vst v60  }
0x2bd: {  	v3 =	vmul.f32 v4, v10;
	[tilespmem:s7+$0x1E0] =	vst v61  }
0x2be: {  	v63 =	vmul.f32 v55, v9;
	[tilespmem:s7+$0x1D0] =	vst v62  }
0x2bf: {  	s9 =	sadd.s32 $0x1, s9;
	[tilespmem:s7+$0x240] =	vst v3;
	v3 =	vmul.f32 v59, v7  }
0x2c0: {  	p0 =	sne.s32 s9, $0x3E;
	[tilespmem:s7+$0x200] =	vst v63  }
.Ltmp10:
0x2c1: {  	s0 =	sadd.s32 $0x7530, s0;
	[tilespmem:s7+$0x1C0] =	vst v3;
	(pc) =	sbr.rel @p0 .LBB2_11-.Ltmp10, $4  }
0x2c2: {  	[spmem:s1] =	stream.indirect.scatter.add.f32 [tilespmem:s30], [sflag:$0x3], $0x50, s0, s26, $0xb8;
	[tilespmem:$0x1EA50] =	vst v63  }
0x2c3: {  	_ =	swait.ge [sflag:s21], $0x1900  }
0x2c4: {  	[sflag:s21] =	ssyncset.done $0x0  }
0x2c5: {  	s10 =	sadd.s32 $0xA0, s10;
	s12 =	sadd.s32 $0xA0, s12;
	[sflag:s21] =	ssyncadd.s32 $0xFFFFE700  }
0x2c6: {  	_ =	swait.ge [sflag:s29], $0x1900  }
0x2c7: {  	[sflag:s29] =	ssyncset.done $0x0  }
0x2c8: {  	s0 =	simm.s32 $0xC5D0;
	[sflag:s29] =	ssyncadd.s32 $0xFFFFE700  }
0x2c9: {  	v5 =	vld [tilespmem:s0+$0x210]  }
0x2ca: {  	v6 =	vld [tilespmem:s0+$0xE0]  }
0x2cb: {  	s4 =	simm.s32 $0x0;
	v7 =	vld [tilespmem:s0+$0xD0]  }
0x2cc: {  	v4 =	vld [tilespmem:s4+$0xC300]  }
0x2cd: {  	v8 =	vld [tilespmem:s0+$0x40]  }
0x2ce: {  	v9 =	vld [tilespmem:s0+$0x30]  }
0x2cf: {  	v10 =	vld [tilespmem:s0+$0x20]  }
0x2d0: {  	v11 =	vld [tilespmem:s0+$0x0]  }
0x2d1: {  	v12 =	vld [tilespmem:s0+$0x10];
	v3 =	vbroadcast v4, $0xA  }
0x2d2: {  	v13 =	vld [tilespmem:s0+$0xFFFFFFF0]  }
0x2d3: {  	v14 =	vld [tilespmem:s0+$0xFFFFFFE0];
	v15 =	vbroadcast v4, $0x8;
	v6 =	vmul.f32 v6, v3  }
0x2d4: {  	v16 =	vld [tilespmem:s0+$0xFFFFFFD0];
	v7 =	vmul.f32 v7, v3  }
0x2d5: {  	v18 =	vld [tilespmem:s0+$0xFFFFFFC0];
	v17 =	vbroadcast v4, $0x7;
	v11 =	vmul.f32 v11, v15;
	[tilespmem:s0+$0xE0] =	vst v6  }
0x2d6: {  	v19 =	vld [tilespmem:s0+$0xFFFFFF50];
	v9 =	vmul.f32 v9, v15;
	[tilespmem:s0+$0xD0] =	vst v7  }
0x2d7: {  	v20 =	vld [tilespmem:s0+$0xFFFFFDC0];
	v13 =	vmul.f32 v13, v17;
	[tilespmem:s0+$0x0] =	vst v11  }
0x2d8: {  	v8 =	vmul.f32 v8, v15;
	v6 =	vld [tilespmem:s0+$0xFFFFFFB0];
	[tilespmem:s0+$0x30] =	vst v9  }
0x2d9: {  	v12 =	vmul.f32 v12, v15;
	v7 =	vld [tilespmem:s0+$0xFFFFFFA0];
	[tilespmem:s0+$0xFFFFFFF0] =	vst v13  }
0x2da: {  	v11 =	vld [tilespmem:s0+$0xFFFFFF90];
	v9 =	vmul.f32 v14, v17;
	[tilespmem:s0+$0x40] =	vst v8  }
0x2db: {  	v18 =	vmul.f32 v18, v17;
	v13 =	vld [tilespmem:s0+$0xFFFFFF70];
	[tilespmem:s0+$0x10] =	vst v12  }
0x2dc: {  	v22 =	vld [tilespmem:s0+$0xFFFFFD80];
	v8 =	vmul.f32 v16, v17;
	[tilespmem:s0+$0xFFFFFFE0] =	vst v9;
	v9 =	vbroadcast v4, $0x6  }
0x2dd: {  	v16 =	vld [tilespmem:s0+$0xFFFFFF60];
	[tilespmem:s0+$0xFFFFFFC0] =	vst v18;
	v6 =	vmul.f32 v6, v17  }
0x2de: {  	v14 =	vld [tilespmem:s0+$0xFFFFFF80];
	[tilespmem:s0+$0xFFFFFFD0] =	vst v8;
	v7 =	vmul.f32 v7, v9  }
0x2df: {  	v12 =	vld [tilespmem:s0+$0xFFFFFF40];
	v11 =	vmul.f32 v11, v9;
	[tilespmem:s0+$0xFFFFFFB0] =	vst v6  }
0x2e0: {  	v18 =	vld [tilespmem:s0+$0xFFFFFEE0];
	v13 =	vmul.f32 v13, v9;
	[tilespmem:s0+$0xFFFFFFA0] =	vst v7  }
0x2e1: {  	v8 =	vld [tilespmem:s0+$0xFFFFFF30];
	v6 =	vmul.f32 v10, v15;
	[tilespmem:s0+$0xFFFFFF90] =	vst v11  }
0x2e2: {  	v17 =	vld [tilespmem:s0+$0xFFFFFF20];
	v7 =	vbroadcast v4, $0x5;
	v11 =	vmul.f32 v16, v9;
	[tilespmem:s0+$0xFFFFFF70] =	vst v13  }
0x2e3: {  	v10 =	vld [tilespmem:s0+$0xFFFFFF10];
	v9 =	vmul.f32 v14, v9;
	[tilespmem:s0+$0x20] =	vst v6  }
0x2e4: {  	v16 =	vld [tilespmem:s0+$0xFFFFFEF0];
	v6 =	vmul.f32 v19, v7;
	[tilespmem:s0+$0xFFFFFF60] =	vst v11  }
0x2e5: {  	v15 =	vld [tilespmem:s0+$0xFFFFFF00];
	v12 =	vmul.f32 v12, v7;
	[tilespmem:s0+$0xFFFFFF80] =	vst v9  }
0x2e6: {  	v13 =	vld [tilespmem:s0+$0xFFFFFED0];
	v8 =	vmul.f32 v8, v7;
	[tilespmem:s0+$0xFFFFFF50] =	vst v6  }
0x2e7: {  	v11 =	vld [tilespmem:s0+$0xFFFFFEC0];
	v6 =	vmul.f32 v17, v7;
	[tilespmem:s0+$0xFFFFFF40] =	vst v12;
	v12 =	vbroadcast v4, $0x4  }
0x2e8: {  	v14 =	vld [tilespmem:s0+$0xFFFFFEB0];
	[tilespmem:s0+$0xFFFFFF30] =	vst v8;
	v7 =	vmul.f32 v10, v7  }
0x2e9: {  	v17 =	vld [tilespmem:s0+$0xFFFFFEA0];
	[tilespmem:s0+$0xFFFFFF20] =	vst v6;
	v6 =	vmul.f32 v16, v12  }
0x2ea: {  	v9 =	vld [tilespmem:s0+$0xFFFFFE90];
	v8 =	vmul.f32 v18, v12;
	[tilespmem:s0+$0xFFFFFF10] =	vst v7  }
0x2eb: {  	v10 =	vld [tilespmem:s0+$0xFFFFFE80];
	v7 =	vmul.f32 v15, v12;
	v15 =	vbroadcast v4, $0x3;
	[tilespmem:s0+$0xFFFFFEF0] =	vst v6  }
0x2ec: {  	v16 =	vld [tilespmem:s0+$0xFFFFFE70];
	v6 =	vmul.f32 v11, v12;
	[tilespmem:s0+$0xFFFFFEE0] =	vst v8  }
0x2ed: {  	v18 =	vld [tilespmem:s0+$0xFFFFFE60];
	v8 =	vmul.f32 v14, v15;
	[tilespmem:s0+$0xFFFFFF00] =	vst v7  }
0x2ee: {  	v11 =	vld [tilespmem:s0+$0xFFFFFE50];
	v7 =	vmul.f32 v17, v15;
	[tilespmem:s0+$0xFFFFFEC0] =	vst v6  }
0x2ef: {  	v14 =	vld [tilespmem:s0+$0xFFFFFE40];
	v6 =	vmul.f32 v9, v15;
	[tilespmem:s0+$0xFFFFFEB0] =	vst v8  }
0x2f0: {  	v17 =	vld [tilespmem:s0+$0xFFFFFE30];
	v10 =	vmul.f32 v10, v15;
	v8 =	vbroadcast v4, $0x2;
	[tilespmem:s0+$0xFFFFFEA0] =	vst v7  }
0x2f1: {  	v9 =	vld [tilespmem:s0+$0xFFFFFE20];
	v7 =	vmul.f32 v16, v15;
	[tilespmem:s0+$0xFFFFFE90] =	vst v6  }
0x2f2: {  	v19 =	vld [tilespmem:s0+$0xFFFFFE10];
	[tilespmem:s0+$0xFFFFFE80] =	vst v10;
	v6 =	vmul.f32 v18, v8  }
0x2f3: {  	v15 =	vld [tilespmem:s0+$0xFFFFFE00];
	v10 =	vmul.f32 v11, v8;
	[tilespmem:s0+$0xFFFFFE70] =	vst v7  }
0x2f4: {  	v16 =	vld [tilespmem:s0+$0xFFFFFDF0];
	v7 =	vmul.f32 v14, v8;
	[tilespmem:s0+$0xFFFFFE60] =	vst v6  }
0x2f5: {  	v11 =	vld [tilespmem:s0+$0xFFFFFDE0];
	v18 =	vbroadcast v4, $0x1;
	v17 =	vmul.f32 v17, v8;
	[tilespmem:s0+$0xFFFFFE50] =	vst v10  }
0x2f6: {  	v21 =	vbroadcast v4, $0x0;
	v14 =	vld [tilespmem:s0+$0xFFFFFDD0];
	v8 =	vmul.f32 v9, v8;
	[tilespmem:s0+$0xFFFFFE40] =	vst v7  }
0x2f7: {  	v6 =	vmul.f32 v13, v12;
	v9 =	vld [tilespmem:s0+$0xFFFFFDB0];
	v7 =	vmul.f32 v19, v18;
	[tilespmem:s0+$0xFFFFFE30] =	vst v17  }
0x2f8: {  	v10 =	vbroadcast v4, $0xF;
	v12 =	vmul.f32 v15, v18;
	v19 =	vld [tilespmem:s0+$0xFFFFFDA0];
	[tilespmem:s0+$0xFFFFFE20] =	vst v8  }
0x2f9: {  	v13 =	vmul.f32 v16, v18;
	v17 =	vld [tilespmem:s0+$0xFFFFFD90];
	v8 =	vbroadcast v4, $0xE;
	[tilespmem:s0+$0xFFFFFE10] =	vst v7  }
0x2fa: {  	v15 =	vld [tilespmem:s0+$0x270];
	v16 =	vmul.f32 v11, v18;
	[tilespmem:s0+$0xFFFFFE00] =	vst v12;
	v7 =	vbroadcast v4, $0xC  }
0x2fb: {  	[tilespmem:s0+$0xFFFFFDF0] =	vst v13;
	v11 =	vld [tilespmem:s0+$0x260];
	v23 =	vmul.f32 v14, v18;
	v12 =	vmul.f32 v5, v8  }
0x2fc: {  	v14 =	vmul.f32 v20, v21;
	v5 =	vld [tilespmem:s0+$0x240];
	v13 =	vmul.f32 v9, v21;
	[tilespmem:s0+$0xFFFFFDE0] =	vst v16  }
0x2fd: {  	v18 =	vld [tilespmem:s0+$0x250];
	v9 =	vbroadcast v4, $0xD;
	v16 =	vmul.f32 v19, v21;
	[tilespmem:s0+$0x210] =	vst v12  }
0x2fe: {  	s10 =	simm.s32 $0x40;
	s4 =	simm.s32 $0xC5D0;
	v17 =	vmul.f32 v17, v21;
	v12 =	vmul.f32 v21, v22;
	[tilespmem:s0+$0xFFFFFDD0] =	vst v23;
	v19 =	vld [tilespmem:s0+$0x230]  }
.LBB2_17:
0x2ff: {  	s7 =	smov.u32 s10  }
0x300: {  	s9 =	sshra.s32 s10, $0x2;
	[tilespmem:s0+$0xFFFFFDC0] =	vst v14;
	v14 =	vld [tilespmem:s0+$0x220];
	v15 =	vmul.f32 v15, v10;
	s4 =	sadd.s32 $0x500, s4;
	s7 =	sadd.s32 $0x40, s10  }
0x301: {  	p0 =	sne.s32 s10, $0x100;
	v11 =	vmul.f32 v11, v10;
	[tilespmem:s0+$0xFFFFFDB0] =	vst v13;
	v13 =	vld [tilespmem:s0+$0x190]  }
0x302: {  	v18 =	vmul.f32 v18, v10;
	[tilespmem:s0+$0xFFFFFDA0] =	vst v16;
	v16 =	vld [tilespmem:s0+$0x200]  }
0x303: {  	v20 =	vmul.f32 v5, v10;
	[tilespmem:s0+$0xFFFFFD90] =	vst v17;
	v17 =	vld [tilespmem:s0+$0x1F0]  }
0x304: {  	v5 =	vmul.f32 v19, v10;
	v21 =	vld [tilespmem:s0+$0x1E0];
	[tilespmem:s0+$0x270] =	vst v15  }
0x305: {  	[tilespmem:s0+$0xFFFFFD80] =	vst v12;
	v10 =	vld [tilespmem:s0+$0x1D0];
	v12 =	vmul.f32 v14, v8  }
0x306: {  	v13 =	vmul.f32 v13, v9;
	v14 =	vld [tilespmem:s0+$0x1C0];
	[tilespmem:s0+$0x250] =	vst v18  }
0x307: {  	[tilespmem:s0+$0xFFFFFED0] =	vst v6;
	v6 =	vld [tilespmem:s0+$0x1B0];
	v15 =	vmul.f32 v16, v8  }
0x308: {  	v16 =	vld [tilespmem:s0+$0x1A0];
	v17 =	vmul.f32 v17, v8;
	[tilespmem:s0+$0x230] =	vst v5  }
0x309: {  	v5 =	vld [tilespmem:s4+$0x210];
	v8 =	vmul.f32 v21, v8;
	[tilespmem:s0+$0x240] =	vst v20  }
0x30a: {  	v18 =	vld [tilespmem:s0+$0x180];
	[tilespmem:s0+$0x190] =	vst v13;
	v10 =	vmul.f32 v10, v9  }
0x30b: {  	v13 =	vld [tilespmem:s0+$0x170];
	v14 =	vmul.f32 v14, v9;
	[tilespmem:s0+$0x260] =	vst v11  }
0x30c: {  	v11 =	vld [tilespmem:s0+$0x160];
	v6 =	vmul.f32 v6, v9;
	[tilespmem:s0+$0x200] =	vst v15  }
0x30d: {  	v15 =	vld [tilespmem:s0+$0x150];
	v9 =	vmul.f32 v16, v9;
	[tilespmem:s0+$0x1F0] =	vst v17  }
0x30e: {  	v16 =	vld [tilespmem:s0+$0x140];
	[tilespmem:s0+$0x1E0] =	vst v8  }
0x30f: {  	v8 =	vld [tilespmem:s0+$0x130];
	v17 =	vmul.f32 v18, v7;
	[tilespmem:s0+$0x1D0] =	vst v10  }
0x310: {  	v10 =	vld [tilespmem:s0+$0x120];
	v13 =	vmul.f32 v13, v7;
	[tilespmem:s0+$0x1C0] =	vst v14  }
0x311: {  	v14 =	vld [tilespmem:s0+$0x110];
	v11 =	vmul.f32 v11, v7;
	[tilespmem:s0+$0x1B0] =	vst v6  }
0x312: {  	v6 =	vbroadcast v4, $0xB;
	v18 =	vld [tilespmem:s0+$0x100];
	v15 =	vmul.f32 v15, v7;
	[tilespmem:s0+$0x1A0] =	vst v9  }
0x313: {  	v9 =	vld [tilespmem:s0+$0xF0];
	v7 =	vmul.f32 v16, v7;
	[tilespmem:s0+$0x180] =	vst v17  }
0x314: {  	v16 =	vld [tilespmem:s0+$0x50];
	v8 =	vmul.f32 v8, v6;
	[tilespmem:s0+$0x160] =	vst v11  }
0x315: {  	v11 =	vld [tilespmem:s0+$0x70];
	v10 =	vmul.f32 v10, v6;
	[tilespmem:s0+$0x170] =	vst v13  }
0x316: {  	v13 =	vld [tilespmem:s0+$0xC0];
	v14 =	vmul.f32 v14, v6;
	[tilespmem:s0+$0x140] =	vst v7  }
0x317: {  	v4 =	vbroadcast v4, $0x9;
	v7 =	vld [tilespmem:s0+$0xB0];
	v17 =	vmul.f32 v18, v6;
	[tilespmem:s0+$0x220] =	vst v12  }
0x318: {  	v12 =	vld [tilespmem:s0+$0xA0];
	v6 =	vmul.f32 v9, v6;
	[tilespmem:s0+$0x120] =	vst v10  }
0x319: {  	v9 =	vmul.f32 v16, v4;
	v10 =	vld [tilespmem:s0+$0x90];
	[tilespmem:s0+$0x100] =	vst v17  }
0x31a: {  	v11 =	vmul.f32 v11, v4;
	v16 =	vld [tilespmem:s0+$0x80];
	[tilespmem:s0+$0x130] =	vst v8  }
0x31b: {  	v8 =	vld [tilespmem:s4+$0xE0];
	[tilespmem:s0+$0x50] =	vst v9;
	v9 =	vmul.f32 v13, v3  }
0x31c: {  	v13 =	vld [tilespmem:s0+$0x60];
	v7 =	vmul.f32 v7, v3;
	[tilespmem:s0+$0x150] =	vst v15  }
0x31d: {  	v15 =	vld [tilespmem:s4+$0xD0];
	[tilespmem:s0+$0x70] =	vst v11;
	v3 =	vmul.f32 v12, v3  }
0x31e: {  	v10 =	vmul.f32 v10, v4;
	[tilespmem:s0+$0xF0] =	vst v6  }
0x31f: {  	v6 =	vmul.f32 v16, v4;
	[tilespmem:s0+$0xC0] =	vst v9  }
0x320: {  	[tilespmem:s0+$0xB0] =	vst v7  }
0x321: {  	v4 =	vmul.f32 v13, v4;
	[tilespmem:s0+$0xA0] =	vst v3  }
0x322: {  	[tilespmem:s0+$0x90] =	vst v10  }
0x323: {  	[tilespmem:s0+$0x80] =	vst v6  }
0x324: {  	[tilespmem:s0+$0x60] =	vst v4  }
0x325: {  	v6 =	vld [tilespmem:s4+$0x40];
	[tilespmem:s0+$0x110] =	vst v14;
	s0 =	smov.u32 s4  }
0x326: {  	v4 =	vld [tilespmem:s9+$0xC300]  }
0x327: {  	v7 =	vld [tilespmem:s4+$0x30]  }
0x328: {  	v9 =	vld [tilespmem:s4+$0x20]  }
0x329: {  	v10 =	vld [tilespmem:s4+$0x10]  }
0x32a: {  	v11 =	vld [tilespmem:s4+$0x0]  }
0x32b: {  	v12 =	vld [tilespmem:s4+$0xFFFFFFF0];
	v3 =	vbroadcast v4, $0xA  }
0x32c: {  	v13 =	vld [tilespmem:s4+$0xFFFFFFE0]  }
0x32d: {  	v16 =	vbroadcast v4, $0x8;
	v14 =	vld [tilespmem:s4+$0xFFFFFFD0];
	v8 =	vmul.f32 v8, v3  }
0x32e: {  	v17 =	vbroadcast v4, $0x7;
	v15 =	vmul.f32 v15, v3;
	v18 =	vld [tilespmem:s4+$0xFFFFFFC0]  }
0x32f: {  	v7 =	vmul.f32 v7, v16;
	v19 =	vld [tilespmem:s4+$0xFFFFFFB0];
	v11 =	vmul.f32 v11, v16;
	[tilespmem:s4+$0xE0] =	vst v8  }
0x330: {  	v6 =	vmul.f32 v6, v16;
	v8 =	vld [tilespmem:s4+$0xFFFFFFA0];
	v12 =	vmul.f32 v12, v17;
	[tilespmem:s4+$0xD0] =	vst v15  }
0x331: {  	v10 =	vmul.f32 v10, v16;
	v15 =	vld [tilespmem:s4+$0xFFFFFF90];
	v13 =	vmul.f32 v13, v17;
	[tilespmem:s4+$0x0] =	vst v11  }
0x332: {  	v9 =	vmul.f32 v9, v16;
	v11 =	vld [tilespmem:s4+$0xFFFFFF80];
	v14 =	vmul.f32 v14, v17;
	[tilespmem:s4+$0x30] =	vst v7  }
0x333: {  	v7 =	vbroadcast v4, $0x6;
	v16 =	vld [tilespmem:s4+$0xFFFFFF70];
	v18 =	vmul.f32 v18, v17;
	[tilespmem:s4+$0xFFFFFFF0] =	vst v12  }
0x334: {  	v12 =	vld [tilespmem:s4+$0xFFFFFF60];
	v17 =	vmul.f32 v19, v17;
	[tilespmem:s4+$0x40] =	vst v6  }
0x335: {  	v6 =	vld [tilespmem:s4+$0xFFFFFF50];
	v8 =	vmul.f32 v8, v7;
	[tilespmem:s4+$0xFFFFFFE0] =	vst v13  }
0x336: {  	v13 =	vld [tilespmem:s4+$0xFFFFFF40];
	v15 =	vmul.f32 v15, v7;
	[tilespmem:s4+$0x10] =	vst v10  }
0x337: {  	v10 =	vld [tilespmem:s4+$0xFFFFFF30];
	v11 =	vmul.f32 v11, v7;
	[tilespmem:s4+$0xFFFFFFD0] =	vst v14  }
0x338: {  	v14 =	vbroadcast v4, $0x5;
	v19 =	vld [tilespmem:s4+$0xFFFFFF20];
	v16 =	vmul.f32 v16, v7;
	[tilespmem:s4+$0xFFFFFFC0] =	vst v18  }
0x339: {  	v18 =	vld [tilespmem:s4+$0xFFFFFF10];
	v7 =	vmul.f32 v12, v7;
	[tilespmem:s4+$0xFFFFFFB0] =	vst v17  }
0x33a: {  	v12 =	vld [tilespmem:s4+$0xFFFFFF00];
	v6 =	vmul.f32 v6, v14;
	[tilespmem:s4+$0xFFFFFFA0] =	vst v8  }
0x33b: {  	v8 =	vld [tilespmem:s4+$0xFFFFFEF0];
	v13 =	vmul.f32 v13, v14;
	[tilespmem:s4+$0xFFFFFF90] =	vst v15  }
0x33c: {  	v15 =	vld [tilespmem:s4+$0xFFFFFEE0];
	v10 =	vmul.f32 v10, v14;
	[tilespmem:s4+$0x20] =	vst v9  }
0x33d: {  	v9 =	vbroadcast v4, $0x4;
	v17 =	vld [tilespmem:s4+$0xFFFFFED0];
	v19 =	vmul.f32 v19, v14;
	[tilespmem:s4+$0xFFFFFF70] =	vst v16  }
0x33e: {  	v16 =	vld [tilespmem:s4+$0xFFFFFEC0];
	v14 =	vmul.f32 v18, v14;
	[tilespmem:s4+$0xFFFFFF60] =	vst v7  }
0x33f: {  	v7 =	vld [tilespmem:s4+$0xFFFFFEB0];
	v12 =	vmul.f32 v12, v9;
	[tilespmem:s4+$0xFFFFFF50] =	vst v6  }
0x340: {  	v18 =	vld [tilespmem:s4+$0xFFFFFEA0];
	v8 =	vmul.f32 v8, v9;
	[tilespmem:s4+$0xFFFFFF40] =	vst v13  }
0x341: {  	v13 =	vld [tilespmem:s4+$0xFFFFFE90];
	v15 =	vmul.f32 v15, v9;
	[tilespmem:s4+$0xFFFFFF80] =	vst v11  }
0x342: {  	v11 =	vbroadcast v4, $0x3;
	v20 =	vld [tilespmem:s4+$0xFFFFFE80];
	v6 =	vmul.f32 v17, v9;
	[tilespmem:s4+$0xFFFFFF20] =	vst v19  }
0x343: {  	v17 =	vld [tilespmem:s4+$0xFFFFFE70];
	v9 =	vmul.f32 v16, v9;
	[tilespmem:s4+$0xFFFFFF30] =	vst v10  }
0x344: {  	v10 =	vld [tilespmem:s4+$0xFFFFFE60];
	v7 =	vmul.f32 v7, v11;
	[tilespmem:s4+$0xFFFFFF10] =	vst v14  }
0x345: {  	v14 =	vld [tilespmem:s4+$0xFFFFFE50];
	v16 =	vmul.f32 v18, v11;
	[tilespmem:s4+$0xFFFFFEF0] =	vst v8  }
0x346: {  	v8 =	vld [tilespmem:s4+$0xFFFFFE40];
	v13 =	vmul.f32 v13, v11;
	[tilespmem:s4+$0xFFFFFEE0] =	vst v15  }
0x347: {  	v15 =	vbroadcast v4, $0x2;
	v18 =	vld [tilespmem:s4+$0xFFFFFE30];
	v19 =	vmul.f32 v20, v11;
	[tilespmem:s4+$0xFFFFFF00] =	vst v12  }
0x348: {  	v12 =	vld [tilespmem:s4+$0xFFFFFE20];
	v11 =	vmul.f32 v17, v11;
	[tilespmem:s4+$0xFFFFFEC0] =	vst v9  }
0x349: {  	v9 =	vld [tilespmem:s4+$0xFFFFFE10];
	v10 =	vmul.f32 v10, v15;
	[tilespmem:s4+$0xFFFFFEB0] =	vst v7  }
0x34a: {  	v7 =	vld [tilespmem:s4+$0xFFFFFE00];
	v14 =	vmul.f32 v14, v15;
	[tilespmem:s4+$0xFFFFFEA0] =	vst v16  }
0x34b: {  	v16 =	vld [tilespmem:s4+$0xFFFFFDF0];
	v8 =	vmul.f32 v8, v15;
	[tilespmem:s4+$0xFFFFFE90] =	vst v13  }
0x34c: {  	v13 =	vbroadcast v4, $0x1;
	v17 =	vld [tilespmem:s4+$0xFFFFFDE0];
	v18 =	vmul.f32 v18, v15;
	[tilespmem:s4+$0xFFFFFE80] =	vst v19  }
0x34d: {  	v19 =	vld [tilespmem:s4+$0xFFFFFDD0];
	v12 =	vmul.f32 v12, v15;
	[tilespmem:s4+$0xFFFFFE70] =	vst v11  }
0x34e: {  	v11 =	vld [tilespmem:s4+$0xFFFFFDC0];
	v9 =	vmul.f32 v9, v13;
	[tilespmem:s4+$0xFFFFFE60] =	vst v10  }
0x34f: {  	v15 =	vld [tilespmem:s4+$0xFFFFFDB0];
	v7 =	vmul.f32 v7, v13;
	[tilespmem:s4+$0xFFFFFE50] =	vst v14  }
0x350: {  	v20 =	vld [tilespmem:s4+$0xFFFFFDA0];
	v21 =	vmul.f32 v16, v13;
	[tilespmem:s4+$0xFFFFFE40] =	vst v8  }
0x351: {  	v22 =	vbroadcast v4, $0x0;
	v23 =	vld [tilespmem:s4+$0xFFFFFD90];
	v24 =	vmul.f32 v17, v13;
	[tilespmem:s4+$0xFFFFFE30] =	vst v18  }
0x352: {  	v10 =	vbroadcast v4, $0xF;
	v25 =	vld [tilespmem:s4+$0xFFFFFD80];
	v19 =	vmul.f32 v19, v13;
	[tilespmem:s4+$0xFFFFFE20] =	vst v12  }
0x353: {  	v8 =	vbroadcast v4, $0xE;
	v14 =	vmul.f32 v11, v22;
	[tilespmem:s4+$0xFFFFFE10] =	vst v9  }
.Ltmp11:
0x354: {  	v9 =	vbroadcast v4, $0xD;
	v13 =	vmul.f32 v15, v22;
	[tilespmem:s4+$0xFFFFFE00] =	vst v7;
	v15 =	vld [tilespmem:s4+$0x270];
	(pc) =	sbr.rel @p0 .LBB2_17-.Ltmp11, $4  }
0x355: {  	v7 =	vbroadcast v4, $0xC;
	v16 =	vmul.f32 v20, v22;
	[tilespmem:s4+$0xFFFFFDF0] =	vst v21;
	v11 =	vld [tilespmem:s4+$0x260]  }
0x356: {  	v20 =	vmul.f32 v5, v8;
	v17 =	vmul.f32 v23, v22;
	[tilespmem:s4+$0xFFFFFDE0] =	vst v24;
	v18 =	vld [tilespmem:s4+$0x250]  }
0x357: {  	v12 =	vmul.f32 v22, v25;
	[tilespmem:s4+$0xFFFFFDD0] =	vst v19;
	v5 =	vld [tilespmem:s4+$0x240]  }
0x358: {  	s10 =	smov.u32 s7;
	[tilespmem:s4+$0x210] =	vst v20;
	v19 =	vld [tilespmem:s4+$0x230]  }
0x359: {  	[tilespmem:s0+$0xFFFFFDC0] =	vst v14  }
0x35a: {  	[tilespmem:s0+$0xFFFFFDB0] =	vst v13  }
0x35b: {  	[tilespmem:s0+$0xFFFFFDA0] =	vst v16  }
0x35c: {  	[tilespmem:s0+$0xFFFFFD90] =	vst v17  }
0x35d: {  	v61 =	vld [tilespmem:s0+$0x190];
	v15 =	vmul.f32 v15, v10;
	[tilespmem:s0+$0xFFFFFD80] =	vst v12  }
0x35e: {  	v62 =	vld [tilespmem:s0+$0x200];
	[tilespmem:s0+$0xFFFFFED0] =	vst v6;
	v27 =	vmul.f32 v11, v10  }
0x35f: {  	v63 =	vld [tilespmem:s0+$0x1F0];
	v18 =	vmul.f32 v18, v10;
	[tilespmem:s0+$0x270] =	vst v15  }
0x360: {  	v20 =	vld [tilespmem:s0+$0x1E0];
	v5 =	vmul.f32 v5, v10;
	[tilespmem:s0+$0x260] =	vst v27  }
0x361: {  	v22 =	vld [tilespmem:s0+$0x1D0];
	v23 =	vmul.f32 v19, v10;
	[tilespmem:s0+$0x250] =	vst v18  }
0x362: {  	v24 =	vld [tilespmem:s0+$0x1C0];
	v13 =	vmul.f32 v61, v9;
	[tilespmem:s0+$0x240] =	vst v5  }
0x363: {  	v25 =	vld [tilespmem:s0+$0x1B0];
	v29 =	vmul.f32 v62, v8;
	[tilespmem:s0+$0x230] =	vst v23  }
0x364: {  	v26 =	vld [tilespmem:s0+$0x1A0];
	v30 =	vmul.f32 v63, v8;
	[tilespmem:s0+$0x190] =	vst v13  }
0x365: {  	v28 =	vld [tilespmem:s0+$0x180];
	v31 =	vmul.f32 v20, v8;
	[tilespmem:s0+$0x200] =	vst v29  }
0x366: {  	v34 =	vld [tilespmem:s0+$0x160];
	v33 =	vmul.f32 v22, v9;
	[tilespmem:s0+$0x1F0] =	vst v30  }
0x367: {  	v32 =	vld [tilespmem:s0+$0x170];
	v35 =	vmul.f32 v24, v9;
	[tilespmem:s0+$0x1E0] =	vst v31  }
0x368: {  	v37 =	vld [tilespmem:s0+$0x140];
	v6 =	vmul.f32 v25, v9;
	[tilespmem:s0+$0x1D0] =	vst v33  }
0x369: {  	v60 =	vld [tilespmem:s0+$0x220];
	v38 =	vmul.f32 v26, v9;
	[tilespmem:s0+$0x1C0] =	vst v35  }
0x36a: {  	v42 =	vld [tilespmem:s0+$0x100];
	v5 =	vmul.f32 v28, v7;
	[tilespmem:s0+$0x1B0] =	vst v6  }
0x36b: {  	v39 =	vld [tilespmem:s0+$0x130];
	v41 =	vmul.f32 v34, v7;
	[tilespmem:s0+$0x1A0] =	vst v38  }
0x36c: {  	v46 =	vld [tilespmem:s0+$0x50];
	v43 =	vmul.f32 v32, v7;
	[tilespmem:s0+$0x180] =	vst v5  }
0x36d: {  	v36 =	vld [tilespmem:s0+$0x150];
	v45 =	vbroadcast v4, $0xB;
	v10 =	vmul.f32 v37, v7;
	[tilespmem:s0+$0x160] =	vst v41  }
0x36e: {  	v49 =	vld [tilespmem:s0+$0x70];
	v47 =	vmul.f32 v60, v8;
	[tilespmem:s0+$0x170] =	vst v43  }
0x36f: {  	v48 =	vld [tilespmem:s0+$0xF0];
	v51 =	vbroadcast v4, $0x9;
	v12 =	vmul.f32 v42, v45;
	[tilespmem:s0+$0x140] =	vst v10  }
0x370: {  	v50 =	vld [tilespmem:s0+$0xC0];
	v52 =	vmul.f32 v39, v45;
	[tilespmem:s0+$0x220] =	vst v47  }
0x371: {  	v53 =	vld [tilespmem:s0+$0xB0];
	v55 =	vmul.f32 v46, v51;
	[tilespmem:s0+$0x100] =	vst v12  }
0x372: {  	v54 =	vld [tilespmem:s0+$0xA0];
	v56 =	vmul.f32 v36, v7;
	[tilespmem:s0+$0x130] =	vst v52  }
0x373: {  	v57 =	vld [tilespmem:s0+$0x80];
	v9 =	vmul.f32 v49, v51;
	[tilespmem:s0+$0x50] =	vst v55  }
0x374: {  	v44 =	vld [tilespmem:s0+$0x110];
	v8 =	vmul.f32 v48, v45;
	[tilespmem:s0+$0x150] =	vst v56  }
0x375: {  	v40 =	vld [tilespmem:s0+$0x120];
	v60 =	vmul.f32 v50, v3;
	[tilespmem:s0+$0x70] =	vst v9  }
0x376: {  	v58 =	vld [tilespmem:s0+$0x90];
	v61 =	vmul.f32 v53, v3;
	[tilespmem:s0+$0xF0] =	vst v8  }
0x377: {  	v59 =	vld [tilespmem:s0+$0x60];
	v3 =	vmul.f32 v54, v3;
	[tilespmem:s0+$0xC0] =	vst v60  }
0x378: {  	v62 =	vmul.f32 v57, v51;
	[tilespmem:s0+$0xB0] =	vst v61  }
0x379: {  	v63 =	vmul.f32 v44, v45;
	[tilespmem:s0+$0xA0] =	vst v3  }
0x37a: {  	v13 =	vmul.f32 v40, v45;
	[tilespmem:s0+$0x80] =	vst v62  }
0x37b: {  	v6 =	vmul.f32 v58, v51;
	[tilespmem:s0+$0x110] =	vst v63  }
0x37c: {  	v3 =	vmul.f32 v59, v51;
	[tilespmem:s0+$0x120] =	vst v13  }
0x37d: {  	[tilespmem:s0+$0x90] =	vst v6  }
0x37e: {  	s16 =	simm.s32 $0x9BF0;
	[tilespmem:s0+$0x60] =	vst v3  }
0x37f: {  	[spmem:s1] =	stream.indirect.scatter.add.f32 [tilespmem:s28], [sflag:$0x3], $0x50, s16, s26, $0xb8;
	[tilespmem:$0x1EA50] =	vst v63  }
.Ltmp12:
0x380: {  	_ =	swait.ge [sflag:s21], $0x1900;
	(pc) =	sbr.rel .LBB2_19-.Ltmp12, $4  }
0x381: {  	[sflag:s21] =	ssyncset.done $0x0  }
0x382: {  	s23 =	smul.u32 $0x4E20, s8;
	[sflag:s21] =	ssyncadd.s32 $0xFFFFE700  }
0x383: {  	[bflag:$0x0] =	sbarrier.arrive $0xFFFF  }
0x384: {  	s10 =	simm.s32 $0x0;
	s9 =	sadd.s32 s17, s23  }
.LBB2_22:
0x385: {  	v4 =	vmul.u32 $0x50, v4;
	v5 =	vld [tilespmem:s0+$0x260];
	_ =	sdelay $0x1  }
0x386: {  	v4 =	vbroadcast v4, $0x0;
	_ =	sdelay $0x1  }
0x387: {  	v4 =	vadd.s32 v2, v4  }
0x388: {  	v3 =	vmul.f32 v5, v3;
	_ =	sdelay $0x1  }
0x389: {  	v3 =	vmax.f32 v3, $0.0e+00  }
0x38a: {  	[tilespmem:s7+$0x1F0] =	vst v3  }
0x38b: {  	v3 =	vld.idx.msk [tilespmem:v4+s28+$0x0], $0xffff;
	_ =	sdelay $0x4  }
0x38c: {  	v3 =	vadd.f32 $9.999999710e-10, v3;
	_ =	sdelay $0x1  }
0x38d: {  	(erf) = vrcp.f32 v3;
	_ =	sdelay $0x5  }
0x38e: {  	s16 =	sadd.s32 $0x500, s0  }
0x38f: {  	v48 =	vld [tilespmem:s16+$0xFFFFFD80];
	_ =	sdelay $0x1  }
0x390: {  	v3 =	vpop (erf)  }
0x391: {  	v49 =	vbroadcast v3, $0x0;
	_ =	sdelay $0x1  }
0x392: {  	v4 =	vmul.f32 v49, v48;
	_ =	sdelay $0x1  }
0x393: {  	s4 =	sadd.s32 $0x400, s7;
	v4 =	vmax.f32 v4, $0.0e+00  }
0x394: {  	[tilespmem:s4+$0xFFFFFE00] =	vst v4  }
0x395: {  	v4 =	vld [tilespmem:s16+$0xFFFFFD90];
	_ =	sdelay $0x4  }
0x396: {  	v4 =	vmul.f32 v49, v4;
	_ =	sdelay $0x1  }
0x397: {  	v4 =	vmax.f32 v4, $0.0e+00  }
0x398: {  	[tilespmem:s4+$0xFFFFFE10] =	vst v4  }
0x399: {  	v4 =	vld [tilespmem:s16+$0xFFFFFDA0];
	_ =	sdelay $0x4  }
0x39a: {  	v4 =	vmul.f32 v4, v49;
	_ =	sdelay $0x1  }
0x39b: {  	v4 =	vmax.f32 v4, $0.0e+00  }
0x39c: {  	[tilespmem:s4+$0xFFFFFE20] =	vst v4  }
0x39d: {  	v4 =	vld [tilespmem:s16+$0xFFFFFDB0];
	_ =	sdelay $0x4  }
0x39e: {  	v4 =	vmul.f32 v4, v49;
	_ =	sdelay $0x1  }
0x39f: {  	v4 =	vmax.f32 v4, $0.0e+00  }
0x3a0: {  	[tilespmem:s4+$0xFFFFFE30] =	vst v4  }
0x3a1: {  	v4 =	vld [tilespmem:s16+$0xFFFFFDD0];
	_ =	sdelay $0x2  }
0x3a2: {  	v50 =	vbroadcast v3, $0x1;
	_ =	sdelay $0x1  }
0x3a3: {  	v4 =	vmul.f32 v4, v50;
	_ =	sdelay $0x1  }
0x3a4: {  	v4 =	vmax.f32 v4, $0.0e+00  }
0x3a5: {  	[tilespmem:s4+$0xFFFFFE40] =	vst v4  }
0x3a6: {  	v4 =	vld [tilespmem:s16+$0xFFFFFDE0];
	_ =	sdelay $0x4  }
0x3a7: {  	v4 =	vmul.f32 v4, v50;
	_ =	sdelay $0x1  }
0x3a8: {  	v4 =	vmax.f32 v4, $0.0e+00  }
0x3a9: {  	[tilespmem:s4+$0xFFFFFE50] =	vst v4  }
0x3aa: {  	v4 =	vld [tilespmem:s16+$0xFFFFFDF0];
	_ =	sdelay $0x4  }
0x3ab: {  	v4 =	vmul.f32 v4, v50;
	_ =	sdelay $0x1  }
0x3ac: {  	v4 =	vmax.f32 v4, $0.0e+00  }
0x3ad: {  	[tilespmem:s4+$0xFFFFFE60] =	vst v4  }
0x3ae: {  	v4 =	vld [tilespmem:s16+$0xFFFFFE00];
	_ =	sdelay $0x4  }
0x3af: {  	v4 =	vmul.f32 v4, v50;
	_ =	sdelay $0x1  }
0x3b0: {  	v4 =	vmax.f32 v4, $0.0e+00  }
0x3b1: {  	[tilespmem:s4+$0xFFFFFE70] =	vst v4  }
0x3b2: {  	v4 =	vld [tilespmem:s16+$0xFFFFFE20];
	_ =	sdelay $0x2  }
0x3b3: {  	v51 =	vbroadcast v3, $0x2;
	_ =	sdelay $0x1  }
0x3b4: {  	v4 =	vmul.f32 v4, v51;
	_ =	sdelay $0x1  }
0x3b5: {  	v4 =	vmax.f32 v4, $0.0e+00  }
0x3b6: {  	[tilespmem:s4+$0xFFFFFE80] =	vst v4  }
0x3b7: {  	v4 =	vld [tilespmem:s16+$0xFFFFFE30];
	_ =	sdelay $0x4  }
0x3b8: {  	v4 =	vmul.f32 v4, v51;
	_ =	sdelay $0x1  }
0x3b9: {  	v4 =	vmax.f32 v4, $0.0e+00  }
0x3ba: {  	[tilespmem:s4+$0xFFFFFE90] =	vst v4  }
0x3bb: {  	v4 =	vld [tilespmem:s16+$0xFFFFFE40];
	_ =	sdelay $0x4  }
0x3bc: {  	v4 =	vmul.f32 v4, v51;
	_ =	sdelay $0x1  }
0x3bd: {  	v4 =	vmax.f32 v4, $0.0e+00  }
0x3be: {  	[tilespmem:s4+$0xFFFFFEA0] =	vst v4  }
0x3bf: {  	v4 =	vld [tilespmem:s16+$0xFFFFFE50];
	_ =	sdelay $0x4  }
0x3c0: {  	v4 =	vmul.f32 v4, v51;
	_ =	sdelay $0x1  }
0x3c1: {  	v4 =	vmax.f32 v4, $0.0e+00  }
0x3c2: {  	[tilespmem:s4+$0xFFFFFEB0] =	vst v4  }
0x3c3: {  	v4 =	vld [tilespmem:s16+$0xFFFFFE70];
	_ =	sdelay $0x2  }
0x3c4: {  	v52 =	vbroadcast v3, $0x3;
	_ =	sdelay $0x1  }
0x3c5: {  	v4 =	vmul.f32 v4, v52;
	_ =	sdelay $0x1  }
0x3c6: {  	v4 =	vmax.f32 v4, $0.0e+00  }
0x3c7: {  	[tilespmem:s4+$0xFFFFFEC0] =	vst v4  }
0x3c8: {  	v4 =	vld [tilespmem:s16+$0xFFFFFE80];
	_ =	sdelay $0x4  }
0x3c9: {  	v4 =	vmul.f32 v4, v52;
	_ =	sdelay $0x1  }
0x3ca: {  	v4 =	vmax.f32 v4, $0.0e+00  }
0x3cb: {  	[tilespmem:s4+$0xFFFFFED0] =	vst v4  }
0x3cc: {  	v4 =	vld [tilespmem:s16+$0xFFFFFE90];
	_ =	sdelay $0x4  }
0x3cd: {  	v4 =	vmul.f32 v4, v52;
	_ =	sdelay $0x1  }
0x3ce: {  	v4 =	vmax.f32 v4, $0.0e+00  }
0x3cf: {  	[tilespmem:s4+$0xFFFFFEE0] =	vst v4  }
0x3d0: {  	v4 =	vld [tilespmem:s16+$0xFFFFFEA0];
	_ =	sdelay $0x4  }
0x3d1: {  	v4 =	vmul.f32 v4, v52;
	_ =	sdelay $0x1  }
0x3d2: {  	v4 =	vmax.f32 v4, $0.0e+00  }
0x3d3: {  	[tilespmem:s4+$0xFFFFFEF0] =	vst v4  }
0x3d4: {  	v4 =	vld [tilespmem:s16+$0xFFFFFEC0];
	_ =	sdelay $0x2  }
0x3d5: {  	v53 =	vbroadcast v3, $0x4;
	_ =	sdelay $0x1  }
0x3d6: {  	v4 =	vmul.f32 v4, v53;
	_ =	sdelay $0x1  }
0x3d7: {  	v4 =	vmax.f32 v4, $0.0e+00  }
0x3d8: {  	[tilespmem:s4+$0xFFFFFF00] =	vst v4  }
0x3d9: {  	v4 =	vld [tilespmem:s16+$0xFFFFFED0];
	_ =	sdelay $0x4  }
0x3da: {  	v4 =	vmul.f32 v4, v53;
	_ =	sdelay $0x1  }
0x3db: {  	v4 =	vmax.f32 v4, $0.0e+00  }
0x3dc: {  	[tilespmem:s4+$0xFFFFFF10] =	vst v4  }
0x3dd: {  	v4 =	vld [tilespmem:s16+$0xFFFFFEE0];
	_ =	sdelay $0x4  }
0x3de: {  	v4 =	vmul.f32 v4, v53;
	_ =	sdelay $0x1  }
0x3df: {  	v4 =	vmax.f32 v4, $0.0e+00  }
0x3e0: {  	[tilespmem:s4+$0xFFFFFF20] =	vst v4  }
0x3e1: {  	v4 =	vld [tilespmem:s16+$0xFFFFFEF0];
	_ =	sdelay $0x4  }
0x3e2: {  	v4 =	vmul.f32 v4, v53;
	_ =	sdelay $0x1  }
0x3e3: {  	v4 =	vmax.f32 v4, $0.0e+00  }
0x3e4: {  	[tilespmem:s4+$0xFFFFFF30] =	vst v4  }
0x3e5: {  	v4 =	vld [tilespmem:s16+$0xFFFFFF10];
	_ =	sdelay $0x2  }
0x3e6: {  	v54 =	vbroadcast v3, $0x5;
	_ =	sdelay $0x1  }
0x3e7: {  	v4 =	vmul.f32 v4, v54;
	_ =	sdelay $0x1  }
0x3e8: {  	v4 =	vmax.f32 v4, $0.0e+00  }
0x3e9: {  	[tilespmem:s4+$0xFFFFFF40] =	vst v4  }
0x3ea: {  	v4 =	vld [tilespmem:s16+$0xFFFFFF20];
	_ =	sdelay $0x4  }
0x3eb: {  	v4 =	vmul.f32 v4, v54;
	_ =	sdelay $0x1  }
0x3ec: {  	v4 =	vmax.f32 v4, $0.0e+00  }
0x3ed: {  	[tilespmem:s4+$0xFFFFFF50] =	vst v4  }
0x3ee: {  	v4 =	vld [tilespmem:s16+$0xFFFFFF30];
	_ =	sdelay $0x4  }
0x3ef: {  	v4 =	vmul.f32 v4, v54;
	_ =	sdelay $0x1  }
0x3f0: {  	v4 =	vmax.f32 v4, $0.0e+00  }
0x3f1: {  	[tilespmem:s4+$0xFFFFFF60] =	vst v4  }
0x3f2: {  	v4 =	vld [tilespmem:s16+$0xFFFFFF40];
	_ =	sdelay $0x4  }
0x3f3: {  	v4 =	vmul.f32 v4, v54;
	_ =	sdelay $0x1  }
0x3f4: {  	v4 =	vmax.f32 v4, $0.0e+00  }
0x3f5: {  	[tilespmem:s4+$0xFFFFFF70] =	vst v4  }
0x3f6: {  	v4 =	vld [tilespmem:s16+$0xFFFFFF60];
	_ =	sdelay $0x2  }
0x3f7: {  	v55 =	vbroadcast v3, $0x6;
	_ =	sdelay $0x1  }
0x3f8: {  	v4 =	vmul.f32 v4, v55;
	_ =	sdelay $0x1  }
0x3f9: {  	v4 =	vmax.f32 v4, $0.0e+00  }
0x3fa: {  	[tilespmem:s4+$0xFFFFFF80] =	vst v4  }
0x3fb: {  	v4 =	vld [tilespmem:s16+$0xFFFFFF70];
	_ =	sdelay $0x4  }
0x3fc: {  	v4 =	vmul.f32 v4, v55;
	_ =	sdelay $0x1  }
0x3fd: {  	v4 =	vmax.f32 v4, $0.0e+00  }
0x3fe: {  	[tilespmem:s4+$0xFFFFFF90] =	vst v4  }
0x3ff: {  	v4 =	vld [tilespmem:s16+$0xFFFFFF80];
	_ =	sdelay $0x4  }
0x400: {  	v4 =	vmul.f32 v4, v55;
	_ =	sdelay $0x1  }
0x401: {  	v4 =	vmax.f32 v4, $0.0e+00  }
0x402: {  	[tilespmem:s4+$0xFFFFFFA0] =	vst v4  }
0x403: {  	v4 =	vld [tilespmem:s16+$0xFFFFFF90];
	_ =	sdelay $0x4  }
0x404: {  	v4 =	vmul.f32 v4, v55;
	_ =	sdelay $0x1  }
0x405: {  	v4 =	vmax.f32 v4, $0.0e+00  }
0x406: {  	[tilespmem:s4+$0xFFFFFFB0] =	vst v4  }
0x407: {  	v4 =	vld [tilespmem:s16+$0xFFFFFFB0];
	_ =	sdelay $0x2  }
0x408: {  	v56 =	vbroadcast v3, $0x7;
	_ =	sdelay $0x1  }
0x409: {  	v4 =	vmul.f32 v4, v56;
	_ =	sdelay $0x1  }
0x40a: {  	v4 =	vmax.f32 v4, $0.0e+00  }
0x40b: {  	[tilespmem:s4+$0xFFFFFFC0] =	vst v4  }
0x40c: {  	v4 =	vld [tilespmem:s16+$0xFFFFFFC0];
	_ =	sdelay $0x4  }
0x40d: {  	v4 =	vmul.f32 v4, v56;
	_ =	sdelay $0x1  }
0x40e: {  	v4 =	vmax.f32 v4, $0.0e+00  }
0x40f: {  	[tilespmem:s4+$0xFFFFFFD0] =	vst v4  }
0x410: {  	v4 =	vld [tilespmem:s16+$0xFFFFFFD0];
	_ =	sdelay $0x4  }
0x411: {  	v4 =	vmul.f32 v4, v56;
	_ =	sdelay $0x1  }
0x412: {  	v4 =	vmax.f32 v4, $0.0e+00  }
0x413: {  	[tilespmem:s4+$0xFFFFFFE0] =	vst v4  }
0x414: {  	v4 =	vld [tilespmem:s16+$0xFFFFFFE0];
	_ =	sdelay $0x4  }
0x415: {  	v4 =	vmul.f32 v4, v56;
	_ =	sdelay $0x1  }
0x416: {  	v4 =	vmax.f32 v4, $0.0e+00  }
0x417: {  	[tilespmem:s4+$0xFFFFFFF0] =	vst v4  }
0x418: {  	v4 =	vld [tilespmem:s16+$0x0];
	_ =	sdelay $0x2  }
0x419: {  	v57 =	vbroadcast v3, $0x8;
	_ =	sdelay $0x1  }
0x41a: {  	v4 =	vmul.f32 v4, v57;
	_ =	sdelay $0x1  }
0x41b: {  	v4 =	vmax.f32 v4, $0.0e+00  }
0x41c: {  	[tilespmem:s4+$0x0] =	vst v4  }
0x41d: {  	v4 =	vld [tilespmem:s16+$0x10];
	_ =	sdelay $0x4  }
0x41e: {  	v4 =	vmul.f32 v4, v57;
	_ =	sdelay $0x1  }
0x41f: {  	v4 =	vmax.f32 v4, $0.0e+00  }
0x420: {  	[tilespmem:s4+$0x10] =	vst v4  }
0x421: {  	v4 =	vld [tilespmem:s16+$0x20];
	_ =	sdelay $0x4  }
0x422: {  	v4 =	vmul.f32 v4, v57;
	_ =	sdelay $0x1  }
0x423: {  	v4 =	vmax.f32 v4, $0.0e+00  }
0x424: {  	[tilespmem:s4+$0x20] =	vst v4  }
0x425: {  	v4 =	vld [tilespmem:s16+$0x30];
	_ =	sdelay $0x4  }
0x426: {  	v4 =	vmul.f32 v4, v57;
	_ =	sdelay $0x1  }
0x427: {  	v4 =	vmax.f32 v4, $0.0e+00  }
0x428: {  	[tilespmem:s4+$0x30] =	vst v4  }
0x429: {  	v4 =	vld [tilespmem:s16+$0x50];
	_ =	sdelay $0x2  }
0x42a: {  	v58 =	vbroadcast v3, $0x9;
	_ =	sdelay $0x1  }
0x42b: {  	v4 =	vmul.f32 v4, v58;
	_ =	sdelay $0x1  }
0x42c: {  	v4 =	vmax.f32 v4, $0.0e+00  }
0x42d: {  	[tilespmem:s4+$0x40] =	vst v4  }
0x42e: {  	v4 =	vld [tilespmem:s16+$0x60];
	_ =	sdelay $0x4  }
0x42f: {  	v4 =	vmul.f32 v4, v58;
	_ =	sdelay $0x1  }
0x430: {  	v4 =	vmax.f32 v4, $0.0e+00  }
0x431: {  	[tilespmem:s4+$0x50] =	vst v4  }
0x432: {  	v4 =	vld [tilespmem:s16+$0x70];
	_ =	sdelay $0x4  }
0x433: {  	v4 =	vmul.f32 v4, v58;
	_ =	sdelay $0x1  }
0x434: {  	v4 =	vmax.f32 v4, $0.0e+00  }
0x435: {  	[tilespmem:s4+$0x60] =	vst v4  }
0x436: {  	v4 =	vld [tilespmem:s16+$0x80];
	_ =	sdelay $0x4  }
0x437: {  	v4 =	vmul.f32 v4, v58;
	_ =	sdelay $0x1  }
0x438: {  	v4 =	vmax.f32 v4, $0.0e+00  }
0x439: {  	[tilespmem:s4+$0x70] =	vst v4  }
0x43a: {  	v4 =	vld [tilespmem:s16+$0xA0];
	_ =	sdelay $0x2  }
0x43b: {  	v59 =	vbroadcast v3, $0xA;
	_ =	sdelay $0x1  }
0x43c: {  	v4 =	vmul.f32 v4, v59;
	_ =	sdelay $0x1  }
0x43d: {  	v4 =	vmax.f32 v4, $0.0e+00  }
0x43e: {  	[tilespmem:s4+$0x80] =	vst v4  }
0x43f: {  	v4 =	vld [tilespmem:s16+$0xB0];
	_ =	sdelay $0x4  }
0x440: {  	v4 =	vmul.f32 v4, v59;
	_ =	sdelay $0x1  }
0x441: {  	v4 =	vmax.f32 v4, $0.0e+00  }
0x442: {  	[tilespmem:s4+$0x90] =	vst v4  }
0x443: {  	v4 =	vld [tilespmem:s16+$0xC0];
	_ =	sdelay $0x4  }
0x444: {  	v4 =	vmul.f32 v4, v59;
	_ =	sdelay $0x1  }
0x445: {  	v4 =	vmax.f32 v4, $0.0e+00  }
0x446: {  	[tilespmem:s4+$0xA0] =	vst v4  }
0x447: {  	v4 =	vld [tilespmem:s16+$0xD0];
	_ =	sdelay $0x4  }
0x448: {  	v4 =	vmul.f32 v4, v59;
	_ =	sdelay $0x1  }
0x449: {  	v4 =	vmax.f32 v4, $0.0e+00  }
0x44a: {  	[tilespmem:s4+$0xB0] =	vst v4  }
0x44b: {  	v4 =	vld [tilespmem:s16+$0xF0];
	_ =	sdelay $0x2  }
0x44c: {  	v60 =	vbroadcast v3, $0xB;
	_ =	sdelay $0x1  }
0x44d: {  	v4 =	vmul.f32 v4, v60;
	_ =	sdelay $0x1  }
0x44e: {  	v4 =	vmax.f32 v4, $0.0e+00  }
0x44f: {  	[tilespmem:s4+$0xC0] =	vst v4  }
0x450: {  	v4 =	vld [tilespmem:s16+$0x100];
	_ =	sdelay $0x4  }
0x451: {  	v4 =	vmul.f32 v4, v60;
	_ =	sdelay $0x1  }
0x452: {  	v4 =	vmax.f32 v4, $0.0e+00  }
0x453: {  	[tilespmem:s4+$0xD0] =	vst v4  }
0x454: {  	v4 =	vld [tilespmem:s16+$0x110];
	_ =	sdelay $0x4  }
0x455: {  	v4 =	vmul.f32 v4, v60;
	_ =	sdelay $0x1  }
0x456: {  	v4 =	vmax.f32 v4, $0.0e+00  }
0x457: {  	[tilespmem:s4+$0xE0] =	vst v4  }
0x458: {  	v4 =	vld [tilespmem:s16+$0x120];
	_ =	sdelay $0x4  }
0x459: {  	v4 =	vmul.f32 v4, v60;
	_ =	sdelay $0x1  }
0x45a: {  	v4 =	vmax.f32 v4, $0.0e+00  }
0x45b: {  	[tilespmem:s4+$0xF0] =	vst v4  }
0x45c: {  	v4 =	vld [tilespmem:s16+$0x140];
	_ =	sdelay $0x2  }
0x45d: {  	v61 =	vbroadcast v3, $0xC;
	_ =	sdelay $0x1  }
0x45e: {  	v4 =	vmul.f32 v4, v61;
	_ =	sdelay $0x1  }
0x45f: {  	v4 =	vmax.f32 v4, $0.0e+00  }
0x460: {  	[tilespmem:s4+$0x100] =	vst v4  }
0x461: {  	v4 =	vld [tilespmem:s16+$0x150];
	_ =	sdelay $0x4  }
0x462: {  	v4 =	vmul.f32 v4, v61;
	_ =	sdelay $0x1  }
0x463: {  	v4 =	vmax.f32 v4, $0.0e+00  }
0x464: {  	[tilespmem:s4+$0x110] =	vst v4  }
0x465: {  	v4 =	vld [tilespmem:s16+$0x160];
	_ =	sdelay $0x4  }
0x466: {  	v4 =	vmul.f32 v4, v61;
	_ =	sdelay $0x1  }
0x467: {  	v4 =	vmax.f32 v4, $0.0e+00  }
0x468: {  	[tilespmem:s4+$0x120] =	vst v4  }
0x469: {  	v4 =	vld [tilespmem:s16+$0x170];
	_ =	sdelay $0x4  }
0x46a: {  	v4 =	vmul.f32 v4, v61;
	_ =	sdelay $0x1  }
0x46b: {  	v4 =	vmax.f32 v4, $0.0e+00  }
0x46c: {  	[tilespmem:s4+$0x130] =	vst v4  }
0x46d: {  	v4 =	vld [tilespmem:s16+$0x190];
	_ =	sdelay $0x2  }
0x46e: {  	v62 =	vbroadcast v3, $0xD;
	_ =	sdelay $0x1  }
0x46f: {  	v4 =	vmul.f32 v4, v62;
	_ =	sdelay $0x1  }
0x470: {  	v4 =	vmax.f32 v4, $0.0e+00  }
0x471: {  	[tilespmem:s4+$0x140] =	vst v4  }
0x472: {  	v4 =	vld [tilespmem:s16+$0x1A0];
	_ =	sdelay $0x4  }
0x473: {  	v4 =	vmul.f32 v4, v62;
	_ =	sdelay $0x1  }
0x474: {  	v4 =	vmax.f32 v4, $0.0e+00  }
0x475: {  	[tilespmem:s4+$0x150] =	vst v4  }
0x476: {  	v4 =	vld [tilespmem:s16+$0x1B0];
	_ =	sdelay $0x4  }
0x477: {  	v4 =	vmul.f32 v4, v62;
	_ =	sdelay $0x1  }
0x478: {  	v4 =	vmax.f32 v4, $0.0e+00  }
0x479: {  	[tilespmem:s4+$0x160] =	vst v4  }
0x47a: {  	v4 =	vld [tilespmem:s16+$0x1C0];
	_ =	sdelay $0x4  }
0x47b: {  	v4 =	vmul.f32 v4, v62;
	_ =	sdelay $0x1  }
0x47c: {  	v4 =	vmax.f32 v4, $0.0e+00  }
0x47d: {  	[tilespmem:s4+$0x170] =	vst v4  }
0x47e: {  	v4 =	vld [tilespmem:s16+$0x1E0];
	_ =	sdelay $0x2  }
0x47f: {  	v63 =	vbroadcast v3, $0xE;
	_ =	sdelay $0x1  }
0x480: {  	v4 =	vmul.f32 v4, v63;
	_ =	sdelay $0x1  }
0x481: {  	v4 =	vmax.f32 v4, $0.0e+00  }
0x482: {  	[tilespmem:s4+$0x180] =	vst v4  }
0x483: {  	v4 =	vld [tilespmem:s16+$0x1F0];
	_ =	sdelay $0x4  }
0x484: {  	v4 =	vmul.f32 v4, v63;
	_ =	sdelay $0x1  }
0x485: {  	v4 =	vmax.f32 v4, $0.0e+00  }
0x486: {  	[tilespmem:s4+$0x190] =	vst v4  }
0x487: {  	v4 =	vld [tilespmem:s16+$0x200];
	_ =	sdelay $0x4  }
0x488: {  	v4 =	vmul.f32 v4, v63;
	_ =	sdelay $0x1  }
0x489: {  	v4 =	vmax.f32 v4, $0.0e+00  }
0x48a: {  	[tilespmem:s4+$0x1A0] =	vst v4  }
0x48b: {  	v4 =	vld [tilespmem:s16+$0x210];
	_ =	sdelay $0x4  }
0x48c: {  	v4 =	vmul.f32 v4, v63;
	_ =	sdelay $0x1  }
0x48d: {  	v4 =	vmax.f32 v4, $0.0e+00  }
0x48e: {  	[tilespmem:s4+$0x1B0] =	vst v4  }
0x48f: {  	v4 =	vld [tilespmem:s16+$0x230];
	_ =	sdelay $0x2  }
0x490: {  	v3 =	vbroadcast v3, $0xF;
	_ =	sdelay $0x1  }
0x491: {  	v4 =	vmul.f32 v4, v3;
	_ =	sdelay $0x1  }
0x492: {  	v4 =	vmax.f32 v4, $0.0e+00  }
0x493: {  	[tilespmem:s4+$0x1C0] =	vst v4  }
0x494: {  	v4 =	vld [tilespmem:s16+$0x240];
	_ =	sdelay $0x4  }
0x495: {  	v4 =	vmul.f32 v4, v3;
	_ =	sdelay $0x1  }
0x496: {  	v4 =	vmax.f32 v4, $0.0e+00  }
0x497: {  	[tilespmem:s4+$0x1D0] =	vst v4  }
0x498: {  	v4 =	vld [tilespmem:s16+$0x250];
	_ =	sdelay $0x4  }
0x499: {  	v4 =	vmul.f32 v4, v3;
	_ =	sdelay $0x1  }
0x49a: {  	v4 =	vmax.f32 v4, $0.0e+00  }
0x49b: {  	[tilespmem:s4+$0x1E0] =	vst v4  }
0x49c: {  	v4 =	vld [tilespmem:s16+$0x260];
	_ =	sdelay $0x4  }
0x49d: {  	v3 =	vmul.f32 v4, v3  }
0x49e: {  	s23 =	sadd.s32 s12, s9  }
0x49f: {  	s0 =	sshll.u32 s23, $0x3;
	v3 =	vmax.f32 v3, $0.0e+00  }
0x4a0: {  	s0 =	sadd.s32 s6, s0;
	[tilespmem:s4+$0x1F0] =	vst v3  }
0x4a1: {  	[hbm4b:s0+s3] =	stream.linear.scatter [tilespmem:s24], [sflag:$0x3], $0x1400, $0x38;
	[tilespmem:$0x1EA50] =	vst v63  }
0x4a2: {  	_ =	swait.ge [sflag:s21], $0x1400  }
0x4a3: {  	[sflag:s21] =	ssyncset.done $0x0  }
0x4a4: {  	[sflag:s21] =	ssyncadd.s32 $0xFFFFEC00  }
.LBB2_23:
0x4a5: {  	s10 =	sadd.s32 $0x1, s10  }
0x4a6: {  	p0 =	sne.s32 s10, $0x8  }
.Ltmp13:
0x4a7: {  	_ = 	snop;
	(pc) =	sbr.rel @!p0 .LBB2_24-.Ltmp13, $1  }
0x4a8: {  	_ =	sdelay $0x3  }
.LBB2_19:
0x4a9: {  	s0 =	smul.u32 $0x50, s10;
	_ =	sdelay $0x1  }
0x4aa: {  	s12 =	sadd.s32 s11, s0  }
0x4ab: {  	p0 =	sgt.u32 s12, $0x270F  }
.Ltmp14:
0x4ac: {  	_ = 	snop;
	(pc) =	sbr.rel @p0 .LBB2_23-.Ltmp14, $1  }
0x4ad: {  	_ =	sdelay $0x3  }
0x4ae: {  	s0 =	simm.s32 $0x0  }
0x4af: {  	v3 =	vmov s0  }
0x4b0: {  	v3 =	vmul.u32 $0x50, v3  }
0x4b1: {  	s23 =	smul.u32 $0x140, s12  }
0x4b2: {  	v3 =	vbroadcast v3, $0x0  }
0x4b3: {  	s0 =	sshra.s32 s23, $0x2  }
0x4b4: {  	s0 =	sadd.s32 s0, s1;
	v3 =	vadd.s32 v2, v3  }
0x4b5: {  	[tilespmem:s28], [sflag:$0x4] =	stream.linear.gather [spmem:s0], $0x1900, $0x38;
	[tilespmem:$0x1EA50] =	vst v63  }
0x4b6: {  	_ =	swait.ge [sflag:s2], $0x1900  }
0x4b7: {  	[sflag:s2] =	ssyncset.done $0x0  }
0x4b8: {  	[sflag:s2] =	ssyncadd.s32 $0xFFFFE700  }
0x4b9: {  	v3 =	vld.idx.msk [tilespmem:v3+s28+$0x0], $0xffff;
	_ =	sdelay $0x4  }
0x4ba: {  	v3 =	vadd.f32 $9.999999710e-10, v3;
	_ =	sdelay $0x1  }
0x4bb: {  	(erf) = vrcp.f32 v3;
	_ =	sdelay $0x5  }
0x4bc: {  	s0 =	simm.s32 $0xC5D0  }
0x4bd: {  	v4 =	vld [tilespmem:s0+$0xFFFFFD80];
	_ =	sdelay $0x1  }
0x4be: {  	v3 =	vpop (erf)  }
0x4bf: {  	v5 =	vbroadcast v3, $0x0;
	_ =	sdelay $0x1  }
0x4c0: {  	v4 =	vmul.f32 v5, v4;
	_ =	sdelay $0x1  }
0x4c1: {  	s7 =	simm.s32 $0x11050;
	v4 =	vmax.f32 v4, $0.0e+00  }
0x4c2: {  	[tilespmem:s7+$0xFFFFFE00] =	vst v4  }
0x4c3: {  	v4 =	vld [tilespmem:s0+$0xFFFFFD90];
	_ =	sdelay $0x4  }
0x4c4: {  	v4 =	vmul.f32 v5, v4;
	_ =	sdelay $0x1  }
0x4c5: {  	v4 =	vmax.f32 v4, $0.0e+00  }
0x4c6: {  	[tilespmem:s7+$0xFFFFFE10] =	vst v4  }
0x4c7: {  	v4 =	vld [tilespmem:s0+$0xFFFFFDA0];
	_ =	sdelay $0x4  }
0x4c8: {  	v4 =	vmul.f32 v4, v5;
	_ =	sdelay $0x1  }
0x4c9: {  	v4 =	vmax.f32 v4, $0.0e+00  }
0x4ca: {  	[tilespmem:s7+$0xFFFFFE20] =	vst v4  }
0x4cb: {  	v4 =	vld [tilespmem:s0+$0xFFFFFDB0];
	_ =	sdelay $0x4  }
0x4cc: {  	v4 =	vmul.f32 v4, v5;
	_ =	sdelay $0x1  }
0x4cd: {  	v4 =	vmax.f32 v4, $0.0e+00  }
0x4ce: {  	[tilespmem:s7+$0xFFFFFE30] =	vst v4  }
0x4cf: {  	v4 =	vld [tilespmem:s0+$0xFFFFFDD0];
	_ =	sdelay $0x2  }
0x4d0: {  	v5 =	vbroadcast v3, $0x1;
	_ =	sdelay $0x1  }
0x4d1: {  	v4 =	vmul.f32 v4, v5;
	_ =	sdelay $0x1  }
0x4d2: {  	v4 =	vmax.f32 v4, $0.0e+00  }
0x4d3: {  	[tilespmem:s7+$0xFFFFFE40] =	vst v4  }
0x4d4: {  	v4 =	vld [tilespmem:s0+$0xFFFFFDE0];
	_ =	sdelay $0x4  }
0x4d5: {  	v4 =	vmul.f32 v4, v5;
	_ =	sdelay $0x1  }
0x4d6: {  	v4 =	vmax.f32 v4, $0.0e+00  }
0x4d7: {  	[tilespmem:s7+$0xFFFFFE50] =	vst v4  }
0x4d8: {  	v4 =	vld [tilespmem:s0+$0xFFFFFDF0];
	_ =	sdelay $0x4  }
0x4d9: {  	v4 =	vmul.f32 v4, v5;
	_ =	sdelay $0x1  }
0x4da: {  	v4 =	vmax.f32 v4, $0.0e+00  }
0x4db: {  	[tilespmem:s7+$0xFFFFFE60] =	vst v4  }
0x4dc: {  	v4 =	vld [tilespmem:s0+$0xFFFFFE00];
	_ =	sdelay $0x4  }
0x4dd: {  	v4 =	vmul.f32 v4, v5;
	_ =	sdelay $0x1  }
0x4de: {  	v4 =	vmax.f32 v4, $0.0e+00  }
0x4df: {  	[tilespmem:s7+$0xFFFFFE70] =	vst v4  }
0x4e0: {  	v4 =	vld [tilespmem:s0+$0xFFFFFE20];
	_ =	sdelay $0x2  }
0x4e1: {  	v5 =	vbroadcast v3, $0x2;
	_ =	sdelay $0x1  }
0x4e2: {  	v4 =	vmul.f32 v4, v5;
	_ =	sdelay $0x1  }
0x4e3: {  	v4 =	vmax.f32 v4, $0.0e+00  }
0x4e4: {  	[tilespmem:s7+$0xFFFFFE80] =	vst v4  }
0x4e5: {  	v4 =	vld [tilespmem:s0+$0xFFFFFE30];
	_ =	sdelay $0x4  }
0x4e6: {  	v4 =	vmul.f32 v4, v5;
	_ =	sdelay $0x1  }
0x4e7: {  	v4 =	vmax.f32 v4, $0.0e+00  }
0x4e8: {  	[tilespmem:s7+$0xFFFFFE90] =	vst v4  }
0x4e9: {  	v4 =	vld [tilespmem:s0+$0xFFFFFE40];
	_ =	sdelay $0x4  }
0x4ea: {  	v4 =	vmul.f32 v4, v5;
	_ =	sdelay $0x1  }
0x4eb: {  	v4 =	vmax.f32 v4, $0.0e+00  }
0x4ec: {  	[tilespmem:s7+$0xFFFFFEA0] =	vst v4  }
0x4ed: {  	v4 =	vld [tilespmem:s0+$0xFFFFFE50];
	_ =	sdelay $0x4  }
0x4ee: {  	v4 =	vmul.f32 v4, v5;
	_ =	sdelay $0x1  }
0x4ef: {  	v4 =	vmax.f32 v4, $0.0e+00  }
0x4f0: {  	[tilespmem:s7+$0xFFFFFEB0] =	vst v4  }
0x4f1: {  	v4 =	vld [tilespmem:s0+$0xFFFFFE70];
	_ =	sdelay $0x2  }
0x4f2: {  	v5 =	vbroadcast v3, $0x3;
	_ =	sdelay $0x1  }
0x4f3: {  	v4 =	vmul.f32 v4, v5;
	_ =	sdelay $0x1  }
0x4f4: {  	v4 =	vmax.f32 v4, $0.0e+00  }
0x4f5: {  	[tilespmem:s7+$0xFFFFFEC0] =	vst v4  }
0x4f6: {  	v4 =	vld [tilespmem:s0+$0xFFFFFE80];
	_ =	sdelay $0x4  }
0x4f7: {  	v4 =	vmul.f32 v4, v5;
	_ =	sdelay $0x1  }
0x4f8: {  	v4 =	vmax.f32 v4, $0.0e+00  }
0x4f9: {  	[tilespmem:s7+$0xFFFFFED0] =	vst v4  }
0x4fa: {  	v4 =	vld [tilespmem:s0+$0xFFFFFE90];
	_ =	sdelay $0x4  }
0x4fb: {  	v4 =	vmul.f32 v4, v5;
	_ =	sdelay $0x1  }
0x4fc: {  	v4 =	vmax.f32 v4, $0.0e+00  }
0x4fd: {  	[tilespmem:s7+$0xFFFFFEE0] =	vst v4  }
0x4fe: {  	v4 =	vld [tilespmem:s0+$0xFFFFFEA0];
	_ =	sdelay $0x4  }
0x4ff: {  	v4 =	vmul.f32 v4, v5;
	_ =	sdelay $0x1  }
0x500: {  	v4 =	vmax.f32 v4, $0.0e+00  }
0x501: {  	[tilespmem:s7+$0xFFFFFEF0] =	vst v4  }
0x502: {  	v4 =	vld [tilespmem:s0+$0xFFFFFEC0];
	_ =	sdelay $0x2  }
0x503: {  	v5 =	vbroadcast v3, $0x4;
	_ =	sdelay $0x1  }
0x504: {  	v4 =	vmul.f32 v4, v5;
	_ =	sdelay $0x1  }
0x505: {  	v4 =	vmax.f32 v4, $0.0e+00  }
0x506: {  	[tilespmem:s7+$0xFFFFFF00] =	vst v4  }
0x507: {  	v4 =	vld [tilespmem:s0+$0xFFFFFED0];
	_ =	sdelay $0x4  }
0x508: {  	v4 =	vmul.f32 v4, v5;
	_ =	sdelay $0x1  }
0x509: {  	v4 =	vmax.f32 v4, $0.0e+00  }
0x50a: {  	[tilespmem:s7+$0xFFFFFF10] =	vst v4  }
0x50b: {  	v4 =	vld [tilespmem:s0+$0xFFFFFEE0];
	_ =	sdelay $0x4  }
0x50c: {  	v4 =	vmul.f32 v4, v5;
	_ =	sdelay $0x1  }
0x50d: {  	v4 =	vmax.f32 v4, $0.0e+00  }
0x50e: {  	[tilespmem:s7+$0xFFFFFF20] =	vst v4  }
0x50f: {  	v4 =	vld [tilespmem:s0+$0xFFFFFEF0];
	_ =	sdelay $0x4  }
0x510: {  	v4 =	vmul.f32 v4, v5;
	_ =	sdelay $0x1  }
0x511: {  	v4 =	vmax.f32 v4, $0.0e+00  }
0x512: {  	[tilespmem:s7+$0xFFFFFF30] =	vst v4  }
0x513: {  	v4 =	vld [tilespmem:s0+$0xFFFFFF10];
	_ =	sdelay $0x2  }
0x514: {  	v5 =	vbroadcast v3, $0x5;
	_ =	sdelay $0x1  }
0x515: {  	v4 =	vmul.f32 v4, v5;
	_ =	sdelay $0x1  }
0x516: {  	v4 =	vmax.f32 v4, $0.0e+00  }
0x517: {  	[tilespmem:s7+$0xFFFFFF40] =	vst v4  }
0x518: {  	v4 =	vld [tilespmem:s0+$0xFFFFFF20];
	_ =	sdelay $0x4  }
0x519: {  	v4 =	vmul.f32 v4, v5;
	_ =	sdelay $0x1  }
0x51a: {  	v4 =	vmax.f32 v4, $0.0e+00  }
0x51b: {  	[tilespmem:s7+$0xFFFFFF50] =	vst v4  }
0x51c: {  	v4 =	vld [tilespmem:s0+$0xFFFFFF30];
	_ =	sdelay $0x4  }
0x51d: {  	v4 =	vmul.f32 v4, v5;
	_ =	sdelay $0x1  }
0x51e: {  	v4 =	vmax.f32 v4, $0.0e+00  }
0x51f: {  	[tilespmem:s7+$0xFFFFFF60] =	vst v4  }
0x520: {  	v4 =	vld [tilespmem:s0+$0xFFFFFF40];
	_ =	sdelay $0x4  }
0x521: {  	v4 =	vmul.f32 v4, v5;
	_ =	sdelay $0x1  }
0x522: {  	v4 =	vmax.f32 v4, $0.0e+00  }
0x523: {  	[tilespmem:s7+$0xFFFFFF70] =	vst v4  }
0x524: {  	v4 =	vld [tilespmem:s0+$0xFFFFFF60];
	_ =	sdelay $0x2  }
0x525: {  	v5 =	vbroadcast v3, $0x6;
	_ =	sdelay $0x1  }
0x526: {  	v4 =	vmul.f32 v4, v5;
	_ =	sdelay $0x1  }
0x527: {  	v4 =	vmax.f32 v4, $0.0e+00  }
0x528: {  	[tilespmem:s7+$0xFFFFFF80] =	vst v4  }
0x529: {  	v4 =	vld [tilespmem:s0+$0xFFFFFF70];
	_ =	sdelay $0x4  }
0x52a: {  	v4 =	vmul.f32 v4, v5;
	_ =	sdelay $0x1  }
0x52b: {  	v4 =	vmax.f32 v4, $0.0e+00  }
0x52c: {  	[tilespmem:s7+$0xFFFFFF90] =	vst v4  }
0x52d: {  	v4 =	vld [tilespmem:s0+$0xFFFFFF80];
	_ =	sdelay $0x4  }
0x52e: {  	v4 =	vmul.f32 v4, v5;
	_ =	sdelay $0x1  }
0x52f: {  	v4 =	vmax.f32 v4, $0.0e+00  }
0x530: {  	[tilespmem:s7+$0xFFFFFFA0] =	vst v4  }
0x531: {  	v4 =	vld [tilespmem:s0+$0xFFFFFF90];
	_ =	sdelay $0x4  }
0x532: {  	v4 =	vmul.f32 v4, v5;
	_ =	sdelay $0x1  }
0x533: {  	v4 =	vmax.f32 v4, $0.0e+00  }
0x534: {  	[tilespmem:s7+$0xFFFFFFB0] =	vst v4  }
0x535: {  	v4 =	vld [tilespmem:s0+$0xFFFFFFB0];
	_ =	sdelay $0x2  }
0x536: {  	v5 =	vbroadcast v3, $0x7;
	_ =	sdelay $0x1  }
0x537: {  	v4 =	vmul.f32 v4, v5;
	_ =	sdelay $0x1  }
0x538: {  	v4 =	vmax.f32 v4, $0.0e+00  }
0x539: {  	[tilespmem:s7+$0xFFFFFFC0] =	vst v4  }
0x53a: {  	v4 =	vld [tilespmem:s0+$0xFFFFFFC0];
	_ =	sdelay $0x4  }
0x53b: {  	v4 =	vmul.f32 v4, v5;
	_ =	sdelay $0x1  }
0x53c: {  	v4 =	vmax.f32 v4, $0.0e+00  }
0x53d: {  	[tilespmem:s7+$0xFFFFFFD0] =	vst v4  }
0x53e: {  	v4 =	vld [tilespmem:s0+$0xFFFFFFD0];
	_ =	sdelay $0x4  }
0x53f: {  	v4 =	vmul.f32 v4, v5;
	_ =	sdelay $0x1  }
0x540: {  	v4 =	vmax.f32 v4, $0.0e+00  }
0x541: {  	[tilespmem:s7+$0xFFFFFFE0] =	vst v4  }
0x542: {  	v4 =	vld [tilespmem:s0+$0xFFFFFFE0];
	_ =	sdelay $0x4  }
0x543: {  	v4 =	vmul.f32 v4, v5;
	_ =	sdelay $0x1  }
0x544: {  	v4 =	vmax.f32 v4, $0.0e+00  }
0x545: {  	[tilespmem:s7+$0xFFFFFFF0] =	vst v4  }
0x546: {  	v4 =	vld [tilespmem:s0+$0x0];
	_ =	sdelay $0x2  }
0x547: {  	v5 =	vbroadcast v3, $0x8;
	_ =	sdelay $0x1  }
0x548: {  	v4 =	vmul.f32 v4, v5;
	_ =	sdelay $0x1  }
0x549: {  	v4 =	vmax.f32 v4, $0.0e+00  }
0x54a: {  	[tilespmem:s7+$0x0] =	vst v4  }
0x54b: {  	v4 =	vld [tilespmem:s0+$0x10];
	_ =	sdelay $0x4  }
0x54c: {  	v4 =	vmul.f32 v4, v5;
	_ =	sdelay $0x1  }
0x54d: {  	v4 =	vmax.f32 v4, $0.0e+00  }
0x54e: {  	[tilespmem:s7+$0x10] =	vst v4  }
0x54f: {  	v4 =	vld [tilespmem:s0+$0x20];
	_ =	sdelay $0x4  }
0x550: {  	v4 =	vmul.f32 v4, v5;
	_ =	sdelay $0x1  }
0x551: {  	v4 =	vmax.f32 v4, $0.0e+00  }
0x552: {  	[tilespmem:s7+$0x20] =	vst v4  }
0x553: {  	v4 =	vld [tilespmem:s0+$0x30];
	_ =	sdelay $0x4  }
0x554: {  	v4 =	vmul.f32 v4, v5;
	_ =	sdelay $0x1  }
0x555: {  	v4 =	vmax.f32 v4, $0.0e+00  }
0x556: {  	[tilespmem:s7+$0x30] =	vst v4  }
0x557: {  	v4 =	vld [tilespmem:s0+$0x50];
	_ =	sdelay $0x2  }
0x558: {  	v5 =	vbroadcast v3, $0x9;
	_ =	sdelay $0x1  }
0x559: {  	v4 =	vmul.f32 v4, v5;
	_ =	sdelay $0x1  }
0x55a: {  	v4 =	vmax.f32 v4, $0.0e+00  }
0x55b: {  	[tilespmem:s7+$0x40] =	vst v4  }
0x55c: {  	v4 =	vld [tilespmem:s0+$0x60];
	_ =	sdelay $0x4  }
0x55d: {  	v4 =	vmul.f32 v4, v5;
	_ =	sdelay $0x1  }
0x55e: {  	v4 =	vmax.f32 v4, $0.0e+00  }
0x55f: {  	[tilespmem:s7+$0x50] =	vst v4  }
0x560: {  	v4 =	vld [tilespmem:s0+$0x70];
	_ =	sdelay $0x4  }
0x561: {  	v4 =	vmul.f32 v4, v5;
	_ =	sdelay $0x1  }
0x562: {  	v4 =	vmax.f32 v4, $0.0e+00  }
0x563: {  	[tilespmem:s7+$0x60] =	vst v4  }
0x564: {  	v4 =	vld [tilespmem:s0+$0x80];
	_ =	sdelay $0x4  }
0x565: {  	v4 =	vmul.f32 v4, v5;
	_ =	sdelay $0x1  }
0x566: {  	v4 =	vmax.f32 v4, $0.0e+00  }
0x567: {  	[tilespmem:s7+$0x70] =	vst v4  }
0x568: {  	v4 =	vld [tilespmem:s0+$0xA0];
	_ =	sdelay $0x2  }
0x569: {  	v5 =	vbroadcast v3, $0xA;
	_ =	sdelay $0x1  }
0x56a: {  	v4 =	vmul.f32 v4, v5;
	_ =	sdelay $0x1  }
0x56b: {  	v4 =	vmax.f32 v4, $0.0e+00  }
0x56c: {  	[tilespmem:s7+$0x80] =	vst v4  }
0x56d: {  	v4 =	vld [tilespmem:s0+$0xB0];
	_ =	sdelay $0x4  }
0x56e: {  	v4 =	vmul.f32 v4, v5;
	_ =	sdelay $0x1  }
0x56f: {  	v4 =	vmax.f32 v4, $0.0e+00  }
0x570: {  	[tilespmem:s7+$0x90] =	vst v4  }
0x571: {  	v4 =	vld [tilespmem:s0+$0xC0];
	_ =	sdelay $0x4  }
0x572: {  	v4 =	vmul.f32 v4, v5;
	_ =	sdelay $0x1  }
0x573: {  	v4 =	vmax.f32 v4, $0.0e+00  }
0x574: {  	[tilespmem:s7+$0xA0] =	vst v4  }
0x575: {  	v4 =	vld [tilespmem:s0+$0xD0];
	_ =	sdelay $0x4  }
0x576: {  	v4 =	vmul.f32 v4, v5;
	_ =	sdelay $0x1  }
0x577: {  	v4 =	vmax.f32 v4, $0.0e+00  }
0x578: {  	[tilespmem:s7+$0xB0] =	vst v4  }
0x579: {  	v4 =	vld [tilespmem:s0+$0xF0];
	_ =	sdelay $0x2  }
0x57a: {  	v5 =	vbroadcast v3, $0xB;
	_ =	sdelay $0x1  }
0x57b: {  	v4 =	vmul.f32 v4, v5;
	_ =	sdelay $0x1  }
0x57c: {  	v4 =	vmax.f32 v4, $0.0e+00  }
0x57d: {  	[tilespmem:s7+$0xC0] =	vst v4  }
0x57e: {  	v4 =	vld [tilespmem:s0+$0x100];
	_ =	sdelay $0x4  }
0x57f: {  	v4 =	vmul.f32 v4, v5;
	_ =	sdelay $0x1  }
0x580: {  	v4 =	vmax.f32 v4, $0.0e+00  }
0x581: {  	[tilespmem:s7+$0xD0] =	vst v4  }
0x582: {  	v4 =	vld [tilespmem:s0+$0x110];
	_ =	sdelay $0x4  }
0x583: {  	v4 =	vmul.f32 v4, v5;
	_ =	sdelay $0x1  }
0x584: {  	v4 =	vmax.f32 v4, $0.0e+00  }
0x585: {  	[tilespmem:s7+$0xE0] =	vst v4  }
0x586: {  	v4 =	vld [tilespmem:s0+$0x120];
	_ =	sdelay $0x4  }
0x587: {  	v4 =	vmul.f32 v4, v5;
	_ =	sdelay $0x1  }
0x588: {  	v4 =	vmax.f32 v4, $0.0e+00  }
0x589: {  	[tilespmem:s7+$0xF0] =	vst v4  }
0x58a: {  	v4 =	vld [tilespmem:s0+$0x140];
	_ =	sdelay $0x2  }
0x58b: {  	v5 =	vbroadcast v3, $0xC;
	_ =	sdelay $0x1  }
0x58c: {  	v4 =	vmul.f32 v4, v5;
	_ =	sdelay $0x1  }
0x58d: {  	v4 =	vmax.f32 v4, $0.0e+00  }
0x58e: {  	[tilespmem:s7+$0x100] =	vst v4  }
0x58f: {  	v4 =	vld [tilespmem:s0+$0x150];
	_ =	sdelay $0x4  }
0x590: {  	v4 =	vmul.f32 v4, v5;
	_ =	sdelay $0x1  }
0x591: {  	v4 =	vmax.f32 v4, $0.0e+00  }
0x592: {  	[tilespmem:s7+$0x110] =	vst v4  }
0x593: {  	v4 =	vld [tilespmem:s0+$0x160];
	_ =	sdelay $0x4  }
0x594: {  	v4 =	vmul.f32 v4, v5;
	_ =	sdelay $0x1  }
0x595: {  	v4 =	vmax.f32 v4, $0.0e+00  }
0x596: {  	[tilespmem:s7+$0x120] =	vst v4  }
0x597: {  	v4 =	vld [tilespmem:s0+$0x170];
	_ =	sdelay $0x4  }
0x598: {  	v4 =	vmul.f32 v4, v5;
	_ =	sdelay $0x1  }
0x599: {  	v4 =	vmax.f32 v4, $0.0e+00  }
0x59a: {  	[tilespmem:s7+$0x130] =	vst v4  }
0x59b: {  	v4 =	vld [tilespmem:s0+$0x190];
	_ =	sdelay $0x2  }
0x59c: {  	v5 =	vbroadcast v3, $0xD;
	_ =	sdelay $0x1  }
0x59d: {  	v4 =	vmul.f32 v4, v5;
	_ =	sdelay $0x1  }
0x59e: {  	v4 =	vmax.f32 v4, $0.0e+00  }
0x59f: {  	[tilespmem:s7+$0x140] =	vst v4  }
0x5a0: {  	v4 =	vld [tilespmem:s0+$0x1A0];
	_ =	sdelay $0x4  }
0x5a1: {  	v4 =	vmul.f32 v4, v5;
	_ =	sdelay $0x1  }
0x5a2: {  	v4 =	vmax.f32 v4, $0.0e+00  }
0x5a3: {  	[tilespmem:s7+$0x150] =	vst v4  }
0x5a4: {  	v4 =	vld [tilespmem:s0+$0x1B0];
	_ =	sdelay $0x4  }
0x5a5: {  	v4 =	vmul.f32 v4, v5;
	_ =	sdelay $0x1  }
0x5a6: {  	v4 =	vmax.f32 v4, $0.0e+00  }
0x5a7: {  	[tilespmem:s7+$0x160] =	vst v4  }
0x5a8: {  	v4 =	vld [tilespmem:s0+$0x1C0];
	_ =	sdelay $0x4  }
0x5a9: {  	v4 =	vmul.f32 v4, v5;
	_ =	sdelay $0x1  }
0x5aa: {  	v4 =	vmax.f32 v4, $0.0e+00  }
0x5ab: {  	[tilespmem:s7+$0x170] =	vst v4  }
0x5ac: {  	v4 =	vld [tilespmem:s0+$0x1E0];
	_ =	sdelay $0x2  }
0x5ad: {  	v5 =	vbroadcast v3, $0xE;
	_ =	sdelay $0x1  }
0x5ae: {  	v4 =	vmul.f32 v4, v5;
	_ =	sdelay $0x1  }
0x5af: {  	v4 =	vmax.f32 v4, $0.0e+00  }
0x5b0: {  	[tilespmem:s7+$0x180] =	vst v4  }
0x5b1: {  	v4 =	vld [tilespmem:s0+$0x1F0];
	_ =	sdelay $0x4  }
0x5b2: {  	v4 =	vmul.f32 v4, v5;
	_ =	sdelay $0x1  }
0x5b3: {  	v4 =	vmax.f32 v4, $0.0e+00  }
0x5b4: {  	[tilespmem:s7+$0x190] =	vst v4  }
0x5b5: {  	v4 =	vld [tilespmem:s0+$0x200];
	_ =	sdelay $0x4  }
0x5b6: {  	v4 =	vmul.f32 v4, v5;
	_ =	sdelay $0x1  }
0x5b7: {  	v4 =	vmax.f32 v4, $0.0e+00  }
0x5b8: {  	[tilespmem:s7+$0x1A0] =	vst v4  }
0x5b9: {  	v4 =	vld [tilespmem:s0+$0x210];
	_ =	sdelay $0x4  }
0x5ba: {  	v4 =	vmul.f32 v4, v5;
	_ =	sdelay $0x1  }
0x5bb: {  	v4 =	vmax.f32 v4, $0.0e+00  }
0x5bc: {  	[tilespmem:s7+$0x1B0] =	vst v4  }
0x5bd: {  	v4 =	vld [tilespmem:s0+$0x230];
	_ =	sdelay $0x2  }
0x5be: {  	v3 =	vbroadcast v3, $0xF;
	_ =	sdelay $0x1  }
0x5bf: {  	v4 =	vmul.f32 v4, v3;
	_ =	sdelay $0x1  }
0x5c0: {  	v4 =	vmax.f32 v4, $0.0e+00  }
0x5c1: {  	[tilespmem:s7+$0x1C0] =	vst v4  }
0x5c2: {  	v4 =	vld [tilespmem:s0+$0x240];
	_ =	sdelay $0x4  }
0x5c3: {  	v4 =	vmul.f32 v4, v3;
	_ =	sdelay $0x1  }
0x5c4: {  	v4 =	vmax.f32 v4, $0.0e+00  }
0x5c5: {  	[tilespmem:s7+$0x1D0] =	vst v4  }
0x5c6: {  	v4 =	vld [tilespmem:s0+$0x250];
	_ =	sdelay $0x4  }
0x5c7: {  	v4 =	vmul.f32 v4, v3;
	_ =	sdelay $0x1  }
0x5c8: {  	s4 =	simm.s32 $0x10;
	v5 =	vmax.f32 v4, $0.0e+00  }
0x5c9: {  	s23 =	simm.s32 $0x20;
	v4 =	vmov s4;
	[tilespmem:s7+$0x1E0] =	vst v5  }
.LBB2_21:
0x5ca: {  	p0 =	sne.s32 s23, $0x40;
	v4 =	vmul.u32 $0x50, v4;
	v5 =	vld [tilespmem:s0+$0x260];
	_ =	sdelay $0x1  }
0x5cb: {  	v4 =	vbroadcast v4, $0x0;
	_ =	sdelay $0x1  }
0x5cc: {  	v4 =	vadd.s32 v2, v4  }
0x5cd: {  	v3 =	vmul.f32 v5, v3;
	_ =	sdelay $0x1  }
0x5ce: {  	v3 =	vmax.f32 v3, $0.0e+00  }
0x5cf: {  	[tilespmem:s7+$0x1F0] =	vst v3  }
0x5d0: {  	s0 =	sadd.s32 $0x500, s0;
	v3 =	vld.idx.msk [tilespmem:v4+s28+$0x0], $0xffff  }
0x5d1: {  	v4 =	vld [tilespmem:s0+$0xFFFFFD80];
	_ =	sdelay $0x4  }
0x5d2: {  	v3 =	vadd.f32 $9.999999710e-10, v3;
	_ =	sdelay $0x1  }
0x5d3: {  	(erf) = vrcp.f32 v3;
	_ =	sdelay $0x8  }
0x5d4: {  	v3 =	vpop (erf)  }
0x5d5: {  	v17 =	vbroadcast v3, $0x0;
	v18 =	vbroadcast v3, $0x1  }
0x5d6: {  	v16 =	vbroadcast v3, $0x2;
	v15 =	vbroadcast v3, $0x3  }
0x5d7: {  	v14 =	vbroadcast v3, $0x4;
	v4 =	vmul.f32 v17, v4  }
0x5d8: {  	v13 =	vbroadcast v3, $0x5;
	v12 =	vbroadcast v3, $0x6  }
0x5d9: {  	s7 =	sadd.s32 $0x400, s7;
	v11 =	vbroadcast v3, $0x7;
	v10 =	vbroadcast v3, $0x8;
	v4 =	vmax.f32 v4, $0.0e+00  }
0x5da: {  	v9 =	vbroadcast v3, $0x9;
	v8 =	vbroadcast v3, $0xA;
	[tilespmem:s7+$0xFFFFFE00] =	vst v4  }
0x5db: {  	v7 =	vbroadcast v3, $0xB;
	v6 =	vbroadcast v3, $0xC;
	v19 =	vld [tilespmem:s0+$0xFFFFFD90]  }
0x5dc: {  	v5 =	vbroadcast v3, $0xD;
	v4 =	vbroadcast v3, $0xE  }
0x5dd: {  	v3 =	vbroadcast v3, $0xF;
	_ =	sdelay $0x2  }
0x5de: {  	v19 =	vmul.f32 v17, v19;
	_ =	sdelay $0x1  }
0x5df: {  	v19 =	vmax.f32 v19, $0.0e+00  }
0x5e0: {  	[tilespmem:s7+$0xFFFFFE10] =	vst v19  }
0x5e1: {  	v19 =	vld [tilespmem:s0+$0xFFFFFDA0];
	_ =	sdelay $0x4  }
0x5e2: {  	v19 =	vmul.f32 v19, v17;
	_ =	sdelay $0x1  }
0x5e3: {  	v19 =	vmax.f32 v19, $0.0e+00  }
0x5e4: {  	[tilespmem:s7+$0xFFFFFE20] =	vst v19  }
0x5e5: {  	v19 =	vld [tilespmem:s0+$0xFFFFFDB0];
	_ =	sdelay $0x4  }
0x5e6: {  	v17 =	vmul.f32 v19, v17;
	_ =	sdelay $0x1  }
0x5e7: {  	v17 =	vmax.f32 v17, $0.0e+00  }
0x5e8: {  	[tilespmem:s7+$0xFFFFFE30] =	vst v17  }
0x5e9: {  	v17 =	vld [tilespmem:s0+$0xFFFFFDD0];
	_ =	sdelay $0x4  }
0x5ea: {  	v17 =	vmul.f32 v17, v18;
	_ =	sdelay $0x1  }
0x5eb: {  	v17 =	vmax.f32 v17, $0.0e+00  }
0x5ec: {  	[tilespmem:s7+$0xFFFFFE40] =	vst v17  }
0x5ed: {  	v17 =	vld [tilespmem:s0+$0xFFFFFDE0];
	_ =	sdelay $0x4  }
0x5ee: {  	v17 =	vmul.f32 v17, v18;
	_ =	sdelay $0x1  }
0x5ef: {  	v17 =	vmax.f32 v17, $0.0e+00  }
0x5f0: {  	[tilespmem:s7+$0xFFFFFE50] =	vst v17  }
0x5f1: {  	v17 =	vld [tilespmem:s0+$0xFFFFFDF0];
	_ =	sdelay $0x4  }
0x5f2: {  	v17 =	vmul.f32 v17, v18;
	_ =	sdelay $0x1  }
0x5f3: {  	v17 =	vmax.f32 v17, $0.0e+00  }
0x5f4: {  	[tilespmem:s7+$0xFFFFFE60] =	vst v17  }
0x5f5: {  	v17 =	vld [tilespmem:s0+$0xFFFFFE00];
	_ =	sdelay $0x4  }
0x5f6: {  	v17 =	vmul.f32 v17, v18;
	_ =	sdelay $0x1  }
0x5f7: {  	v17 =	vmax.f32 v17, $0.0e+00  }
0x5f8: {  	[tilespmem:s7+$0xFFFFFE70] =	vst v17  }
0x5f9: {  	v17 =	vld [tilespmem:s0+$0xFFFFFE20];
	_ =	sdelay $0x4  }
0x5fa: {  	v17 =	vmul.f32 v17, v16;
	_ =	sdelay $0x1  }
0x5fb: {  	v17 =	vmax.f32 v17, $0.0e+00  }
0x5fc: {  	[tilespmem:s7+$0xFFFFFE80] =	vst v17  }
0x5fd: {  	v17 =	vld [tilespmem:s0+$0xFFFFFE30];
	_ =	sdelay $0x4  }
0x5fe: {  	v17 =	vmul.f32 v17, v16;
	_ =	sdelay $0x1  }
0x5ff: {  	v17 =	vmax.f32 v17, $0.0e+00  }
0x600: {  	[tilespmem:s7+$0xFFFFFE90] =	vst v17  }
0x601: {  	v17 =	vld [tilespmem:s0+$0xFFFFFE40];
	_ =	sdelay $0x4  }
0x602: {  	v17 =	vmul.f32 v17, v16;
	_ =	sdelay $0x1  }
0x603: {  	v17 =	vmax.f32 v17, $0.0e+00  }
0x604: {  	[tilespmem:s7+$0xFFFFFEA0] =	vst v17  }
0x605: {  	v17 =	vld [tilespmem:s0+$0xFFFFFE50];
	_ =	sdelay $0x4  }
0x606: {  	v16 =	vmul.f32 v17, v16;
	_ =	sdelay $0x1  }
0x607: {  	v16 =	vmax.f32 v16, $0.0e+00  }
0x608: {  	[tilespmem:s7+$0xFFFFFEB0] =	vst v16  }
0x609: {  	v16 =	vld [tilespmem:s0+$0xFFFFFE70];
	_ =	sdelay $0x4  }
0x60a: {  	v16 =	vmul.f32 v16, v15;
	_ =	sdelay $0x1  }
0x60b: {  	v16 =	vmax.f32 v16, $0.0e+00  }
0x60c: {  	[tilespmem:s7+$0xFFFFFEC0] =	vst v16  }
0x60d: {  	v16 =	vld [tilespmem:s0+$0xFFFFFE80];
	_ =	sdelay $0x4  }
0x60e: {  	v16 =	vmul.f32 v16, v15;
	_ =	sdelay $0x1  }
0x60f: {  	v16 =	vmax.f32 v16, $0.0e+00  }
0x610: {  	[tilespmem:s7+$0xFFFFFED0] =	vst v16  }
0x611: {  	v16 =	vld [tilespmem:s0+$0xFFFFFE90];
	_ =	sdelay $0x4  }
0x612: {  	v16 =	vmul.f32 v16, v15;
	_ =	sdelay $0x1  }
0x613: {  	v16 =	vmax.f32 v16, $0.0e+00  }
0x614: {  	[tilespmem:s7+$0xFFFFFEE0] =	vst v16  }
0x615: {  	v16 =	vld [tilespmem:s0+$0xFFFFFEA0];
	_ =	sdelay $0x4  }
0x616: {  	v15 =	vmul.f32 v16, v15;
	_ =	sdelay $0x1  }
0x617: {  	v15 =	vmax.f32 v15, $0.0e+00  }
0x618: {  	[tilespmem:s7+$0xFFFFFEF0] =	vst v15  }
0x619: {  	v15 =	vld [tilespmem:s0+$0xFFFFFEC0];
	_ =	sdelay $0x4  }
0x61a: {  	v15 =	vmul.f32 v15, v14;
	_ =	sdelay $0x1  }
0x61b: {  	v15 =	vmax.f32 v15, $0.0e+00  }
0x61c: {  	[tilespmem:s7+$0xFFFFFF00] =	vst v15  }
0x61d: {  	v15 =	vld [tilespmem:s0+$0xFFFFFED0];
	_ =	sdelay $0x4  }
0x61e: {  	v15 =	vmul.f32 v15, v14;
	_ =	sdelay $0x1  }
0x61f: {  	v15 =	vmax.f32 v15, $0.0e+00  }
0x620: {  	[tilespmem:s7+$0xFFFFFF10] =	vst v15  }
0x621: {  	v15 =	vld [tilespmem:s0+$0xFFFFFEE0];
	_ =	sdelay $0x4  }
0x622: {  	v15 =	vmul.f32 v15, v14;
	_ =	sdelay $0x1  }
0x623: {  	v15 =	vmax.f32 v15, $0.0e+00  }
0x624: {  	[tilespmem:s7+$0xFFFFFF20] =	vst v15  }
0x625: {  	v15 =	vld [tilespmem:s0+$0xFFFFFEF0];
	_ =	sdelay $0x4  }
0x626: {  	v14 =	vmul.f32 v15, v14;
	_ =	sdelay $0x1  }
0x627: {  	v14 =	vmax.f32 v14, $0.0e+00  }
0x628: {  	[tilespmem:s7+$0xFFFFFF30] =	vst v14  }
0x629: {  	v14 =	vld [tilespmem:s0+$0xFFFFFF10];
	_ =	sdelay $0x4  }
0x62a: {  	v14 =	vmul.f32 v14, v13;
	_ =	sdelay $0x1  }
0x62b: {  	v14 =	vmax.f32 v14, $0.0e+00  }
0x62c: {  	[tilespmem:s7+$0xFFFFFF40] =	vst v14  }
0x62d: {  	v14 =	vld [tilespmem:s0+$0xFFFFFF20];
	_ =	sdelay $0x4  }
0x62e: {  	v14 =	vmul.f32 v14, v13;
	_ =	sdelay $0x1  }
0x62f: {  	v14 =	vmax.f32 v14, $0.0e+00  }
0x630: {  	[tilespmem:s7+$0xFFFFFF50] =	vst v14  }
0x631: {  	v14 =	vld [tilespmem:s0+$0xFFFFFF30];
	_ =	sdelay $0x4  }
0x632: {  	v14 =	vmul.f32 v14, v13;
	_ =	sdelay $0x1  }
0x633: {  	v14 =	vmax.f32 v14, $0.0e+00  }
0x634: {  	[tilespmem:s7+$0xFFFFFF60] =	vst v14  }
0x635: {  	v14 =	vld [tilespmem:s0+$0xFFFFFF40];
	_ =	sdelay $0x4  }
0x636: {  	v13 =	vmul.f32 v14, v13;
	_ =	sdelay $0x1  }
0x637: {  	v13 =	vmax.f32 v13, $0.0e+00  }
0x638: {  	[tilespmem:s7+$0xFFFFFF70] =	vst v13  }
0x639: {  	v13 =	vld [tilespmem:s0+$0xFFFFFF60];
	_ =	sdelay $0x4  }
0x63a: {  	v13 =	vmul.f32 v13, v12;
	_ =	sdelay $0x1  }
0x63b: {  	v13 =	vmax.f32 v13, $0.0e+00  }
0x63c: {  	[tilespmem:s7+$0xFFFFFF80] =	vst v13  }
0x63d: {  	v13 =	vld [tilespmem:s0+$0xFFFFFF70];
	_ =	sdelay $0x4  }
0x63e: {  	v13 =	vmul.f32 v13, v12;
	_ =	sdelay $0x1  }
0x63f: {  	v13 =	vmax.f32 v13, $0.0e+00  }
0x640: {  	[tilespmem:s7+$0xFFFFFF90] =	vst v13  }
0x641: {  	v13 =	vld [tilespmem:s0+$0xFFFFFF80];
	_ =	sdelay $0x4  }
0x642: {  	v13 =	vmul.f32 v13, v12;
	_ =	sdelay $0x1  }
0x643: {  	v13 =	vmax.f32 v13, $0.0e+00  }
0x644: {  	[tilespmem:s7+$0xFFFFFFA0] =	vst v13  }
0x645: {  	v13 =	vld [tilespmem:s0+$0xFFFFFF90];
	_ =	sdelay $0x4  }
0x646: {  	v12 =	vmul.f32 v13, v12;
	_ =	sdelay $0x1  }
0x647: {  	v12 =	vmax.f32 v12, $0.0e+00  }
0x648: {  	[tilespmem:s7+$0xFFFFFFB0] =	vst v12  }
0x649: {  	v12 =	vld [tilespmem:s0+$0xFFFFFFB0];
	_ =	sdelay $0x4  }
0x64a: {  	v12 =	vmul.f32 v12, v11;
	_ =	sdelay $0x1  }
0x64b: {  	v12 =	vmax.f32 v12, $0.0e+00  }
0x64c: {  	[tilespmem:s7+$0xFFFFFFC0] =	vst v12  }
0x64d: {  	v12 =	vld [tilespmem:s0+$0xFFFFFFC0];
	_ =	sdelay $0x4  }
0x64e: {  	v12 =	vmul.f32 v12, v11;
	_ =	sdelay $0x1  }
0x64f: {  	v12 =	vmax.f32 v12, $0.0e+00  }
0x650: {  	[tilespmem:s7+$0xFFFFFFD0] =	vst v12  }
0x651: {  	v12 =	vld [tilespmem:s0+$0xFFFFFFD0];
	_ =	sdelay $0x4  }
0x652: {  	v12 =	vmul.f32 v12, v11;
	_ =	sdelay $0x1  }
0x653: {  	v12 =	vmax.f32 v12, $0.0e+00  }
0x654: {  	[tilespmem:s7+$0xFFFFFFE0] =	vst v12  }
0x655: {  	v12 =	vld [tilespmem:s0+$0xFFFFFFE0];
	_ =	sdelay $0x4  }
0x656: {  	v11 =	vmul.f32 v12, v11;
	_ =	sdelay $0x1  }
0x657: {  	v11 =	vmax.f32 v11, $0.0e+00  }
0x658: {  	[tilespmem:s7+$0xFFFFFFF0] =	vst v11  }
0x659: {  	v11 =	vld [tilespmem:s0+$0x0];
	_ =	sdelay $0x4  }
0x65a: {  	v11 =	vmul.f32 v11, v10;
	_ =	sdelay $0x1  }
0x65b: {  	v11 =	vmax.f32 v11, $0.0e+00  }
0x65c: {  	[tilespmem:s7+$0x0] =	vst v11  }
0x65d: {  	v11 =	vld [tilespmem:s0+$0x10];
	_ =	sdelay $0x4  }
0x65e: {  	v11 =	vmul.f32 v11, v10;
	_ =	sdelay $0x1  }
0x65f: {  	v11 =	vmax.f32 v11, $0.0e+00  }
0x660: {  	[tilespmem:s7+$0x10] =	vst v11  }
0x661: {  	v11 =	vld [tilespmem:s0+$0x20];
	_ =	sdelay $0x4  }
0x662: {  	v11 =	vmul.f32 v11, v10;
	_ =	sdelay $0x1  }
0x663: {  	v11 =	vmax.f32 v11, $0.0e+00  }
0x664: {  	[tilespmem:s7+$0x20] =	vst v11  }
0x665: {  	v11 =	vld [tilespmem:s0+$0x30];
	_ =	sdelay $0x4  }
0x666: {  	v10 =	vmul.f32 v11, v10;
	_ =	sdelay $0x1  }
0x667: {  	v10 =	vmax.f32 v10, $0.0e+00  }
0x668: {  	[tilespmem:s7+$0x30] =	vst v10  }
0x669: {  	v10 =	vld [tilespmem:s0+$0x50];
	_ =	sdelay $0x4  }
0x66a: {  	v10 =	vmul.f32 v10, v9;
	_ =	sdelay $0x1  }
0x66b: {  	v10 =	vmax.f32 v10, $0.0e+00  }
0x66c: {  	[tilespmem:s7+$0x40] =	vst v10  }
0x66d: {  	v10 =	vld [tilespmem:s0+$0x60];
	_ =	sdelay $0x4  }
0x66e: {  	v10 =	vmul.f32 v10, v9;
	_ =	sdelay $0x1  }
0x66f: {  	v10 =	vmax.f32 v10, $0.0e+00  }
0x670: {  	[tilespmem:s7+$0x50] =	vst v10  }
0x671: {  	v10 =	vld [tilespmem:s0+$0x70];
	_ =	sdelay $0x4  }
0x672: {  	v10 =	vmul.f32 v10, v9;
	_ =	sdelay $0x1  }
0x673: {  	v10 =	vmax.f32 v10, $0.0e+00  }
0x674: {  	[tilespmem:s7+$0x60] =	vst v10  }
0x675: {  	v10 =	vld [tilespmem:s0+$0x80];
	_ =	sdelay $0x4  }
0x676: {  	v9 =	vmul.f32 v10, v9;
	_ =	sdelay $0x1  }
0x677: {  	v9 =	vmax.f32 v9, $0.0e+00  }
0x678: {  	[tilespmem:s7+$0x70] =	vst v9  }
0x679: {  	v9 =	vld [tilespmem:s0+$0xA0];
	_ =	sdelay $0x4  }
0x67a: {  	v9 =	vmul.f32 v9, v8;
	_ =	sdelay $0x1  }
0x67b: {  	v9 =	vmax.f32 v9, $0.0e+00  }
0x67c: {  	[tilespmem:s7+$0x80] =	vst v9  }
0x67d: {  	v9 =	vld [tilespmem:s0+$0xB0];
	_ =	sdelay $0x4  }
0x67e: {  	v9 =	vmul.f32 v9, v8;
	_ =	sdelay $0x1  }
0x67f: {  	v9 =	vmax.f32 v9, $0.0e+00  }
0x680: {  	[tilespmem:s7+$0x90] =	vst v9  }
0x681: {  	v9 =	vld [tilespmem:s0+$0xC0];
	_ =	sdelay $0x4  }
0x682: {  	v9 =	vmul.f32 v9, v8;
	_ =	sdelay $0x1  }
0x683: {  	v9 =	vmax.f32 v9, $0.0e+00  }
0x684: {  	[tilespmem:s7+$0xA0] =	vst v9  }
0x685: {  	v9 =	vld [tilespmem:s0+$0xD0];
	_ =	sdelay $0x4  }
0x686: {  	v8 =	vmul.f32 v9, v8;
	_ =	sdelay $0x1  }
0x687: {  	v8 =	vmax.f32 v8, $0.0e+00  }
0x688: {  	[tilespmem:s7+$0xB0] =	vst v8  }
0x689: {  	v8 =	vld [tilespmem:s0+$0xF0];
	_ =	sdelay $0x4  }
0x68a: {  	v8 =	vmul.f32 v8, v7;
	_ =	sdelay $0x1  }
0x68b: {  	v8 =	vmax.f32 v8, $0.0e+00  }
0x68c: {  	[tilespmem:s7+$0xC0] =	vst v8  }
0x68d: {  	v8 =	vld [tilespmem:s0+$0x100];
	_ =	sdelay $0x4  }
0x68e: {  	v8 =	vmul.f32 v8, v7;
	_ =	sdelay $0x1  }
0x68f: {  	v8 =	vmax.f32 v8, $0.0e+00  }
0x690: {  	[tilespmem:s7+$0xD0] =	vst v8  }
0x691: {  	v8 =	vld [tilespmem:s0+$0x110];
	_ =	sdelay $0x4  }
0x692: {  	v8 =	vmul.f32 v8, v7;
	_ =	sdelay $0x1  }
0x693: {  	v8 =	vmax.f32 v8, $0.0e+00  }
0x694: {  	[tilespmem:s7+$0xE0] =	vst v8  }
0x695: {  	v8 =	vld [tilespmem:s0+$0x120];
	_ =	sdelay $0x4  }
0x696: {  	v7 =	vmul.f32 v8, v7;
	_ =	sdelay $0x1  }
0x697: {  	v7 =	vmax.f32 v7, $0.0e+00  }
0x698: {  	[tilespmem:s7+$0xF0] =	vst v7  }
0x699: {  	v7 =	vld [tilespmem:s0+$0x140];
	_ =	sdelay $0x4  }
0x69a: {  	v7 =	vmul.f32 v7, v6;
	_ =	sdelay $0x1  }
0x69b: {  	v7 =	vmax.f32 v7, $0.0e+00  }
0x69c: {  	[tilespmem:s7+$0x100] =	vst v7  }
0x69d: {  	v7 =	vld [tilespmem:s0+$0x150];
	_ =	sdelay $0x4  }
0x69e: {  	v7 =	vmul.f32 v7, v6;
	_ =	sdelay $0x1  }
0x69f: {  	v7 =	vmax.f32 v7, $0.0e+00  }
0x6a0: {  	[tilespmem:s7+$0x110] =	vst v7  }
0x6a1: {  	v7 =	vld [tilespmem:s0+$0x160];
	_ =	sdelay $0x4  }
0x6a2: {  	v7 =	vmul.f32 v7, v6;
	_ =	sdelay $0x1  }
0x6a3: {  	v7 =	vmax.f32 v7, $0.0e+00  }
0x6a4: {  	[tilespmem:s7+$0x120] =	vst v7  }
0x6a5: {  	v7 =	vld [tilespmem:s0+$0x170];
	_ =	sdelay $0x4  }
0x6a6: {  	v6 =	vmul.f32 v7, v6;
	_ =	sdelay $0x1  }
0x6a7: {  	v6 =	vmax.f32 v6, $0.0e+00  }
0x6a8: {  	[tilespmem:s7+$0x130] =	vst v6  }
0x6a9: {  	v6 =	vld [tilespmem:s0+$0x190];
	_ =	sdelay $0x4  }
0x6aa: {  	v6 =	vmul.f32 v6, v5;
	_ =	sdelay $0x1  }
0x6ab: {  	v6 =	vmax.f32 v6, $0.0e+00  }
0x6ac: {  	[tilespmem:s7+$0x140] =	vst v6  }
0x6ad: {  	v6 =	vld [tilespmem:s0+$0x1A0];
	_ =	sdelay $0x4  }
0x6ae: {  	v6 =	vmul.f32 v6, v5;
	_ =	sdelay $0x1  }
0x6af: {  	v6 =	vmax.f32 v6, $0.0e+00  }
0x6b0: {  	[tilespmem:s7+$0x150] =	vst v6  }
0x6b1: {  	v6 =	vld [tilespmem:s0+$0x1B0];
	_ =	sdelay $0x4  }
0x6b2: {  	v6 =	vmul.f32 v6, v5;
	_ =	sdelay $0x1  }
0x6b3: {  	v6 =	vmax.f32 v6, $0.0e+00  }
0x6b4: {  	[tilespmem:s7+$0x160] =	vst v6  }
0x6b5: {  	v6 =	vld [tilespmem:s0+$0x1C0];
	_ =	sdelay $0x4  }
0x6b6: {  	v5 =	vmul.f32 v6, v5;
	_ =	sdelay $0x1  }
0x6b7: {  	v5 =	vmax.f32 v5, $0.0e+00  }
0x6b8: {  	[tilespmem:s7+$0x170] =	vst v5  }
0x6b9: {  	v5 =	vld [tilespmem:s0+$0x1E0];
	_ =	sdelay $0x4  }
0x6ba: {  	v5 =	vmul.f32 v5, v4;
	_ =	sdelay $0x1  }
0x6bb: {  	v5 =	vmax.f32 v5, $0.0e+00  }
0x6bc: {  	[tilespmem:s7+$0x180] =	vst v5  }
0x6bd: {  	v5 =	vld [tilespmem:s0+$0x1F0];
	_ =	sdelay $0x4  }
0x6be: {  	v5 =	vmul.f32 v5, v4;
	_ =	sdelay $0x1  }
0x6bf: {  	v5 =	vmax.f32 v5, $0.0e+00  }
0x6c0: {  	[tilespmem:s7+$0x190] =	vst v5  }
0x6c1: {  	v5 =	vld [tilespmem:s0+$0x200];
	_ =	sdelay $0x4  }
0x6c2: {  	v5 =	vmul.f32 v5, v4;
	_ =	sdelay $0x1  }
0x6c3: {  	v5 =	vmax.f32 v5, $0.0e+00  }
0x6c4: {  	[tilespmem:s7+$0x1A0] =	vst v5  }
0x6c5: {  	v5 =	vld [tilespmem:s0+$0x210];
	_ =	sdelay $0x4  }
0x6c6: {  	v4 =	vmul.f32 v5, v4;
	_ =	sdelay $0x1  }
0x6c7: {  	v4 =	vmax.f32 v4, $0.0e+00  }
0x6c8: {  	[tilespmem:s7+$0x1B0] =	vst v4  }
0x6c9: {  	v4 =	vld [tilespmem:s0+$0x230];
	_ =	sdelay $0x4  }
0x6ca: {  	v4 =	vmul.f32 v4, v3;
	_ =	sdelay $0x1  }
0x6cb: {  	v4 =	vmax.f32 v4, $0.0e+00  }
0x6cc: {  	[tilespmem:s7+$0x1C0] =	vst v4  }
0x6cd: {  	v4 =	vld [tilespmem:s0+$0x240];
	_ =	sdelay $0x4  }
0x6ce: {  	v4 =	vmul.f32 v4, v3;
	_ =	sdelay $0x1  }
0x6cf: {  	v4 =	vmax.f32 v4, $0.0e+00  }
0x6d0: {  	[tilespmem:s7+$0x1D0] =	vst v4  }
0x6d1: {  	v4 =	vld [tilespmem:s0+$0x250];
	_ =	sdelay $0x3  }
.Ltmp15:
0x6d2: {  	(pc) =	sbr.rel @p0 .LBB2_21-.Ltmp15, $3  }
0x6d3: {  	v4 =	vmul.f32 v4, v3;
	_ =	sdelay $0x1  }
0x6d4: {  	v5 =	vmax.f32 v4, $0.0e+00  }
0x6d5: {  	v4 =	vmov s23;
	s23 =	sadd.s32 $0x10, s23;
	[tilespmem:s7+$0x1E0] =	vst v5  }
.Ltmp16:
0x6d6: {  	_ = 	snop;
	(pc) =	sbr.rel .LBB2_22-.Ltmp16, $1  }
0x6d7: {  	_ =	sdelay $0x3  }
.LBB2_26:
0x6d8: {  	_ =	sfence.sel $0x180000  }
0x6d9: {  	[bflag:$0x0] =	sbarrier.arrive $0xFFFF  }
0x6da: {  	_ =	strace $0x90000047  }
0x6db: {  	s0 =	stileid.u32;
	[bflag:$0x2] =	sbarrier.arrive $0xFFFF  }
0x6dc: {  	p0 =	sne.s32 s0, $0x0;
	s0 =	rddreg [dreg:$0x4]  }
0x6dd: {  	s0 =	sadd.s32 @!p0 $0x100000, s0  }
0x6de: {  	[sflag:s0] =	ssyncadd.tile.s32 @!p0 $0x1;
	_ =	shalt  }
.Lfunc_end2:
_tile_overlayer_lowered:
.L_overlay_start_2:
0x6df: {  	(tag) =	ssettag $0x2  }
0x6e0: {  	s0 =	rddreg [dreg:$0x0];
	s2 =	stileid.u32  }
0x6e1: {  	s1 =	rddreg [dreg:$0x1];
	p0 =	sne.s32 s2, $0x0  }
0x6e2: {  	s3 =	rddreg [dreg:$0x2];
	[bflag:$0x3] =	sbarrier.arrive $0xFFFF;
	s2 =	simm.s32 @!p0 $0x1C03  }
0x6e3: {  	[timem:s3], [sflag:s2] =	dma.local @!p0 [hbm:s0], s1  }
0x6e4: {  	s0 =	simm.s32 @!p0 $0x3  }
0x6e5: {  	_ =	swait.ge @!p0 [sflag:s0], s1  }
0x6e6: {  	s1 =	ssub.s32 @!p0 $0x0, s1;
	[sflag:s0] =	ssyncset.done @!p0 $0x0  }
0x6e7: {  	[sflag:s0] =	ssyncadd.s32 @!p0 s1  }
0x6e8: {  	[bflag:$0x3] =	sbarrier.arrive $0xFFFF  }
0x6e9: {  	_ =	shalt  }

</sc_bundles>
